<compile_context>
chip_gen: v7x
topology: tpu7x:2x2x1
jax: 0.10.2.dev20260603
libtpu: 0.0.44.dev20260713+nightly
codegen_flags: <defaults>
</compile_context>

<pallas_src>
import functools

import jax
import jax.numpy as jnp
from jax import lax
from jax.experimental import pallas as pl
from jax.experimental.pallas import tpu as pltpu
from jax.experimental.pallas import tpu_sc as plsc

N = 10000
E = 320000
D_IN = 128
D_HID = 128
N_CLASS = 64

NC = 2
NS = 16
NW = NC * NS
CHUNK = 128
C0 = 112
C1 = 48
NCW = max(C0, C1)
N_USED_CHUNKS = NS * (C0 + C1)
E_PAD = N_USED_CHUNKS * CHUNK
PAD_NODE = N

N_PAD = 10112
ROWS_PER_TILE = N_PAD // NS
NZCH = ROWS_PER_TILE // CHUNK
TAIL = ROWS_PER_TILE - NZCH * CHUNK
BR = 128

_MESH = plsc.VectorSubcoreMesh(core_axis_name="c", subcore_axis_name="s")


def _make_agg(d):

    @functools.partial(
        pl.kernel,
        out_type=jax.ShapeDtypeStruct((NC, N_PAD, d), jnp.float32),
        mesh=_MESH,
        scratch_types=[
            pltpu.VMEM((8, CHUNK), jnp.int32),
            pltpu.VMEM((2, CHUNK, d), jnp.float32),
            pltpu.VMEM_SHARED((N_PAD, d), jnp.float32),
            pltpu.SemaphoreType.DMA,
            pltpu.SemaphoreType.DMA,
            pltpu.SemaphoreType.DMA,
            pltpu.SemaphoreType.DMA,
            pltpu.SemaphoreType.DMA,
        ],
    )
    def agg(xw_hbm, src_hbm, dst_hbm, zeros_hbm, out_hbm,
            ix_v, rows_v, acc_sh, gsem_a, gsem_b, isem_a, isem_b, csem):
        cid = lax.axis_index("c")
        sid = lax.axis_index("s")
        wid = sid * NC + cid
        base = sid * ROWS_PER_TILE

        pltpu.async_copy(zeros_hbm, rows_v.at[0], csem).wait()
        for r in range(NZCH):
            pltpu.sync_copy(rows_v.at[0], acc_sh.at[pl.ds(base + r * CHUNK, CHUNK)])
        pltpu.sync_copy(rows_v.at[0, pl.ds(0, TAIL)],
                        acc_sh.at[pl.ds(base + NZCH * CHUNK, TAIL)])

        plsc.subcore_barrier()

        cnt = jnp.where(cid == 0, C0, C1)

        @pl.loop(0, cnt, step=4)
        def _(j):
            hia = [pltpu.async_copy(src_hbm.at[wid, pl.ds(j, 2)],
                                    ix_v.at[pl.ds(0, 2)], isem_a),
                   pltpu.async_copy(dst_hbm.at[wid, pl.ds(j, 2)],
                                    ix_v.at[pl.ds(2, 2)], isem_a)]
            hib = [pltpu.async_copy(src_hbm.at[wid, pl.ds(j + 2, 2)],
                                    ix_v.at[pl.ds(4, 2)], isem_b),
                   pltpu.async_copy(dst_hbm.at[wid, pl.ds(j + 2, 2)],
                                    ix_v.at[pl.ds(6, 2)], isem_b)]
            for h in hia:
                h.wait()
            ga = pltpu.async_copy(xw_hbm.at[ix_v.at[0]], rows_v.at[0], gsem_a)
            ga.wait()
            gb = pltpu.async_copy(xw_hbm.at[ix_v.at[1]], rows_v.at[1], gsem_b)
            pltpu.sync_copy(rows_v.at[0], acc_sh.at[ix_v.at[2]], add=True)
            gb.wait()
            for h in hib:
                h.wait()
            ga = pltpu.async_copy(xw_hbm.at[ix_v.at[4]], rows_v.at[0], gsem_a)
            pltpu.sync_copy(rows_v.at[1], acc_sh.at[ix_v.at[3]], add=True)
            ga.wait()
            gb = pltpu.async_copy(xw_hbm.at[ix_v.at[5]], rows_v.at[1], gsem_b)
            pltpu.sync_copy(rows_v.at[0], acc_sh.at[ix_v.at[6]], add=True)
            gb.wait()
            pltpu.sync_copy(rows_v.at[1], acc_sh.at[ix_v.at[7]], add=True)

        plsc.subcore_barrier()

        ssems = (gsem_a, gsem_b)
        store_h = [None, None]
        for i, ln in enumerate([CHUNK] * NZCH + [TAIL]):
            b = i % 2
            off = base + i * CHUNK
            if store_h[b] is not None:
                store_h[b].wait()
            pltpu.async_copy(acc_sh.at[pl.ds(off, ln)],
                             rows_v.at[b, pl.ds(0, ln)], csem).wait()
            store_h[b] = pltpu.async_copy(rows_v.at[b, pl.ds(0, ln)],
                                          out_hbm.at[cid, pl.ds(off, ln)],
                                          ssems[b])
        for h in store_h:
            h.wait()

    return agg


_agg_hid = _make_agg(D_HID)


@functools.partial(
    pl.kernel,
    out_type=jax.ShapeDtypeStruct((NC * N_PAD,), jnp.float32),
    mesh=_MESH,
    scratch_types=[
        pltpu.VMEM((NCW, CHUNK), jnp.int32),
        pltpu.VMEM((2, CHUNK), jnp.float32),
        pltpu.VMEM((NZCH + 1, CHUNK), jnp.float32),
        pltpu.VMEM_SHARED((N_PAD,), jnp.float32),
        pltpu.SemaphoreType.DMA,
        pltpu.SemaphoreType.DMA,
    ],
)
def _deg_kernel(dst_hbm, zo_hbm, out_hbm, idx_v, zo_v, stage_v, acc_sh,
                ssem, csem):
    cid = lax.axis_index("c")
    sid = lax.axis_index("s")
    wid = sid * NC + cid

    h1 = pltpu.async_copy(dst_hbm.at[wid], idx_v, csem)
    h2 = pltpu.async_copy(zo_hbm, zo_v, csem)
    h1.wait()
    h2.wait()

    for r in range(NZCH):
        pltpu.sync_copy(zo_v.at[0],
                        acc_sh.at[pl.ds(sid * ROWS_PER_TILE + r * CHUNK, CHUNK)])
    pltpu.sync_copy(zo_v.at[0, pl.ds(0, TAIL)],
                    acc_sh.at[pl.ds(sid * ROWS_PER_TILE + NZCH * CHUNK, TAIL)])

    plsc.subcore_barrier()

    cnt = jnp.where(cid == 0, C0, C1)

    @pl.loop(0, cnt)
    def _(j):
        pltpu.async_copy(zo_v.at[1], acc_sh.at[idx_v.at[j]], ssem, add=True)

    @pl.loop(0, cnt)
    def _(j):
        pltpu.make_async_copy(zo_v.at[1], acc_sh.at[idx_v.at[0]], ssem).wait()

    plsc.subcore_barrier()

    tbase = sid * ROWS_PER_TILE + NZCH * CHUNK
    loads = [pltpu.async_copy(
                 acc_sh.at[pl.ds(sid * ROWS_PER_TILE + r * CHUNK, CHUNK)],
                 stage_v.at[r], csem) for r in range(NZCH)]
    loads.append(pltpu.async_copy(acc_sh.at[pl.ds(tbase, TAIL)],
                                  stage_v.at[NZCH, pl.ds(0, TAIL)], csem))
    for h in loads:
        h.wait()
    stores = [pltpu.async_copy(
                  stage_v.at[r],
                  out_hbm.at[pl.ds(cid * N_PAD + sid * ROWS_PER_TILE + r * CHUNK,
                                   CHUNK)],
                  csem) for r in range(NZCH)]
    stores.append(pltpu.async_copy(stage_v.at[NZCH, pl.ds(0, TAIL)],
                                   out_hbm.at[pl.ds(cid * N_PAD + tbase, TAIL)],
                                   csem))
    for h in stores:
        h.wait()


def _scale1_body(x_ref, w_ref, d0_ref, d1_ref, xws_ref, dis_ref):
    deg = d0_ref[...] + d1_ref[...] + 1.0
    dis = lax.rsqrt(deg)
    xw = jnp.dot(x_ref[...], w_ref[...], precision=lax.Precision.HIGHEST,
                 preferred_element_type=jnp.float32)
    xws_ref[...] = xw * dis
    dis_ref[...] = dis


def _layer1(x_pad, W1, d0, d1):
    return pl.pallas_call(
        _scale1_body,
        grid=(N_PAD // BR,),
        in_specs=[
            pl.BlockSpec((BR, D_IN), lambda i: (i, 0)),
            pl.BlockSpec((D_IN, D_HID), lambda i: (0, 0)),
            pl.BlockSpec((BR, 1), lambda i: (i, 0)),
            pl.BlockSpec((BR, 1), lambda i: (i, 0)),
        ],
        out_specs=[
            pl.BlockSpec((BR, D_HID), lambda i: (i, 0)),
            pl.BlockSpec((BR, 1), lambda i: (i, 0)),
        ],
        out_shape=[
            jax.ShapeDtypeStruct((N_PAD, D_HID), jnp.float32),
            jax.ShapeDtypeStruct((N_PAD, 1), jnp.float32),
        ],
    )(x_pad, W1, d0, d1)


def _layer2_body(p0_ref, p1_ref, xws_ref, dis_ref, b1_ref, w2_ref, out_ref):
    s = p0_ref[...] + p1_ref[...] + xws_ref[...]
    pre = dis_ref[...] * s + b1_ref[...]
    h = jnp.maximum(pre, 0.0)
    xw2 = jnp.dot(h, w2_ref[...], precision=lax.Precision.HIGHEST,
                  preferred_element_type=jnp.float32)
    xw2s = xw2 * dis_ref[...]
    out_ref[...] = jnp.concatenate([xw2s, jnp.zeros_like(xw2s)], axis=1)


def _layer2(p0, p1, xw1s, dis2d, b1, W2):
    return pl.pallas_call(
        _layer2_body,
        grid=(N_PAD // BR,),
        in_specs=[
            pl.BlockSpec((BR, D_HID), lambda i: (i, 0)),
            pl.BlockSpec((BR, D_HID), lambda i: (i, 0)),
            pl.BlockSpec((BR, D_HID), lambda i: (i, 0)),
            pl.BlockSpec((BR, 1), lambda i: (i, 0)),
            pl.BlockSpec((1, D_HID), lambda i: (0, 0)),
            pl.BlockSpec((D_HID, N_CLASS), lambda i: (0, 0)),
        ],
        out_specs=pl.BlockSpec((BR, 2 * N_CLASS), lambda i: (i, 0)),
        out_shape=jax.ShapeDtypeStruct((N_PAD, 2 * N_CLASS), jnp.float32),
    )(p0, p1, xw1s, dis2d, b1, W2)


def _final_body(p0_ref, p1_ref, xws_ref, dis_ref, b2_ref, lsm_ref, sm_ref):
    s = (p0_ref[...] + p1_ref[...] + xws_ref[...])[:, :N_CLASS]
    logits = dis_ref[...] * s + b2_ref[...]
    m = jnp.max(logits, axis=1, keepdims=True)
    sh = logits - m
    ex = jnp.exp(sh)
    z = jnp.sum(ex, axis=1, keepdims=True)
    lsm_ref[...] = sh - jnp.log(z)
    sm_ref[...] = ex / z


def _final(p0, p1, xw2s, dis2d, b2):
    return pl.pallas_call(
        _final_body,
        grid=(N_PAD // BR,),
        in_specs=[
            pl.BlockSpec((BR, 2 * N_CLASS), lambda i: (i, 0)),
            pl.BlockSpec((BR, 2 * N_CLASS), lambda i: (i, 0)),
            pl.BlockSpec((BR, 2 * N_CLASS), lambda i: (i, 0)),
            pl.BlockSpec((BR, 1), lambda i: (i, 0)),
            pl.BlockSpec((1, N_CLASS), lambda i: (0, 0)),
        ],
        out_specs=[
            pl.BlockSpec((BR, N_CLASS), lambda i: (i, 0)),
            pl.BlockSpec((BR, N_CLASS), lambda i: (i, 0)),
        ],
        out_shape=[
            jax.ShapeDtypeStruct((N_PAD, N_CLASS), jnp.float32),
            jax.ShapeDtypeStruct((N_PAD, N_CLASS), jnp.float32),
        ],
    )(p0, p1, xw2s, dis2d, b2)


def _pack_edges(flat):
    pieces = []
    off = 0
    for w in range(NW):
        c = C0 if w % NC == 0 else C1
        seg = flat[off * CHUNK:(off + c) * CHUNK]
        if c < NCW:
            seg = jnp.concatenate(
                [seg, jnp.full(((NCW - c) * CHUNK,), PAD_NODE, jnp.int32)])
        pieces.append(seg)
        off += c
    return jnp.concatenate(pieces).reshape(NW, NCW, CHUNK)


def kernel(features, edge_index, W1, b1, W2, b2):
    src = edge_index[0].astype(jnp.int32)
    dst = edge_index[1].astype(jnp.int32)
    pad = jnp.full((E_PAD - E,), PAD_NODE, jnp.int32)
    src_p = _pack_edges(jnp.concatenate([src, pad]))
    dst_p = _pack_edges(jnp.concatenate([dst, pad]))
    x_pad = jnp.pad(features, ((0, N_PAD - N), (0, 0)))

    zo = jnp.stack([jnp.zeros((CHUNK,), jnp.float32),
                    jnp.ones((CHUNK,), jnp.float32)])
    deg = _deg_kernel(dst_p, zo).reshape(NC, N_PAD)
    d0 = deg[0].reshape(N_PAD, 1)
    d1 = deg[1].reshape(N_PAD, 1)

    xw1s, dis2d = _layer1(x_pad, W1, d0, d1)

    z_hid = jnp.zeros((CHUNK, D_HID), jnp.float32)
    s1 = _agg_hid(xw1s, src_p, dst_p, z_hid)

    xw2s = _layer2(s1[0], s1[1], xw1s, dis2d, b1.reshape(1, D_HID), W2)

    s2 = _agg_hid(xw2s, src_p, dst_p, z_hid)

    lsm, sm = _final(s2[0], s2[1], xw2s, dis2d, b2.reshape(1, N_CLASS))
    return lsm[:N], sm[:N]

# --- scband reference (transcript-rebuilt; emitter-appended) ---
"""Pipeline reference for scband-gcn-net-48206712930319 (READ-ONLY COPY).

The authoritative reference and input builder live on the scoring server;
editing this copy changes nothing except your own understanding.
"""

import jax, jax.numpy as jnp
import numpy as np

N_NODES = 10000
N_EDGES = 320000
D_IN = 128
D_HID = 128
N_CLASS = 64


def gcn_conv(x, src, dst, W, b, num_nodes):
    # x @ W
    xw = x @ W
    # degree with self-loops already included in src/dst
    deg = jnp.zeros((num_nodes,), dtype=x.dtype).at[dst].add(1.0)
    deg_inv_sqrt = jnp.where(deg > 0, deg ** -0.5, 0.0)
    norm = deg_inv_sqrt[src] * deg_inv_sqrt[dst]
    msg = jnp.take(xw, src, axis=0) * norm[:, None]
    out = jnp.zeros((num_nodes, W.shape[1]), dtype=x.dtype).at[dst].add(msg)
    return out + b


def setup_inputs(seed: int = 0) -> dict:
    key = jax.random.key(seed)
    k1, k2, k3, k4, k5, k6 = jax.random.split(key, 6)
    features = jax.random.normal(k1, (N_NODES, D_IN), dtype=jnp.float32)
    edge_index = jax.random.randint(k2, (2, N_EDGES), 0, N_NODES, dtype=jnp.int64)
    # Glorot init for GCN weights, zero bias (PyG GCNConv default)
    s1 = (6.0 / (D_IN + D_HID)) ** 0.5
    W1 = jax.random.uniform(k3, (D_IN, D_HID), dtype=jnp.float32, minval=-s1, maxval=s1)
    b1 = jnp.zeros((D_HID,), dtype=jnp.float32)
    s2 = (6.0 / (D_HID + N_CLASS)) ** 0.5
    W2 = jax.random.uniform(k4, (D_HID, N_CLASS), dtype=jnp.float32, minval=-s2, maxval=s2)
    b2 = jnp.zeros((N_CLASS,), dtype=jnp.float32)
    return {"features": features, "edge_index": edge_index, "W1": W1, "b1": b1, "W2": W2, "b2": b2}


def reference(features, edge_index, W1, b1, W2, b2):
    num_nodes = features.shape[0]
    # add self-loops (PyG GCNConv default add_self_loops=True)
    loop = jnp.arange(num_nodes, dtype=edge_index.dtype)
    src = jnp.concatenate([edge_index[0], loop])
    dst = jnp.concatenate([edge_index[1], loop])
    h = jax.nn.relu(gcn_conv(features, src, dst, W1, b1, num_nodes))
    # dropout is identity at eval time
    logits = gcn_conv(h, src, dst, W2, b2, num_nodes)
    return (jax.nn.log_softmax(logits, axis=1), jax.nn.softmax(logits, axis=1))

if __name__ == "__main__":
    import jax
    _d = setup_inputs()
    print(jax.jit(kernel)(*tuple(_d.values())))

</pallas_src>

<mosaic_0001>
#map = affine_map<(d0, d1) -> (0, 0, 0)>
#map1 = affine_map<(d0, d1) -> (0, 0)>
#map2 = affine_map<(d0, d1) -> (0)>
module attributes {stable_mosaic.version = 14 : i64} {
  func.func @_deg_kernel(%arg0: i32, %arg1: i32, %arg2: memref<32x112x128xi32, #tpu.memory_space<hbm>>, %arg3: memref<2x128xf32, #tpu.memory_space<hbm>>, %arg4: memref<20224xf32, #tpu.memory_space<hbm>>, %arg5: memref<112x128xi32, #tpu.memory_space<vmem>>, %arg6: memref<2x128xf32, #tpu.memory_space<vmem>>, %arg7: memref<5x128xf32, #tpu.memory_space<vmem>>, %arg8: memref<10112xf32, #tpu.memory_space<vmem_shared>>, %arg9: memref<!tpu.dma_semaphore, #tpu.memory_space<semaphore_mem>>, %arg10: memref<!tpu.dma_semaphore, #tpu.memory_space<semaphore_mem>>) attributes {dimension_semantics = [#tpu.dimension_semantics<core_parallel>, #tpu.dimension_semantics<subcore_parallel>], iteration_bounds = array<i64: 2, 16>, scalar_prefetch = 0 : i64, scratch_operands = 6 : i64, tpu.core_type = #tpu.core_type<sc_vector_subcore>, window_params = [{transform_indices = #map}, {transform_indices = #map1}, {transform_indices = #map2}]} {
    %mul3A = arith.constant 2 : i32
    %mul3A_0 = arith.muli %arg1, %mul3A : i32
    %add3A = arith.addi %mul3A_0, %arg0 : i32
    %dma_start3A = arith.constant 0 : i32
    %dma_start3A_1 = arith.constant 0 : i32
    %dma_start3A_2 = tpu.memref_slice %arg2[%add3A, %dma_start3A, %dma_start3A_1] : memref<32x112x128xi32, #tpu.memory_space<hbm>> -> memref<1x112x128xi32, #tpu.memory_space<hbm>>
    %dma_start3A_3 = tpu.memref_squeeze %dma_start3A_2 : memref<1x112x128xi32, #tpu.memory_space<hbm>> -> memref<112x128xi32, #tpu.memory_space<hbm>>
    %dma_start3A_4 = arith.constant 0 : i32
    %dma_start3A_5 = arith.constant 0 : i32
    %dma_start3A_6 = tpu.memref_slice %arg2[%add3A, %dma_start3A_4, %dma_start3A_5] : memref<32x112x128xi32, #tpu.memory_space<hbm>> -> memref<1x112x128xi32, #tpu.memory_space<hbm>>
    %dma_start3A_7 = tpu.memref_squeeze %dma_start3A_6 : memref<1x112x128xi32, #tpu.memory_space<hbm>> -> memref<112x128xi32, #tpu.memory_space<hbm>>
    tpu.enqueue_dma source(%dma_start3A_7 : memref<112x128xi32, #tpu.memory_space<hbm>>) target(%arg5 : memref<112x128xi32, #tpu.memory_space<vmem>>) target_semaphore(%arg10 : memref<!tpu.dma_semaphore, #tpu.memory_space<semaphore_mem>>)
    tpu.enqueue_dma source(%arg3 : memref<2x128xf32, #tpu.memory_space<hbm>>) target(%arg6 : memref<2x128xf32, #tpu.memory_space<vmem>>) target_semaphore(%arg10 : memref<!tpu.dma_semaphore, #tpu.memory_space<semaphore_mem>>)
    %dma_wait3A = arith.constant 0 : i32
    %dma_wait3A_8 = arith.constant 0 : i32
    %dma_wait3A_9 = tpu.memref_slice %arg2[%add3A, %dma_wait3A, %dma_wait3A_8] : memref<32x112x128xi32, #tpu.memory_space<hbm>> -> memref<1x112x128xi32, #tpu.memory_space<hbm>>
    %dma_wait3A_10 = tpu.memref_squeeze %dma_wait3A_9 : memref<1x112x128xi32, #tpu.memory_space<hbm>> -> memref<112x128xi32, #tpu.memory_space<hbm>>
    %dma_wait3A_11 = arith.constant 0 : i32
    %dma_wait3A_12 = arith.constant 0 : i32
    %dma_wait3A_13 = tpu.memref_slice %arg2[%add3A, %dma_wait3A_11, %dma_wait3A_12] : memref<32x112x128xi32, #tpu.memory_space<hbm>> -> memref<1x112x128xi32, #tpu.memory_space<hbm>>
    %dma_wait3A_14 = tpu.memref_squeeze %dma_wait3A_13 : memref<1x112x128xi32, #tpu.memory_space<hbm>> -> memref<112x128xi32, #tpu.memory_space<hbm>>
    tpu.wait_dma2 semaphore(%arg10 : memref<!tpu.dma_semaphore, #tpu.memory_space<semaphore_mem>>) src(%dma_wait3A_14 : memref<112x128xi32, #tpu.memory_space<hbm>>) dst(%arg5 : memref<112x128xi32, #tpu.memory_space<vmem>>)
    tpu.wait_dma2 semaphore(%arg10 : memref<!tpu.dma_semaphore, #tpu.memory_space<semaphore_mem>>) src(%arg3 : memref<2x128xf32, #tpu.memory_space<hbm>>) dst(%arg6 : memref<2x128xf32, #tpu.memory_space<vmem>>)
    %mul3A_15 = arith.constant 632 : i32
    %mul3A_16 = arith.muli %arg1, %mul3A_15 : i32
    %add3A_17 = arith.constant 0 : i32
    %add3A_18 = arith.addi %mul3A_16, %add3A_17 : i32
    %run_scoped3A = arith.constant 0 : i32
    "tpu.region"() ({
      %run_scoped3A_308 = tpu.sem_alloc : memref<!tpu.dma_semaphore, #tpu.memory_space<semaphore_mem>>
      %dma_start3A_309 = arith.constant 0 : i32
      %dma_start3A_310 = tpu.memref_slice %arg6[%run_scoped3A, %dma_start3A_309] : memref<2x128xf32, #tpu.memory_space<vmem>> -> memref<1x128xf32, #tpu.memory_space<vmem>>
      %dma_start3A_311 = tpu.memref_squeeze %dma_start3A_310 : memref<1x128xf32, #tpu.memory_space<vmem>> -> memref<128xf32, #tpu.memory_space<vmem>>
      %dma_start3A_312 = tpu.memref_slice %arg8[%add3A_18] : memref<10112xf32, #tpu.memory_space<vmem_shared>> -> memref<128xf32, #tpu.memory_space<vmem_shared>>
      %dma_start3A_313 = tpu.memref_slice %arg8[%add3A_18] : memref<10112xf32, #tpu.memory_space<vmem_shared>> -> memref<128xf32, #tpu.memory_space<vmem_shared>>
      %dma_start3A_314 = arith.constant 0 : i32
      %dma_start3A_315 = tpu.memref_slice %arg6[%run_scoped3A, %dma_start3A_314] : memref<2x128xf32, #tpu.memory_space<vmem>> -> memref<1x128xf32, #tpu.memory_space<vmem>>
      %dma_start3A_316 = tpu.memref_squeeze %dma_start3A_315 : memref<1x128xf32, #tpu.memory_space<vmem>> -> memref<128xf32, #tpu.memory_space<vmem>>
      tpu.enqueue_dma source(%dma_start3A_316 : memref<128xf32, #tpu.memory_space<vmem>>) target(%dma_start3A_313 : memref<128xf32, #tpu.memory_space<vmem_shared>>) target_semaphore(%run_scoped3A_308 : memref<!tpu.dma_semaphore, #tpu.memory_space<semaphore_mem>>)
      %dma_wait3A_317 = arith.constant 0 : i32
      %dma_wait3A_318 = tpu.memref_slice %arg6[%run_scoped3A, %dma_wait3A_317] : memref<2x128xf32, #tpu.memory_space<vmem>> -> memref<1x128xf32, #tpu.memory_space<vmem>>
      %dma_wait3A_319 = tpu.memref_squeeze %dma_wait3A_318 : memref<1x128xf32, #tpu.memory_space<vmem>> -> memref<128xf32, #tpu.memory_space<vmem>>
      %dma_wait3A_320 = tpu.memref_slice %arg8[%add3A_18] : memref<10112xf32, #tpu.memory_space<vmem_shared>> -> memref<128xf32, #tpu.memory_space<vmem_shared>>
      %dma_wait3A_321 = tpu.memref_slice %arg8[%add3A_18] : memref<10112xf32, #tpu.memory_space<vmem_shared>> -> memref<128xf32, #tpu.memory_space<vmem_shared>>
      %dma_wait3A_322 = arith.constant 0 : i32
      %dma_wait3A_323 = tpu.memref_slice %arg6[%run_scoped3A, %dma_wait3A_322] : memref<2x128xf32, #tpu.memory_space<vmem>> -> memref<1x128xf32, #tpu.memory_space<vmem>>
      %dma_wait3A_324 = tpu.memref_squeeze %dma_wait3A_323 : memref<1x128xf32, #tpu.memory_space<vmem>> -> memref<128xf32, #tpu.memory_space<vmem>>
      tpu.wait_dma2 semaphore(%run_scoped3A_308 : memref<!tpu.dma_semaphore, #tpu.memory_space<semaphore_mem>>) src(%dma_wait3A_324 : memref<128xf32, #tpu.memory_space<vmem>>) dst(%dma_wait3A_321 : memref<128xf32, #tpu.memory_space<vmem_shared>>)
      tpu.yield
    }) : () -> ()
    %mul3A_19 = arith.constant 632 : i32
    %mul3A_20 = arith.muli %arg1, %mul3A_19 : i32
    %add3A_21 = arith.constant 128 : i32
    %add3A_22 = arith.addi %mul3A_20, %add3A_21 : i32
    %run_scoped3A_23 = arith.constant 0 : i32
    "tpu.region"() ({
      %run_scoped3A_308 = tpu.sem_alloc : memref<!tpu.dma_semaphore, #tpu.memory_space<semaphore_mem>>
      %dma_start3A_309 = arith.constant 0 : i32
      %dma_start3A_310 = tpu.memref_slice %arg6[%run_scoped3A_23, %dma_start3A_309] : memref<2x128xf32, #tpu.memory_space<vmem>> -> memref<1x128xf32, #tpu.memory_space<vmem>>
      %dma_start3A_311 = tpu.memref_squeeze %dma_start3A_310 : memref<1x128xf32, #tpu.memory_space<vmem>> -> memref<128xf32, #tpu.memory_space<vmem>>
      %dma_start3A_312 = tpu.memref_slice %arg8[%add3A_22] : memref<10112xf32, #tpu.memory_space<vmem_shared>> -> memref<128xf32, #tpu.memory_space<vmem_shared>>
      %dma_start3A_313 = tpu.memref_slice %arg8[%add3A_22] : memref<10112xf32, #tpu.memory_space<vmem_shared>> -> memref<128xf32, #tpu.memory_space<vmem_shared>>
      %dma_start3A_314 = arith.constant 0 : i32
      %dma_start3A_315 = tpu.memref_slice %arg6[%run_scoped3A_23, %dma_start3A_314] : memref<2x128xf32, #tpu.memory_space<vmem>> -> memref<1x128xf32, #tpu.memory_space<vmem>>
      %dma_start3A_316 = tpu.memref_squeeze %dma_start3A_315 : memref<1x128xf32, #tpu.memory_space<vmem>> -> memref<128xf32, #tpu.memory_space<vmem>>
      tpu.enqueue_dma source(%dma_start3A_316 : memref<128xf32, #tpu.memory_space<vmem>>) target(%dma_start3A_313 : memref<128xf32, #tpu.memory_space<vmem_shared>>) target_semaphore(%run_scoped3A_308 : memref<!tpu.dma_semaphore, #tpu.memory_space<semaphore_mem>>)
      %dma_wait3A_317 = arith.constant 0 : i32
      %dma_wait3A_318 = tpu.memref_slice %arg6[%run_scoped3A_23, %dma_wait3A_317] : memref<2x128xf32, #tpu.memory_space<vmem>> -> memref<1x128xf32, #tpu.memory_space<vmem>>
      %dma_wait3A_319 = tpu.memref_squeeze %dma_wait3A_318 : memref<1x128xf32, #tpu.memory_space<vmem>> -> memref<128xf32, #tpu.memory_space<vmem>>
      %dma_wait3A_320 = tpu.memref_slice %arg8[%add3A_22] : memref<10112xf32, #tpu.memory_space<vmem_shared>> -> memref<128xf32, #tpu.memory_space<vmem_shared>>
      %dma_wait3A_321 = tpu.memref_slice %arg8[%add3A_22] : memref<10112xf32, #tpu.memory_space<vmem_shared>> -> memref<128xf32, #tpu.memory_space<vmem_shared>>
      %dma_wait3A_322 = arith.constant 0 : i32
      %dma_wait3A_323 = tpu.memref_slice %arg6[%run_scoped3A_23, %dma_wait3A_322] : memref<2x128xf32, #tpu.memory_space<vmem>> -> memref<1x128xf32, #tpu.memory_space<vmem>>
      %dma_wait3A_324 = tpu.memref_squeeze %dma_wait3A_323 : memref<1x128xf32, #tpu.memory_space<vmem>> -> memref<128xf32, #tpu.memory_space<vmem>>
      tpu.wait_dma2 semaphore(%run_scoped3A_308 : memref<!tpu.dma_semaphore, #tpu.memory_space<semaphore_mem>>) src(%dma_wait3A_324 : memref<128xf32, #tpu.memory_space<vmem>>) dst(%dma_wait3A_321 : memref<128xf32, #tpu.memory_space<vmem_shared>>)
      tpu.yield
    }) : () -> ()
    %mul3A_24 = arith.constant 632 : i32
    %mul3A_25 = arith.muli %arg1, %mul3A_24 : i32
    %add3A_26 = arith.constant 256 : i32
    %add3A_27 = arith.addi %mul3A_25, %add3A_26 : i32
    %run_scoped3A_28 = arith.constant 0 : i32
    "tpu.region"() ({
      %run_scoped3A_308 = tpu.sem_alloc : memref<!tpu.dma_semaphore, #tpu.memory_space<semaphore_mem>>
      %dma_start3A_309 = arith.constant 0 : i32
      %dma_start3A_310 = tpu.memref_slice %arg6[%run_scoped3A_28, %dma_start3A_309] : memref<2x128xf32, #tpu.memory_space<vmem>> -> memref<1x128xf32, #tpu.memory_space<vmem>>
      %dma_start3A_311 = tpu.memref_squeeze %dma_start3A_310 : memref<1x128xf32, #tpu.memory_space<vmem>> -> memref<128xf32, #tpu.memory_space<vmem>>
      %dma_start3A_312 = tpu.memref_slice %arg8[%add3A_27] : memref<10112xf32, #tpu.memory_space<vmem_shared>> -> memref<128xf32, #tpu.memory_space<vmem_shared>>
      %dma_start3A_313 = tpu.memref_slice %arg8[%add3A_27] : memref<10112xf32, #tpu.memory_space<vmem_shared>> -> memref<128xf32, #tpu.memory_space<vmem_shared>>
      %dma_start3A_314 = arith.constant 0 : i32
      %dma_start3A_315 = tpu.memref_slice %arg6[%run_scoped3A_28, %dma_start3A_314] : memref<2x128xf32, #tpu.memory_space<vmem>> -> memref<1x128xf32, #tpu.memory_space<vmem>>
      %dma_start3A_316 = tpu.memref_squeeze %dma_start3A_315 : memref<1x128xf32, #tpu.memory_space<vmem>> -> memref<128xf32, #tpu.memory_space<vmem>>
      tpu.enqueue_dma source(%dma_start3A_316 : memref<128xf32, #tpu.memory_space<vmem>>) target(%dma_start3A_313 : memref<128xf32, #tpu.memory_space<vmem_shared>>) target_semaphore(%run_scoped3A_308 : memref<!tpu.dma_semaphore, #tpu.memory_space<semaphore_mem>>)
      %dma_wait3A_317 = arith.constant 0 : i32
      %dma_wait3A_318 = tpu.memref_slice %arg6[%run_scoped3A_28, %dma_wait3A_317] : memref<2x128xf32, #tpu.memory_space<vmem>> -> memref<1x128xf32, #tpu.memory_space<vmem>>
      %dma_wait3A_319 = tpu.memref_squeeze %dma_wait3A_318 : memref<1x128xf32, #tpu.memory_space<vmem>> -> memref<128xf32, #tpu.memory_space<vmem>>
      %dma_wait3A_320 = tpu.memref_slice %arg8[%add3A_27] : memref<10112xf32, #tpu.memory_space<vmem_shared>> -> memref<128xf32, #tpu.memory_space<vmem_shared>>
      %dma_wait3A_321 = tpu.memref_slice %arg8[%add3A_27] : memref<10112xf32, #tpu.memory_space<vmem_shared>> -> memref<128xf32, #tpu.memory_space<vmem_shared>>
      %dma_wait3A_322 = arith.constant 0 : i32
      %dma_wait3A_323 = tpu.memref_slice %arg6[%run_scoped3A_28, %dma_wait3A_322] : memref<2x128xf32, #tpu.memory_space<vmem>> -> memref<1x128xf32, #tpu.memory_space<vmem>>
      %dma_wait3A_324 = tpu.memref_squeeze %dma_wait3A_323 : memref<1x128xf32, #tpu.memory_space<vmem>> -> memref<128xf32, #tpu.memory_space<vmem>>
      tpu.wait_dma2 semaphore(%run_scoped3A_308 : memref<!tpu.dma_semaphore, #tpu.memory_space<semaphore_mem>>) src(%dma_wait3A_324 : memref<128xf32, #tpu.memory_space<vmem>>) dst(%dma_wait3A_321 : memref<128xf32, #tpu.memory_space<vmem_shared>>)
      tpu.yield
    }) : () -> ()
    %mul3A_29 = arith.constant 632 : i32
    %mul3A_30 = arith.muli %arg1, %mul3A_29 : i32
    %add3A_31 = arith.constant 384 : i32
    %add3A_32 = arith.addi %mul3A_30, %add3A_31 : i32
    %run_scoped3A_33 = arith.constant 0 : i32
    "tpu.region"() ({
      %run_scoped3A_308 = tpu.sem_alloc : memref<!tpu.dma_semaphore, #tpu.memory_space<semaphore_mem>>
      %dma_start3A_309 = arith.constant 0 : i32
      %dma_start3A_310 = tpu.memref_slice %arg6[%run_scoped3A_33, %dma_start3A_309] : memref<2x128xf32, #tpu.memory_space<vmem>> -> memref<1x128xf32, #tpu.memory_space<vmem>>
      %dma_start3A_311 = tpu.memref_squeeze %dma_start3A_310 : memref<1x128xf32, #tpu.memory_space<vmem>> -> memref<128xf32, #tpu.memory_space<vmem>>
      %dma_start3A_312 = tpu.memref_slice %arg8[%add3A_32] : memref<10112xf32, #tpu.memory_space<vmem_shared>> -> memref<128xf32, #tpu.memory_space<vmem_shared>>
      %dma_start3A_313 = tpu.memref_slice %arg8[%add3A_32] : memref<10112xf32, #tpu.memory_space<vmem_shared>> -> memref<128xf32, #tpu.memory_space<vmem_shared>>
      %dma_start3A_314 = arith.constant 0 : i32
      %dma_start3A_315 = tpu.memref_slice %arg6[%run_scoped3A_33, %dma_start3A_314] : memref<2x128xf32, #tpu.memory_space<vmem>> -> memref<1x128xf32, #tpu.memory_space<vmem>>
      %dma_start3A_316 = tpu.memref_squeeze %dma_start3A_315 : memref<1x128xf32, #tpu.memory_space<vmem>> -> memref<128xf32, #tpu.memory_space<vmem>>
      tpu.enqueue_dma source(%dma_start3A_316 : memref<128xf32, #tpu.memory_space<vmem>>) target(%dma_start3A_313 : memref<128xf32, #tpu.memory_space<vmem_shared>>) target_semaphore(%run_scoped3A_308 : memref<!tpu.dma_semaphore, #tpu.memory_space<semaphore_mem>>)
      %dma_wait3A_317 = arith.constant 0 : i32
      %dma_wait3A_318 = tpu.memref_slice %arg6[%run_scoped3A_33, %dma_wait3A_317] : memref<2x128xf32, #tpu.memory_space<vmem>> -> memref<1x128xf32, #tpu.memory_space<vmem>>
      %dma_wait3A_319 = tpu.memref_squeeze %dma_wait3A_318 : memref<1x128xf32, #tpu.memory_space<vmem>> -> memref<128xf32, #tpu.memory_space<vmem>>
      %dma_wait3A_320 = tpu.memref_slice %arg8[%add3A_32] : memref<10112xf32, #tpu.memory_space<vmem_shared>> -> memref<128xf32, #tpu.memory_space<vmem_shared>>
      %dma_wait3A_321 = tpu.memref_slice %arg8[%add3A_32] : memref<10112xf32, #tpu.memory_space<vmem_shared>> -> memref<128xf32, #tpu.memory_space<vmem_shared>>
      %dma_wait3A_322 = arith.constant 0 : i32
      %dma_wait3A_323 = tpu.memref_slice %arg6[%run_scoped3A_33, %dma_wait3A_322] : memref<2x128xf32, #tpu.memory_space<vmem>> -> memref<1x128xf32, #tpu.memory_space<vmem>>
      %dma_wait3A_324 = tpu.memref_squeeze %dma_wait3A_323 : memref<1x128xf32, #tpu.memory_space<vmem>> -> memref<128xf32, #tpu.memory_space<vmem>>
      tpu.wait_dma2 semaphore(%run_scoped3A_308 : memref<!tpu.dma_semaphore, #tpu.memory_space<semaphore_mem>>) src(%dma_wait3A_324 : memref<128xf32, #tpu.memory_space<vmem>>) dst(%dma_wait3A_321 : memref<128xf32, #tpu.memory_space<vmem_shared>>)
      tpu.yield
    }) : () -> ()
    %mul3A_34 = arith.constant 632 : i32
    %mul3A_35 = arith.muli %arg1, %mul3A_34 : i32
    %add3A_36 = arith.constant 512 : i32
    %add3A_37 = arith.addi %mul3A_35, %add3A_36 : i32
    %run_scoped3A_38 = arith.constant 0 : i32
    "tpu.region"() ({
      %run_scoped3A_308 = tpu.sem_alloc : memref<!tpu.dma_semaphore, #tpu.memory_space<semaphore_mem>>
      %dma_start3A_309 = arith.constant 0 : i32
      %dma_start3A_310 = tpu.memref_slice %arg6[%run_scoped3A_38, %dma_start3A_309] : memref<2x128xf32, #tpu.memory_space<vmem>> -> memref<1x120xf32, #tpu.memory_space<vmem>>
      %dma_start3A_311 = tpu.memref_squeeze %dma_start3A_310 : memref<1x120xf32, #tpu.memory_space<vmem>> -> memref<120xf32, #tpu.memory_space<vmem>>
      %dma_start3A_312 = tpu.memref_slice %arg8[%add3A_37] : memref<10112xf32, #tpu.memory_space<vmem_shared>> -> memref<120xf32, #tpu.memory_space<vmem_shared>>
      %dma_start3A_313 = tpu.memref_slice %arg8[%add3A_37] : memref<10112xf32, #tpu.memory_space<vmem_shared>> -> memref<120xf32, #tpu.memory_space<vmem_shared>>
      %dma_start3A_314 = arith.constant 0 : i32
      %dma_start3A_315 = tpu.memref_slice %arg6[%run_scoped3A_38, %dma_start3A_314] : memref<2x128xf32, #tpu.memory_space<vmem>> -> memref<1x120xf32, #tpu.memory_space<vmem>>
      %dma_start3A_316 = tpu.memref_squeeze %dma_start3A_315 : memref<1x120xf32, #tpu.memory_space<vmem>> -> memref<120xf32, #tpu.memory_space<vmem>>
      tpu.enqueue_dma source(%dma_start3A_316 : memref<120xf32, #tpu.memory_space<vmem>>) target(%dma_start3A_313 : memref<120xf32, #tpu.memory_space<vmem_shared>>) target_semaphore(%run_scoped3A_308 : memref<!tpu.dma_semaphore, #tpu.memory_space<semaphore_mem>>)
      %dma_wait3A_317 = arith.constant 0 : i32
      %dma_wait3A_318 = tpu.memref_slice %arg6[%run_scoped3A_38, %dma_wait3A_317] : memref<2x128xf32, #tpu.memory_space<vmem>> -> memref<1x120xf32, #tpu.memory_space<vmem>>
      %dma_wait3A_319 = tpu.memref_squeeze %dma_wait3A_318 : memref<1x120xf32, #tpu.memory_space<vmem>> -> memref<120xf32, #tpu.memory_space<vmem>>
      %dma_wait3A_320 = tpu.memref_slice %arg8[%add3A_37] : memref<10112xf32, #tpu.memory_space<vmem_shared>> -> memref<120xf32, #tpu.memory_space<vmem_shared>>
      %dma_wait3A_321 = tpu.memref_slice %arg8[%add3A_37] : memref<10112xf32, #tpu.memory_space<vmem_shared>> -> memref<120xf32, #tpu.memory_space<vmem_shared>>
      %dma_wait3A_322 = arith.constant 0 : i32
      %dma_wait3A_323 = tpu.memref_slice %arg6[%run_scoped3A_38, %dma_wait3A_322] : memref<2x128xf32, #tpu.memory_space<vmem>> -> memref<1x120xf32, #tpu.memory_space<vmem>>
      %dma_wait3A_324 = tpu.memref_squeeze %dma_wait3A_323 : memref<1x120xf32, #tpu.memory_space<vmem>> -> memref<120xf32, #tpu.memory_space<vmem>>
      tpu.wait_dma2 semaphore(%run_scoped3A_308 : memref<!tpu.dma_semaphore, #tpu.memory_space<semaphore_mem>>) src(%dma_wait3A_324 : memref<120xf32, #tpu.memory_space<vmem>>) dst(%dma_wait3A_321 : memref<120xf32, #tpu.memory_space<vmem_shared>>)
      tpu.yield
    }) : () -> ()
    %barrier3A = arith.constant 0 : index
    tpu.barrier barrier_id(%barrier3A)
    %eq3A = arith.constant 0 : i32
    %eq3A_39 = arith.cmpi eq, %arg0, %eq3A : i32
    %jit3A = arith.constant 112 : i32
    %jit3A_40 = arith.constant 48 : i32
    %select_n3A = arith.select %eq3A_39, %jit3A, %jit3A_40 : i32
    %sub3A = arith.constant 0 : i32
    %sub3A_41 = arith.subi %select_n3A, %sub3A : i32
    %sub3A_42 = arith.constant 1 : i32
    %sub3A_43 = arith.constant 1 : i32
    %sub3A_44 = arith.subi %sub3A_42, %sub3A_43 : i32
    %add3A_45 = arith.addi %sub3A_41, %sub3A_44 : i32
    %div3A = arith.constant 1 : i32
    %div3A_46 = arith.divsi %add3A_45, %div3A : i32
    %while3A = arith.constant 1 : i32
    %while3A_47 = arith.constant 0 : i32
    %while3A_48 = arith.constant 0 : i32
    %while3A_49 = arith.subi %div3A_46, %while3A_48 : i32
    %while3A_50 = arith.addi %while3A_48, %while3A_49 : i32
    %while3A_51 = arith.constant 1 : i32
    %while3A_52 = arith.divsi %while3A_49, %while3A_51 : i32
    %while3A_53 = arith.muli %while3A_52, %while3A_51 : i32
    %while3A_54 = arith.addi %while3A_48, %while3A_53 : i32
    %while3A_55 = arith.constant 1 : i32
    scf.for %while3A_308 = %while3A_48 to %while3A_54 step %while3A_55  : i32 {
      %mul3A_309 = arith.muli %while3A_308, %while3A : i32
      %add3A_310 = arith.addi %while3A_47, %mul3A_309 : i32
      %dma_start3A_311 = arith.constant 1 : i32
      %dma_start3A_312 = arith.constant 0 : i32
      %dma_start3A_313 = tpu.memref_slice %arg6[%dma_start3A_311, %dma_start3A_312] : memref<2x128xf32, #tpu.memory_space<vmem>> -> memref<1x128xf32, #tpu.memory_space<vmem>>
      %dma_start3A_314 = tpu.memref_squeeze %dma_start3A_313 : memref<1x128xf32, #tpu.memory_space<vmem>> -> memref<128xf32, #tpu.memory_space<vmem>>
      %dma_start3A_315 = arith.constant 0 : i32
      %dma_start3A_316 = tpu.memref_slice %arg5[%add3A_310, %dma_start3A_315] : memref<112x128xi32, #tpu.memory_space<vmem>> -> memref<1x128xi32, #tpu.memory_space<vmem>>
      %dma_start3A_317 = tpu.memref_squeeze %dma_start3A_316 : memref<1x128xi32, #tpu.memory_space<vmem>> -> memref<128xi32, #tpu.memory_space<vmem>>
      %dma_start3A_318 = arith.constant 0 : i32
      %dma_start3A_319 = tpu.memref_slice %arg8[%dma_start3A_318] : memref<10112xf32, #tpu.memory_space<vmem_shared>> -> memref<10112xf32, #tpu.memory_space<vmem_shared>>
      tpu.enqueue_indirect_dma source(%dma_start3A_314 : memref<128xf32, #tpu.memory_space<vmem>>) target(%dma_start3A_319 : memref<10112xf32, #tpu.memory_space<vmem_shared>>) offsets(%dma_start3A_317 : memref<128xi32, #tpu.memory_space<vmem>>) semaphore(%arg9 : memref<!tpu.dma_semaphore, #tpu.memory_space<semaphore_mem>>) {add = true}
    }
    %while3A_56 = arith.constant 1 : i32
    scf.for %while3A_308 = %while3A_54 to %while3A_50 step %while3A_56  : i32 {
      %mul3A_309 = arith.muli %while3A_308, %while3A : i32
      %add3A_310 = arith.addi %while3A_47, %mul3A_309 : i32
      %dma_start3A_311 = arith.constant 1 : i32
      %dma_start3A_312 = arith.constant 0 : i32
      %dma_start3A_313 = tpu.memref_slice %arg6[%dma_start3A_311, %dma_start3A_312] : memref<2x128xf32, #tpu.memory_space<vmem>> -> memref<1x128xf32, #tpu.memory_space<vmem>>
      %dma_start3A_314 = tpu.memref_squeeze %dma_start3A_313 : memref<1x128xf32, #tpu.memory_space<vmem>> -> memref<128xf32, #tpu.memory_space<vmem>>
      %dma_start3A_315 = arith.constant 0 : i32
      %dma_start3A_316 = tpu.memref_slice %arg5[%add3A_310, %dma_start3A_315] : memref<112x128xi32, #tpu.memory_space<vmem>> -> memref<1x128xi32, #tpu.memory_space<vmem>>
      %dma_start3A_317 = tpu.memref_squeeze %dma_start3A_316 : memref<1x128xi32, #tpu.memory_space<vmem>> -> memref<128xi32, #tpu.memory_space<vmem>>
      %dma_start3A_318 = arith.constant 0 : i32
      %dma_start3A_319 = tpu.memref_slice %arg8[%dma_start3A_318] : memref<10112xf32, #tpu.memory_space<vmem_shared>> -> memref<10112xf32, #tpu.memory_space<vmem_shared>>
      tpu.enqueue_indirect_dma source(%dma_start3A_314 : memref<128xf32, #tpu.memory_space<vmem>>) target(%dma_start3A_319 : memref<10112xf32, #tpu.memory_space<vmem_shared>>) offsets(%dma_start3A_317 : memref<128xi32, #tpu.memory_space<vmem>>) semaphore(%arg9 : memref<!tpu.dma_semaphore, #tpu.memory_space<semaphore_mem>>) {add = true}
    }
    %sub3A_57 = arith.constant 0 : i32
    %sub3A_58 = arith.subi %select_n3A, %sub3A_57 : i32
    %sub3A_59 = arith.constant 1 : i32
    %sub3A_60 = arith.constant 1 : i32
    %sub3A_61 = arith.subi %sub3A_59, %sub3A_60 : i32
    %add3A_62 = arith.addi %sub3A_58, %sub3A_61 : i32
    %div3A_63 = arith.constant 1 : i32
    %div3A_64 = arith.divsi %add3A_62, %div3A_63 : i32
    %while3A_65 = arith.constant 1 : i32
    %while3A_66 = arith.constant 0 : i32
    %while3A_67 = arith.constant 0 : i32
    %while3A_68 = arith.subi %div3A_64, %while3A_67 : i32
    %while3A_69 = arith.addi %while3A_67, %while3A_68 : i32
    %while3A_70 = arith.constant 1 : i32
    %while3A_71 = arith.divsi %while3A_68, %while3A_70 : i32
    %while3A_72 = arith.muli %while3A_71, %while3A_70 : i32
    %while3A_73 = arith.addi %while3A_67, %while3A_72 : i32
    %while3A_74 = arith.constant 1 : i32
    scf.for %while3A_308 = %while3A_67 to %while3A_73 step %while3A_74  : i32 {
      %mul3A_309 = arith.muli %while3A_308, %while3A_65 : i32
      %add3A_310 = arith.addi %while3A_66, %mul3A_309 : i32
      %dma_wait3A_311 = arith.constant 1 : i32
      %dma_wait3A_312 = arith.constant 0 : i32
      %dma_wait3A_313 = arith.constant 0 : i32
      %dma_wait3A_314 = tpu.memref_slice %arg6[%dma_wait3A_311, %dma_wait3A_313] : memref<2x128xf32, #tpu.memory_space<vmem>> -> memref<1x128xf32, #tpu.memory_space<vmem>>
      %dma_wait3A_315 = tpu.memref_squeeze %dma_wait3A_314 : memref<1x128xf32, #tpu.memory_space<vmem>> -> memref<128xf32, #tpu.memory_space<vmem>>
      %dma_wait3A_316 = arith.constant 0 : i32
      %dma_wait3A_317 = tpu.memref_slice %arg5[%dma_wait3A_312, %dma_wait3A_316] : memref<112x128xi32, #tpu.memory_space<vmem>> -> memref<1x128xi32, #tpu.memory_space<vmem>>
      %dma_wait3A_318 = tpu.memref_squeeze %dma_wait3A_317 : memref<1x128xi32, #tpu.memory_space<vmem>> -> memref<128xi32, #tpu.memory_space<vmem>>
      %dma_wait3A_319 = arith.constant 0 : i32
      %dma_wait3A_320 = tpu.memref_slice %arg8[%dma_wait3A_319] : memref<10112xf32, #tpu.memory_space<vmem_shared>> -> memref<10112xf32, #tpu.memory_space<vmem_shared>>
      tpu.wait_indirect_dma semaphore(%arg9 : memref<!tpu.dma_semaphore, #tpu.memory_space<semaphore_mem>>) src(%dma_wait3A_315 : memref<128xf32, #tpu.memory_space<vmem>>) dst(%dma_wait3A_320 : memref<10112xf32, #tpu.memory_space<vmem_shared>>)
    }
    %while3A_75 = arith.constant 1 : i32
    scf.for %while3A_308 = %while3A_73 to %while3A_69 step %while3A_75  : i32 {
      %mul3A_309 = arith.muli %while3A_308, %while3A_65 : i32
      %add3A_310 = arith.addi %while3A_66, %mul3A_309 : i32
      %dma_wait3A_311 = arith.constant 1 : i32
      %dma_wait3A_312 = arith.constant 0 : i32
      %dma_wait3A_313 = arith.constant 0 : i32
      %dma_wait3A_314 = tpu.memref_slice %arg6[%dma_wait3A_311, %dma_wait3A_313] : memref<2x128xf32, #tpu.memory_space<vmem>> -> memref<1x128xf32, #tpu.memory_space<vmem>>
      %dma_wait3A_315 = tpu.memref_squeeze %dma_wait3A_314 : memref<1x128xf32, #tpu.memory_space<vmem>> -> memref<128xf32, #tpu.memory_space<vmem>>
      %dma_wait3A_316 = arith.constant 0 : i32
      %dma_wait3A_317 = tpu.memref_slice %arg5[%dma_wait3A_312, %dma_wait3A_316] : memref<112x128xi32, #tpu.memory_space<vmem>> -> memref<1x128xi32, #tpu.memory_space<vmem>>
      %dma_wait3A_318 = tpu.memref_squeeze %dma_wait3A_317 : memref<1x128xi32, #tpu.memory_space<vmem>> -> memref<128xi32, #tpu.memory_space<vmem>>
      %dma_wait3A_319 = arith.constant 0 : i32
      %dma_wait3A_320 = tpu.memref_slice %arg8[%dma_wait3A_319] : memref<10112xf32, #tpu.memory_space<vmem_shared>> -> memref<10112xf32, #tpu.memory_space<vmem_shared>>
      tpu.wait_indirect_dma semaphore(%arg9 : memref<!tpu.dma_semaphore, #tpu.memory_space<semaphore_mem>>) src(%dma_wait3A_315 : memref<128xf32, #tpu.memory_space<vmem>>) dst(%dma_wait3A_320 : memref<10112xf32, #tpu.memory_space<vmem_shared>>)
    }
    %barrier3A_76 = arith.constant 0 : index
    tpu.barrier barrier_id(%barrier3A_76)
    %mul3A_77 = arith.constant 632 : i32
    %mul3A_78 = arith.muli %arg1, %mul3A_77 : i32
    %add3A_79 = arith.constant 512 : i32
    %add3A_80 = arith.addi %mul3A_78, %add3A_79 : i32
    %mul3A_81 = arith.constant 632 : i32
    %mul3A_82 = arith.muli %arg1, %mul3A_81 : i32
    %add3A_83 = arith.constant 0 : i32
    %add3A_84 = arith.addi %mul3A_82, %add3A_83 : i32
    %dma_start3A_85 = arith.constant 0 : i32
    %dma_start3A_86 = arith.constant 0 : i32
    %dma_start3A_87 = tpu.memref_slice %arg7[%dma_start3A_85, %dma_start3A_86] : memref<5x128xf32, #tpu.memory_space<vmem>> -> memref<1x128xf32, #tpu.memory_space<vmem>>
    %dma_start3A_88 = tpu.memref_squeeze %dma_start3A_87 : memref<1x128xf32, #tpu.memory_space<vmem>> -> memref<128xf32, #tpu.memory_space<vmem>>
    %dma_start3A_89 = tpu.memref_slice %arg8[%add3A_84] : memref<10112xf32, #tpu.memory_space<vmem_shared>> -> memref<128xf32, #tpu.memory_space<vmem_shared>>
    %dma_start3A_90 = arith.constant 0 : i32
    %dma_start3A_91 = tpu.memref_slice %arg7[%dma_start3A_85, %dma_start3A_90] : memref<5x128xf32, #tpu.memory_space<vmem>> -> memref<1x128xf32, #tpu.memory_space<vmem>>
    %dma_start3A_92 = tpu.memref_squeeze %dma_start3A_91 : memref<1x128xf32, #tpu.memory_space<vmem>> -> memref<128xf32, #tpu.memory_space<vmem>>
    %dma_start3A_93 = tpu.memref_slice %arg8[%add3A_84] : memref<10112xf32, #tpu.memory_space<vmem_shared>> -> memref<128xf32, #tpu.memory_space<vmem_shared>>
    tpu.enqueue_dma source(%dma_start3A_93 : memref<128xf32, #tpu.memory_space<vmem_shared>>) target(%dma_start3A_92 : memref<128xf32, #tpu.memory_space<vmem>>) target_semaphore(%arg10 : memref<!tpu.dma_semaphore, #tpu.memory_space<semaphore_mem>>)
    %mul3A_94 = arith.constant 632 : i32
    %mul3A_95 = arith.muli %arg1, %mul3A_94 : i32
    %add3A_96 = arith.constant 128 : i32
    %add3A_97 = arith.addi %mul3A_95, %add3A_96 : i32
    %dma_start3A_98 = arith.constant 1 : i32
    %dma_start3A_99 = arith.constant 0 : i32
    %dma_start3A_100 = tpu.memref_slice %arg7[%dma_start3A_98, %dma_start3A_99] : memref<5x128xf32, #tpu.memory_space<vmem>> -> memref<1x128xf32, #tpu.memory_space<vmem>>
    %dma_start3A_101 = tpu.memref_squeeze %dma_start3A_100 : memref<1x128xf32, #tpu.memory_space<vmem>> -> memref<128xf32, #tpu.memory_space<vmem>>
    %dma_start3A_102 = tpu.memref_slice %arg8[%add3A_97] : memref<10112xf32, #tpu.memory_space<vmem_shared>> -> memref<128xf32, #tpu.memory_space<vmem_shared>>
    %dma_start3A_103 = arith.constant 0 : i32
    %dma_start3A_104 = tpu.memref_slice %arg7[%dma_start3A_98, %dma_start3A_103] : memref<5x128xf32, #tpu.memory_space<vmem>> -> memref<1x128xf32, #tpu.memory_space<vmem>>
    %dma_start3A_105 = tpu.memref_squeeze %dma_start3A_104 : memref<1x128xf32, #tpu.memory_space<vmem>> -> memref<128xf32, #tpu.memory_space<vmem>>
    %dma_start3A_106 = tpu.memref_slice %arg8[%add3A_97] : memref<10112xf32, #tpu.memory_space<vmem_shared>> -> memref<128xf32, #tpu.memory_space<vmem_shared>>
    tpu.enqueue_dma source(%dma_start3A_106 : memref<128xf32, #tpu.memory_space<vmem_shared>>) target(%dma_start3A_105 : memref<128xf32, #tpu.memory_space<vmem>>) target_semaphore(%arg10 : memref<!tpu.dma_semaphore, #tpu.memory_space<semaphore_mem>>)
    %mul3A_107 = arith.constant 632 : i32
    %mul3A_108 = arith.muli %arg1, %mul3A_107 : i32
    %add3A_109 = arith.constant 256 : i32
    %add3A_110 = arith.addi %mul3A_108, %add3A_109 : i32
    %dma_start3A_111 = arith.constant 2 : i32
    %dma_start3A_112 = arith.constant 0 : i32
    %dma_start3A_113 = tpu.memref_slice %arg7[%dma_start3A_111, %dma_start3A_112] : memref<5x128xf32, #tpu.memory_space<vmem>> -> memref<1x128xf32, #tpu.memory_space<vmem>>
    %dma_start3A_114 = tpu.memref_squeeze %dma_start3A_113 : memref<1x128xf32, #tpu.memory_space<vmem>> -> memref<128xf32, #tpu.memory_space<vmem>>
    %dma_start3A_115 = tpu.memref_slice %arg8[%add3A_110] : memref<10112xf32, #tpu.memory_space<vmem_shared>> -> memref<128xf32, #tpu.memory_space<vmem_shared>>
    %dma_start3A_116 = arith.constant 0 : i32
    %dma_start3A_117 = tpu.memref_slice %arg7[%dma_start3A_111, %dma_start3A_116] : memref<5x128xf32, #tpu.memory_space<vmem>> -> memref<1x128xf32, #tpu.memory_space<vmem>>
    %dma_start3A_118 = tpu.memref_squeeze %dma_start3A_117 : memref<1x128xf32, #tpu.memory_space<vmem>> -> memref<128xf32, #tpu.memory_space<vmem>>
    %dma_start3A_119 = tpu.memref_slice %arg8[%add3A_110] : memref<10112xf32, #tpu.memory_space<vmem_shared>> -> memref<128xf32, #tpu.memory_space<vmem_shared>>
    tpu.enqueue_dma source(%dma_start3A_119 : memref<128xf32, #tpu.memory_space<vmem_shared>>) target(%dma_start3A_118 : memref<128xf32, #tpu.memory_space<vmem>>) target_semaphore(%arg10 : memref<!tpu.dma_semaphore, #tpu.memory_space<semaphore_mem>>)
    %mul3A_120 = arith.constant 632 : i32
    %mul3A_121 = arith.muli %arg1, %mul3A_120 : i32
    %add3A_122 = arith.constant 384 : i32
    %add3A_123 = arith.addi %mul3A_121, %add3A_122 : i32
    %dma_start3A_124 = arith.constant 3 : i32
    %dma_start3A_125 = arith.constant 0 : i32
    %dma_start3A_126 = tpu.memref_slice %arg7[%dma_start3A_124, %dma_start3A_125] : memref<5x128xf32, #tpu.memory_space<vmem>> -> memref<1x128xf32, #tpu.memory_space<vmem>>
    %dma_start3A_127 = tpu.memref_squeeze %dma_start3A_126 : memref<1x128xf32, #tpu.memory_space<vmem>> -> memref<128xf32, #tpu.memory_space<vmem>>
    %dma_start3A_128 = tpu.memref_slice %arg8[%add3A_123] : memref<10112xf32, #tpu.memory_space<vmem_shared>> -> memref<128xf32, #tpu.memory_space<vmem_shared>>
    %dma_start3A_129 = arith.constant 0 : i32
    %dma_start3A_130 = tpu.memref_slice %arg7[%dma_start3A_124, %dma_start3A_129] : memref<5x128xf32, #tpu.memory_space<vmem>> -> memref<1x128xf32, #tpu.memory_space<vmem>>
    %dma_start3A_131 = tpu.memref_squeeze %dma_start3A_130 : memref<1x128xf32, #tpu.memory_space<vmem>> -> memref<128xf32, #tpu.memory_space<vmem>>
    %dma_start3A_132 = tpu.memref_slice %arg8[%add3A_123] : memref<10112xf32, #tpu.memory_space<vmem_shared>> -> memref<128xf32, #tpu.memory_space<vmem_shared>>
    tpu.enqueue_dma source(%dma_start3A_132 : memref<128xf32, #tpu.memory_space<vmem_shared>>) target(%dma_start3A_131 : memref<128xf32, #tpu.memory_space<vmem>>) target_semaphore(%arg10 : memref<!tpu.dma_semaphore, #tpu.memory_space<semaphore_mem>>)
    %dma_start3A_133 = arith.constant 4 : i32
    %dma_start3A_134 = arith.constant 0 : i32
    %dma_start3A_135 = tpu.memref_slice %arg7[%dma_start3A_133, %dma_start3A_134] : memref<5x128xf32, #tpu.memory_space<vmem>> -> memref<1x120xf32, #tpu.memory_space<vmem>>
    %dma_start3A_136 = tpu.memref_squeeze %dma_start3A_135 : memref<1x120xf32, #tpu.memory_space<vmem>> -> memref<120xf32, #tpu.memory_space<vmem>>
    %dma_start3A_137 = tpu.memref_slice %arg8[%add3A_80] : memref<10112xf32, #tpu.memory_space<vmem_shared>> -> memref<120xf32, #tpu.memory_space<vmem_shared>>
    %dma_start3A_138 = arith.constant 0 : i32
    %dma_start3A_139 = tpu.memref_slice %arg7[%dma_start3A_133, %dma_start3A_138] : memref<5x128xf32, #tpu.memory_space<vmem>> -> memref<1x120xf32, #tpu.memory_space<vmem>>
    %dma_start3A_140 = tpu.memref_squeeze %dma_start3A_139 : memref<1x120xf32, #tpu.memory_space<vmem>> -> memref<120xf32, #tpu.memory_space<vmem>>
    %dma_start3A_141 = tpu.memref_slice %arg8[%add3A_80] : memref<10112xf32, #tpu.memory_space<vmem_shared>> -> memref<120xf32, #tpu.memory_space<vmem_shared>>
    tpu.enqueue_dma source(%dma_start3A_141 : memref<120xf32, #tpu.memory_space<vmem_shared>>) target(%dma_start3A_140 : memref<120xf32, #tpu.memory_space<vmem>>) target_semaphore(%arg10 : memref<!tpu.dma_semaphore, #tpu.memory_space<semaphore_mem>>)
    %dma_wait3A_142 = arith.constant 0 : i32
    %dma_wait3A_143 = arith.constant 0 : i32
    %dma_wait3A_144 = tpu.memref_slice %arg7[%dma_wait3A_142, %dma_wait3A_143] : memref<5x128xf32, #tpu.memory_space<vmem>> -> memref<1x128xf32, #tpu.memory_space<vmem>>
    %dma_wait3A_145 = tpu.memref_squeeze %dma_wait3A_144 : memref<1x128xf32, #tpu.memory_space<vmem>> -> memref<128xf32, #tpu.memory_space<vmem>>
    %dma_wait3A_146 = tpu.memref_slice %arg8[%add3A_84] : memref<10112xf32, #tpu.memory_space<vmem_shared>> -> memref<128xf32, #tpu.memory_space<vmem_shared>>
    %dma_wait3A_147 = arith.constant 0 : i32
    %dma_wait3A_148 = tpu.memref_slice %arg7[%dma_wait3A_142, %dma_wait3A_147] : memref<5x128xf32, #tpu.memory_space<vmem>> -> memref<1x128xf32, #tpu.memory_space<vmem>>
    %dma_wait3A_149 = tpu.memref_squeeze %dma_wait3A_148 : memref<1x128xf32, #tpu.memory_space<vmem>> -> memref<128xf32, #tpu.memory_space<vmem>>
    %dma_wait3A_150 = tpu.memref_slice %arg8[%add3A_84] : memref<10112xf32, #tpu.memory_space<vmem_shared>> -> memref<128xf32, #tpu.memory_space<vmem_shared>>
    tpu.wait_dma2 semaphore(%arg10 : memref<!tpu.dma_semaphore, #tpu.memory_space<semaphore_mem>>) src(%dma_wait3A_150 : memref<128xf32, #tpu.memory_space<vmem_shared>>) dst(%dma_wait3A_149 : memref<128xf32, #tpu.memory_space<vmem>>)
    %dma_wait3A_151 = arith.constant 1 : i32
    %dma_wait3A_152 = arith.constant 0 : i32
    %dma_wait3A_153 = tpu.memref_slice %arg7[%dma_wait3A_151, %dma_wait3A_152] : memref<5x128xf32, #tpu.memory_space<vmem>> -> memref<1x128xf32, #tpu.memory_space<vmem>>
    %dma_wait3A_154 = tpu.memref_squeeze %dma_wait3A_153 : memref<1x128xf32, #tpu.memory_space<vmem>> -> memref<128xf32, #tpu.memory_space<vmem>>
    %dma_wait3A_155 = tpu.memref_slice %arg8[%add3A_97] : memref<10112xf32, #tpu.memory_space<vmem_shared>> -> memref<128xf32, #tpu.memory_space<vmem_shared>>
    %dma_wait3A_156 = arith.constant 0 : i32
    %dma_wait3A_157 = tpu.memref_slice %arg7[%dma_wait3A_151, %dma_wait3A_156] : memref<5x128xf32, #tpu.memory_space<vmem>> -> memref<1x128xf32, #tpu.memory_space<vmem>>
    %dma_wait3A_158 = tpu.memref_squeeze %dma_wait3A_157 : memref<1x128xf32, #tpu.memory_space<vmem>> -> memref<128xf32, #tpu.memory_space<vmem>>
    %dma_wait3A_159 = tpu.memref_slice %arg8[%add3A_97] : memref<10112xf32, #tpu.memory_space<vmem_shared>> -> memref<128xf32, #tpu.memory_space<vmem_shared>>
    tpu.wait_dma2 semaphore(%arg10 : memref<!tpu.dma_semaphore, #tpu.memory_space<semaphore_mem>>) src(%dma_wait3A_159 : memref<128xf32, #tpu.memory_space<vmem_shared>>) dst(%dma_wait3A_158 : memref<128xf32, #tpu.memory_space<vmem>>)
    %dma_wait3A_160 = arith.constant 2 : i32
    %dma_wait3A_161 = arith.constant 0 : i32
    %dma_wait3A_162 = tpu.memref_slice %arg7[%dma_wait3A_160, %dma_wait3A_161] : memref<5x128xf32, #tpu.memory_space<vmem>> -> memref<1x128xf32, #tpu.memory_space<vmem>>
    %dma_wait3A_163 = tpu.memref_squeeze %dma_wait3A_162 : memref<1x128xf32, #tpu.memory_space<vmem>> -> memref<128xf32, #tpu.memory_space<vmem>>
    %dma_wait3A_164 = tpu.memref_slice %arg8[%add3A_110] : memref<10112xf32, #tpu.memory_space<vmem_shared>> -> memref<128xf32, #tpu.memory_space<vmem_shared>>
    %dma_wait3A_165 = arith.constant 0 : i32
    %dma_wait3A_166 = tpu.memref_slice %arg7[%dma_wait3A_160, %dma_wait3A_165] : memref<5x128xf32, #tpu.memory_space<vmem>> -> memref<1x128xf32, #tpu.memory_space<vmem>>
    %dma_wait3A_167 = tpu.memref_squeeze %dma_wait3A_166 : memref<1x128xf32, #tpu.memory_space<vmem>> -> memref<128xf32, #tpu.memory_space<vmem>>
    %dma_wait3A_168 = tpu.memref_slice %arg8[%add3A_110] : memref<10112xf32, #tpu.memory_space<vmem_shared>> -> memref<128xf32, #tpu.memory_space<vmem_shared>>
    tpu.wait_dma2 semaphore(%arg10 : memref<!tpu.dma_semaphore, #tpu.memory_space<semaphore_mem>>) src(%dma_wait3A_168 : memref<128xf32, #tpu.memory_space<vmem_shared>>) dst(%dma_wait3A_167 : memref<128xf32, #tpu.memory_space<vmem>>)
    %dma_wait3A_169 = arith.constant 3 : i32
    %dma_wait3A_170 = arith.constant 0 : i32
    %dma_wait3A_171 = tpu.memref_slice %arg7[%dma_wait3A_169, %dma_wait3A_170] : memref<5x128xf32, #tpu.memory_space<vmem>> -> memref<1x128xf32, #tpu.memory_space<vmem>>
    %dma_wait3A_172 = tpu.memref_squeeze %dma_wait3A_171 : memref<1x128xf32, #tpu.memory_space<vmem>> -> memref<128xf32, #tpu.memory_space<vmem>>
    %dma_wait3A_173 = tpu.memref_slice %arg8[%add3A_123] : memref<10112xf32, #tpu.memory_space<vmem_shared>> -> memref<128xf32, #tpu.memory_space<vmem_shared>>
    %dma_wait3A_174 = arith.constant 0 : i32
    %dma_wait3A_175 = tpu.memref_slice %arg7[%dma_wait3A_169, %dma_wait3A_174] : memref<5x128xf32, #tpu.memory_space<vmem>> -> memref<1x128xf32, #tpu.memory_space<vmem>>
    %dma_wait3A_176 = tpu.memref_squeeze %dma_wait3A_175 : memref<1x128xf32, #tpu.memory_space<vmem>> -> memref<128xf32, #tpu.memory_space<vmem>>
    %dma_wait3A_177 = tpu.memref_slice %arg8[%add3A_123] : memref<10112xf32, #tpu.memory_space<vmem_shared>> -> memref<128xf32, #tpu.memory_space<vmem_shared>>
    tpu.wait_dma2 semaphore(%arg10 : memref<!tpu.dma_semaphore, #tpu.memory_space<semaphore_mem>>) src(%dma_wait3A_177 : memref<128xf32, #tpu.memory_space<vmem_shared>>) dst(%dma_wait3A_176 : memref<128xf32, #tpu.memory_space<vmem>>)
    %dma_wait3A_178 = arith.constant 4 : i32
    %dma_wait3A_179 = arith.constant 0 : i32
    %dma_wait3A_180 = tpu.memref_slice %arg7[%dma_wait3A_178, %dma_wait3A_179] : memref<5x128xf32, #tpu.memory_space<vmem>> -> memref<1x120xf32, #tpu.memory_space<vmem>>
    %dma_wait3A_181 = tpu.memref_squeeze %dma_wait3A_180 : memref<1x120xf32, #tpu.memory_space<vmem>> -> memref<120xf32, #tpu.memory_space<vmem>>
    %dma_wait3A_182 = tpu.memref_slice %arg8[%add3A_80] : memref<10112xf32, #tpu.memory_space<vmem_shared>> -> memref<120xf32, #tpu.memory_space<vmem_shared>>
    %dma_wait3A_183 = arith.constant 0 : i32
    %dma_wait3A_184 = tpu.memref_slice %arg7[%dma_wait3A_178, %dma_wait3A_183] : memref<5x128xf32, #tpu.memory_space<vmem>> -> memref<1x120xf32, #tpu.memory_space<vmem>>
    %dma_wait3A_185 = tpu.memref_squeeze %dma_wait3A_184 : memref<1x120xf32, #tpu.memory_space<vmem>> -> memref<120xf32, #tpu.memory_space<vmem>>
    %dma_wait3A_186 = tpu.memref_slice %arg8[%add3A_80] : memref<10112xf32, #tpu.memory_space<vmem_shared>> -> memref<120xf32, #tpu.memory_space<vmem_shared>>
    tpu.wait_dma2 semaphore(%arg10 : memref<!tpu.dma_semaphore, #tpu.memory_space<semaphore_mem>>) src(%dma_wait3A_186 : memref<120xf32, #tpu.memory_space<vmem_shared>>) dst(%dma_wait3A_185 : memref<120xf32, #tpu.memory_space<vmem>>)
    %mul3A_187 = arith.constant 10112 : i32
    %mul3A_188 = arith.muli %arg0, %mul3A_187 : i32
    %mul3A_189 = arith.constant 632 : i32
    %mul3A_190 = arith.muli %arg1, %mul3A_189 : i32
    %add3A_191 = arith.addi %mul3A_188, %mul3A_190 : i32
    %add3A_192 = arith.constant 0 : i32
    %add3A_193 = arith.addi %add3A_191, %add3A_192 : i32
    %dma_start3A_194 = arith.constant 0 : i32
    %dma_start3A_195 = arith.constant 0 : i32
    %dma_start3A_196 = tpu.memref_slice %arg7[%dma_start3A_194, %dma_start3A_195] : memref<5x128xf32, #tpu.memory_space<vmem>> -> memref<1x128xf32, #tpu.memory_space<vmem>>
    %dma_start3A_197 = tpu.memref_squeeze %dma_start3A_196 : memref<1x128xf32, #tpu.memory_space<vmem>> -> memref<128xf32, #tpu.memory_space<vmem>>
    %dma_start3A_198 = tpu.memref_slice %arg4[%add3A_193] : memref<20224xf32, #tpu.memory_space<hbm>> -> memref<128xf32, #tpu.memory_space<hbm>>
    %dma_start3A_199 = tpu.memref_slice %arg4[%add3A_193] : memref<20224xf32, #tpu.memory_space<hbm>> -> memref<128xf32, #tpu.memory_space<hbm>>
    %dma_start3A_200 = arith.constant 0 : i32
    %dma_start3A_201 = tpu.memref_slice %arg7[%dma_start3A_194, %dma_start3A_200] : memref<5x128xf32, #tpu.memory_space<vmem>> -> memref<1x128xf32, #tpu.memory_space<vmem>>
    %dma_start3A_202 = tpu.memref_squeeze %dma_start3A_201 : memref<1x128xf32, #tpu.memory_space<vmem>> -> memref<128xf32, #tpu.memory_space<vmem>>
    tpu.enqueue_dma source(%dma_start3A_202 : memref<128xf32, #tpu.memory_space<vmem>>) target(%dma_start3A_199 : memref<128xf32, #tpu.memory_space<hbm>>) target_semaphore(%arg10 : memref<!tpu.dma_semaphore, #tpu.memory_space<semaphore_mem>>)
    %mul3A_203 = arith.constant 10112 : i32
    %mul3A_204 = arith.muli %arg0, %mul3A_203 : i32
    %mul3A_205 = arith.constant 632 : i32
    %mul3A_206 = arith.muli %arg1, %mul3A_205 : i32
    %add3A_207 = arith.addi %mul3A_204, %mul3A_206 : i32
    %add3A_208 = arith.constant 128 : i32
    %add3A_209 = arith.addi %add3A_207, %add3A_208 : i32
    %dma_start3A_210 = arith.constant 1 : i32
    %dma_start3A_211 = arith.constant 0 : i32
    %dma_start3A_212 = tpu.memref_slice %arg7[%dma_start3A_210, %dma_start3A_211] : memref<5x128xf32, #tpu.memory_space<vmem>> -> memref<1x128xf32, #tpu.memory_space<vmem>>
    %dma_start3A_213 = tpu.memref_squeeze %dma_start3A_212 : memref<1x128xf32, #tpu.memory_space<vmem>> -> memref<128xf32, #tpu.memory_space<vmem>>
    %dma_start3A_214 = tpu.memref_slice %arg4[%add3A_209] : memref<20224xf32, #tpu.memory_space<hbm>> -> memref<128xf32, #tpu.memory_space<hbm>>
    %dma_start3A_215 = tpu.memref_slice %arg4[%add3A_209] : memref<20224xf32, #tpu.memory_space<hbm>> -> memref<128xf32, #tpu.memory_space<hbm>>
    %dma_start3A_216 = arith.constant 0 : i32
    %dma_start3A_217 = tpu.memref_slice %arg7[%dma_start3A_210, %dma_start3A_216] : memref<5x128xf32, #tpu.memory_space<vmem>> -> memref<1x128xf32, #tpu.memory_space<vmem>>
    %dma_start3A_218 = tpu.memref_squeeze %dma_start3A_217 : memref<1x128xf32, #tpu.memory_space<vmem>> -> memref<128xf32, #tpu.memory_space<vmem>>
    tpu.enqueue_dma source(%dma_start3A_218 : memref<128xf32, #tpu.memory_space<vmem>>) target(%dma_start3A_215 : memref<128xf32, #tpu.memory_space<hbm>>) target_semaphore(%arg10 : memref<!tpu.dma_semaphore, #tpu.memory_space<semaphore_mem>>)
    %mul3A_219 = arith.constant 10112 : i32
    %mul3A_220 = arith.muli %arg0, %mul3A_219 : i32
    %mul3A_221 = arith.constant 632 : i32
    %mul3A_222 = arith.muli %arg1, %mul3A_221 : i32
    %add3A_223 = arith.addi %mul3A_220, %mul3A_222 : i32
    %add3A_224 = arith.constant 256 : i32
    %add3A_225 = arith.addi %add3A_223, %add3A_224 : i32
    %dma_start3A_226 = arith.constant 2 : i32
    %dma_start3A_227 = arith.constant 0 : i32
    %dma_start3A_228 = tpu.memref_slice %arg7[%dma_start3A_226, %dma_start3A_227] : memref<5x128xf32, #tpu.memory_space<vmem>> -> memref<1x128xf32, #tpu.memory_space<vmem>>
    %dma_start3A_229 = tpu.memref_squeeze %dma_start3A_228 : memref<1x128xf32, #tpu.memory_space<vmem>> -> memref<128xf32, #tpu.memory_space<vmem>>
    %dma_start3A_230 = tpu.memref_slice %arg4[%add3A_225] : memref<20224xf32, #tpu.memory_space<hbm>> -> memref<128xf32, #tpu.memory_space<hbm>>
    %dma_start3A_231 = tpu.memref_slice %arg4[%add3A_225] : memref<20224xf32, #tpu.memory_space<hbm>> -> memref<128xf32, #tpu.memory_space<hbm>>
    %dma_start3A_232 = arith.constant 0 : i32
    %dma_start3A_233 = tpu.memref_slice %arg7[%dma_start3A_226, %dma_start3A_232] : memref<5x128xf32, #tpu.memory_space<vmem>> -> memref<1x128xf32, #tpu.memory_space<vmem>>
    %dma_start3A_234 = tpu.memref_squeeze %dma_start3A_233 : memref<1x128xf32, #tpu.memory_space<vmem>> -> memref<128xf32, #tpu.memory_space<vmem>>
    tpu.enqueue_dma source(%dma_start3A_234 : memref<128xf32, #tpu.memory_space<vmem>>) target(%dma_start3A_231 : memref<128xf32, #tpu.memory_space<hbm>>) target_semaphore(%arg10 : memref<!tpu.dma_semaphore, #tpu.memory_space<semaphore_mem>>)
    %mul3A_235 = arith.constant 10112 : i32
    %mul3A_236 = arith.muli %arg0, %mul3A_235 : i32
    %mul3A_237 = arith.constant 632 : i32
    %mul3A_238 = arith.muli %arg1, %mul3A_237 : i32
    %add3A_239 = arith.addi %mul3A_236, %mul3A_238 : i32
    %add3A_240 = arith.constant 384 : i32
    %add3A_241 = arith.addi %add3A_239, %add3A_240 : i32
    %dma_start3A_242 = arith.constant 3 : i32
    %dma_start3A_243 = arith.constant 0 : i32
    %dma_start3A_244 = tpu.memref_slice %arg7[%dma_start3A_242, %dma_start3A_243] : memref<5x128xf32, #tpu.memory_space<vmem>> -> memref<1x128xf32, #tpu.memory_space<vmem>>
    %dma_start3A_245 = tpu.memref_squeeze %dma_start3A_244 : memref<1x128xf32, #tpu.memory_space<vmem>> -> memref<128xf32, #tpu.memory_space<vmem>>
    %dma_start3A_246 = tpu.memref_slice %arg4[%add3A_241] : memref<20224xf32, #tpu.memory_space<hbm>> -> memref<128xf32, #tpu.memory_space<hbm>>
    %dma_start3A_247 = tpu.memref_slice %arg4[%add3A_241] : memref<20224xf32, #tpu.memory_space<hbm>> -> memref<128xf32, #tpu.memory_space<hbm>>
    %dma_start3A_248 = arith.constant 0 : i32
    %dma_start3A_249 = tpu.memref_slice %arg7[%dma_start3A_242, %dma_start3A_248] : memref<5x128xf32, #tpu.memory_space<vmem>> -> memref<1x128xf32, #tpu.memory_space<vmem>>
    %dma_start3A_250 = tpu.memref_squeeze %dma_start3A_249 : memref<1x128xf32, #tpu.memory_space<vmem>> -> memref<128xf32, #tpu.memory_space<vmem>>
    tpu.enqueue_dma source(%dma_start3A_250 : memref<128xf32, #tpu.memory_space<vmem>>) target(%dma_start3A_247 : memref<128xf32, #tpu.memory_space<hbm>>) target_semaphore(%arg10 : memref<!tpu.dma_semaphore, #tpu.memory_space<semaphore_mem>>)
    %mul3A_251 = arith.constant 10112 : i32
    %mul3A_252 = arith.muli %arg0, %mul3A_251 : i32
    %add3A_253 = arith.addi %mul3A_252, %add3A_80 : i32
    %dma_start3A_254 = arith.constant 4 : i32
    %dma_start3A_255 = arith.constant 0 : i32
    %dma_start3A_256 = tpu.memref_slice %arg7[%dma_start3A_254, %dma_start3A_255] : memref<5x128xf32, #tpu.memory_space<vmem>> -> memref<1x120xf32, #tpu.memory_space<vmem>>
    %dma_start3A_257 = tpu.memref_squeeze %dma_start3A_256 : memref<1x120xf32, #tpu.memory_space<vmem>> -> memref<120xf32, #tpu.memory_space<vmem>>
    %dma_start3A_258 = tpu.memref_slice %arg4[%add3A_253] : memref<20224xf32, #tpu.memory_space<hbm>> -> memref<120xf32, #tpu.memory_space<hbm>>
    %dma_start3A_259 = tpu.memref_slice %arg4[%add3A_253] : memref<20224xf32, #tpu.memory_space<hbm>> -> memref<120xf32, #tpu.memory_space<hbm>>
    %dma_start3A_260 = arith.constant 0 : i32
    %dma_start3A_261 = tpu.memref_slice %arg7[%dma_start3A_254, %dma_start3A_260] : memref<5x128xf32, #tpu.memory_space<vmem>> -> memref<1x120xf32, #tpu.memory_space<vmem>>
    %dma_start3A_262 = tpu.memref_squeeze %dma_start3A_261 : memref<1x120xf32, #tpu.memory_space<vmem>> -> memref<120xf32, #tpu.memory_space<vmem>>
    tpu.enqueue_dma source(%dma_start3A_262 : memref<120xf32, #tpu.memory_space<vmem>>) target(%dma_start3A_259 : memref<120xf32, #tpu.memory_space<hbm>>) target_semaphore(%arg10 : memref<!tpu.dma_semaphore, #tpu.memory_space<semaphore_mem>>)
    %dma_wait3A_263 = arith.constant 0 : i32
    %dma_wait3A_264 = arith.constant 0 : i32
    %dma_wait3A_265 = tpu.memref_slice %arg7[%dma_wait3A_263, %dma_wait3A_264] : memref<5x128xf32, #tpu.memory_space<vmem>> -> memref<1x128xf32, #tpu.memory_space<vmem>>
    %dma_wait3A_266 = tpu.memref_squeeze %dma_wait3A_265 : memref<1x128xf32, #tpu.memory_space<vmem>> -> memref<128xf32, #tpu.memory_space<vmem>>
    %dma_wait3A_267 = tpu.memref_slice %arg4[%add3A_193] : memref<20224xf32, #tpu.memory_space<hbm>> -> memref<128xf32, #tpu.memory_space<hbm>>
    %dma_wait3A_268 = tpu.memref_slice %arg4[%add3A_193] : memref<20224xf32, #tpu.memory_space<hbm>> -> memref<128xf32, #tpu.memory_space<hbm>>
    %dma_wait3A_269 = arith.constant 0 : i32
    %dma_wait3A_270 = tpu.memref_slice %arg7[%dma_wait3A_263, %dma_wait3A_269] : memref<5x128xf32, #tpu.memory_space<vmem>> -> memref<1x128xf32, #tpu.memory_space<vmem>>
    %dma_wait3A_271 = tpu.memref_squeeze %dma_wait3A_270 : memref<1x128xf32, #tpu.memory_space<vmem>> -> memref<128xf32, #tpu.memory_space<vmem>>
    tpu.wait_dma2 semaphore(%arg10 : memref<!tpu.dma_semaphore, #tpu.memory_space<semaphore_mem>>) src(%dma_wait3A_271 : memref<128xf32, #tpu.memory_space<vmem>>) dst(%dma_wait3A_268 : memref<128xf32, #tpu.memory_space<hbm>>)
    %dma_wait3A_272 = arith.constant 1 : i32
    %dma_wait3A_273 = arith.constant 0 : i32
    %dma_wait3A_274 = tpu.memref_slice %arg7[%dma_wait3A_272, %dma_wait3A_273] : memref<5x128xf32, #tpu.memory_space<vmem>> -> memref<1x128xf32, #tpu.memory_space<vmem>>
    %dma_wait3A_275 = tpu.memref_squeeze %dma_wait3A_274 : memref<1x128xf32, #tpu.memory_space<vmem>> -> memref<128xf32, #tpu.memory_space<vmem>>
    %dma_wait3A_276 = tpu.memref_slice %arg4[%add3A_209] : memref<20224xf32, #tpu.memory_space<hbm>> -> memref<128xf32, #tpu.memory_space<hbm>>
    %dma_wait3A_277 = tpu.memref_slice %arg4[%add3A_209] : memref<20224xf32, #tpu.memory_space<hbm>> -> memref<128xf32, #tpu.memory_space<hbm>>
    %dma_wait3A_278 = arith.constant 0 : i32
    %dma_wait3A_279 = tpu.memref_slice %arg7[%dma_wait3A_272, %dma_wait3A_278] : memref<5x128xf32, #tpu.memory_space<vmem>> -> memref<1x128xf32, #tpu.memory_space<vmem>>
    %dma_wait3A_280 = tpu.memref_squeeze %dma_wait3A_279 : memref<1x128xf32, #tpu.memory_space<vmem>> -> memref<128xf32, #tpu.memory_space<vmem>>
    tpu.wait_dma2 semaphore(%arg10 : memref<!tpu.dma_semaphore, #tpu.memory_space<semaphore_mem>>) src(%dma_wait3A_280 : memref<128xf32, #tpu.memory_space<vmem>>) dst(%dma_wait3A_277 : memref<128xf32, #tpu.memory_space<hbm>>)
    %dma_wait3A_281 = arith.constant 2 : i32
    %dma_wait3A_282 = arith.constant 0 : i32
    %dma_wait3A_283 = tpu.memref_slice %arg7[%dma_wait3A_281, %dma_wait3A_282] : memref<5x128xf32, #tpu.memory_space<vmem>> -> memref<1x128xf32, #tpu.memory_space<vmem>>
    %dma_wait3A_284 = tpu.memref_squeeze %dma_wait3A_283 : memref<1x128xf32, #tpu.memory_space<vmem>> -> memref<128xf32, #tpu.memory_space<vmem>>
    %dma_wait3A_285 = tpu.memref_slice %arg4[%add3A_225] : memref<20224xf32, #tpu.memory_space<hbm>> -> memref<128xf32, #tpu.memory_space<hbm>>
    %dma_wait3A_286 = tpu.memref_slice %arg4[%add3A_225] : memref<20224xf32, #tpu.memory_space<hbm>> -> memref<128xf32, #tpu.memory_space<hbm>>
    %dma_wait3A_287 = arith.constant 0 : i32
    %dma_wait3A_288 = tpu.memref_slice %arg7[%dma_wait3A_281, %dma_wait3A_287] : memref<5x128xf32, #tpu.memory_space<vmem>> -> memref<1x128xf32, #tpu.memory_space<vmem>>
    %dma_wait3A_289 = tpu.memref_squeeze %dma_wait3A_288 : memref<1x128xf32, #tpu.memory_space<vmem>> -> memref<128xf32, #tpu.memory_space<vmem>>
    tpu.wait_dma2 semaphore(%arg10 : memref<!tpu.dma_semaphore, #tpu.memory_space<semaphore_mem>>) src(%dma_wait3A_289 : memref<128xf32, #tpu.memory_space<vmem>>) dst(%dma_wait3A_286 : memref<128xf32, #tpu.memory_space<hbm>>)
    %dma_wait3A_290 = arith.constant 3 : i32
    %dma_wait3A_291 = arith.constant 0 : i32
    %dma_wait3A_292 = tpu.memref_slice %arg7[%dma_wait3A_290, %dma_wait3A_291] : memref<5x128xf32, #tpu.memory_space<vmem>> -> memref<1x128xf32, #tpu.memory_space<vmem>>
    %dma_wait3A_293 = tpu.memref_squeeze %dma_wait3A_292 : memref<1x128xf32, #tpu.memory_space<vmem>> -> memref<128xf32, #tpu.memory_space<vmem>>
    %dma_wait3A_294 = tpu.memref_slice %arg4[%add3A_241] : memref<20224xf32, #tpu.memory_space<hbm>> -> memref<128xf32, #tpu.memory_space<hbm>>
    %dma_wait3A_295 = tpu.memref_slice %arg4[%add3A_241] : memref<20224xf32, #tpu.memory_space<hbm>> -> memref<128xf32, #tpu.memory_space<hbm>>
    %dma_wait3A_296 = arith.constant 0 : i32
    %dma_wait3A_297 = tpu.memref_slice %arg7[%dma_wait3A_290, %dma_wait3A_296] : memref<5x128xf32, #tpu.memory_space<vmem>> -> memref<1x128xf32, #tpu.memory_space<vmem>>
    %dma_wait3A_298 = tpu.memref_squeeze %dma_wait3A_297 : memref<1x128xf32, #tpu.memory_space<vmem>> -> memref<128xf32, #tpu.memory_space<vmem>>
    tpu.wait_dma2 semaphore(%arg10 : memref<!tpu.dma_semaphore, #tpu.memory_space<semaphore_mem>>) src(%dma_wait3A_298 : memref<128xf32, #tpu.memory_space<vmem>>) dst(%dma_wait3A_295 : memref<128xf32, #tpu.memory_space<hbm>>)
    %dma_wait3A_299 = arith.constant 4 : i32
    %dma_wait3A_300 = arith.constant 0 : i32
    %dma_wait3A_301 = tpu.memref_slice %arg7[%dma_wait3A_299, %dma_wait3A_300] : memref<5x128xf32, #tpu.memory_space<vmem>> -> memref<1x120xf32, #tpu.memory_space<vmem>>
    %dma_wait3A_302 = tpu.memref_squeeze %dma_wait3A_301 : memref<1x120xf32, #tpu.memory_space<vmem>> -> memref<120xf32, #tpu.memory_space<vmem>>
    %dma_wait3A_303 = tpu.memref_slice %arg4[%add3A_253] : memref<20224xf32, #tpu.memory_space<hbm>> -> memref<120xf32, #tpu.memory_space<hbm>>
    %dma_wait3A_304 = tpu.memref_slice %arg4[%add3A_253] : memref<20224xf32, #tpu.memory_space<hbm>> -> memref<120xf32, #tpu.memory_space<hbm>>
    %dma_wait3A_305 = arith.constant 0 : i32
    %dma_wait3A_306 = tpu.memref_slice %arg7[%dma_wait3A_299, %dma_wait3A_305] : memref<5x128xf32, #tpu.memory_space<vmem>> -> memref<1x120xf32, #tpu.memory_space<vmem>>
    %dma_wait3A_307 = tpu.memref_squeeze %dma_wait3A_306 : memref<1x120xf32, #tpu.memory_space<vmem>> -> memref<120xf32, #tpu.memory_space<vmem>>
    tpu.wait_dma2 semaphore(%arg10 : memref<!tpu.dma_semaphore, #tpu.memory_space<semaphore_mem>>) src(%dma_wait3A_307 : memref<120xf32, #tpu.memory_space<vmem>>) dst(%dma_wait3A_304 : memref<120xf32, #tpu.memory_space<hbm>>)
    return
  }
}

#map = affine_map<(d0, d1) -> (0, 0)>
#map1 = affine_map<(d0, d1) -> (0, 0, 0)>
module attributes {stable_mosaic.version = 14 : i64} {
  func.func @agg(%arg0: i32, %arg1: i32, %arg2: memref<10112x128xf32, #tpu.memory_space<hbm>>, %arg3: memref<32x112x128xi32, #tpu.memory_space<hbm>>, %arg4: memref<32x112x128xi32, #tpu.memory_space<hbm>>, %arg5: memref<128x128xf32, #tpu.memory_space<hbm>>, %arg6: memref<2x10112x128xf32, #tpu.memory_space<hbm>>, %arg7: memref<8x128xi32, #tpu.memory_space<vmem>>, %arg8: memref<2x128x128xf32, #tpu.memory_space<vmem>>, %arg9: memref<10112x128xf32, #tpu.memory_space<vmem_shared>>, %arg10: memref<!tpu.dma_semaphore, #tpu.memory_space<semaphore_mem>>, %arg11: memref<!tpu.dma_semaphore, #tpu.memory_space<semaphore_mem>>, %arg12: memref<!tpu.dma_semaphore, #tpu.memory_space<semaphore_mem>>, %arg13: memref<!tpu.dma_semaphore, #tpu.memory_space<semaphore_mem>>, %arg14: memref<!tpu.dma_semaphore, #tpu.memory_space<semaphore_mem>>) attributes {dimension_semantics = [#tpu.dimension_semantics<core_parallel>, #tpu.dimension_semantics<subcore_parallel>], iteration_bounds = array<i64: 2, 16>, scalar_prefetch = 0 : i64, scratch_operands = 8 : i64, tpu.core_type = #tpu.core_type<sc_vector_subcore>, window_params = [{transform_indices = #map}, {transform_indices = #map1}, {transform_indices = #map1}, {transform_indices = #map}, {transform_indices = #map1}]} {
    %mul3A = arith.constant 2 : i32
    %mul3A_0 = arith.muli %arg1, %mul3A : i32
    %add3A = arith.addi %mul3A_0, %arg0 : i32
    %mul3A_1 = arith.constant 632 : i32
    %mul3A_2 = arith.muli %arg1, %mul3A_1 : i32
    %dma_start3A = arith.constant 0 : i32
    %dma_start3A_3 = arith.constant 0 : i32
    %dma_start3A_4 = arith.constant 0 : i32
    %dma_start3A_5 = tpu.memref_slice %arg8[%dma_start3A, %dma_start3A_3, %dma_start3A_4] : memref<2x128x128xf32, #tpu.memory_space<vmem>> -> memref<1x128x128xf32, #tpu.memory_space<vmem>>
    %dma_start3A_6 = tpu.memref_squeeze %dma_start3A_5 : memref<1x128x128xf32, #tpu.memory_space<vmem>> -> memref<128x128xf32, #tpu.memory_space<vmem>>
    %dma_start3A_7 = arith.constant 0 : i32
    %dma_start3A_8 = arith.constant 0 : i32
    %dma_start3A_9 = tpu.memref_slice %arg8[%dma_start3A, %dma_start3A_7, %dma_start3A_8] : memref<2x128x128xf32, #tpu.memory_space<vmem>> -> memref<1x128x128xf32, #tpu.memory_space<vmem>>
    %dma_start3A_10 = tpu.memref_squeeze %dma_start3A_9 : memref<1x128x128xf32, #tpu.memory_space<vmem>> -> memref<128x128xf32, #tpu.memory_space<vmem>>
    tpu.enqueue_dma source(%arg5 : memref<128x128xf32, #tpu.memory_space<hbm>>) target(%dma_start3A_10 : memref<128x128xf32, #tpu.memory_space<vmem>>) target_semaphore(%arg14 : memref<!tpu.dma_semaphore, #tpu.memory_space<semaphore_mem>>)
    %dma_wait3A = arith.constant 0 : i32
    %dma_wait3A_11 = arith.constant 0 : i32
    %dma_wait3A_12 = arith.constant 0 : i32
    %dma_wait3A_13 = tpu.memref_slice %arg8[%dma_wait3A, %dma_wait3A_11, %dma_wait3A_12] : memref<2x128x128xf32, #tpu.memory_space<vmem>> -> memref<1x128x128xf32, #tpu.memory_space<vmem>>
    %dma_wait3A_14 = tpu.memref_squeeze %dma_wait3A_13 : memref<1x128x128xf32, #tpu.memory_space<vmem>> -> memref<128x128xf32, #tpu.memory_space<vmem>>
    %dma_wait3A_15 = arith.constant 0 : i32
    %dma_wait3A_16 = arith.constant 0 : i32
    %dma_wait3A_17 = tpu.memref_slice %arg8[%dma_wait3A, %dma_wait3A_15, %dma_wait3A_16] : memref<2x128x128xf32, #tpu.memory_space<vmem>> -> memref<1x128x128xf32, #tpu.memory_space<vmem>>
    %dma_wait3A_18 = tpu.memref_squeeze %dma_wait3A_17 : memref<1x128x128xf32, #tpu.memory_space<vmem>> -> memref<128x128xf32, #tpu.memory_space<vmem>>
    tpu.wait_dma2 semaphore(%arg14 : memref<!tpu.dma_semaphore, #tpu.memory_space<semaphore_mem>>) src(%arg5 : memref<128x128xf32, #tpu.memory_space<hbm>>) dst(%dma_wait3A_18 : memref<128x128xf32, #tpu.memory_space<vmem>>)
    %add3A_19 = arith.constant 0 : i32
    %add3A_20 = arith.addi %mul3A_2, %add3A_19 : i32
    %run_scoped3A = arith.constant 0 : i32
    "tpu.region"() ({
      %run_scoped3A_342 = tpu.sem_alloc : memref<!tpu.dma_semaphore, #tpu.memory_space<semaphore_mem>>
      %dma_start3A_343 = arith.constant 0 : i32
      %dma_start3A_344 = arith.constant 0 : i32
      %dma_start3A_345 = tpu.memref_slice %arg8[%run_scoped3A, %dma_start3A_343, %dma_start3A_344] : memref<2x128x128xf32, #tpu.memory_space<vmem>> -> memref<1x128x128xf32, #tpu.memory_space<vmem>>
      %dma_start3A_346 = tpu.memref_squeeze %dma_start3A_345 : memref<1x128x128xf32, #tpu.memory_space<vmem>> -> memref<128x128xf32, #tpu.memory_space<vmem>>
      %dma_start3A_347 = arith.constant 0 : i32
      %dma_start3A_348 = tpu.memref_slice %arg9[%add3A_20, %dma_start3A_347] : memref<10112x128xf32, #tpu.memory_space<vmem_shared>> -> memref<128x128xf32, #tpu.memory_space<vmem_shared>>
      %dma_start3A_349 = arith.constant 0 : i32
      %dma_start3A_350 = tpu.memref_slice %arg9[%add3A_20, %dma_start3A_349] : memref<10112x128xf32, #tpu.memory_space<vmem_shared>> -> memref<128x128xf32, #tpu.memory_space<vmem_shared>>
      %dma_start3A_351 = arith.constant 0 : i32
      %dma_start3A_352 = arith.constant 0 : i32
      %dma_start3A_353 = tpu.memref_slice %arg8[%run_scoped3A, %dma_start3A_351, %dma_start3A_352] : memref<2x128x128xf32, #tpu.memory_space<vmem>> -> memref<1x128x128xf32, #tpu.memory_space<vmem>>
      %dma_start3A_354 = tpu.memref_squeeze %dma_start3A_353 : memref<1x128x128xf32, #tpu.memory_space<vmem>> -> memref<128x128xf32, #tpu.memory_space<vmem>>
      tpu.enqueue_dma source(%dma_start3A_354 : memref<128x128xf32, #tpu.memory_space<vmem>>) target(%dma_start3A_350 : memref<128x128xf32, #tpu.memory_space<vmem_shared>>) target_semaphore(%run_scoped3A_342 : memref<!tpu.dma_semaphore, #tpu.memory_space<semaphore_mem>>)
      %dma_wait3A_355 = arith.constant 0 : i32
      %dma_wait3A_356 = arith.constant 0 : i32
      %dma_wait3A_357 = tpu.memref_slice %arg8[%run_scoped3A, %dma_wait3A_355, %dma_wait3A_356] : memref<2x128x128xf32, #tpu.memory_space<vmem>> -> memref<1x128x128xf32, #tpu.memory_space<vmem>>
      %dma_wait3A_358 = tpu.memref_squeeze %dma_wait3A_357 : memref<1x128x128xf32, #tpu.memory_space<vmem>> -> memref<128x128xf32, #tpu.memory_space<vmem>>
      %dma_wait3A_359 = arith.constant 0 : i32
      %dma_wait3A_360 = tpu.memref_slice %arg9[%add3A_20, %dma_wait3A_359] : memref<10112x128xf32, #tpu.memory_space<vmem_shared>> -> memref<128x128xf32, #tpu.memory_space<vmem_shared>>
      %dma_wait3A_361 = arith.constant 0 : i32
      %dma_wait3A_362 = tpu.memref_slice %arg9[%add3A_20, %dma_wait3A_361] : memref<10112x128xf32, #tpu.memory_space<vmem_shared>> -> memref<128x128xf32, #tpu.memory_space<vmem_shared>>
      %dma_wait3A_363 = arith.constant 0 : i32
      %dma_wait3A_364 = arith.constant 0 : i32
      %dma_wait3A_365 = tpu.memref_slice %arg8[%run_scoped3A, %dma_wait3A_363, %dma_wait3A_364] : memref<2x128x128xf32, #tpu.memory_space<vmem>> -> memref<1x128x128xf32, #tpu.memory_space<vmem>>
      %dma_wait3A_366 = tpu.memref_squeeze %dma_wait3A_365 : memref<1x128x128xf32, #tpu.memory_space<vmem>> -> memref<128x128xf32, #tpu.memory_space<vmem>>
      tpu.wait_dma2 semaphore(%run_scoped3A_342 : memref<!tpu.dma_semaphore, #tpu.memory_space<semaphore_mem>>) src(%dma_wait3A_366 : memref<128x128xf32, #tpu.memory_space<vmem>>) dst(%dma_wait3A_362 : memref<128x128xf32, #tpu.memory_space<vmem_shared>>)
      tpu.yield
    }) : () -> ()
    %add3A_21 = arith.constant 128 : i32
    %add3A_22 = arith.addi %mul3A_2, %add3A_21 : i32
    %run_scoped3A_23 = arith.constant 0 : i32
    "tpu.region"() ({
      %run_scoped3A_342 = tpu.sem_alloc : memref<!tpu.dma_semaphore, #tpu.memory_space<semaphore_mem>>
      %dma_start3A_343 = arith.constant 0 : i32
      %dma_start3A_344 = arith.constant 0 : i32
      %dma_start3A_345 = tpu.memref_slice %arg8[%run_scoped3A_23, %dma_start3A_343, %dma_start3A_344] : memref<2x128x128xf32, #tpu.memory_space<vmem>> -> memref<1x128x128xf32, #tpu.memory_space<vmem>>
      %dma_start3A_346 = tpu.memref_squeeze %dma_start3A_345 : memref<1x128x128xf32, #tpu.memory_space<vmem>> -> memref<128x128xf32, #tpu.memory_space<vmem>>
      %dma_start3A_347 = arith.constant 0 : i32
      %dma_start3A_348 = tpu.memref_slice %arg9[%add3A_22, %dma_start3A_347] : memref<10112x128xf32, #tpu.memory_space<vmem_shared>> -> memref<128x128xf32, #tpu.memory_space<vmem_shared>>
      %dma_start3A_349 = arith.constant 0 : i32
      %dma_start3A_350 = tpu.memref_slice %arg9[%add3A_22, %dma_start3A_349] : memref<10112x128xf32, #tpu.memory_space<vmem_shared>> -> memref<128x128xf32, #tpu.memory_space<vmem_shared>>
      %dma_start3A_351 = arith.constant 0 : i32
      %dma_start3A_352 = arith.constant 0 : i32
      %dma_start3A_353 = tpu.memref_slice %arg8[%run_scoped3A_23, %dma_start3A_351, %dma_start3A_352] : memref<2x128x128xf32, #tpu.memory_space<vmem>> -> memref<1x128x128xf32, #tpu.memory_space<vmem>>
      %dma_start3A_354 = tpu.memref_squeeze %dma_start3A_353 : memref<1x128x128xf32, #tpu.memory_space<vmem>> -> memref<128x128xf32, #tpu.memory_space<vmem>>
      tpu.enqueue_dma source(%dma_start3A_354 : memref<128x128xf32, #tpu.memory_space<vmem>>) target(%dma_start3A_350 : memref<128x128xf32, #tpu.memory_space<vmem_shared>>) target_semaphore(%run_scoped3A_342 : memref<!tpu.dma_semaphore, #tpu.memory_space<semaphore_mem>>)
      %dma_wait3A_355 = arith.constant 0 : i32
      %dma_wait3A_356 = arith.constant 0 : i32
      %dma_wait3A_357 = tpu.memref_slice %arg8[%run_scoped3A_23, %dma_wait3A_355, %dma_wait3A_356] : memref<2x128x128xf32, #tpu.memory_space<vmem>> -> memref<1x128x128xf32, #tpu.memory_space<vmem>>
      %dma_wait3A_358 = tpu.memref_squeeze %dma_wait3A_357 : memref<1x128x128xf32, #tpu.memory_space<vmem>> -> memref<128x128xf32, #tpu.memory_space<vmem>>
      %dma_wait3A_359 = arith.constant 0 : i32
      %dma_wait3A_360 = tpu.memref_slice %arg9[%add3A_22, %dma_wait3A_359] : memref<10112x128xf32, #tpu.memory_space<vmem_shared>> -> memref<128x128xf32, #tpu.memory_space<vmem_shared>>
      %dma_wait3A_361 = arith.constant 0 : i32
      %dma_wait3A_362 = tpu.memref_slice %arg9[%add3A_22, %dma_wait3A_361] : memref<10112x128xf32, #tpu.memory_space<vmem_shared>> -> memref<128x128xf32, #tpu.memory_space<vmem_shared>>
      %dma_wait3A_363 = arith.constant 0 : i32
      %dma_wait3A_364 = arith.constant 0 : i32
      %dma_wait3A_365 = tpu.memref_slice %arg8[%run_scoped3A_23, %dma_wait3A_363, %dma_wait3A_364] : memref<2x128x128xf32, #tpu.memory_space<vmem>> -> memref<1x128x128xf32, #tpu.memory_space<vmem>>
      %dma_wait3A_366 = tpu.memref_squeeze %dma_wait3A_365 : memref<1x128x128xf32, #tpu.memory_space<vmem>> -> memref<128x128xf32, #tpu.memory_space<vmem>>
      tpu.wait_dma2 semaphore(%run_scoped3A_342 : memref<!tpu.dma_semaphore, #tpu.memory_space<semaphore_mem>>) src(%dma_wait3A_366 : memref<128x128xf32, #tpu.memory_space<vmem>>) dst(%dma_wait3A_362 : memref<128x128xf32, #tpu.memory_space<vmem_shared>>)
      tpu.yield
    }) : () -> ()
    %add3A_24 = arith.constant 256 : i32
    %add3A_25 = arith.addi %mul3A_2, %add3A_24 : i32
    %run_scoped3A_26 = arith.constant 0 : i32
    "tpu.region"() ({
      %run_scoped3A_342 = tpu.sem_alloc : memref<!tpu.dma_semaphore, #tpu.memory_space<semaphore_mem>>
      %dma_start3A_343 = arith.constant 0 : i32
      %dma_start3A_344 = arith.constant 0 : i32
      %dma_start3A_345 = tpu.memref_slice %arg8[%run_scoped3A_26, %dma_start3A_343, %dma_start3A_344] : memref<2x128x128xf32, #tpu.memory_space<vmem>> -> memref<1x128x128xf32, #tpu.memory_space<vmem>>
      %dma_start3A_346 = tpu.memref_squeeze %dma_start3A_345 : memref<1x128x128xf32, #tpu.memory_space<vmem>> -> memref<128x128xf32, #tpu.memory_space<vmem>>
      %dma_start3A_347 = arith.constant 0 : i32
      %dma_start3A_348 = tpu.memref_slice %arg9[%add3A_25, %dma_start3A_347] : memref<10112x128xf32, #tpu.memory_space<vmem_shared>> -> memref<128x128xf32, #tpu.memory_space<vmem_shared>>
      %dma_start3A_349 = arith.constant 0 : i32
      %dma_start3A_350 = tpu.memref_slice %arg9[%add3A_25, %dma_start3A_349] : memref<10112x128xf32, #tpu.memory_space<vmem_shared>> -> memref<128x128xf32, #tpu.memory_space<vmem_shared>>
      %dma_start3A_351 = arith.constant 0 : i32
      %dma_start3A_352 = arith.constant 0 : i32
      %dma_start3A_353 = tpu.memref_slice %arg8[%run_scoped3A_26, %dma_start3A_351, %dma_start3A_352] : memref<2x128x128xf32, #tpu.memory_space<vmem>> -> memref<1x128x128xf32, #tpu.memory_space<vmem>>
      %dma_start3A_354 = tpu.memref_squeeze %dma_start3A_353 : memref<1x128x128xf32, #tpu.memory_space<vmem>> -> memref<128x128xf32, #tpu.memory_space<vmem>>
      tpu.enqueue_dma source(%dma_start3A_354 : memref<128x128xf32, #tpu.memory_space<vmem>>) target(%dma_start3A_350 : memref<128x128xf32, #tpu.memory_space<vmem_shared>>) target_semaphore(%run_scoped3A_342 : memref<!tpu.dma_semaphore, #tpu.memory_space<semaphore_mem>>)
      %dma_wait3A_355 = arith.constant 0 : i32
      %dma_wait3A_356 = arith.constant 0 : i32
      %dma_wait3A_357 = tpu.memref_slice %arg8[%run_scoped3A_26, %dma_wait3A_355, %dma_wait3A_356] : memref<2x128x128xf32, #tpu.memory_space<vmem>> -> memref<1x128x128xf32, #tpu.memory_space<vmem>>
      %dma_wait3A_358 = tpu.memref_squeeze %dma_wait3A_357 : memref<1x128x128xf32, #tpu.memory_space<vmem>> -> memref<128x128xf32, #tpu.memory_space<vmem>>
      %dma_wait3A_359 = arith.constant 0 : i32
      %dma_wait3A_360 = tpu.memref_slice %arg9[%add3A_25, %dma_wait3A_359] : memref<10112x128xf32, #tpu.memory_space<vmem_shared>> -> memref<128x128xf32, #tpu.memory_space<vmem_shared>>
      %dma_wait3A_361 = arith.constant 0 : i32
      %dma_wait3A_362 = tpu.memref_slice %arg9[%add3A_25, %dma_wait3A_361] : memref<10112x128xf32, #tpu.memory_space<vmem_shared>> -> memref<128x128xf32, #tpu.memory_space<vmem_shared>>
      %dma_wait3A_363 = arith.constant 0 : i32
      %dma_wait3A_364 = arith.constant 0 : i32
      %dma_wait3A_365 = tpu.memref_slice %arg8[%run_scoped3A_26, %dma_wait3A_363, %dma_wait3A_364] : memref<2x128x128xf32, #tpu.memory_space<vmem>> -> memref<1x128x128xf32, #tpu.memory_space<vmem>>
      %dma_wait3A_366 = tpu.memref_squeeze %dma_wait3A_365 : memref<1x128x128xf32, #tpu.memory_space<vmem>> -> memref<128x128xf32, #tpu.memory_space<vmem>>
      tpu.wait_dma2 semaphore(%run_scoped3A_342 : memref<!tpu.dma_semaphore, #tpu.memory_space<semaphore_mem>>) src(%dma_wait3A_366 : memref<128x128xf32, #tpu.memory_space<vmem>>) dst(%dma_wait3A_362 : memref<128x128xf32, #tpu.memory_space<vmem_shared>>)
      tpu.yield
    }) : () -> ()
    %add3A_27 = arith.constant 384 : i32
    %add3A_28 = arith.addi %mul3A_2, %add3A_27 : i32
    %run_scoped3A_29 = arith.constant 0 : i32
    "tpu.region"() ({
      %run_scoped3A_342 = tpu.sem_alloc : memref<!tpu.dma_semaphore, #tpu.memory_space<semaphore_mem>>
      %dma_start3A_343 = arith.constant 0 : i32
      %dma_start3A_344 = arith.constant 0 : i32
      %dma_start3A_345 = tpu.memref_slice %arg8[%run_scoped3A_29, %dma_start3A_343, %dma_start3A_344] : memref<2x128x128xf32, #tpu.memory_space<vmem>> -> memref<1x128x128xf32, #tpu.memory_space<vmem>>
      %dma_start3A_346 = tpu.memref_squeeze %dma_start3A_345 : memref<1x128x128xf32, #tpu.memory_space<vmem>> -> memref<128x128xf32, #tpu.memory_space<vmem>>
      %dma_start3A_347 = arith.constant 0 : i32
      %dma_start3A_348 = tpu.memref_slice %arg9[%add3A_28, %dma_start3A_347] : memref<10112x128xf32, #tpu.memory_space<vmem_shared>> -> memref<128x128xf32, #tpu.memory_space<vmem_shared>>
      %dma_start3A_349 = arith.constant 0 : i32
      %dma_start3A_350 = tpu.memref_slice %arg9[%add3A_28, %dma_start3A_349] : memref<10112x128xf32, #tpu.memory_space<vmem_shared>> -> memref<128x128xf32, #tpu.memory_space<vmem_shared>>
      %dma_start3A_351 = arith.constant 0 : i32
      %dma_start3A_352 = arith.constant 0 : i32
      %dma_start3A_353 = tpu.memref_slice %arg8[%run_scoped3A_29, %dma_start3A_351, %dma_start3A_352] : memref<2x128x128xf32, #tpu.memory_space<vmem>> -> memref<1x128x128xf32, #tpu.memory_space<vmem>>
      %dma_start3A_354 = tpu.memref_squeeze %dma_start3A_353 : memref<1x128x128xf32, #tpu.memory_space<vmem>> -> memref<128x128xf32, #tpu.memory_space<vmem>>
      tpu.enqueue_dma source(%dma_start3A_354 : memref<128x128xf32, #tpu.memory_space<vmem>>) target(%dma_start3A_350 : memref<128x128xf32, #tpu.memory_space<vmem_shared>>) target_semaphore(%run_scoped3A_342 : memref<!tpu.dma_semaphore, #tpu.memory_space<semaphore_mem>>)
      %dma_wait3A_355 = arith.constant 0 : i32
      %dma_wait3A_356 = arith.constant 0 : i32
      %dma_wait3A_357 = tpu.memref_slice %arg8[%run_scoped3A_29, %dma_wait3A_355, %dma_wait3A_356] : memref<2x128x128xf32, #tpu.memory_space<vmem>> -> memref<1x128x128xf32, #tpu.memory_space<vmem>>
      %dma_wait3A_358 = tpu.memref_squeeze %dma_wait3A_357 : memref<1x128x128xf32, #tpu.memory_space<vmem>> -> memref<128x128xf32, #tpu.memory_space<vmem>>
      %dma_wait3A_359 = arith.constant 0 : i32
      %dma_wait3A_360 = tpu.memref_slice %arg9[%add3A_28, %dma_wait3A_359] : memref<10112x128xf32, #tpu.memory_space<vmem_shared>> -> memref<128x128xf32, #tpu.memory_space<vmem_shared>>
      %dma_wait3A_361 = arith.constant 0 : i32
      %dma_wait3A_362 = tpu.memref_slice %arg9[%add3A_28, %dma_wait3A_361] : memref<10112x128xf32, #tpu.memory_space<vmem_shared>> -> memref<128x128xf32, #tpu.memory_space<vmem_shared>>
      %dma_wait3A_363 = arith.constant 0 : i32
      %dma_wait3A_364 = arith.constant 0 : i32
      %dma_wait3A_365 = tpu.memref_slice %arg8[%run_scoped3A_29, %dma_wait3A_363, %dma_wait3A_364] : memref<2x128x128xf32, #tpu.memory_space<vmem>> -> memref<1x128x128xf32, #tpu.memory_space<vmem>>
      %dma_wait3A_366 = tpu.memref_squeeze %dma_wait3A_365 : memref<1x128x128xf32, #tpu.memory_space<vmem>> -> memref<128x128xf32, #tpu.memory_space<vmem>>
      tpu.wait_dma2 semaphore(%run_scoped3A_342 : memref<!tpu.dma_semaphore, #tpu.memory_space<semaphore_mem>>) src(%dma_wait3A_366 : memref<128x128xf32, #tpu.memory_space<vmem>>) dst(%dma_wait3A_362 : memref<128x128xf32, #tpu.memory_space<vmem_shared>>)
      tpu.yield
    }) : () -> ()
    %add3A_30 = arith.constant 512 : i32
    %add3A_31 = arith.addi %mul3A_2, %add3A_30 : i32
    %run_scoped3A_32 = arith.constant 0 : i32
    "tpu.region"() ({
      %run_scoped3A_342 = tpu.sem_alloc : memref<!tpu.dma_semaphore, #tpu.memory_space<semaphore_mem>>
      %dma_start3A_343 = arith.constant 0 : i32
      %dma_start3A_344 = arith.constant 0 : i32
      %dma_start3A_345 = tpu.memref_slice %arg8[%run_scoped3A_32, %dma_start3A_343, %dma_start3A_344] : memref<2x128x128xf32, #tpu.memory_space<vmem>> -> memref<1x120x128xf32, #tpu.memory_space<vmem>>
      %dma_start3A_346 = tpu.memref_squeeze %dma_start3A_345 : memref<1x120x128xf32, #tpu.memory_space<vmem>> -> memref<120x128xf32, #tpu.memory_space<vmem>>
      %dma_start3A_347 = arith.constant 0 : i32
      %dma_start3A_348 = tpu.memref_slice %arg9[%add3A_31, %dma_start3A_347] : memref<10112x128xf32, #tpu.memory_space<vmem_shared>> -> memref<120x128xf32, #tpu.memory_space<vmem_shared>>
      %dma_start3A_349 = arith.constant 0 : i32
      %dma_start3A_350 = tpu.memref_slice %arg9[%add3A_31, %dma_start3A_349] : memref<10112x128xf32, #tpu.memory_space<vmem_shared>> -> memref<120x128xf32, #tpu.memory_space<vmem_shared>>
      %dma_start3A_351 = arith.constant 0 : i32
      %dma_start3A_352 = arith.constant 0 : i32
      %dma_start3A_353 = tpu.memref_slice %arg8[%run_scoped3A_32, %dma_start3A_351, %dma_start3A_352] : memref<2x128x128xf32, #tpu.memory_space<vmem>> -> memref<1x120x128xf32, #tpu.memory_space<vmem>>
      %dma_start3A_354 = tpu.memref_squeeze %dma_start3A_353 : memref<1x120x128xf32, #tpu.memory_space<vmem>> -> memref<120x128xf32, #tpu.memory_space<vmem>>
      tpu.enqueue_dma source(%dma_start3A_354 : memref<120x128xf32, #tpu.memory_space<vmem>>) target(%dma_start3A_350 : memref<120x128xf32, #tpu.memory_space<vmem_shared>>) target_semaphore(%run_scoped3A_342 : memref<!tpu.dma_semaphore, #tpu.memory_space<semaphore_mem>>)
      %dma_wait3A_355 = arith.constant 0 : i32
      %dma_wait3A_356 = arith.constant 0 : i32
      %dma_wait3A_357 = tpu.memref_slice %arg8[%run_scoped3A_32, %dma_wait3A_355, %dma_wait3A_356] : memref<2x128x128xf32, #tpu.memory_space<vmem>> -> memref<1x120x128xf32, #tpu.memory_space<vmem>>
      %dma_wait3A_358 = tpu.memref_squeeze %dma_wait3A_357 : memref<1x120x128xf32, #tpu.memory_space<vmem>> -> memref<120x128xf32, #tpu.memory_space<vmem>>
      %dma_wait3A_359 = arith.constant 0 : i32
      %dma_wait3A_360 = tpu.memref_slice %arg9[%add3A_31, %dma_wait3A_359] : memref<10112x128xf32, #tpu.memory_space<vmem_shared>> -> memref<120x128xf32, #tpu.memory_space<vmem_shared>>
      %dma_wait3A_361 = arith.constant 0 : i32
      %dma_wait3A_362 = tpu.memref_slice %arg9[%add3A_31, %dma_wait3A_361] : memref<10112x128xf32, #tpu.memory_space<vmem_shared>> -> memref<120x128xf32, #tpu.memory_space<vmem_shared>>
      %dma_wait3A_363 = arith.constant 0 : i32
      %dma_wait3A_364 = arith.constant 0 : i32
      %dma_wait3A_365 = tpu.memref_slice %arg8[%run_scoped3A_32, %dma_wait3A_363, %dma_wait3A_364] : memref<2x128x128xf32, #tpu.memory_space<vmem>> -> memref<1x120x128xf32, #tpu.memory_space<vmem>>
      %dma_wait3A_366 = tpu.memref_squeeze %dma_wait3A_365 : memref<1x120x128xf32, #tpu.memory_space<vmem>> -> memref<120x128xf32, #tpu.memory_space<vmem>>
      tpu.wait_dma2 semaphore(%run_scoped3A_342 : memref<!tpu.dma_semaphore, #tpu.memory_space<semaphore_mem>>) src(%dma_wait3A_366 : memref<120x128xf32, #tpu.memory_space<vmem>>) dst(%dma_wait3A_362 : memref<120x128xf32, #tpu.memory_space<vmem_shared>>)
      tpu.yield
    }) : () -> ()
    %barrier3A = arith.constant 0 : index
    tpu.barrier barrier_id(%barrier3A)
    %eq3A = arith.constant 0 : i32
    %eq3A_33 = arith.cmpi eq, %arg0, %eq3A : i32
    %jit3A = arith.constant 112 : i32
    %jit3A_34 = arith.constant 48 : i32
    %select_n3A = arith.select %eq3A_33, %jit3A, %jit3A_34 : i32
    %sub3A = arith.constant 0 : i32
    %sub3A_35 = arith.subi %select_n3A, %sub3A : i32
    %sub3A_36 = arith.constant 4 : i32
    %sub3A_37 = arith.constant 1 : i32
    %sub3A_38 = arith.subi %sub3A_36, %sub3A_37 : i32
    %add3A_39 = arith.addi %sub3A_35, %sub3A_38 : i32
    %div3A = arith.constant 4 : i32
    %div3A_40 = arith.divsi %add3A_39, %div3A : i32
    %while3A = arith.constant 4 : i32
    %while3A_41 = arith.constant 0 : i32
    %while3A_42 = arith.constant 0 : i32
    %while3A_43 = arith.subi %div3A_40, %while3A_42 : i32
    %while3A_44 = arith.addi %while3A_42, %while3A_43 : i32
    %while3A_45 = arith.constant 1 : i32
    %while3A_46 = arith.divsi %while3A_43, %while3A_45 : i32
    %while3A_47 = arith.muli %while3A_46, %while3A_45 : i32
    %while3A_48 = arith.addi %while3A_42, %while3A_47 : i32
    %while3A_49 = arith.constant 1 : i32
    scf.for %while3A_342 = %while3A_42 to %while3A_48 step %while3A_49  : i32 {
      %mul3A_343 = arith.muli %while3A_342, %while3A : i32
      %add3A_344 = arith.addi %while3A_41, %mul3A_343 : i32
      %dma_start3A_345 = arith.constant 0 : i32
      %dma_start3A_346 = arith.constant 0 : i32
      %dma_start3A_347 = tpu.memref_slice %arg7[%dma_start3A_345, %dma_start3A_346] : memref<8x128xi32, #tpu.memory_space<vmem>> -> memref<2x128xi32, #tpu.memory_space<vmem>>
      %dma_start3A_348 = arith.constant 0 : i32
      %dma_start3A_349 = tpu.memref_slice %arg3[%add3A, %add3A_344, %dma_start3A_348] : memref<32x112x128xi32, #tpu.memory_space<hbm>> -> memref<1x2x128xi32, #tpu.memory_space<hbm>>
      %dma_start3A_350 = tpu.memref_squeeze %dma_start3A_349 : memref<1x2x128xi32, #tpu.memory_space<hbm>> -> memref<2x128xi32, #tpu.memory_space<hbm>>
      %dma_start3A_351 = arith.constant 0 : i32
      %dma_start3A_352 = arith.constant 0 : i32
      %dma_start3A_353 = tpu.memref_slice %arg7[%dma_start3A_351, %dma_start3A_352] : memref<8x128xi32, #tpu.memory_space<vmem>> -> memref<2x128xi32, #tpu.memory_space<vmem>>
      %dma_start3A_354 = arith.constant 0 : i32
      %dma_start3A_355 = tpu.memref_slice %arg3[%add3A, %add3A_344, %dma_start3A_354] : memref<32x112x128xi32, #tpu.memory_space<hbm>> -> memref<1x2x128xi32, #tpu.memory_space<hbm>>
      %dma_start3A_356 = tpu.memref_squeeze %dma_start3A_355 : memref<1x2x128xi32, #tpu.memory_space<hbm>> -> memref<2x128xi32, #tpu.memory_space<hbm>>
      tpu.enqueue_dma source(%dma_start3A_356 : memref<2x128xi32, #tpu.memory_space<hbm>>) target(%dma_start3A_353 : memref<2x128xi32, #tpu.memory_space<vmem>>) target_semaphore(%arg12 : memref<!tpu.dma_semaphore, #tpu.memory_space<semaphore_mem>>)
      %dma_start3A_357 = arith.constant 2 : i32
      %dma_start3A_358 = arith.constant 0 : i32
      %dma_start3A_359 = tpu.memref_slice %arg7[%dma_start3A_357, %dma_start3A_358] : memref<8x128xi32, #tpu.memory_space<vmem>> -> memref<2x128xi32, #tpu.memory_space<vmem>>
      %dma_start3A_360 = arith.constant 0 : i32
      %dma_start3A_361 = tpu.memref_slice %arg4[%add3A, %add3A_344, %dma_start3A_360] : memref<32x112x128xi32, #tpu.memory_space<hbm>> -> memref<1x2x128xi32, #tpu.memory_space<hbm>>
      %dma_start3A_362 = tpu.memref_squeeze %dma_start3A_361 : memref<1x2x128xi32, #tpu.memory_space<hbm>> -> memref<2x128xi32, #tpu.memory_space<hbm>>
      %dma_start3A_363 = arith.constant 2 : i32
      %dma_start3A_364 = arith.constant 0 : i32
      %dma_start3A_365 = tpu.memref_slice %arg7[%dma_start3A_363, %dma_start3A_364] : memref<8x128xi32, #tpu.memory_space<vmem>> -> memref<2x128xi32, #tpu.memory_space<vmem>>
      %dma_start3A_366 = arith.constant 0 : i32
      %dma_start3A_367 = tpu.memref_slice %arg4[%add3A, %add3A_344, %dma_start3A_366] : memref<32x112x128xi32, #tpu.memory_space<hbm>> -> memref<1x2x128xi32, #tpu.memory_space<hbm>>
      %dma_start3A_368 = tpu.memref_squeeze %dma_start3A_367 : memref<1x2x128xi32, #tpu.memory_space<hbm>> -> memref<2x128xi32, #tpu.memory_space<hbm>>
      tpu.enqueue_dma source(%dma_start3A_368 : memref<2x128xi32, #tpu.memory_space<hbm>>) target(%dma_start3A_365 : memref<2x128xi32, #tpu.memory_space<vmem>>) target_semaphore(%arg12 : memref<!tpu.dma_semaphore, #tpu.memory_space<semaphore_mem>>)
      %add3A_369 = arith.constant 2 : i32
      %add3A_370 = arith.addi %add3A_344, %add3A_369 : i32
      %dma_start3A_371 = arith.constant 4 : i32
      %dma_start3A_372 = arith.constant 0 : i32
      %dma_start3A_373 = tpu.memref_slice %arg7[%dma_start3A_371, %dma_start3A_372] : memref<8x128xi32, #tpu.memory_space<vmem>> -> memref<2x128xi32, #tpu.memory_space<vmem>>
      %dma_start3A_374 = arith.constant 0 : i32
      %dma_start3A_375 = tpu.memref_slice %arg3[%add3A, %add3A_370, %dma_start3A_374] : memref<32x112x128xi32, #tpu.memory_space<hbm>> -> memref<1x2x128xi32, #tpu.memory_space<hbm>>
      %dma_start3A_376 = tpu.memref_squeeze %dma_start3A_375 : memref<1x2x128xi32, #tpu.memory_space<hbm>> -> memref<2x128xi32, #tpu.memory_space<hbm>>
      %dma_start3A_377 = arith.constant 4 : i32
      %dma_start3A_378 = arith.constant 0 : i32
      %dma_start3A_379 = tpu.memref_slice %arg7[%dma_start3A_377, %dma_start3A_378] : memref<8x128xi32, #tpu.memory_space<vmem>> -> memref<2x128xi32, #tpu.memory_space<vmem>>
      %dma_start3A_380 = arith.constant 0 : i32
      %dma_start3A_381 = tpu.memref_slice %arg3[%add3A, %add3A_370, %dma_start3A_380] : memref<32x112x128xi32, #tpu.memory_space<hbm>> -> memref<1x2x128xi32, #tpu.memory_space<hbm>>
      %dma_start3A_382 = tpu.memref_squeeze %dma_start3A_381 : memref<1x2x128xi32, #tpu.memory_space<hbm>> -> memref<2x128xi32, #tpu.memory_space<hbm>>
      tpu.enqueue_dma source(%dma_start3A_382 : memref<2x128xi32, #tpu.memory_space<hbm>>) target(%dma_start3A_379 : memref<2x128xi32, #tpu.memory_space<vmem>>) target_semaphore(%arg13 : memref<!tpu.dma_semaphore, #tpu.memory_space<semaphore_mem>>)
      %add3A_383 = arith.constant 2 : i32
      %add3A_384 = arith.addi %add3A_344, %add3A_383 : i32
      %dma_start3A_385 = arith.constant 6 : i32
      %dma_start3A_386 = arith.constant 0 : i32
      %dma_start3A_387 = tpu.memref_slice %arg7[%dma_start3A_385, %dma_start3A_386] : memref<8x128xi32, #tpu.memory_space<vmem>> -> memref<2x128xi32, #tpu.memory_space<vmem>>
      %dma_start3A_388 = arith.constant 0 : i32
      %dma_start3A_389 = tpu.memref_slice %arg4[%add3A, %add3A_384, %dma_start3A_388] : memref<32x112x128xi32, #tpu.memory_space<hbm>> -> memref<1x2x128xi32, #tpu.memory_space<hbm>>
      %dma_start3A_390 = tpu.memref_squeeze %dma_start3A_389 : memref<1x2x128xi32, #tpu.memory_space<hbm>> -> memref<2x128xi32, #tpu.memory_space<hbm>>
      %dma_start3A_391 = arith.constant 6 : i32
      %dma_start3A_392 = arith.constant 0 : i32
      %dma_start3A_393 = tpu.memref_slice %arg7[%dma_start3A_391, %dma_start3A_392] : memref<8x128xi32, #tpu.memory_space<vmem>> -> memref<2x128xi32, #tpu.memory_space<vmem>>
      %dma_start3A_394 = arith.constant 0 : i32
      %dma_start3A_395 = tpu.memref_slice %arg4[%add3A, %add3A_384, %dma_start3A_394] : memref<32x112x128xi32, #tpu.memory_space<hbm>> -> memref<1x2x128xi32, #tpu.memory_space<hbm>>
      %dma_start3A_396 = tpu.memref_squeeze %dma_start3A_395 : memref<1x2x128xi32, #tpu.memory_space<hbm>> -> memref<2x128xi32, #tpu.memory_space<hbm>>
      tpu.enqueue_dma source(%dma_start3A_396 : memref<2x128xi32, #tpu.memory_space<hbm>>) target(%dma_start3A_393 : memref<2x128xi32, #tpu.memory_space<vmem>>) target_semaphore(%arg13 : memref<!tpu.dma_semaphore, #tpu.memory_space<semaphore_mem>>)
      %dma_wait3A_397 = arith.constant 0 : i32
      %dma_wait3A_398 = arith.constant 0 : i32
      %dma_wait3A_399 = tpu.memref_slice %arg7[%dma_wait3A_397, %dma_wait3A_398] : memref<8x128xi32, #tpu.memory_space<vmem>> -> memref<2x128xi32, #tpu.memory_space<vmem>>
      %dma_wait3A_400 = arith.constant 0 : i32
      %dma_wait3A_401 = tpu.memref_slice %arg3[%add3A, %add3A_344, %dma_wait3A_400] : memref<32x112x128xi32, #tpu.memory_space<hbm>> -> memref<1x2x128xi32, #tpu.memory_space<hbm>>
      %dma_wait3A_402 = tpu.memref_squeeze %dma_wait3A_401 : memref<1x2x128xi32, #tpu.memory_space<hbm>> -> memref<2x128xi32, #tpu.memory_space<hbm>>
      %dma_wait3A_403 = arith.constant 0 : i32
      %dma_wait3A_404 = arith.constant 0 : i32
      %dma_wait3A_405 = tpu.memref_slice %arg7[%dma_wait3A_403, %dma_wait3A_404] : memref<8x128xi32, #tpu.memory_space<vmem>> -> memref<2x128xi32, #tpu.memory_space<vmem>>
      %dma_wait3A_406 = arith.constant 0 : i32
      %dma_wait3A_407 = tpu.memref_slice %arg3[%add3A, %add3A_344, %dma_wait3A_406] : memref<32x112x128xi32, #tpu.memory_space<hbm>> -> memref<1x2x128xi32, #tpu.memory_space<hbm>>
      %dma_wait3A_408 = tpu.memref_squeeze %dma_wait3A_407 : memref<1x2x128xi32, #tpu.memory_space<hbm>> -> memref<2x128xi32, #tpu.memory_space<hbm>>
      tpu.wait_dma2 semaphore(%arg12 : memref<!tpu.dma_semaphore, #tpu.memory_space<semaphore_mem>>) src(%dma_wait3A_408 : memref<2x128xi32, #tpu.memory_space<hbm>>) dst(%dma_wait3A_405 : memref<2x128xi32, #tpu.memory_space<vmem>>)
      %dma_wait3A_409 = arith.constant 2 : i32
      %dma_wait3A_410 = arith.constant 0 : i32
      %dma_wait3A_411 = tpu.memref_slice %arg7[%dma_wait3A_409, %dma_wait3A_410] : memref<8x128xi32, #tpu.memory_space<vmem>> -> memref<2x128xi32, #tpu.memory_space<vmem>>
      %dma_wait3A_412 = arith.constant 0 : i32
      %dma_wait3A_413 = tpu.memref_slice %arg4[%add3A, %add3A_344, %dma_wait3A_412] : memref<32x112x128xi32, #tpu.memory_space<hbm>> -> memref<1x2x128xi32, #tpu.memory_space<hbm>>
      %dma_wait3A_414 = tpu.memref_squeeze %dma_wait3A_413 : memref<1x2x128xi32, #tpu.memory_space<hbm>> -> memref<2x128xi32, #tpu.memory_space<hbm>>
      %dma_wait3A_415 = arith.constant 2 : i32
      %dma_wait3A_416 = arith.constant 0 : i32
      %dma_wait3A_417 = tpu.memref_slice %arg7[%dma_wait3A_415, %dma_wait3A_416] : memref<8x128xi32, #tpu.memory_space<vmem>> -> memref<2x128xi32, #tpu.memory_space<vmem>>
      %dma_wait3A_418 = arith.constant 0 : i32
      %dma_wait3A_419 = tpu.memref_slice %arg4[%add3A, %add3A_344, %dma_wait3A_418] : memref<32x112x128xi32, #tpu.memory_space<hbm>> -> memref<1x2x128xi32, #tpu.memory_space<hbm>>
      %dma_wait3A_420 = tpu.memref_squeeze %dma_wait3A_419 : memref<1x2x128xi32, #tpu.memory_space<hbm>> -> memref<2x128xi32, #tpu.memory_space<hbm>>
      tpu.wait_dma2 semaphore(%arg12 : memref<!tpu.dma_semaphore, #tpu.memory_space<semaphore_mem>>) src(%dma_wait3A_420 : memref<2x128xi32, #tpu.memory_space<hbm>>) dst(%dma_wait3A_417 : memref<2x128xi32, #tpu.memory_space<vmem>>)
      %dma_start3A_421 = arith.constant 0 : i32
      %dma_start3A_422 = arith.constant 0 : i32
      %dma_start3A_423 = arith.constant 0 : i32
      %dma_start3A_424 = arith.constant 0 : i32
      %dma_start3A_425 = tpu.memref_slice %arg8[%dma_start3A_422, %dma_start3A_423, %dma_start3A_424] : memref<2x128x128xf32, #tpu.memory_space<vmem>> -> memref<1x128x128xf32, #tpu.memory_space<vmem>>
      %dma_start3A_426 = tpu.memref_squeeze %dma_start3A_425 : memref<1x128x128xf32, #tpu.memory_space<vmem>> -> memref<128x128xf32, #tpu.memory_space<vmem>>
      %dma_start3A_427 = arith.constant 0 : i32
      %dma_start3A_428 = tpu.memref_slice %arg7[%dma_start3A_421, %dma_start3A_427] : memref<8x128xi32, #tpu.memory_space<vmem>> -> memref<1x128xi32, #tpu.memory_space<vmem>>
      %dma_start3A_429 = tpu.memref_squeeze %dma_start3A_428 : memref<1x128xi32, #tpu.memory_space<vmem>> -> memref<128xi32, #tpu.memory_space<vmem>>
      %dma_start3A_430 = arith.constant 0 : i32
      %dma_start3A_431 = arith.constant 0 : i32
      %dma_start3A_432 = tpu.memref_slice %arg2[%dma_start3A_430, %dma_start3A_431] : memref<10112x128xf32, #tpu.memory_space<hbm>> -> memref<10112x128xf32, #tpu.memory_space<hbm>>
      tpu.enqueue_indirect_dma source(%dma_start3A_432 : memref<10112x128xf32, #tpu.memory_space<hbm>>) target(%dma_start3A_426 : memref<128x128xf32, #tpu.memory_space<vmem>>) offsets(%dma_start3A_429 : memref<128xi32, #tpu.memory_space<vmem>>) semaphore(%arg10 : memref<!tpu.dma_semaphore, #tpu.memory_space<semaphore_mem>>)
      %dma_wait3A_433 = arith.constant 0 : i32
      %dma_wait3A_434 = arith.constant 0 : i32
      %dma_wait3A_435 = arith.constant 0 : i32
      %dma_wait3A_436 = arith.constant 0 : i32
      %dma_wait3A_437 = tpu.memref_slice %arg8[%dma_wait3A_434, %dma_wait3A_435, %dma_wait3A_436] : memref<2x128x128xf32, #tpu.memory_space<vmem>> -> memref<1x128x128xf32, #tpu.memory_space<vmem>>
      %dma_wait3A_438 = tpu.memref_squeeze %dma_wait3A_437 : memref<1x128x128xf32, #tpu.memory_space<vmem>> -> memref<128x128xf32, #tpu.memory_space<vmem>>
      %dma_wait3A_439 = arith.constant 0 : i32
      %dma_wait3A_440 = tpu.memref_slice %arg7[%dma_wait3A_433, %dma_wait3A_439] : memref<8x128xi32, #tpu.memory_space<vmem>> -> memref<1x128xi32, #tpu.memory_space<vmem>>
      %dma_wait3A_441 = tpu.memref_squeeze %dma_wait3A_440 : memref<1x128xi32, #tpu.memory_space<vmem>> -> memref<128xi32, #tpu.memory_space<vmem>>
      %dma_wait3A_442 = arith.constant 0 : i32
      %dma_wait3A_443 = arith.constant 0 : i32
      %dma_wait3A_444 = tpu.memref_slice %arg2[%dma_wait3A_442, %dma_wait3A_443] : memref<10112x128xf32, #tpu.memory_space<hbm>> -> memref<10112x128xf32, #tpu.memory_space<hbm>>
      tpu.wait_indirect_dma semaphore(%arg10 : memref<!tpu.dma_semaphore, #tpu.memory_space<semaphore_mem>>) src(%dma_wait3A_444 : memref<10112x128xf32, #tpu.memory_space<hbm>>) dst(%dma_wait3A_438 : memref<128x128xf32, #tpu.memory_space<vmem>>)
      %dma_start3A_445 = arith.constant 1 : i32
      %dma_start3A_446 = arith.constant 1 : i32
      %dma_start3A_447 = arith.constant 0 : i32
      %dma_start3A_448 = arith.constant 0 : i32
      %dma_start3A_449 = tpu.memref_slice %arg8[%dma_start3A_446, %dma_start3A_447, %dma_start3A_448] : memref<2x128x128xf32, #tpu.memory_space<vmem>> -> memref<1x128x128xf32, #tpu.memory_space<vmem>>
      %dma_start3A_450 = tpu.memref_squeeze %dma_start3A_449 : memref<1x128x128xf32, #tpu.memory_space<vmem>> -> memref<128x128xf32, #tpu.memory_space<vmem>>
      %dma_start3A_451 = arith.constant 0 : i32
      %dma_start3A_452 = tpu.memref_slice %arg7[%dma_start3A_445, %dma_start3A_451] : memref<8x128xi32, #tpu.memory_space<vmem>> -> memref<1x128xi32, #tpu.memory_space<vmem>>
      %dma_start3A_453 = tpu.memref_squeeze %dma_start3A_452 : memref<1x128xi32, #tpu.memory_space<vmem>> -> memref<128xi32, #tpu.memory_space<vmem>>
      %dma_start3A_454 = arith.constant 0 : i32
      %dma_start3A_455 = arith.constant 0 : i32
      %dma_start3A_456 = tpu.memref_slice %arg2[%dma_start3A_454, %dma_start3A_455] : memref<10112x128xf32, #tpu.memory_space<hbm>> -> memref<10112x128xf32, #tpu.memory_space<hbm>>
      tpu.enqueue_indirect_dma source(%dma_start3A_456 : memref<10112x128xf32, #tpu.memory_space<hbm>>) target(%dma_start3A_450 : memref<128x128xf32, #tpu.memory_space<vmem>>) offsets(%dma_start3A_453 : memref<128xi32, #tpu.memory_space<vmem>>) semaphore(%arg11 : memref<!tpu.dma_semaphore, #tpu.memory_space<semaphore_mem>>)
      %run_scoped3A_457 = arith.constant 0 : i32
      %run_scoped3A_458 = arith.constant 2 : i32
      "tpu.region"() ({
        %run_scoped3A_549 = tpu.sem_alloc : memref<!tpu.dma_semaphore, #tpu.memory_space<semaphore_mem>>
        %dma_start3A_550 = arith.constant 0 : i32
        %dma_start3A_551 = arith.constant 0 : i32
        %dma_start3A_552 = tpu.memref_slice %arg8[%run_scoped3A_457, %dma_start3A_550, %dma_start3A_551] : memref<2x128x128xf32, #tpu.memory_space<vmem>> -> memref<1x128x128xf32, #tpu.memory_space<vmem>>
        %dma_start3A_553 = tpu.memref_squeeze %dma_start3A_552 : memref<1x128x128xf32, #tpu.memory_space<vmem>> -> memref<128x128xf32, #tpu.memory_space<vmem>>
        %dma_start3A_554 = arith.constant 0 : i32
        %dma_start3A_555 = tpu.memref_slice %arg7[%run_scoped3A_458, %dma_start3A_554] : memref<8x128xi32, #tpu.memory_space<vmem>> -> memref<1x128xi32, #tpu.memory_space<vmem>>
        %dma_start3A_556 = tpu.memref_squeeze %dma_start3A_555 : memref<1x128xi32, #tpu.memory_space<vmem>> -> memref<128xi32, #tpu.memory_space<vmem>>
        %dma_start3A_557 = arith.constant 0 : i32
        %dma_start3A_558 = arith.constant 0 : i32
        %dma_start3A_559 = tpu.memref_slice %arg9[%dma_start3A_557, %dma_start3A_558] : memref<10112x128xf32, #tpu.memory_space<vmem_shared>> -> memref<10112x128xf32, #tpu.memory_space<vmem_shared>>
        tpu.enqueue_indirect_dma source(%dma_start3A_553 : memref<128x128xf32, #tpu.memory_space<vmem>>) target(%dma_start3A_559 : memref<10112x128xf32, #tpu.memory_space<vmem_shared>>) offsets(%dma_start3A_556 : memref<128xi32, #tpu.memory_space<vmem>>) semaphore(%run_scoped3A_549 : memref<!tpu.dma_semaphore, #tpu.memory_space<semaphore_mem>>) {add = true}
        %dma_wait3A_560 = arith.constant 0 : i32
        %dma_wait3A_561 = arith.constant 0 : i32
        %dma_wait3A_562 = tpu.memref_slice %arg8[%run_scoped3A_457, %dma_wait3A_560, %dma_wait3A_561] : memref<2x128x128xf32, #tpu.memory_space<vmem>> -> memref<1x128x128xf32, #tpu.memory_space<vmem>>
        %dma_wait3A_563 = tpu.memref_squeeze %dma_wait3A_562 : memref<1x128x128xf32, #tpu.memory_space<vmem>> -> memref<128x128xf32, #tpu.memory_space<vmem>>
        %dma_wait3A_564 = arith.constant 0 : i32
        %dma_wait3A_565 = tpu.memref_slice %arg7[%run_scoped3A_458, %dma_wait3A_564] : memref<8x128xi32, #tpu.memory_space<vmem>> -> memref<1x128xi32, #tpu.memory_space<vmem>>
        %dma_wait3A_566 = tpu.memref_squeeze %dma_wait3A_565 : memref<1x128xi32, #tpu.memory_space<vmem>> -> memref<128xi32, #tpu.memory_space<vmem>>
        %dma_wait3A_567 = arith.constant 0 : i32
        %dma_wait3A_568 = arith.constant 0 : i32
        %dma_wait3A_569 = tpu.memref_slice %arg9[%dma_wait3A_567, %dma_wait3A_568] : memref<10112x128xf32, #tpu.memory_space<vmem_shared>> -> memref<10112x128xf32, #tpu.memory_space<vmem_shared>>
        tpu.wait_indirect_dma semaphore(%run_scoped3A_549 : memref<!tpu.dma_semaphore, #tpu.memory_space<semaphore_mem>>) src(%dma_wait3A_563 : memref<128x128xf32, #tpu.memory_space<vmem>>) dst(%dma_wait3A_569 : memref<10112x128xf32, #tpu.memory_space<vmem_shared>>)
        tpu.yield
      }) : () -> ()
      %dma_wait3A_459 = arith.constant 1 : i32
      %dma_wait3A_460 = arith.constant 1 : i32
      %dma_wait3A_461 = arith.constant 0 : i32
      %dma_wait3A_462 = arith.constant 0 : i32
      %dma_wait3A_463 = tpu.memref_slice %arg8[%dma_wait3A_460, %dma_wait3A_461, %dma_wait3A_462] : memref<2x128x128xf32, #tpu.memory_space<vmem>> -> memref<1x128x128xf32, #tpu.memory_space<vmem>>
      %dma_wait3A_464 = tpu.memref_squeeze %dma_wait3A_463 : memref<1x128x128xf32, #tpu.memory_space<vmem>> -> memref<128x128xf32, #tpu.memory_space<vmem>>
      %dma_wait3A_465 = arith.constant 0 : i32
      %dma_wait3A_466 = tpu.memref_slice %arg7[%dma_wait3A_459, %dma_wait3A_465] : memref<8x128xi32, #tpu.memory_space<vmem>> -> memref<1x128xi32, #tpu.memory_space<vmem>>
      %dma_wait3A_467 = tpu.memref_squeeze %dma_wait3A_466 : memref<1x128xi32, #tpu.memory_space<vmem>> -> memref<128xi32, #tpu.memory_space<vmem>>
      %dma_wait3A_468 = arith.constant 0 : i32
      %dma_wait3A_469 = arith.constant 0 : i32
      %dma_wait3A_470 = tpu.memref_slice %arg2[%dma_wait3A_468, %dma_wait3A_469] : memref<10112x128xf32, #tpu.memory_space<hbm>> -> memref<10112x128xf32, #tpu.memory_space<hbm>>
      tpu.wait_indirect_dma semaphore(%arg11 : memref<!tpu.dma_semaphore, #tpu.memory_space<semaphore_mem>>) src(%dma_wait3A_470 : memref<10112x128xf32, #tpu.memory_space<hbm>>) dst(%dma_wait3A_464 : memref<128x128xf32, #tpu.memory_space<vmem>>)
      %dma_wait3A_471 = arith.constant 4 : i32
      %dma_wait3A_472 = arith.constant 0 : i32
      %dma_wait3A_473 = tpu.memref_slice %arg7[%dma_wait3A_471, %dma_wait3A_472] : memref<8x128xi32, #tpu.memory_space<vmem>> -> memref<2x128xi32, #tpu.memory_space<vmem>>
      %dma_wait3A_474 = arith.constant 0 : i32
      %dma_wait3A_475 = tpu.memref_slice %arg3[%add3A, %add3A_370, %dma_wait3A_474] : memref<32x112x128xi32, #tpu.memory_space<hbm>> -> memref<1x2x128xi32, #tpu.memory_space<hbm>>
      %dma_wait3A_476 = tpu.memref_squeeze %dma_wait3A_475 : memref<1x2x128xi32, #tpu.memory_space<hbm>> -> memref<2x128xi32, #tpu.memory_space<hbm>>
      %dma_wait3A_477 = arith.constant 4 : i32
      %dma_wait3A_478 = arith.constant 0 : i32
      %dma_wait3A_479 = tpu.memref_slice %arg7[%dma_wait3A_477, %dma_wait3A_478] : memref<8x128xi32, #tpu.memory_space<vmem>> -> memref<2x128xi32, #tpu.memory_space<vmem>>
      %dma_wait3A_480 = arith.constant 0 : i32
      %dma_wait3A_481 = tpu.memref_slice %arg3[%add3A, %add3A_370, %dma_wait3A_480] : memref<32x112x128xi32, #tpu.memory_space<hbm>> -> memref<1x2x128xi32, #tpu.memory_space<hbm>>
      %dma_wait3A_482 = tpu.memref_squeeze %dma_wait3A_481 : memref<1x2x128xi32, #tpu.memory_space<hbm>> -> memref<2x128xi32, #tpu.memory_space<hbm>>
      tpu.wait_dma2 semaphore(%arg13 : memref<!tpu.dma_semaphore, #tpu.memory_space<semaphore_mem>>) src(%dma_wait3A_482 : memref<2x128xi32, #tpu.memory_space<hbm>>) dst(%dma_wait3A_479 : memref<2x128xi32, #tpu.memory_space<vmem>>)
      %dma_wait3A_483 = arith.constant 6 : i32
      %dma_wait3A_484 = arith.constant 0 : i32
      %dma_wait3A_485 = tpu.memref_slice %arg7[%dma_wait3A_483, %dma_wait3A_484] : memref<8x128xi32, #tpu.memory_space<vmem>> -> memref<2x128xi32, #tpu.memory_space<vmem>>
      %dma_wait3A_486 = arith.constant 0 : i32
      %dma_wait3A_487 = tpu.memref_slice %arg4[%add3A, %add3A_384, %dma_wait3A_486] : memref<32x112x128xi32, #tpu.memory_space<hbm>> -> memref<1x2x128xi32, #tpu.memory_space<hbm>>
      %dma_wait3A_488 = tpu.memref_squeeze %dma_wait3A_487 : memref<1x2x128xi32, #tpu.memory_space<hbm>> -> memref<2x128xi32, #tpu.memory_space<hbm>>
      %dma_wait3A_489 = arith.constant 6 : i32
      %dma_wait3A_490 = arith.constant 0 : i32
      %dma_wait3A_491 = tpu.memref_slice %arg7[%dma_wait3A_489, %dma_wait3A_490] : memref<8x128xi32, #tpu.memory_space<vmem>> -> memref<2x128xi32, #tpu.memory_space<vmem>>
      %dma_wait3A_492 = arith.constant 0 : i32
      %dma_wait3A_493 = tpu.memref_slice %arg4[%add3A, %add3A_384, %dma_wait3A_492] : memref<32x112x128xi32, #tpu.memory_space<hbm>> -> memref<1x2x128xi32, #tpu.memory_space<hbm>>
      %dma_wait3A_494 = tpu.memref_squeeze %dma_wait3A_493 : memref<1x2x128xi32, #tpu.memory_space<hbm>> -> memref<2x128xi32, #tpu.memory_space<hbm>>
      tpu.wait_dma2 semaphore(%arg13 : memref<!tpu.dma_semaphore, #tpu.memory_space<semaphore_mem>>) src(%dma_wait3A_494 : memref<2x128xi32, #tpu.memory_space<hbm>>) dst(%dma_wait3A_491 : memref<2x128xi32, #tpu.memory_space<vmem>>)
      %dma_start3A_495 = arith.constant 4 : i32
      %dma_start3A_496 = arith.constant 0 : i32
      %dma_start3A_497 = arith.constant 0 : i32
      %dma_start3A_498 = arith.constant 0 : i32
      %dma_start3A_499 = tpu.memref_slice %arg8[%dma_start3A_496, %dma_start3A_497, %dma_start3A_498] : memref<2x128x128xf32, #tpu.memory_space<vmem>> -> memref<1x128x128xf32, #tpu.memory_space<vmem>>
      %dma_start3A_500 = tpu.memref_squeeze %dma_start3A_499 : memref<1x128x128xf32, #tpu.memory_space<vmem>> -> memref<128x128xf32, #tpu.memory_space<vmem>>
      %dma_start3A_501 = arith.constant 0 : i32
      %dma_start3A_502 = tpu.memref_slice %arg7[%dma_start3A_495, %dma_start3A_501] : memref<8x128xi32, #tpu.memory_space<vmem>> -> memref<1x128xi32, #tpu.memory_space<vmem>>
      %dma_start3A_503 = tpu.memref_squeeze %dma_start3A_502 : memref<1x128xi32, #tpu.memory_space<vmem>> -> memref<128xi32, #tpu.memory_space<vmem>>
      %dma_start3A_504 = arith.constant 0 : i32
      %dma_start3A_505 = arith.constant 0 : i32
      %dma_start3A_506 = tpu.memref_slice %arg2[%dma_start3A_504, %dma_start3A_505] : memref<10112x128xf32, #tpu.memory_space<hbm>> -> memref<10112x128xf32, #tpu.memory_space<hbm>>
      tpu.enqueue_indirect_dma source(%dma_start3A_506 : memref<10112x128xf32, #tpu.memory_space<hbm>>) target(%dma_start3A_500 : memref<128x128xf32, #tpu.memory_space<vmem>>) offsets(%dma_start3A_503 : memref<128xi32, #tpu.memory_space<vmem>>) semaphore(%arg10 : memref<!tpu.dma_semaphore, #tpu.memory_space<semaphore_mem>>)
      %run_scoped3A_507 = arith.constant 1 : i32
      %run_scoped3A_508 = arith.constant 3 : i32
      "tpu.region"() ({
        %run_scoped3A_549 = tpu.sem_alloc : memref<!tpu.dma_semaphore, #tpu.memory_space<semaphore_mem>>
        %dma_start3A_550 = arith.constant 0 : i32
        %dma_start3A_551 = arith.constant 0 : i32
        %dma_start3A_552 = tpu.memref_slice %arg8[%run_scoped3A_507, %dma_start3A_550, %dma_start3A_551] : memref<2x128x128xf32, #tpu.memory_space<vmem>> -> memref<1x128x128xf32, #tpu.memory_space<vmem>>
        %dma_start3A_553 = tpu.memref_squeeze %dma_start3A_552 : memref<1x128x128xf32, #tpu.memory_space<vmem>> -> memref<128x128xf32, #tpu.memory_space<vmem>>
        %dma_start3A_554 = arith.constant 0 : i32
        %dma_start3A_555 = tpu.memref_slice %arg7[%run_scoped3A_508, %dma_start3A_554] : memref<8x128xi32, #tpu.memory_space<vmem>> -> memref<1x128xi32, #tpu.memory_space<vmem>>
        %dma_start3A_556 = tpu.memref_squeeze %dma_start3A_555 : memref<1x128xi32, #tpu.memory_space<vmem>> -> memref<128xi32, #tpu.memory_space<vmem>>
        %dma_start3A_557 = arith.constant 0 : i32
        %dma_start3A_558 = arith.constant 0 : i32
        %dma_start3A_559 = tpu.memref_slice %arg9[%dma_start3A_557, %dma_start3A_558] : memref<10112x128xf32, #tpu.memory_space<vmem_shared>> -> memref<10112x128xf32, #tpu.memory_space<vmem_shared>>
        tpu.enqueue_indirect_dma source(%dma_start3A_553 : memref<128x128xf32, #tpu.memory_space<vmem>>) target(%dma_start3A_559 : memref<10112x128xf32, #tpu.memory_space<vmem_shared>>) offsets(%dma_start3A_556 : memref<128xi32, #tpu.memory_space<vmem>>) semaphore(%run_scoped3A_549 : memref<!tpu.dma_semaphore, #tpu.memory_space<semaphore_mem>>) {add = true}
        %dma_wait3A_560 = arith.constant 0 : i32
        %dma_wait3A_561 = arith.constant 0 : i32
        %dma_wait3A_562 = tpu.memref_slice %arg8[%run_scoped3A_507, %dma_wait3A_560, %dma_wait3A_561] : memref<2x128x128xf32, #tpu.memory_space<vmem>> -> memref<1x128x128xf32, #tpu.memory_space<vmem>>
        %dma_wait3A_563 = tpu.memref_squeeze %dma_wait3A_562 : memref<1x128x128xf32, #tpu.memory_space<vmem>> -> memref<128x128xf32, #tpu.memory_space<vmem>>
        %dma_wait3A_564 = arith.constant 0 : i32
        %dma_wait3A_565 = tpu.memref_slice %arg7[%run_scoped3A_508, %dma_wait3A_564] : memref<8x128xi32, #tpu.memory_space<vmem>> -> memref<1x128xi32, #tpu.memory_space<vmem>>
        %dma_wait3A_566 = tpu.memref_squeeze %dma_wait3A_565 : memref<1x128xi32, #tpu.memory_space<vmem>> -> memref<128xi32, #tpu.memory_space<vmem>>
        %dma_wait3A_567 = arith.constant 0 : i32
        %dma_wait3A_568 = arith.constant 0 : i32
        %dma_wait3A_569 = tpu.memref_slice %arg9[%dma_wait3A_567, %dma_wait3A_568] : memref<10112x128xf32, #tpu.memory_space<vmem_shared>> -> memref<10112x128xf32, #tpu.memory_space<vmem_shared>>
        tpu.wait_indirect_dma semaphore(%run_scoped3A_549 : memref<!tpu.dma_semaphore, #tpu.memory_space<semaphore_mem>>) src(%dma_wait3A_563 : memref<128x128xf32, #tpu.memory_space<vmem>>) dst(%dma_wait3A_569 : memref<10112x128xf32, #tpu.memory_space<vmem_shared>>)
        tpu.yield
      }) : () -> ()
      %dma_wait3A_509 = arith.constant 4 : i32
      %dma_wait3A_510 = arith.constant 0 : i32
      %dma_wait3A_511 = arith.constant 0 : i32
      %dma_wait3A_512 = arith.constant 0 : i32
      %dma_wait3A_513 = tpu.memref_slice %arg8[%dma_wait3A_510, %dma_wait3A_511, %dma_wait3A_512] : memref<2x128x128xf32, #tpu.memory_space<vmem>> -> memref<1x128x128xf32, #tpu.memory_space<vmem>>
      %dma_wait3A_514 = tpu.memref_squeeze %dma_wait3A_513 : memref<1x128x128xf32, #tpu.memory_space<vmem>> -> memref<128x128xf32, #tpu.memory_space<vmem>>
      %dma_wait3A_515 = arith.constant 0 : i32
      %dma_wait3A_516 = tpu.memref_slice %arg7[%dma_wait3A_509, %dma_wait3A_515] : memref<8x128xi32, #tpu.memory_space<vmem>> -> memref<1x128xi32, #tpu.memory_space<vmem>>
      %dma_wait3A_517 = tpu.memref_squeeze %dma_wait3A_516 : memref<1x128xi32, #tpu.memory_space<vmem>> -> memref<128xi32, #tpu.memory_space<vmem>>
      %dma_wait3A_518 = arith.constant 0 : i32
      %dma_wait3A_519 = arith.constant 0 : i32
      %dma_wait3A_520 = tpu.memref_slice %arg2[%dma_wait3A_518, %dma_wait3A_519] : memref<10112x128xf32, #tpu.memory_space<hbm>> -> memref<10112x128xf32, #tpu.memory_space<hbm>>
      tpu.wait_indirect_dma semaphore(%arg10 : memref<!tpu.dma_semaphore, #tpu.memory_space<semaphore_mem>>) src(%dma_wait3A_520 : memref<10112x128xf32, #tpu.memory_space<hbm>>) dst(%dma_wait3A_514 : memref<128x128xf32, #tpu.memory_space<vmem>>)
      %dma_start3A_521 = arith.constant 5 : i32
      %dma_start3A_522 = arith.constant 1 : i32
      %dma_start3A_523 = arith.constant 0 : i32
      %dma_start3A_524 = arith.constant 0 : i32
      %dma_start3A_525 = tpu.memref_slice %arg8[%dma_start3A_522, %dma_start3A_523, %dma_start3A_524] : memref<2x128x128xf32, #tpu.memory_space<vmem>> -> memref<1x128x128xf32, #tpu.memory_space<vmem>>
      %dma_start3A_526 = tpu.memref_squeeze %dma_start3A_525 : memref<1x128x128xf32, #tpu.memory_space<vmem>> -> memref<128x128xf32, #tpu.memory_space<vmem>>
      %dma_start3A_527 = arith.constant 0 : i32
      %dma_start3A_528 = tpu.memref_slice %arg7[%dma_start3A_521, %dma_start3A_527] : memref<8x128xi32, #tpu.memory_space<vmem>> -> memref<1x128xi32, #tpu.memory_space<vmem>>
      %dma_start3A_529 = tpu.memref_squeeze %dma_start3A_528 : memref<1x128xi32, #tpu.memory_space<vmem>> -> memref<128xi32, #tpu.memory_space<vmem>>
      %dma_start3A_530 = arith.constant 0 : i32
      %dma_start3A_531 = arith.constant 0 : i32
      %dma_start3A_532 = tpu.memref_slice %arg2[%dma_start3A_530, %dma_start3A_531] : memref<10112x128xf32, #tpu.memory_space<hbm>> -> memref<10112x128xf32, #tpu.memory_space<hbm>>
      tpu.enqueue_indirect_dma source(%dma_start3A_532 : memref<10112x128xf32, #tpu.memory_space<hbm>>) target(%dma_start3A_526 : memref<128x128xf32, #tpu.memory_space<vmem>>) offsets(%dma_start3A_529 : memref<128xi32, #tpu.memory_space<vmem>>) semaphore(%arg11 : memref<!tpu.dma_semaphore, #tpu.memory_space<semaphore_mem>>)
      %run_scoped3A_533 = arith.constant 0 : i32
      %run_scoped3A_534 = arith.constant 6 : i32
      "tpu.region"() ({
        %run_scoped3A_549 = tpu.sem_alloc : memref<!tpu.dma_semaphore, #tpu.memory_space<semaphore_mem>>
        %dma_start3A_550 = arith.constant 0 : i32
        %dma_start3A_551 = arith.constant 0 : i32
        %dma_start3A_552 = tpu.memref_slice %arg8[%run_scoped3A_533, %dma_start3A_550, %dma_start3A_551] : memref<2x128x128xf32, #tpu.memory_space<vmem>> -> memref<1x128x128xf32, #tpu.memory_space<vmem>>
        %dma_start3A_553 = tpu.memref_squeeze %dma_start3A_552 : memref<1x128x128xf32, #tpu.memory_space<vmem>> -> memref<128x128xf32, #tpu.memory_space<vmem>>
        %dma_start3A_554 = arith.constant 0 : i32
        %dma_start3A_555 = tpu.memref_slice %arg7[%run_scoped3A_534, %dma_start3A_554] : memref<8x128xi32, #tpu.memory_space<vmem>> -> memref<1x128xi32, #tpu.memory_space<vmem>>
        %dma_start3A_556 = tpu.memref_squeeze %dma_start3A_555 : memref<1x128xi32, #tpu.memory_space<vmem>> -> memref<128xi32, #tpu.memory_space<vmem>>
        %dma_start3A_557 = arith.constant 0 : i32
        %dma_start3A_558 = arith.constant 0 : i32
        %dma_start3A_559 = tpu.memref_slice %arg9[%dma_start3A_557, %dma_start3A_558] : memref<10112x128xf32, #tpu.memory_space<vmem_shared>> -> memref<10112x128xf32, #tpu.memory_space<vmem_shared>>
        tpu.enqueue_indirect_dma source(%dma_start3A_553 : memref<128x128xf32, #tpu.memory_space<vmem>>) target(%dma_start3A_559 : memref<10112x128xf32, #tpu.memory_space<vmem_shared>>) offsets(%dma_start3A_556 : memref<128xi32, #tpu.memory_space<vmem>>) semaphore(%run_scoped3A_549 : memref<!tpu.dma_semaphore, #tpu.memory_space<semaphore_mem>>) {add = true}
        %dma_wait3A_560 = arith.constant 0 : i32
        %dma_wait3A_561 = arith.constant 0 : i32
        %dma_wait3A_562 = tpu.memref_slice %arg8[%run_scoped3A_533, %dma_wait3A_560, %dma_wait3A_561] : memref<2x128x128xf32, #tpu.memory_space<vmem>> -> memref<1x128x128xf32, #tpu.memory_space<vmem>>
        %dma_wait3A_563 = tpu.memref_squeeze %dma_wait3A_562 : memref<1x128x128xf32, #tpu.memory_space<vmem>> -> memref<128x128xf32, #tpu.memory_space<vmem>>
        %dma_wait3A_564 = arith.constant 0 : i32
        %dma_wait3A_565 = tpu.memref_slice %arg7[%run_scoped3A_534, %dma_wait3A_564] : memref<8x128xi32, #tpu.memory_space<vmem>> -> memref<1x128xi32, #tpu.memory_space<vmem>>
        %dma_wait3A_566 = tpu.memref_squeeze %dma_wait3A_565 : memref<1x128xi32, #tpu.memory_space<vmem>> -> memref<128xi32, #tpu.memory_space<vmem>>
        %dma_wait3A_567 = arith.constant 0 : i32
        %dma_wait3A_568 = arith.constant 0 : i32
        %dma_wait3A_569 = tpu.memref_slice %arg9[%dma_wait3A_567, %dma_wait3A_568] : memref<10112x128xf32, #tpu.memory_space<vmem_shared>> -> memref<10112x128xf32, #tpu.memory_space<vmem_shared>>
        tpu.wait_indirect_dma semaphore(%run_scoped3A_549 : memref<!tpu.dma_semaphore, #tpu.memory_space<semaphore_mem>>) src(%dma_wait3A_563 : memref<128x128xf32, #tpu.memory_space<vmem>>) dst(%dma_wait3A_569 : memref<10112x128xf32, #tpu.memory_space<vmem_shared>>)
        tpu.yield
      }) : () -> ()
      %dma_wait3A_535 = arith.constant 5 : i32
      %dma_wait3A_536 = arith.constant 1 : i32
      %dma_wait3A_537 = arith.constant 0 : i32
      %dma_wait3A_538 = arith.constant 0 : i32
      %dma_wait3A_539 = tpu.memref_slice %arg8[%dma_wait3A_536, %dma_wait3A_537, %dma_wait3A_538] : memref<2x128x128xf32, #tpu.memory_space<vmem>> -> memref<1x128x128xf32, #tpu.memory_space<vmem>>
      %dma_wait3A_540 = tpu.memref_squeeze %dma_wait3A_539 : memref<1x128x128xf32, #tpu.memory_space<vmem>> -> memref<128x128xf32, #tpu.memory_space<vmem>>
      %dma_wait3A_541 = arith.constant 0 : i32
      %dma_wait3A_542 = tpu.memref_slice %arg7[%dma_wait3A_535, %dma_wait3A_541] : memref<8x128xi32, #tpu.memory_space<vmem>> -> memref<1x128xi32, #tpu.memory_space<vmem>>
      %dma_wait3A_543 = tpu.memref_squeeze %dma_wait3A_542 : memref<1x128xi32, #tpu.memory_space<vmem>> -> memref<128xi32, #tpu.memory_space<vmem>>
      %dma_wait3A_544 = arith.constant 0 : i32
      %dma_wait3A_545 = arith.constant 0 : i32
      %dma_wait3A_546 = tpu.memref_slice %arg2[%dma_wait3A_544, %dma_wait3A_545] : memref<10112x128xf32, #tpu.memory_space<hbm>> -> memref<10112x128xf32, #tpu.memory_space<hbm>>
      tpu.wait_indirect_dma semaphore(%arg11 : memref<!tpu.dma_semaphore, #tpu.memory_space<semaphore_mem>>) src(%dma_wait3A_546 : memref<10112x128xf32, #tpu.memory_space<hbm>>) dst(%dma_wait3A_540 : memref<128x128xf32, #tpu.memory_space<vmem>>)
      %run_scoped3A_547 = arith.constant 1 : i32
      %run_scoped3A_548 = arith.constant 7 : i32
      "tpu.region"() ({
        %run_scoped3A_549 = tpu.sem_alloc : memref<!tpu.dma_semaphore, #tpu.memory_space<semaphore_mem>>
        %dma_start3A_550 = arith.constant 0 : i32
        %dma_start3A_551 = arith.constant 0 : i32
        %dma_start3A_552 = tpu.memref_slice %arg8[%run_scoped3A_547, %dma_start3A_550, %dma_start3A_551] : memref<2x128x128xf32, #tpu.memory_space<vmem>> -> memref<1x128x128xf32, #tpu.memory_space<vmem>>
        %dma_start3A_553 = tpu.memref_squeeze %dma_start3A_552 : memref<1x128x128xf32, #tpu.memory_space<vmem>> -> memref<128x128xf32, #tpu.memory_space<vmem>>
        %dma_start3A_554 = arith.constant 0 : i32
        %dma_start3A_555 = tpu.memref_slice %arg7[%run_scoped3A_548, %dma_start3A_554] : memref<8x128xi32, #tpu.memory_space<vmem>> -> memref<1x128xi32, #tpu.memory_space<vmem>>
        %dma_start3A_556 = tpu.memref_squeeze %dma_start3A_555 : memref<1x128xi32, #tpu.memory_space<vmem>> -> memref<128xi32, #tpu.memory_space<vmem>>
        %dma_start3A_557 = arith.constant 0 : i32
        %dma_start3A_558 = arith.constant 0 : i32
        %dma_start3A_559 = tpu.memref_slice %arg9[%dma_start3A_557, %dma_start3A_558] : memref<10112x128xf32, #tpu.memory_space<vmem_shared>> -> memref<10112x128xf32, #tpu.memory_space<vmem_shared>>
        tpu.enqueue_indirect_dma source(%dma_start3A_553 : memref<128x128xf32, #tpu.memory_space<vmem>>) target(%dma_start3A_559 : memref<10112x128xf32, #tpu.memory_space<vmem_shared>>) offsets(%dma_start3A_556 : memref<128xi32, #tpu.memory_space<vmem>>) semaphore(%run_scoped3A_549 : memref<!tpu.dma_semaphore, #tpu.memory_space<semaphore_mem>>) {add = true}
        %dma_wait3A_560 = arith.constant 0 : i32
        %dma_wait3A_561 = arith.constant 0 : i32
        %dma_wait3A_562 = tpu.memref_slice %arg8[%run_scoped3A_547, %dma_wait3A_560, %dma_wait3A_561] : memref<2x128x128xf32, #tpu.memory_space<vmem>> -> memref<1x128x128xf32, #tpu.memory_space<vmem>>
        %dma_wait3A_563 = tpu.memref_squeeze %dma_wait3A_562 : memref<1x128x128xf32, #tpu.memory_space<vmem>> -> memref<128x128xf32, #tpu.memory_space<vmem>>
        %dma_wait3A_564 = arith.constant 0 : i32
        %dma_wait3A_565 = tpu.memref_slice %arg7[%run_scoped3A_548, %dma_wait3A_564] : memref<8x128xi32, #tpu.memory_space<vmem>> -> memref<1x128xi32, #tpu.memory_space<vmem>>
        %dma_wait3A_566 = tpu.memref_squeeze %dma_wait3A_565 : memref<1x128xi32, #tpu.memory_space<vmem>> -> memref<128xi32, #tpu.memory_space<vmem>>
        %dma_wait3A_567 = arith.constant 0 : i32
        %dma_wait3A_568 = arith.constant 0 : i32
        %dma_wait3A_569 = tpu.memref_slice %arg9[%dma_wait3A_567, %dma_wait3A_568] : memref<10112x128xf32, #tpu.memory_space<vmem_shared>> -> memref<10112x128xf32, #tpu.memory_space<vmem_shared>>
        tpu.wait_indirect_dma semaphore(%run_scoped3A_549 : memref<!tpu.dma_semaphore, #tpu.memory_space<semaphore_mem>>) src(%dma_wait3A_563 : memref<128x128xf32, #tpu.memory_space<vmem>>) dst(%dma_wait3A_569 : memref<10112x128xf32, #tpu.memory_space<vmem_shared>>)
        tpu.yield
      }) : () -> ()
    }
    %while3A_50 = arith.constant 1 : i32
    scf.for %while3A_342 = %while3A_48 to %while3A_44 step %while3A_50  : i32 {
      %mul3A_343 = arith.muli %while3A_342, %while3A : i32
      %add3A_344 = arith.addi %while3A_41, %mul3A_343 : i32
      %dma_start3A_345 = arith.constant 0 : i32
      %dma_start3A_346 = arith.constant 0 : i32
      %dma_start3A_347 = tpu.memref_slice %arg7[%dma_start3A_345, %dma_start3A_346] : memref<8x128xi32, #tpu.memory_space<vmem>> -> memref<2x128xi32, #tpu.memory_space<vmem>>
      %dma_start3A_348 = arith.constant 0 : i32
      %dma_start3A_349 = tpu.memref_slice %arg3[%add3A, %add3A_344, %dma_start3A_348] : memref<32x112x128xi32, #tpu.memory_space<hbm>> -> memref<1x2x128xi32, #tpu.memory_space<hbm>>
      %dma_start3A_350 = tpu.memref_squeeze %dma_start3A_349 : memref<1x2x128xi32, #tpu.memory_space<hbm>> -> memref<2x128xi32, #tpu.memory_space<hbm>>
      %dma_start3A_351 = arith.constant 0 : i32
      %dma_start3A_352 = arith.constant 0 : i32
      %dma_start3A_353 = tpu.memref_slice %arg7[%dma_start3A_351, %dma_start3A_352] : memref<8x128xi32, #tpu.memory_space<vmem>> -> memref<2x128xi32, #tpu.memory_space<vmem>>
      %dma_start3A_354 = arith.constant 0 : i32
      %dma_start3A_355 = tpu.memref_slice %arg3[%add3A, %add3A_344, %dma_start3A_354] : memref<32x112x128xi32, #tpu.memory_space<hbm>> -> memref<1x2x128xi32, #tpu.memory_space<hbm>>
      %dma_start3A_356 = tpu.memref_squeeze %dma_start3A_355 : memref<1x2x128xi32, #tpu.memory_space<hbm>> -> memref<2x128xi32, #tpu.memory_space<hbm>>
      tpu.enqueue_dma source(%dma_start3A_356 : memref<2x128xi32, #tpu.memory_space<hbm>>) target(%dma_start3A_353 : memref<2x128xi32, #tpu.memory_space<vmem>>) target_semaphore(%arg12 : memref<!tpu.dma_semaphore, #tpu.memory_space<semaphore_mem>>)
      %dma_start3A_357 = arith.constant 2 : i32
      %dma_start3A_358 = arith.constant 0 : i32
      %dma_start3A_359 = tpu.memref_slice %arg7[%dma_start3A_357, %dma_start3A_358] : memref<8x128xi32, #tpu.memory_space<vmem>> -> memref<2x128xi32, #tpu.memory_space<vmem>>
      %dma_start3A_360 = arith.constant 0 : i32
      %dma_start3A_361 = tpu.memref_slice %arg4[%add3A, %add3A_344, %dma_start3A_360] : memref<32x112x128xi32, #tpu.memory_space<hbm>> -> memref<1x2x128xi32, #tpu.memory_space<hbm>>
      %dma_start3A_362 = tpu.memref_squeeze %dma_start3A_361 : memref<1x2x128xi32, #tpu.memory_space<hbm>> -> memref<2x128xi32, #tpu.memory_space<hbm>>
      %dma_start3A_363 = arith.constant 2 : i32
      %dma_start3A_364 = arith.constant 0 : i32
      %dma_start3A_365 = tpu.memref_slice %arg7[%dma_start3A_363, %dma_start3A_364] : memref<8x128xi32, #tpu.memory_space<vmem>> -> memref<2x128xi32, #tpu.memory_space<vmem>>
      %dma_start3A_366 = arith.constant 0 : i32
      %dma_start3A_367 = tpu.memref_slice %arg4[%add3A, %add3A_344, %dma_start3A_366] : memref<32x112x128xi32, #tpu.memory_space<hbm>> -> memref<1x2x128xi32, #tpu.memory_space<hbm>>
      %dma_start3A_368 = tpu.memref_squeeze %dma_start3A_367 : memref<1x2x128xi32, #tpu.memory_space<hbm>> -> memref<2x128xi32, #tpu.memory_space<hbm>>
      tpu.enqueue_dma source(%dma_start3A_368 : memref<2x128xi32, #tpu.memory_space<hbm>>) target(%dma_start3A_365 : memref<2x128xi32, #tpu.memory_space<vmem>>) target_semaphore(%arg12 : memref<!tpu.dma_semaphore, #tpu.memory_space<semaphore_mem>>)
      %add3A_369 = arith.constant 2 : i32
      %add3A_370 = arith.addi %add3A_344, %add3A_369 : i32
      %dma_start3A_371 = arith.constant 4 : i32
      %dma_start3A_372 = arith.constant 0 : i32
      %dma_start3A_373 = tpu.memref_slice %arg7[%dma_start3A_371, %dma_start3A_372] : memref<8x128xi32, #tpu.memory_space<vmem>> -> memref<2x128xi32, #tpu.memory_space<vmem>>
      %dma_start3A_374 = arith.constant 0 : i32
      %dma_start3A_375 = tpu.memref_slice %arg3[%add3A, %add3A_370, %dma_start3A_374] : memref<32x112x128xi32, #tpu.memory_space<hbm>> -> memref<1x2x128xi32, #tpu.memory_space<hbm>>
      %dma_start3A_376 = tpu.memref_squeeze %dma_start3A_375 : memref<1x2x128xi32, #tpu.memory_space<hbm>> -> memref<2x128xi32, #tpu.memory_space<hbm>>
      %dma_start3A_377 = arith.constant 4 : i32
      %dma_start3A_378 = arith.constant 0 : i32
      %dma_start3A_379 = tpu.memref_slice %arg7[%dma_start3A_377, %dma_start3A_378] : memref<8x128xi32, #tpu.memory_space<vmem>> -> memref<2x128xi32, #tpu.memory_space<vmem>>
      %dma_start3A_380 = arith.constant 0 : i32
      %dma_start3A_381 = tpu.memref_slice %arg3[%add3A, %add3A_370, %dma_start3A_380] : memref<32x112x128xi32, #tpu.memory_space<hbm>> -> memref<1x2x128xi32, #tpu.memory_space<hbm>>
      %dma_start3A_382 = tpu.memref_squeeze %dma_start3A_381 : memref<1x2x128xi32, #tpu.memory_space<hbm>> -> memref<2x128xi32, #tpu.memory_space<hbm>>
      tpu.enqueue_dma source(%dma_start3A_382 : memref<2x128xi32, #tpu.memory_space<hbm>>) target(%dma_start3A_379 : memref<2x128xi32, #tpu.memory_space<vmem>>) target_semaphore(%arg13 : memref<!tpu.dma_semaphore, #tpu.memory_space<semaphore_mem>>)
      %add3A_383 = arith.constant 2 : i32
      %add3A_384 = arith.addi %add3A_344, %add3A_383 : i32
      %dma_start3A_385 = arith.constant 6 : i32
      %dma_start3A_386 = arith.constant 0 : i32
      %dma_start3A_387 = tpu.memref_slice %arg7[%dma_start3A_385, %dma_start3A_386] : memref<8x128xi32, #tpu.memory_space<vmem>> -> memref<2x128xi32, #tpu.memory_space<vmem>>
      %dma_start3A_388 = arith.constant 0 : i32
      %dma_start3A_389 = tpu.memref_slice %arg4[%add3A, %add3A_384, %dma_start3A_388] : memref<32x112x128xi32, #tpu.memory_space<hbm>> -> memref<1x2x128xi32, #tpu.memory_space<hbm>>
      %dma_start3A_390 = tpu.memref_squeeze %dma_start3A_389 : memref<1x2x128xi32, #tpu.memory_space<hbm>> -> memref<2x128xi32, #tpu.memory_space<hbm>>
      %dma_start3A_391 = arith.constant 6 : i32
      %dma_start3A_392 = arith.constant 0 : i32
      %dma_start3A_393 = tpu.memref_slice %arg7[%dma_start3A_391, %dma_start3A_392] : memref<8x128xi32, #tpu.memory_space<vmem>> -> memref<2x128xi32, #tpu.memory_space<vmem>>
      %dma_start3A_394 = arith.constant 0 : i32
      %dma_start3A_395 = tpu.memref_slice %arg4[%add3A, %add3A_384, %dma_start3A_394] : memref<32x112x128xi32, #tpu.memory_space<hbm>> -> memref<1x2x128xi32, #tpu.memory_space<hbm>>
      %dma_start3A_396 = tpu.memref_squeeze %dma_start3A_395 : memref<1x2x128xi32, #tpu.memory_space<hbm>> -> memref<2x128xi32, #tpu.memory_space<hbm>>
      tpu.enqueue_dma source(%dma_start3A_396 : memref<2x128xi32, #tpu.memory_space<hbm>>) target(%dma_start3A_393 : memref<2x128xi32, #tpu.memory_space<vmem>>) target_semaphore(%arg13 : memref<!tpu.dma_semaphore, #tpu.memory_space<semaphore_mem>>)
      %dma_wait3A_397 = arith.constant 0 : i32
      %dma_wait3A_398 = arith.constant 0 : i32
      %dma_wait3A_399 = tpu.memref_slice %arg7[%dma_wait3A_397, %dma_wait3A_398] : memref<8x128xi32, #tpu.memory_space<vmem>> -> memref<2x128xi32, #tpu.memory_space<vmem>>
      %dma_wait3A_400 = arith.constant 0 : i32
      %dma_wait3A_401 = tpu.memref_slice %arg3[%add3A, %add3A_344, %dma_wait3A_400] : memref<32x112x128xi32, #tpu.memory_space<hbm>> -> memref<1x2x128xi32, #tpu.memory_space<hbm>>
      %dma_wait3A_402 = tpu.memref_squeeze %dma_wait3A_401 : memref<1x2x128xi32, #tpu.memory_space<hbm>> -> memref<2x128xi32, #tpu.memory_space<hbm>>
      %dma_wait3A_403 = arith.constant 0 : i32
      %dma_wait3A_404 = arith.constant 0 : i32
      %dma_wait3A_405 = tpu.memref_slice %arg7[%dma_wait3A_403, %dma_wait3A_404] : memref<8x128xi32, #tpu.memory_space<vmem>> -> memref<2x128xi32, #tpu.memory_space<vmem>>
      %dma_wait3A_406 = arith.constant 0 : i32
      %dma_wait3A_407 = tpu.memref_slice %arg3[%add3A, %add3A_344, %dma_wait3A_406] : memref<32x112x128xi32, #tpu.memory_space<hbm>> -> memref<1x2x128xi32, #tpu.memory_space<hbm>>
      %dma_wait3A_408 = tpu.memref_squeeze %dma_wait3A_407 : memref<1x2x128xi32, #tpu.memory_space<hbm>> -> memref<2x128xi32, #tpu.memory_space<hbm>>
      tpu.wait_dma2 semaphore(%arg12 : memref<!tpu.dma_semaphore, #tpu.memory_space<semaphore_mem>>) src(%dma_wait3A_408 : memref<2x128xi32, #tpu.memory_space<hbm>>) dst(%dma_wait3A_405 : memref<2x128xi32, #tpu.memory_space<vmem>>)
      %dma_wait3A_409 = arith.constant 2 : i32
      %dma_wait3A_410 = arith.constant 0 : i32
      %dma_wait3A_411 = tpu.memref_slice %arg7[%dma_wait3A_409, %dma_wait3A_410] : memref<8x128xi32, #tpu.memory_space<vmem>> -> memref<2x128xi32, #tpu.memory_space<vmem>>
      %dma_wait3A_412 = arith.constant 0 : i32
      %dma_wait3A_413 = tpu.memref_slice %arg4[%add3A, %add3A_344, %dma_wait3A_412] : memref<32x112x128xi32, #tpu.memory_space<hbm>> -> memref<1x2x128xi32, #tpu.memory_space<hbm>>
      %dma_wait3A_414 = tpu.memref_squeeze %dma_wait3A_413 : memref<1x2x128xi32, #tpu.memory_space<hbm>> -> memref<2x128xi32, #tpu.memory_space<hbm>>
      %dma_wait3A_415 = arith.constant 2 : i32
      %dma_wait3A_416 = arith.constant 0 : i32
      %dma_wait3A_417 = tpu.memref_slice %arg7[%dma_wait3A_415, %dma_wait3A_416] : memref<8x128xi32, #tpu.memory_space<vmem>> -> memref<2x128xi32, #tpu.memory_space<vmem>>
      %dma_wait3A_418 = arith.constant 0 : i32
      %dma_wait3A_419 = tpu.memref_slice %arg4[%add3A, %add3A_344, %dma_wait3A_418] : memref<32x112x128xi32, #tpu.memory_space<hbm>> -> memref<1x2x128xi32, #tpu.memory_space<hbm>>
      %dma_wait3A_420 = tpu.memref_squeeze %dma_wait3A_419 : memref<1x2x128xi32, #tpu.memory_space<hbm>> -> memref<2x128xi32, #tpu.memory_space<hbm>>
      tpu.wait_dma2 semaphore(%arg12 : memref<!tpu.dma_semaphore, #tpu.memory_space<semaphore_mem>>) src(%dma_wait3A_420 : memref<2x128xi32, #tpu.memory_space<hbm>>) dst(%dma_wait3A_417 : memref<2x128xi32, #tpu.memory_space<vmem>>)
      %dma_start3A_421 = arith.constant 0 : i32
      %dma_start3A_422 = arith.constant 0 : i32
      %dma_start3A_423 = arith.constant 0 : i32
      %dma_start3A_424 = arith.constant 0 : i32
      %dma_start3A_425 = tpu.memref_slice %arg8[%dma_start3A_422, %dma_start3A_423, %dma_start3A_424] : memref<2x128x128xf32, #tpu.memory_space<vmem>> -> memref<1x128x128xf32, #tpu.memory_space<vmem>>
      %dma_start3A_426 = tpu.memref_squeeze %dma_start3A_425 : memref<1x128x128xf32, #tpu.memory_space<vmem>> -> memref<128x128xf32, #tpu.memory_space<vmem>>
      %dma_start3A_427 = arith.constant 0 : i32
      %dma_start3A_428 = tpu.memref_slice %arg7[%dma_start3A_421, %dma_start3A_427] : memref<8x128xi32, #tpu.memory_space<vmem>> -> memref<1x128xi32, #tpu.memory_space<vmem>>
      %dma_start3A_429 = tpu.memref_squeeze %dma_start3A_428 : memref<1x128xi32, #tpu.memory_space<vmem>> -> memref<128xi32, #tpu.memory_space<vmem>>
      %dma_start3A_430 = arith.constant 0 : i32
      %dma_start3A_431 = arith.constant 0 : i32
      %dma_start3A_432 = tpu.memref_slice %arg2[%dma_start3A_430, %dma_start3A_431] : memref<10112x128xf32, #tpu.memory_space<hbm>> -> memref<10112x128xf32, #tpu.memory_space<hbm>>
      tpu.enqueue_indirect_dma source(%dma_start3A_432 : memref<10112x128xf32, #tpu.memory_space<hbm>>) target(%dma_start3A_426 : memref<128x128xf32, #tpu.memory_space<vmem>>) offsets(%dma_start3A_429 : memref<128xi32, #tpu.memory_space<vmem>>) semaphore(%arg10 : memref<!tpu.dma_semaphore, #tpu.memory_space<semaphore_mem>>)
      %dma_wait3A_433 = arith.constant 0 : i32
      %dma_wait3A_434 = arith.constant 0 : i32
      %dma_wait3A_435 = arith.constant 0 : i32
      %dma_wait3A_436 = arith.constant 0 : i32
      %dma_wait3A_437 = tpu.memref_slice %arg8[%dma_wait3A_434, %dma_wait3A_435, %dma_wait3A_436] : memref<2x128x128xf32, #tpu.memory_space<vmem>> -> memref<1x128x128xf32, #tpu.memory_space<vmem>>
      %dma_wait3A_438 = tpu.memref_squeeze %dma_wait3A_437 : memref<1x128x128xf32, #tpu.memory_space<vmem>> -> memref<128x128xf32, #tpu.memory_space<vmem>>
      %dma_wait3A_439 = arith.constant 0 : i32
      %dma_wait3A_440 = tpu.memref_slice %arg7[%dma_wait3A_433, %dma_wait3A_439] : memref<8x128xi32, #tpu.memory_space<vmem>> -> memref<1x128xi32, #tpu.memory_space<vmem>>
      %dma_wait3A_441 = tpu.memref_squeeze %dma_wait3A_440 : memref<1x128xi32, #tpu.memory_space<vmem>> -> memref<128xi32, #tpu.memory_space<vmem>>
      %dma_wait3A_442 = arith.constant 0 : i32
      %dma_wait3A_443 = arith.constant 0 : i32
      %dma_wait3A_444 = tpu.memref_slice %arg2[%dma_wait3A_442, %dma_wait3A_443] : memref<10112x128xf32, #tpu.memory_space<hbm>> -> memref<10112x128xf32, #tpu.memory_space<hbm>>
      tpu.wait_indirect_dma semaphore(%arg10 : memref<!tpu.dma_semaphore, #tpu.memory_space<semaphore_mem>>) src(%dma_wait3A_444 : memref<10112x128xf32, #tpu.memory_space<hbm>>) dst(%dma_wait3A_438 : memref<128x128xf32, #tpu.memory_space<vmem>>)
      %dma_start3A_445 = arith.constant 1 : i32
      %dma_start3A_446 = arith.constant 1 : i32
      %dma_start3A_447 = arith.constant 0 : i32
      %dma_start3A_448 = arith.constant 0 : i32
      %dma_start3A_449 = tpu.memref_slice %arg8[%dma_start3A_446, %dma_start3A_447, %dma_start3A_448] : memref<2x128x128xf32, #tpu.memory_space<vmem>> -> memref<1x128x128xf32, #tpu.memory_space<vmem>>
      %dma_start3A_450 = tpu.memref_squeeze %dma_start3A_449 : memref<1x128x128xf32, #tpu.memory_space<vmem>> -> memref<128x128xf32, #tpu.memory_space<vmem>>
      %dma_start3A_451 = arith.constant 0 : i32
      %dma_start3A_452 = tpu.memref_slice %arg7[%dma_start3A_445, %dma_start3A_451] : memref<8x128xi32, #tpu.memory_space<vmem>> -> memref<1x128xi32, #tpu.memory_space<vmem>>
      %dma_start3A_453 = tpu.memref_squeeze %dma_start3A_452 : memref<1x128xi32, #tpu.memory_space<vmem>> -> memref<128xi32, #tpu.memory_space<vmem>>
      %dma_start3A_454 = arith.constant 0 : i32
      %dma_start3A_455 = arith.constant 0 : i32
      %dma_start3A_456 = tpu.memref_slice %arg2[%dma_start3A_454, %dma_start3A_455] : memref<10112x128xf32, #tpu.memory_space<hbm>> -> memref<10112x128xf32, #tpu.memory_space<hbm>>
      tpu.enqueue_indirect_dma source(%dma_start3A_456 : memref<10112x128xf32, #tpu.memory_space<hbm>>) target(%dma_start3A_450 : memref<128x128xf32, #tpu.memory_space<vmem>>) offsets(%dma_start3A_453 : memref<128xi32, #tpu.memory_space<vmem>>) semaphore(%arg11 : memref<!tpu.dma_semaphore, #tpu.memory_space<semaphore_mem>>)
      %run_scoped3A_457 = arith.constant 0 : i32
      %run_scoped3A_458 = arith.constant 2 : i32
      "tpu.region"() ({
        %run_scoped3A_549 = tpu.sem_alloc : memref<!tpu.dma_semaphore, #tpu.memory_space<semaphore_mem>>
        %dma_start3A_550 = arith.constant 0 : i32
        %dma_start3A_551 = arith.constant 0 : i32
        %dma_start3A_552 = tpu.memref_slice %arg8[%run_scoped3A_457, %dma_start3A_550, %dma_start3A_551] : memref<2x128x128xf32, #tpu.memory_space<vmem>> -> memref<1x128x128xf32, #tpu.memory_space<vmem>>
        %dma_start3A_553 = tpu.memref_squeeze %dma_start3A_552 : memref<1x128x128xf32, #tpu.memory_space<vmem>> -> memref<128x128xf32, #tpu.memory_space<vmem>>
        %dma_start3A_554 = arith.constant 0 : i32
        %dma_start3A_555 = tpu.memref_slice %arg7[%run_scoped3A_458, %dma_start3A_554] : memref<8x128xi32, #tpu.memory_space<vmem>> -> memref<1x128xi32, #tpu.memory_space<vmem>>
        %dma_start3A_556 = tpu.memref_squeeze %dma_start3A_555 : memref<1x128xi32, #tpu.memory_space<vmem>> -> memref<128xi32, #tpu.memory_space<vmem>>
        %dma_start3A_557 = arith.constant 0 : i32
        %dma_start3A_558 = arith.constant 0 : i32
        %dma_start3A_559 = tpu.memref_slice %arg9[%dma_start3A_557, %dma_start3A_558] : memref<10112x128xf32, #tpu.memory_space<vmem_shared>> -> memref<10112x128xf32, #tpu.memory_space<vmem_shared>>
        tpu.enqueue_indirect_dma source(%dma_start3A_553 : memref<128x128xf32, #tpu.memory_space<vmem>>) target(%dma_start3A_559 : memref<10112x128xf32, #tpu.memory_space<vmem_shared>>) offsets(%dma_start3A_556 : memref<128xi32, #tpu.memory_space<vmem>>) semaphore(%run_scoped3A_549 : memref<!tpu.dma_semaphore, #tpu.memory_space<semaphore_mem>>) {add = true}
        %dma_wait3A_560 = arith.constant 0 : i32
        %dma_wait3A_561 = arith.constant 0 : i32
        %dma_wait3A_562 = tpu.memref_slice %arg8[%run_scoped3A_457, %dma_wait3A_560, %dma_wait3A_561] : memref<2x128x128xf32, #tpu.memory_space<vmem>> -> memref<1x128x128xf32, #tpu.memory_space<vmem>>
        %dma_wait3A_563 = tpu.memref_squeeze %dma_wait3A_562 : memref<1x128x128xf32, #tpu.memory_space<vmem>> -> memref<128x128xf32, #tpu.memory_space<vmem>>
        %dma_wait3A_564 = arith.constant 0 : i32
        %dma_wait3A_565 = tpu.memref_slice %arg7[%run_scoped3A_458, %dma_wait3A_564] : memref<8x128xi32, #tpu.memory_space<vmem>> -> memref<1x128xi32, #tpu.memory_space<vmem>>
        %dma_wait3A_566 = tpu.memref_squeeze %dma_wait3A_565 : memref<1x128xi32, #tpu.memory_space<vmem>> -> memref<128xi32, #tpu.memory_space<vmem>>
        %dma_wait3A_567 = arith.constant 0 : i32
        %dma_wait3A_568 = arith.constant 0 : i32
        %dma_wait3A_569 = tpu.memref_slice %arg9[%dma_wait3A_567, %dma_wait3A_568] : memref<10112x128xf32, #tpu.memory_space<vmem_shared>> -> memref<10112x128xf32, #tpu.memory_space<vmem_shared>>
        tpu.wait_indirect_dma semaphore(%run_scoped3A_549 : memref<!tpu.dma_semaphore, #tpu.memory_space<semaphore_mem>>) src(%dma_wait3A_563 : memref<128x128xf32, #tpu.memory_space<vmem>>) dst(%dma_wait3A_569 : memref<10112x128xf32, #tpu.memory_space<vmem_shared>>)
        tpu.yield
      }) : () -> ()
      %dma_wait3A_459 = arith.constant 1 : i32
      %dma_wait3A_460 = arith.constant 1 : i32
      %dma_wait3A_461 = arith.constant 0 : i32
      %dma_wait3A_462 = arith.constant 0 : i32
      %dma_wait3A_463 = tpu.memref_slice %arg8[%dma_wait3A_460, %dma_wait3A_461, %dma_wait3A_462] : memref<2x128x128xf32, #tpu.memory_space<vmem>> -> memref<1x128x128xf32, #tpu.memory_space<vmem>>
      %dma_wait3A_464 = tpu.memref_squeeze %dma_wait3A_463 : memref<1x128x128xf32, #tpu.memory_space<vmem>> -> memref<128x128xf32, #tpu.memory_space<vmem>>
      %dma_wait3A_465 = arith.constant 0 : i32
      %dma_wait3A_466 = tpu.memref_slice %arg7[%dma_wait3A_459, %dma_wait3A_465] : memref<8x128xi32, #tpu.memory_space<vmem>> -> memref<1x128xi32, #tpu.memory_space<vmem>>
      %dma_wait3A_467 = tpu.memref_squeeze %dma_wait3A_466 : memref<1x128xi32, #tpu.memory_space<vmem>> -> memref<128xi32, #tpu.memory_space<vmem>>
      %dma_wait3A_468 = arith.constant 0 : i32
      %dma_wait3A_469 = arith.constant 0 : i32
      %dma_wait3A_470 = tpu.memref_slice %arg2[%dma_wait3A_468, %dma_wait3A_469] : memref<10112x128xf32, #tpu.memory_space<hbm>> -> memref<10112x128xf32, #tpu.memory_space<hbm>>
      tpu.wait_indirect_dma semaphore(%arg11 : memref<!tpu.dma_semaphore, #tpu.memory_space<semaphore_mem>>) src(%dma_wait3A_470 : memref<10112x128xf32, #tpu.memory_space<hbm>>) dst(%dma_wait3A_464 : memref<128x128xf32, #tpu.memory_space<vmem>>)
      %dma_wait3A_471 = arith.constant 4 : i32
      %dma_wait3A_472 = arith.constant 0 : i32
      %dma_wait3A_473 = tpu.memref_slice %arg7[%dma_wait3A_471, %dma_wait3A_472] : memref<8x128xi32, #tpu.memory_space<vmem>> -> memref<2x128xi32, #tpu.memory_space<vmem>>
      %dma_wait3A_474 = arith.constant 0 : i32
      %dma_wait3A_475 = tpu.memref_slice %arg3[%add3A, %add3A_370, %dma_wait3A_474] : memref<32x112x128xi32, #tpu.memory_space<hbm>> -> memref<1x2x128xi32, #tpu.memory_space<hbm>>
      %dma_wait3A_476 = tpu.memref_squeeze %dma_wait3A_475 : memref<1x2x128xi32, #tpu.memory_space<hbm>> -> memref<2x128xi32, #tpu.memory_space<hbm>>
      %dma_wait3A_477 = arith.constant 4 : i32
      %dma_wait3A_478 = arith.constant 0 : i32
      %dma_wait3A_479 = tpu.memref_slice %arg7[%dma_wait3A_477, %dma_wait3A_478] : memref<8x128xi32, #tpu.memory_space<vmem>> -> memref<2x128xi32, #tpu.memory_space<vmem>>
      %dma_wait3A_480 = arith.constant 0 : i32
      %dma_wait3A_481 = tpu.memref_slice %arg3[%add3A, %add3A_370, %dma_wait3A_480] : memref<32x112x128xi32, #tpu.memory_space<hbm>> -> memref<1x2x128xi32, #tpu.memory_space<hbm>>
      %dma_wait3A_482 = tpu.memref_squeeze %dma_wait3A_481 : memref<1x2x128xi32, #tpu.memory_space<hbm>> -> memref<2x128xi32, #tpu.memory_space<hbm>>
      tpu.wait_dma2 semaphore(%arg13 : memref<!tpu.dma_semaphore, #tpu.memory_space<semaphore_mem>>) src(%dma_wait3A_482 : memref<2x128xi32, #tpu.memory_space<hbm>>) dst(%dma_wait3A_479 : memref<2x128xi32, #tpu.memory_space<vmem>>)
      %dma_wait3A_483 = arith.constant 6 : i32
      %dma_wait3A_484 = arith.constant 0 : i32
      %dma_wait3A_485 = tpu.memref_slice %arg7[%dma_wait3A_483, %dma_wait3A_484] : memref<8x128xi32, #tpu.memory_space<vmem>> -> memref<2x128xi32, #tpu.memory_space<vmem>>
      %dma_wait3A_486 = arith.constant 0 : i32
      %dma_wait3A_487 = tpu.memref_slice %arg4[%add3A, %add3A_384, %dma_wait3A_486] : memref<32x112x128xi32, #tpu.memory_space<hbm>> -> memref<1x2x128xi32, #tpu.memory_space<hbm>>
      %dma_wait3A_488 = tpu.memref_squeeze %dma_wait3A_487 : memref<1x2x128xi32, #tpu.memory_space<hbm>> -> memref<2x128xi32, #tpu.memory_space<hbm>>
      %dma_wait3A_489 = arith.constant 6 : i32
      %dma_wait3A_490 = arith.constant 0 : i32
      %dma_wait3A_491 = tpu.memref_slice %arg7[%dma_wait3A_489, %dma_wait3A_490] : memref<8x128xi32, #tpu.memory_space<vmem>> -> memref<2x128xi32, #tpu.memory_space<vmem>>
      %dma_wait3A_492 = arith.constant 0 : i32
      %dma_wait3A_493 = tpu.memref_slice %arg4[%add3A, %add3A_384, %dma_wait3A_492] : memref<32x112x128xi32, #tpu.memory_space<hbm>> -> memref<1x2x128xi32, #tpu.memory_space<hbm>>
      %dma_wait3A_494 = tpu.memref_squeeze %dma_wait3A_493 : memref<1x2x128xi32, #tpu.memory_space<hbm>> -> memref<2x128xi32, #tpu.memory_space<hbm>>
      tpu.wait_dma2 semaphore(%arg13 : memref<!tpu.dma_semaphore, #tpu.memory_space<semaphore_mem>>) src(%dma_wait3A_494 : memref<2x128xi32, #tpu.memory_space<hbm>>) dst(%dma_wait3A_491 : memref<2x128xi32, #tpu.memory_space<vmem>>)
      %dma_start3A_495 = arith.constant 4 : i32
      %dma_start3A_496 = arith.constant 0 : i32
      %dma_start3A_497 = arith.constant 0 : i32
      %dma_start3A_498 = arith.constant 0 : i32
      %dma_start3A_499 = tpu.memref_slice %arg8[%dma_start3A_496, %dma_start3A_497, %dma_start3A_498] : memref<2x128x128xf32, #tpu.memory_space<vmem>> -> memref<1x128x128xf32, #tpu.memory_space<vmem>>
      %dma_start3A_500 = tpu.memref_squeeze %dma_start3A_499 : memref<1x128x128xf32, #tpu.memory_space<vmem>> -> memref<128x128xf32, #tpu.memory_space<vmem>>
      %dma_start3A_501 = arith.constant 0 : i32
      %dma_start3A_502 = tpu.memref_slice %arg7[%dma_start3A_495, %dma_start3A_501] : memref<8x128xi32, #tpu.memory_space<vmem>> -> memref<1x128xi32, #tpu.memory_space<vmem>>
      %dma_start3A_503 = tpu.memref_squeeze %dma_start3A_502 : memref<1x128xi32, #tpu.memory_space<vmem>> -> memref<128xi32, #tpu.memory_space<vmem>>
      %dma_start3A_504 = arith.constant 0 : i32
      %dma_start3A_505 = arith.constant 0 : i32
      %dma_start3A_506 = tpu.memref_slice %arg2[%dma_start3A_504, %dma_start3A_505] : memref<10112x128xf32, #tpu.memory_space<hbm>> -> memref<10112x128xf32, #tpu.memory_space<hbm>>
      tpu.enqueue_indirect_dma source(%dma_start3A_506 : memref<10112x128xf32, #tpu.memory_space<hbm>>) target(%dma_start3A_500 : memref<128x128xf32, #tpu.memory_space<vmem>>) offsets(%dma_start3A_503 : memref<128xi32, #tpu.memory_space<vmem>>) semaphore(%arg10 : memref<!tpu.dma_semaphore, #tpu.memory_space<semaphore_mem>>)
      %run_scoped3A_507 = arith.constant 1 : i32
      %run_scoped3A_508 = arith.constant 3 : i32
      "tpu.region"() ({
        %run_scoped3A_549 = tpu.sem_alloc : memref<!tpu.dma_semaphore, #tpu.memory_space<semaphore_mem>>
        %dma_start3A_550 = arith.constant 0 : i32
        %dma_start3A_551 = arith.constant 0 : i32
        %dma_start3A_552 = tpu.memref_slice %arg8[%run_scoped3A_507, %dma_start3A_550, %dma_start3A_551] : memref<2x128x128xf32, #tpu.memory_space<vmem>> -> memref<1x128x128xf32, #tpu.memory_space<vmem>>
        %dma_start3A_553 = tpu.memref_squeeze %dma_start3A_552 : memref<1x128x128xf32, #tpu.memory_space<vmem>> -> memref<128x128xf32, #tpu.memory_space<vmem>>
        %dma_start3A_554 = arith.constant 0 : i32
        %dma_start3A_555 = tpu.memref_slice %arg7[%run_scoped3A_508, %dma_start3A_554] : memref<8x128xi32, #tpu.memory_space<vmem>> -> memref<1x128xi32, #tpu.memory_space<vmem>>
        %dma_start3A_556 = tpu.memref_squeeze %dma_start3A_555 : memref<1x128xi32, #tpu.memory_space<vmem>> -> memref<128xi32, #tpu.memory_space<vmem>>
        %dma_start3A_557 = arith.constant 0 : i32
        %dma_start3A_558 = arith.constant 0 : i32
        %dma_start3A_559 = tpu.memref_slice %arg9[%dma_start3A_557, %dma_start3A_558] : memref<10112x128xf32, #tpu.memory_space<vmem_shared>> -> memref<10112x128xf32, #tpu.memory_space<vmem_shared>>
        tpu.enqueue_indirect_dma source(%dma_start3A_553 : memref<128x128xf32, #tpu.memory_space<vmem>>) target(%dma_start3A_559 : memref<10112x128xf32, #tpu.memory_space<vmem_shared>>) offsets(%dma_start3A_556 : memref<128xi32, #tpu.memory_space<vmem>>) semaphore(%run_scoped3A_549 : memref<!tpu.dma_semaphore, #tpu.memory_space<semaphore_mem>>) {add = true}
        %dma_wait3A_560 = arith.constant 0 : i32
        %dma_wait3A_561 = arith.constant 0 : i32
        %dma_wait3A_562 = tpu.memref_slice %arg8[%run_scoped3A_507, %dma_wait3A_560, %dma_wait3A_561] : memref<2x128x128xf32, #tpu.memory_space<vmem>> -> memref<1x128x128xf32, #tpu.memory_space<vmem>>
        %dma_wait3A_563 = tpu.memref_squeeze %dma_wait3A_562 : memref<1x128x128xf32, #tpu.memory_space<vmem>> -> memref<128x128xf32, #tpu.memory_space<vmem>>
        %dma_wait3A_564 = arith.constant 0 : i32
        %dma_wait3A_565 = tpu.memref_slice %arg7[%run_scoped3A_508, %dma_wait3A_564] : memref<8x128xi32, #tpu.memory_space<vmem>> -> memref<1x128xi32, #tpu.memory_space<vmem>>
        %dma_wait3A_566 = tpu.memref_squeeze %dma_wait3A_565 : memref<1x128xi32, #tpu.memory_space<vmem>> -> memref<128xi32, #tpu.memory_space<vmem>>
        %dma_wait3A_567 = arith.constant 0 : i32
        %dma_wait3A_568 = arith.constant 0 : i32
        %dma_wait3A_569 = tpu.memref_slice %arg9[%dma_wait3A_567, %dma_wait3A_568] : memref<10112x128xf32, #tpu.memory_space<vmem_shared>> -> memref<10112x128xf32, #tpu.memory_space<vmem_shared>>
        tpu.wait_indirect_dma semaphore(%run_scoped3A_549 : memref<!tpu.dma_semaphore, #tpu.memory_space<semaphore_mem>>) src(%dma_wait3A_563 : memref<128x128xf32, #tpu.memory_space<vmem>>) dst(%dma_wait3A_569 : memref<10112x128xf32, #tpu.memory_space<vmem_shared>>)
        tpu.yield
      }) : () -> ()
      %dma_wait3A_509 = arith.constant 4 : i32
      %dma_wait3A_510 = arith.constant 0 : i32
      %dma_wait3A_511 = arith.constant 0 : i32
      %dma_wait3A_512 = arith.constant 0 : i32
      %dma_wait3A_513 = tpu.memref_slice %arg8[%dma_wait3A_510, %dma_wait3A_511, %dma_wait3A_512] : memref<2x128x128xf32, #tpu.memory_space<vmem>> -> memref<1x128x128xf32, #tpu.memory_space<vmem>>
      %dma_wait3A_514 = tpu.memref_squeeze %dma_wait3A_513 : memref<1x128x128xf32, #tpu.memory_space<vmem>> -> memref<128x128xf32, #tpu.memory_space<vmem>>
      %dma_wait3A_515 = arith.constant 0 : i32
      %dma_wait3A_516 = tpu.memref_slice %arg7[%dma_wait3A_509, %dma_wait3A_515] : memref<8x128xi32, #tpu.memory_space<vmem>> -> memref<1x128xi32, #tpu.memory_space<vmem>>
      %dma_wait3A_517 = tpu.memref_squeeze %dma_wait3A_516 : memref<1x128xi32, #tpu.memory_space<vmem>> -> memref<128xi32, #tpu.memory_space<vmem>>
      %dma_wait3A_518 = arith.constant 0 : i32
      %dma_wait3A_519 = arith.constant 0 : i32
      %dma_wait3A_520 = tpu.memref_slice %arg2[%dma_wait3A_518, %dma_wait3A_519] : memref<10112x128xf32, #tpu.memory_space<hbm>> -> memref<10112x128xf32, #tpu.memory_space<hbm>>
      tpu.wait_indirect_dma semaphore(%arg10 : memref<!tpu.dma_semaphore, #tpu.memory_space<semaphore_mem>>) src(%dma_wait3A_520 : memref<10112x128xf32, #tpu.memory_space<hbm>>) dst(%dma_wait3A_514 : memref<128x128xf32, #tpu.memory_space<vmem>>)
      %dma_start3A_521 = arith.constant 5 : i32
      %dma_start3A_522 = arith.constant 1 : i32
      %dma_start3A_523 = arith.constant 0 : i32
      %dma_start3A_524 = arith.constant 0 : i32
      %dma_start3A_525 = tpu.memref_slice %arg8[%dma_start3A_522, %dma_start3A_523, %dma_start3A_524] : memref<2x128x128xf32, #tpu.memory_space<vmem>> -> memref<1x128x128xf32, #tpu.memory_space<vmem>>
      %dma_start3A_526 = tpu.memref_squeeze %dma_start3A_525 : memref<1x128x128xf32, #tpu.memory_space<vmem>> -> memref<128x128xf32, #tpu.memory_space<vmem>>
      %dma_start3A_527 = arith.constant 0 : i32
      %dma_start3A_528 = tpu.memref_slice %arg7[%dma_start3A_521, %dma_start3A_527] : memref<8x128xi32, #tpu.memory_space<vmem>> -> memref<1x128xi32, #tpu.memory_space<vmem>>
      %dma_start3A_529 = tpu.memref_squeeze %dma_start3A_528 : memref<1x128xi32, #tpu.memory_space<vmem>> -> memref<128xi32, #tpu.memory_space<vmem>>
      %dma_start3A_530 = arith.constant 0 : i32
      %dma_start3A_531 = arith.constant 0 : i32
      %dma_start3A_532 = tpu.memref_slice %arg2[%dma_start3A_530, %dma_start3A_531] : memref<10112x128xf32, #tpu.memory_space<hbm>> -> memref<10112x128xf32, #tpu.memory_space<hbm>>
      tpu.enqueue_indirect_dma source(%dma_start3A_532 : memref<10112x128xf32, #tpu.memory_space<hbm>>) target(%dma_start3A_526 : memref<128x128xf32, #tpu.memory_space<vmem>>) offsets(%dma_start3A_529 : memref<128xi32, #tpu.memory_space<vmem>>) semaphore(%arg11 : memref<!tpu.dma_semaphore, #tpu.memory_space<semaphore_mem>>)
      %run_scoped3A_533 = arith.constant 0 : i32
      %run_scoped3A_534 = arith.constant 6 : i32
      "tpu.region"() ({
        %run_scoped3A_549 = tpu.sem_alloc : memref<!tpu.dma_semaphore, #tpu.memory_space<semaphore_mem>>
        %dma_start3A_550 = arith.constant 0 : i32
        %dma_start3A_551 = arith.constant 0 : i32
        %dma_start3A_552 = tpu.memref_slice %arg8[%run_scoped3A_533, %dma_start3A_550, %dma_start3A_551] : memref<2x128x128xf32, #tpu.memory_space<vmem>> -> memref<1x128x128xf32, #tpu.memory_space<vmem>>
        %dma_start3A_553 = tpu.memref_squeeze %dma_start3A_552 : memref<1x128x128xf32, #tpu.memory_space<vmem>> -> memref<128x128xf32, #tpu.memory_space<vmem>>
        %dma_start3A_554 = arith.constant 0 : i32
        %dma_start3A_555 = tpu.memref_slice %arg7[%run_scoped3A_534, %dma_start3A_554] : memref<8x128xi32, #tpu.memory_space<vmem>> -> memref<1x128xi32, #tpu.memory_space<vmem>>
        %dma_start3A_556 = tpu.memref_squeeze %dma_start3A_555 : memref<1x128xi32, #tpu.memory_space<vmem>> -> memref<128xi32, #tpu.memory_space<vmem>>
        %dma_start3A_557 = arith.constant 0 : i32
        %dma_start3A_558 = arith.constant 0 : i32
        %dma_start3A_559 = tpu.memref_slice %arg9[%dma_start3A_557, %dma_start3A_558] : memref<10112x128xf32, #tpu.memory_space<vmem_shared>> -> memref<10112x128xf32, #tpu.memory_space<vmem_shared>>
        tpu.enqueue_indirect_dma source(%dma_start3A_553 : memref<128x128xf32, #tpu.memory_space<vmem>>) target(%dma_start3A_559 : memref<10112x128xf32, #tpu.memory_space<vmem_shared>>) offsets(%dma_start3A_556 : memref<128xi32, #tpu.memory_space<vmem>>) semaphore(%run_scoped3A_549 : memref<!tpu.dma_semaphore, #tpu.memory_space<semaphore_mem>>) {add = true}
        %dma_wait3A_560 = arith.constant 0 : i32
        %dma_wait3A_561 = arith.constant 0 : i32
        %dma_wait3A_562 = tpu.memref_slice %arg8[%run_scoped3A_533, %dma_wait3A_560, %dma_wait3A_561] : memref<2x128x128xf32, #tpu.memory_space<vmem>> -> memref<1x128x128xf32, #tpu.memory_space<vmem>>
        %dma_wait3A_563 = tpu.memref_squeeze %dma_wait3A_562 : memref<1x128x128xf32, #tpu.memory_space<vmem>> -> memref<128x128xf32, #tpu.memory_space<vmem>>
        %dma_wait3A_564 = arith.constant 0 : i32
        %dma_wait3A_565 = tpu.memref_slice %arg7[%run_scoped3A_534, %dma_wait3A_564] : memref<8x128xi32, #tpu.memory_space<vmem>> -> memref<1x128xi32, #tpu.memory_space<vmem>>
        %dma_wait3A_566 = tpu.memref_squeeze %dma_wait3A_565 : memref<1x128xi32, #tpu.memory_space<vmem>> -> memref<128xi32, #tpu.memory_space<vmem>>
        %dma_wait3A_567 = arith.constant 0 : i32
        %dma_wait3A_568 = arith.constant 0 : i32
        %dma_wait3A_569 = tpu.memref_slice %arg9[%dma_wait3A_567, %dma_wait3A_568] : memref<10112x128xf32, #tpu.memory_space<vmem_shared>> -> memref<10112x128xf32, #tpu.memory_space<vmem_shared>>
        tpu.wait_indirect_dma semaphore(%run_scoped3A_549 : memref<!tpu.dma_semaphore, #tpu.memory_space<semaphore_mem>>) src(%dma_wait3A_563 : memref<128x128xf32, #tpu.memory_space<vmem>>) dst(%dma_wait3A_569 : memref<10112x128xf32, #tpu.memory_space<vmem_shared>>)
        tpu.yield
      }) : () -> ()
      %dma_wait3A_535 = arith.constant 5 : i32
      %dma_wait3A_536 = arith.constant 1 : i32
      %dma_wait3A_537 = arith.constant 0 : i32
      %dma_wait3A_538 = arith.constant 0 : i32
      %dma_wait3A_539 = tpu.memref_slice %arg8[%dma_wait3A_536, %dma_wait3A_537, %dma_wait3A_538] : memref<2x128x128xf32, #tpu.memory_space<vmem>> -> memref<1x128x128xf32, #tpu.memory_space<vmem>>
      %dma_wait3A_540 = tpu.memref_squeeze %dma_wait3A_539 : memref<1x128x128xf32, #tpu.memory_space<vmem>> -> memref<128x128xf32, #tpu.memory_space<vmem>>
      %dma_wait3A_541 = arith.constant 0 : i32
      %dma_wait3A_542 = tpu.memref_slice %arg7[%dma_wait3A_535, %dma_wait3A_541] : memref<8x128xi32, #tpu.memory_space<vmem>> -> memref<1x128xi32, #tpu.memory_space<vmem>>
      %dma_wait3A_543 = tpu.memref_squeeze %dma_wait3A_542 : memref<1x128xi32, #tpu.memory_space<vmem>> -> memref<128xi32, #tpu.memory_space<vmem>>
      %dma_wait3A_544 = arith.constant 0 : i32
      %dma_wait3A_545 = arith.constant 0 : i32
      %dma_wait3A_546 = tpu.memref_slice %arg2[%dma_wait3A_544, %dma_wait3A_545] : memref<10112x128xf32, #tpu.memory_space<hbm>> -> memref<10112x128xf32, #tpu.memory_space<hbm>>
      tpu.wait_indirect_dma semaphore(%arg11 : memref<!tpu.dma_semaphore, #tpu.memory_space<semaphore_mem>>) src(%dma_wait3A_546 : memref<10112x128xf32, #tpu.memory_space<hbm>>) dst(%dma_wait3A_540 : memref<128x128xf32, #tpu.memory_space<vmem>>)
      %run_scoped3A_547 = arith.constant 1 : i32
      %run_scoped3A_548 = arith.constant 7 : i32
      "tpu.region"() ({
        %run_scoped3A_549 = tpu.sem_alloc : memref<!tpu.dma_semaphore, #tpu.memory_space<semaphore_mem>>
        %dma_start3A_550 = arith.constant 0 : i32
        %dma_start3A_551 = arith.constant 0 : i32
        %dma_start3A_552 = tpu.memref_slice %arg8[%run_scoped3A_547, %dma_start3A_550, %dma_start3A_551] : memref<2x128x128xf32, #tpu.memory_space<vmem>> -> memref<1x128x128xf32, #tpu.memory_space<vmem>>
        %dma_start3A_553 = tpu.memref_squeeze %dma_start3A_552 : memref<1x128x128xf32, #tpu.memory_space<vmem>> -> memref<128x128xf32, #tpu.memory_space<vmem>>
        %dma_start3A_554 = arith.constant 0 : i32
        %dma_start3A_555 = tpu.memref_slice %arg7[%run_scoped3A_548, %dma_start3A_554] : memref<8x128xi32, #tpu.memory_space<vmem>> -> memref<1x128xi32, #tpu.memory_space<vmem>>
        %dma_start3A_556 = tpu.memref_squeeze %dma_start3A_555 : memref<1x128xi32, #tpu.memory_space<vmem>> -> memref<128xi32, #tpu.memory_space<vmem>>
        %dma_start3A_557 = arith.constant 0 : i32
        %dma_start3A_558 = arith.constant 0 : i32
        %dma_start3A_559 = tpu.memref_slice %arg9[%dma_start3A_557, %dma_start3A_558] : memref<10112x128xf32, #tpu.memory_space<vmem_shared>> -> memref<10112x128xf32, #tpu.memory_space<vmem_shared>>
        tpu.enqueue_indirect_dma source(%dma_start3A_553 : memref<128x128xf32, #tpu.memory_space<vmem>>) target(%dma_start3A_559 : memref<10112x128xf32, #tpu.memory_space<vmem_shared>>) offsets(%dma_start3A_556 : memref<128xi32, #tpu.memory_space<vmem>>) semaphore(%run_scoped3A_549 : memref<!tpu.dma_semaphore, #tpu.memory_space<semaphore_mem>>) {add = true}
        %dma_wait3A_560 = arith.constant 0 : i32
        %dma_wait3A_561 = arith.constant 0 : i32
        %dma_wait3A_562 = tpu.memref_slice %arg8[%run_scoped3A_547, %dma_wait3A_560, %dma_wait3A_561] : memref<2x128x128xf32, #tpu.memory_space<vmem>> -> memref<1x128x128xf32, #tpu.memory_space<vmem>>
        %dma_wait3A_563 = tpu.memref_squeeze %dma_wait3A_562 : memref<1x128x128xf32, #tpu.memory_space<vmem>> -> memref<128x128xf32, #tpu.memory_space<vmem>>
        %dma_wait3A_564 = arith.constant 0 : i32
        %dma_wait3A_565 = tpu.memref_slice %arg7[%run_scoped3A_548, %dma_wait3A_564] : memref<8x128xi32, #tpu.memory_space<vmem>> -> memref<1x128xi32, #tpu.memory_space<vmem>>
        %dma_wait3A_566 = tpu.memref_squeeze %dma_wait3A_565 : memref<1x128xi32, #tpu.memory_space<vmem>> -> memref<128xi32, #tpu.memory_space<vmem>>
        %dma_wait3A_567 = arith.constant 0 : i32
        %dma_wait3A_568 = arith.constant 0 : i32
        %dma_wait3A_569 = tpu.memref_slice %arg9[%dma_wait3A_567, %dma_wait3A_568] : memref<10112x128xf32, #tpu.memory_space<vmem_shared>> -> memref<10112x128xf32, #tpu.memory_space<vmem_shared>>
        tpu.wait_indirect_dma semaphore(%run_scoped3A_549 : memref<!tpu.dma_semaphore, #tpu.memory_space<semaphore_mem>>) src(%dma_wait3A_563 : memref<128x128xf32, #tpu.memory_space<vmem>>) dst(%dma_wait3A_569 : memref<10112x128xf32, #tpu.memory_space<vmem_shared>>)
        tpu.yield
      }) : () -> ()
    }
    %barrier3A_51 = arith.constant 0 : index
    tpu.barrier barrier_id(%barrier3A_51)
    %add3A_52 = arith.constant 0 : i32
    %add3A_53 = arith.addi %mul3A_2, %add3A_52 : i32
    %dma_start3A_54 = arith.constant 0 : i32
    %dma_start3A_55 = arith.constant 0 : i32
    %dma_start3A_56 = arith.constant 0 : i32
    %dma_start3A_57 = tpu.memref_slice %arg8[%dma_start3A_54, %dma_start3A_55, %dma_start3A_56] : memref<2x128x128xf32, #tpu.memory_space<vmem>> -> memref<1x128x128xf32, #tpu.memory_space<vmem>>
    %dma_start3A_58 = tpu.memref_squeeze %dma_start3A_57 : memref<1x128x128xf32, #tpu.memory_space<vmem>> -> memref<128x128xf32, #tpu.memory_space<vmem>>
    %dma_start3A_59 = arith.constant 0 : i32
    %dma_start3A_60 = tpu.memref_slice %arg9[%add3A_53, %dma_start3A_59] : memref<10112x128xf32, #tpu.memory_space<vmem_shared>> -> memref<128x128xf32, #tpu.memory_space<vmem_shared>>
    %dma_start3A_61 = arith.constant 0 : i32
    %dma_start3A_62 = arith.constant 0 : i32
    %dma_start3A_63 = tpu.memref_slice %arg8[%dma_start3A_54, %dma_start3A_61, %dma_start3A_62] : memref<2x128x128xf32, #tpu.memory_space<vmem>> -> memref<1x128x128xf32, #tpu.memory_space<vmem>>
    %dma_start3A_64 = tpu.memref_squeeze %dma_start3A_63 : memref<1x128x128xf32, #tpu.memory_space<vmem>> -> memref<128x128xf32, #tpu.memory_space<vmem>>
    %dma_start3A_65 = arith.constant 0 : i32
    %dma_start3A_66 = tpu.memref_slice %arg9[%add3A_53, %dma_start3A_65] : memref<10112x128xf32, #tpu.memory_space<vmem_shared>> -> memref<128x128xf32, #tpu.memory_space<vmem_shared>>
    tpu.enqueue_dma source(%dma_start3A_66 : memref<128x128xf32, #tpu.memory_space<vmem_shared>>) target(%dma_start3A_64 : memref<128x128xf32, #tpu.memory_space<vmem>>) target_semaphore(%arg14 : memref<!tpu.dma_semaphore, #tpu.memory_space<semaphore_mem>>)
    %dma_wait3A_67 = arith.constant 0 : i32
    %dma_wait3A_68 = arith.constant 0 : i32
    %dma_wait3A_69 = arith.constant 0 : i32
    %dma_wait3A_70 = tpu.memref_slice %arg8[%dma_wait3A_67, %dma_wait3A_68, %dma_wait3A_69] : memref<2x128x128xf32, #tpu.memory_space<vmem>> -> memref<1x128x128xf32, #tpu.memory_space<vmem>>
    %dma_wait3A_71 = tpu.memref_squeeze %dma_wait3A_70 : memref<1x128x128xf32, #tpu.memory_space<vmem>> -> memref<128x128xf32, #tpu.memory_space<vmem>>
    %dma_wait3A_72 = arith.constant 0 : i32
    %dma_wait3A_73 = tpu.memref_slice %arg9[%add3A_53, %dma_wait3A_72] : memref<10112x128xf32, #tpu.memory_space<vmem_shared>> -> memref<128x128xf32, #tpu.memory_space<vmem_shared>>
    %dma_wait3A_74 = arith.constant 0 : i32
    %dma_wait3A_75 = arith.constant 0 : i32
    %dma_wait3A_76 = tpu.memref_slice %arg8[%dma_wait3A_67, %dma_wait3A_74, %dma_wait3A_75] : memref<2x128x128xf32, #tpu.memory_space<vmem>> -> memref<1x128x128xf32, #tpu.memory_space<vmem>>
    %dma_wait3A_77 = tpu.memref_squeeze %dma_wait3A_76 : memref<1x128x128xf32, #tpu.memory_space<vmem>> -> memref<128x128xf32, #tpu.memory_space<vmem>>
    %dma_wait3A_78 = arith.constant 0 : i32
    %dma_wait3A_79 = tpu.memref_slice %arg9[%add3A_53, %dma_wait3A_78] : memref<10112x128xf32, #tpu.memory_space<vmem_shared>> -> memref<128x128xf32, #tpu.memory_space<vmem_shared>>
    tpu.wait_dma2 semaphore(%arg14 : memref<!tpu.dma_semaphore, #tpu.memory_space<semaphore_mem>>) src(%dma_wait3A_79 : memref<128x128xf32, #tpu.memory_space<vmem_shared>>) dst(%dma_wait3A_77 : memref<128x128xf32, #tpu.memory_space<vmem>>)
    %dma_start3A_80 = arith.constant 0 : i32
    %dma_start3A_81 = arith.constant 0 : i32
    %dma_start3A_82 = arith.constant 0 : i32
    %dma_start3A_83 = tpu.memref_slice %arg8[%dma_start3A_80, %dma_start3A_81, %dma_start3A_82] : memref<2x128x128xf32, #tpu.memory_space<vmem>> -> memref<1x128x128xf32, #tpu.memory_space<vmem>>
    %dma_start3A_84 = tpu.memref_squeeze %dma_start3A_83 : memref<1x128x128xf32, #tpu.memory_space<vmem>> -> memref<128x128xf32, #tpu.memory_space<vmem>>
    %dma_start3A_85 = arith.constant 0 : i32
    %dma_start3A_86 = tpu.memref_slice %arg6[%arg0, %add3A_53, %dma_start3A_85] : memref<2x10112x128xf32, #tpu.memory_space<hbm>> -> memref<1x128x128xf32, #tpu.memory_space<hbm>>
    %dma_start3A_87 = tpu.memref_squeeze %dma_start3A_86 : memref<1x128x128xf32, #tpu.memory_space<hbm>> -> memref<128x128xf32, #tpu.memory_space<hbm>>
    %dma_start3A_88 = arith.constant 0 : i32
    %dma_start3A_89 = tpu.memref_slice %arg6[%arg0, %add3A_53, %dma_start3A_88] : memref<2x10112x128xf32, #tpu.memory_space<hbm>> -> memref<1x128x128xf32, #tpu.memory_space<hbm>>
    %dma_start3A_90 = tpu.memref_squeeze %dma_start3A_89 : memref<1x128x128xf32, #tpu.memory_space<hbm>> -> memref<128x128xf32, #tpu.memory_space<hbm>>
    %dma_start3A_91 = arith.constant 0 : i32
    %dma_start3A_92 = arith.constant 0 : i32
    %dma_start3A_93 = tpu.memref_slice %arg8[%dma_start3A_80, %dma_start3A_91, %dma_start3A_92] : memref<2x128x128xf32, #tpu.memory_space<vmem>> -> memref<1x128x128xf32, #tpu.memory_space<vmem>>
    %dma_start3A_94 = tpu.memref_squeeze %dma_start3A_93 : memref<1x128x128xf32, #tpu.memory_space<vmem>> -> memref<128x128xf32, #tpu.memory_space<vmem>>
    tpu.enqueue_dma source(%dma_start3A_94 : memref<128x128xf32, #tpu.memory_space<vmem>>) target(%dma_start3A_90 : memref<128x128xf32, #tpu.memory_space<hbm>>) target_semaphore(%arg10 : memref<!tpu.dma_semaphore, #tpu.memory_space<semaphore_mem>>)
    %add3A_95 = arith.constant 128 : i32
    %add3A_96 = arith.addi %mul3A_2, %add3A_95 : i32
    %dma_start3A_97 = arith.constant 1 : i32
    %dma_start3A_98 = arith.constant 0 : i32
    %dma_start3A_99 = arith.constant 0 : i32
    %dma_start3A_100 = tpu.memref_slice %arg8[%dma_start3A_97, %dma_start3A_98, %dma_start3A_99] : memref<2x128x128xf32, #tpu.memory_space<vmem>> -> memref<1x128x128xf32, #tpu.memory_space<vmem>>
    %dma_start3A_101 = tpu.memref_squeeze %dma_start3A_100 : memref<1x128x128xf32, #tpu.memory_space<vmem>> -> memref<128x128xf32, #tpu.memory_space<vmem>>
    %dma_start3A_102 = arith.constant 0 : i32
    %dma_start3A_103 = tpu.memref_slice %arg9[%add3A_96, %dma_start3A_102] : memref<10112x128xf32, #tpu.memory_space<vmem_shared>> -> memref<128x128xf32, #tpu.memory_space<vmem_shared>>
    %dma_start3A_104 = arith.constant 0 : i32
    %dma_start3A_105 = arith.constant 0 : i32
    %dma_start3A_106 = tpu.memref_slice %arg8[%dma_start3A_97, %dma_start3A_104, %dma_start3A_105] : memref<2x128x128xf32, #tpu.memory_space<vmem>> -> memref<1x128x128xf32, #tpu.memory_space<vmem>>
    %dma_start3A_107 = tpu.memref_squeeze %dma_start3A_106 : memref<1x128x128xf32, #tpu.memory_space<vmem>> -> memref<128x128xf32, #tpu.memory_space<vmem>>
    %dma_start3A_108 = arith.constant 0 : i32
    %dma_start3A_109 = tpu.memref_slice %arg9[%add3A_96, %dma_start3A_108] : memref<10112x128xf32, #tpu.memory_space<vmem_shared>> -> memref<128x128xf32, #tpu.memory_space<vmem_shared>>
    tpu.enqueue_dma source(%dma_start3A_109 : memref<128x128xf32, #tpu.memory_space<vmem_shared>>) target(%dma_start3A_107 : memref<128x128xf32, #tpu.memory_space<vmem>>) target_semaphore(%arg14 : memref<!tpu.dma_semaphore, #tpu.memory_space<semaphore_mem>>)
    %dma_wait3A_110 = arith.constant 1 : i32
    %dma_wait3A_111 = arith.constant 0 : i32
    %dma_wait3A_112 = arith.constant 0 : i32
    %dma_wait3A_113 = tpu.memref_slice %arg8[%dma_wait3A_110, %dma_wait3A_111, %dma_wait3A_112] : memref<2x128x128xf32, #tpu.memory_space<vmem>> -> memref<1x128x128xf32, #tpu.memory_space<vmem>>
    %dma_wait3A_114 = tpu.memref_squeeze %dma_wait3A_113 : memref<1x128x128xf32, #tpu.memory_space<vmem>> -> memref<128x128xf32, #tpu.memory_space<vmem>>
    %dma_wait3A_115 = arith.constant 0 : i32
    %dma_wait3A_116 = tpu.memref_slice %arg9[%add3A_96, %dma_wait3A_115] : memref<10112x128xf32, #tpu.memory_space<vmem_shared>> -> memref<128x128xf32, #tpu.memory_space<vmem_shared>>
    %dma_wait3A_117 = arith.constant 0 : i32
    %dma_wait3A_118 = arith.constant 0 : i32
    %dma_wait3A_119 = tpu.memref_slice %arg8[%dma_wait3A_110, %dma_wait3A_117, %dma_wait3A_118] : memref<2x128x128xf32, #tpu.memory_space<vmem>> -> memref<1x128x128xf32, #tpu.memory_space<vmem>>
    %dma_wait3A_120 = tpu.memref_squeeze %dma_wait3A_119 : memref<1x128x128xf32, #tpu.memory_space<vmem>> -> memref<128x128xf32, #tpu.memory_space<vmem>>
    %dma_wait3A_121 = arith.constant 0 : i32
    %dma_wait3A_122 = tpu.memref_slice %arg9[%add3A_96, %dma_wait3A_121] : memref<10112x128xf32, #tpu.memory_space<vmem_shared>> -> memref<128x128xf32, #tpu.memory_space<vmem_shared>>
    tpu.wait_dma2 semaphore(%arg14 : memref<!tpu.dma_semaphore, #tpu.memory_space<semaphore_mem>>) src(%dma_wait3A_122 : memref<128x128xf32, #tpu.memory_space<vmem_shared>>) dst(%dma_wait3A_120 : memref<128x128xf32, #tpu.memory_space<vmem>>)
    %dma_start3A_123 = arith.constant 1 : i32
    %dma_start3A_124 = arith.constant 0 : i32
    %dma_start3A_125 = arith.constant 0 : i32
    %dma_start3A_126 = tpu.memref_slice %arg8[%dma_start3A_123, %dma_start3A_124, %dma_start3A_125] : memref<2x128x128xf32, #tpu.memory_space<vmem>> -> memref<1x128x128xf32, #tpu.memory_space<vmem>>
    %dma_start3A_127 = tpu.memref_squeeze %dma_start3A_126 : memref<1x128x128xf32, #tpu.memory_space<vmem>> -> memref<128x128xf32, #tpu.memory_space<vmem>>
    %dma_start3A_128 = arith.constant 0 : i32
    %dma_start3A_129 = tpu.memref_slice %arg6[%arg0, %add3A_96, %dma_start3A_128] : memref<2x10112x128xf32, #tpu.memory_space<hbm>> -> memref<1x128x128xf32, #tpu.memory_space<hbm>>
    %dma_start3A_130 = tpu.memref_squeeze %dma_start3A_129 : memref<1x128x128xf32, #tpu.memory_space<hbm>> -> memref<128x128xf32, #tpu.memory_space<hbm>>
    %dma_start3A_131 = arith.constant 0 : i32
    %dma_start3A_132 = tpu.memref_slice %arg6[%arg0, %add3A_96, %dma_start3A_131] : memref<2x10112x128xf32, #tpu.memory_space<hbm>> -> memref<1x128x128xf32, #tpu.memory_space<hbm>>
    %dma_start3A_133 = tpu.memref_squeeze %dma_start3A_132 : memref<1x128x128xf32, #tpu.memory_space<hbm>> -> memref<128x128xf32, #tpu.memory_space<hbm>>
    %dma_start3A_134 = arith.constant 0 : i32
    %dma_start3A_135 = arith.constant 0 : i32
    %dma_start3A_136 = tpu.memref_slice %arg8[%dma_start3A_123, %dma_start3A_134, %dma_start3A_135] : memref<2x128x128xf32, #tpu.memory_space<vmem>> -> memref<1x128x128xf32, #tpu.memory_space<vmem>>
    %dma_start3A_137 = tpu.memref_squeeze %dma_start3A_136 : memref<1x128x128xf32, #tpu.memory_space<vmem>> -> memref<128x128xf32, #tpu.memory_space<vmem>>
    tpu.enqueue_dma source(%dma_start3A_137 : memref<128x128xf32, #tpu.memory_space<vmem>>) target(%dma_start3A_133 : memref<128x128xf32, #tpu.memory_space<hbm>>) target_semaphore(%arg11 : memref<!tpu.dma_semaphore, #tpu.memory_space<semaphore_mem>>)
    %add3A_138 = arith.constant 256 : i32
    %add3A_139 = arith.addi %mul3A_2, %add3A_138 : i32
    %dma_wait3A_140 = arith.constant 0 : i32
    %dma_wait3A_141 = arith.constant 0 : i32
    %dma_wait3A_142 = arith.constant 0 : i32
    %dma_wait3A_143 = tpu.memref_slice %arg8[%dma_wait3A_140, %dma_wait3A_141, %dma_wait3A_142] : memref<2x128x128xf32, #tpu.memory_space<vmem>> -> memref<1x128x128xf32, #tpu.memory_space<vmem>>
    %dma_wait3A_144 = tpu.memref_squeeze %dma_wait3A_143 : memref<1x128x128xf32, #tpu.memory_space<vmem>> -> memref<128x128xf32, #tpu.memory_space<vmem>>
    %dma_wait3A_145 = arith.constant 0 : i32
    %dma_wait3A_146 = tpu.memref_slice %arg6[%arg0, %add3A_53, %dma_wait3A_145] : memref<2x10112x128xf32, #tpu.memory_space<hbm>> -> memref<1x128x128xf32, #tpu.memory_space<hbm>>
    %dma_wait3A_147 = tpu.memref_squeeze %dma_wait3A_146 : memref<1x128x128xf32, #tpu.memory_space<hbm>> -> memref<128x128xf32, #tpu.memory_space<hbm>>
    %dma_wait3A_148 = arith.constant 0 : i32
    %dma_wait3A_149 = tpu.memref_slice %arg6[%arg0, %add3A_53, %dma_wait3A_148] : memref<2x10112x128xf32, #tpu.memory_space<hbm>> -> memref<1x128x128xf32, #tpu.memory_space<hbm>>
    %dma_wait3A_150 = tpu.memref_squeeze %dma_wait3A_149 : memref<1x128x128xf32, #tpu.memory_space<hbm>> -> memref<128x128xf32, #tpu.memory_space<hbm>>
    %dma_wait3A_151 = arith.constant 0 : i32
    %dma_wait3A_152 = arith.constant 0 : i32
    %dma_wait3A_153 = tpu.memref_slice %arg8[%dma_wait3A_140, %dma_wait3A_151, %dma_wait3A_152] : memref<2x128x128xf32, #tpu.memory_space<vmem>> -> memref<1x128x128xf32, #tpu.memory_space<vmem>>
    %dma_wait3A_154 = tpu.memref_squeeze %dma_wait3A_153 : memref<1x128x128xf32, #tpu.memory_space<vmem>> -> memref<128x128xf32, #tpu.memory_space<vmem>>
    tpu.wait_dma2 semaphore(%arg10 : memref<!tpu.dma_semaphore, #tpu.memory_space<semaphore_mem>>) src(%dma_wait3A_154 : memref<128x128xf32, #tpu.memory_space<vmem>>) dst(%dma_wait3A_150 : memref<128x128xf32, #tpu.memory_space<hbm>>)
    %dma_start3A_155 = arith.constant 0 : i32
    %dma_start3A_156 = arith.constant 0 : i32
    %dma_start3A_157 = arith.constant 0 : i32
    %dma_start3A_158 = tpu.memref_slice %arg8[%dma_start3A_155, %dma_start3A_156, %dma_start3A_157] : memref<2x128x128xf32, #tpu.memory_space<vmem>> -> memref<1x128x128xf32, #tpu.memory_space<vmem>>
    %dma_start3A_159 = tpu.memref_squeeze %dma_start3A_158 : memref<1x128x128xf32, #tpu.memory_space<vmem>> -> memref<128x128xf32, #tpu.memory_space<vmem>>
    %dma_start3A_160 = arith.constant 0 : i32
    %dma_start3A_161 = tpu.memref_slice %arg9[%add3A_139, %dma_start3A_160] : memref<10112x128xf32, #tpu.memory_space<vmem_shared>> -> memref<128x128xf32, #tpu.memory_space<vmem_shared>>
    %dma_start3A_162 = arith.constant 0 : i32
    %dma_start3A_163 = arith.constant 0 : i32
    %dma_start3A_164 = tpu.memref_slice %arg8[%dma_start3A_155, %dma_start3A_162, %dma_start3A_163] : memref<2x128x128xf32, #tpu.memory_space<vmem>> -> memref<1x128x128xf32, #tpu.memory_space<vmem>>
    %dma_start3A_165 = tpu.memref_squeeze %dma_start3A_164 : memref<1x128x128xf32, #tpu.memory_space<vmem>> -> memref<128x128xf32, #tpu.memory_space<vmem>>
    %dma_start3A_166 = arith.constant 0 : i32
    %dma_start3A_167 = tpu.memref_slice %arg9[%add3A_139, %dma_start3A_166] : memref<10112x128xf32, #tpu.memory_space<vmem_shared>> -> memref<128x128xf32, #tpu.memory_space<vmem_shared>>
    tpu.enqueue_dma source(%dma_start3A_167 : memref<128x128xf32, #tpu.memory_space<vmem_shared>>) target(%dma_start3A_165 : memref<128x128xf32, #tpu.memory_space<vmem>>) target_semaphore(%arg14 : memref<!tpu.dma_semaphore, #tpu.memory_space<semaphore_mem>>)
    %dma_wait3A_168 = arith.constant 0 : i32
    %dma_wait3A_169 = arith.constant 0 : i32
    %dma_wait3A_170 = arith.constant 0 : i32
    %dma_wait3A_171 = tpu.memref_slice %arg8[%dma_wait3A_168, %dma_wait3A_169, %dma_wait3A_170] : memref<2x128x128xf32, #tpu.memory_space<vmem>> -> memref<1x128x128xf32, #tpu.memory_space<vmem>>
    %dma_wait3A_172 = tpu.memref_squeeze %dma_wait3A_171 : memref<1x128x128xf32, #tpu.memory_space<vmem>> -> memref<128x128xf32, #tpu.memory_space<vmem>>
    %dma_wait3A_173 = arith.constant 0 : i32
    %dma_wait3A_174 = tpu.memref_slice %arg9[%add3A_139, %dma_wait3A_173] : memref<10112x128xf32, #tpu.memory_space<vmem_shared>> -> memref<128x128xf32, #tpu.memory_space<vmem_shared>>
    %dma_wait3A_175 = arith.constant 0 : i32
    %dma_wait3A_176 = arith.constant 0 : i32
    %dma_wait3A_177 = tpu.memref_slice %arg8[%dma_wait3A_168, %dma_wait3A_175, %dma_wait3A_176] : memref<2x128x128xf32, #tpu.memory_space<vmem>> -> memref<1x128x128xf32, #tpu.memory_space<vmem>>
    %dma_wait3A_178 = tpu.memref_squeeze %dma_wait3A_177 : memref<1x128x128xf32, #tpu.memory_space<vmem>> -> memref<128x128xf32, #tpu.memory_space<vmem>>
    %dma_wait3A_179 = arith.constant 0 : i32
    %dma_wait3A_180 = tpu.memref_slice %arg9[%add3A_139, %dma_wait3A_179] : memref<10112x128xf32, #tpu.memory_space<vmem_shared>> -> memref<128x128xf32, #tpu.memory_space<vmem_shared>>
    tpu.wait_dma2 semaphore(%arg14 : memref<!tpu.dma_semaphore, #tpu.memory_space<semaphore_mem>>) src(%dma_wait3A_180 : memref<128x128xf32, #tpu.memory_space<vmem_shared>>) dst(%dma_wait3A_178 : memref<128x128xf32, #tpu.memory_space<vmem>>)
    %dma_start3A_181 = arith.constant 0 : i32
    %dma_start3A_182 = arith.constant 0 : i32
    %dma_start3A_183 = arith.constant 0 : i32
    %dma_start3A_184 = tpu.memref_slice %arg8[%dma_start3A_181, %dma_start3A_182, %dma_start3A_183] : memref<2x128x128xf32, #tpu.memory_space<vmem>> -> memref<1x128x128xf32, #tpu.memory_space<vmem>>
    %dma_start3A_185 = tpu.memref_squeeze %dma_start3A_184 : memref<1x128x128xf32, #tpu.memory_space<vmem>> -> memref<128x128xf32, #tpu.memory_space<vmem>>
    %dma_start3A_186 = arith.constant 0 : i32
    %dma_start3A_187 = tpu.memref_slice %arg6[%arg0, %add3A_139, %dma_start3A_186] : memref<2x10112x128xf32, #tpu.memory_space<hbm>> -> memref<1x128x128xf32, #tpu.memory_space<hbm>>
    %dma_start3A_188 = tpu.memref_squeeze %dma_start3A_187 : memref<1x128x128xf32, #tpu.memory_space<hbm>> -> memref<128x128xf32, #tpu.memory_space<hbm>>
    %dma_start3A_189 = arith.constant 0 : i32
    %dma_start3A_190 = tpu.memref_slice %arg6[%arg0, %add3A_139, %dma_start3A_189] : memref<2x10112x128xf32, #tpu.memory_space<hbm>> -> memref<1x128x128xf32, #tpu.memory_space<hbm>>
    %dma_start3A_191 = tpu.memref_squeeze %dma_start3A_190 : memref<1x128x128xf32, #tpu.memory_space<hbm>> -> memref<128x128xf32, #tpu.memory_space<hbm>>
    %dma_start3A_192 = arith.constant 0 : i32
    %dma_start3A_193 = arith.constant 0 : i32
    %dma_start3A_194 = tpu.memref_slice %arg8[%dma_start3A_181, %dma_start3A_192, %dma_start3A_193] : memref<2x128x128xf32, #tpu.memory_space<vmem>> -> memref<1x128x128xf32, #tpu.memory_space<vmem>>
    %dma_start3A_195 = tpu.memref_squeeze %dma_start3A_194 : memref<1x128x128xf32, #tpu.memory_space<vmem>> -> memref<128x128xf32, #tpu.memory_space<vmem>>
    tpu.enqueue_dma source(%dma_start3A_195 : memref<128x128xf32, #tpu.memory_space<vmem>>) target(%dma_start3A_191 : memref<128x128xf32, #tpu.memory_space<hbm>>) target_semaphore(%arg10 : memref<!tpu.dma_semaphore, #tpu.memory_space<semaphore_mem>>)
    %add3A_196 = arith.constant 384 : i32
    %add3A_197 = arith.addi %mul3A_2, %add3A_196 : i32
    %dma_wait3A_198 = arith.constant 1 : i32
    %dma_wait3A_199 = arith.constant 0 : i32
    %dma_wait3A_200 = arith.constant 0 : i32
    %dma_wait3A_201 = tpu.memref_slice %arg8[%dma_wait3A_198, %dma_wait3A_199, %dma_wait3A_200] : memref<2x128x128xf32, #tpu.memory_space<vmem>> -> memref<1x128x128xf32, #tpu.memory_space<vmem>>
    %dma_wait3A_202 = tpu.memref_squeeze %dma_wait3A_201 : memref<1x128x128xf32, #tpu.memory_space<vmem>> -> memref<128x128xf32, #tpu.memory_space<vmem>>
    %dma_wait3A_203 = arith.constant 0 : i32
    %dma_wait3A_204 = tpu.memref_slice %arg6[%arg0, %add3A_96, %dma_wait3A_203] : memref<2x10112x128xf32, #tpu.memory_space<hbm>> -> memref<1x128x128xf32, #tpu.memory_space<hbm>>
    %dma_wait3A_205 = tpu.memref_squeeze %dma_wait3A_204 : memref<1x128x128xf32, #tpu.memory_space<hbm>> -> memref<128x128xf32, #tpu.memory_space<hbm>>
    %dma_wait3A_206 = arith.constant 0 : i32
    %dma_wait3A_207 = tpu.memref_slice %arg6[%arg0, %add3A_96, %dma_wait3A_206] : memref<2x10112x128xf32, #tpu.memory_space<hbm>> -> memref<1x128x128xf32, #tpu.memory_space<hbm>>
    %dma_wait3A_208 = tpu.memref_squeeze %dma_wait3A_207 : memref<1x128x128xf32, #tpu.memory_space<hbm>> -> memref<128x128xf32, #tpu.memory_space<hbm>>
    %dma_wait3A_209 = arith.constant 0 : i32
    %dma_wait3A_210 = arith.constant 0 : i32
    %dma_wait3A_211 = tpu.memref_slice %arg8[%dma_wait3A_198, %dma_wait3A_209, %dma_wait3A_210] : memref<2x128x128xf32, #tpu.memory_space<vmem>> -> memref<1x128x128xf32, #tpu.memory_space<vmem>>
    %dma_wait3A_212 = tpu.memref_squeeze %dma_wait3A_211 : memref<1x128x128xf32, #tpu.memory_space<vmem>> -> memref<128x128xf32, #tpu.memory_space<vmem>>
    tpu.wait_dma2 semaphore(%arg11 : memref<!tpu.dma_semaphore, #tpu.memory_space<semaphore_mem>>) src(%dma_wait3A_212 : memref<128x128xf32, #tpu.memory_space<vmem>>) dst(%dma_wait3A_208 : memref<128x128xf32, #tpu.memory_space<hbm>>)
    %dma_start3A_213 = arith.constant 1 : i32
    %dma_start3A_214 = arith.constant 0 : i32
    %dma_start3A_215 = arith.constant 0 : i32
    %dma_start3A_216 = tpu.memref_slice %arg8[%dma_start3A_213, %dma_start3A_214, %dma_start3A_215] : memref<2x128x128xf32, #tpu.memory_space<vmem>> -> memref<1x128x128xf32, #tpu.memory_space<vmem>>
    %dma_start3A_217 = tpu.memref_squeeze %dma_start3A_216 : memref<1x128x128xf32, #tpu.memory_space<vmem>> -> memref<128x128xf32, #tpu.memory_space<vmem>>
    %dma_start3A_218 = arith.constant 0 : i32
    %dma_start3A_219 = tpu.memref_slice %arg9[%add3A_197, %dma_start3A_218] : memref<10112x128xf32, #tpu.memory_space<vmem_shared>> -> memref<128x128xf32, #tpu.memory_space<vmem_shared>>
    %dma_start3A_220 = arith.constant 0 : i32
    %dma_start3A_221 = arith.constant 0 : i32
    %dma_start3A_222 = tpu.memref_slice %arg8[%dma_start3A_213, %dma_start3A_220, %dma_start3A_221] : memref<2x128x128xf32, #tpu.memory_space<vmem>> -> memref<1x128x128xf32, #tpu.memory_space<vmem>>
    %dma_start3A_223 = tpu.memref_squeeze %dma_start3A_222 : memref<1x128x128xf32, #tpu.memory_space<vmem>> -> memref<128x128xf32, #tpu.memory_space<vmem>>
    %dma_start3A_224 = arith.constant 0 : i32
    %dma_start3A_225 = tpu.memref_slice %arg9[%add3A_197, %dma_start3A_224] : memref<10112x128xf32, #tpu.memory_space<vmem_shared>> -> memref<128x128xf32, #tpu.memory_space<vmem_shared>>
    tpu.enqueue_dma source(%dma_start3A_225 : memref<128x128xf32, #tpu.memory_space<vmem_shared>>) target(%dma_start3A_223 : memref<128x128xf32, #tpu.memory_space<vmem>>) target_semaphore(%arg14 : memref<!tpu.dma_semaphore, #tpu.memory_space<semaphore_mem>>)
    %dma_wait3A_226 = arith.constant 1 : i32
    %dma_wait3A_227 = arith.constant 0 : i32
    %dma_wait3A_228 = arith.constant 0 : i32
    %dma_wait3A_229 = tpu.memref_slice %arg8[%dma_wait3A_226, %dma_wait3A_227, %dma_wait3A_228] : memref<2x128x128xf32, #tpu.memory_space<vmem>> -> memref<1x128x128xf32, #tpu.memory_space<vmem>>
    %dma_wait3A_230 = tpu.memref_squeeze %dma_wait3A_229 : memref<1x128x128xf32, #tpu.memory_space<vmem>> -> memref<128x128xf32, #tpu.memory_space<vmem>>
    %dma_wait3A_231 = arith.constant 0 : i32
    %dma_wait3A_232 = tpu.memref_slice %arg9[%add3A_197, %dma_wait3A_231] : memref<10112x128xf32, #tpu.memory_space<vmem_shared>> -> memref<128x128xf32, #tpu.memory_space<vmem_shared>>
    %dma_wait3A_233 = arith.constant 0 : i32
    %dma_wait3A_234 = arith.constant 0 : i32
    %dma_wait3A_235 = tpu.memref_slice %arg8[%dma_wait3A_226, %dma_wait3A_233, %dma_wait3A_234] : memref<2x128x128xf32, #tpu.memory_space<vmem>> -> memref<1x128x128xf32, #tpu.memory_space<vmem>>
    %dma_wait3A_236 = tpu.memref_squeeze %dma_wait3A_235 : memref<1x128x128xf32, #tpu.memory_space<vmem>> -> memref<128x128xf32, #tpu.memory_space<vmem>>
    %dma_wait3A_237 = arith.constant 0 : i32
    %dma_wait3A_238 = tpu.memref_slice %arg9[%add3A_197, %dma_wait3A_237] : memref<10112x128xf32, #tpu.memory_space<vmem_shared>> -> memref<128x128xf32, #tpu.memory_space<vmem_shared>>
    tpu.wait_dma2 semaphore(%arg14 : memref<!tpu.dma_semaphore, #tpu.memory_space<semaphore_mem>>) src(%dma_wait3A_238 : memref<128x128xf32, #tpu.memory_space<vmem_shared>>) dst(%dma_wait3A_236 : memref<128x128xf32, #tpu.memory_space<vmem>>)
    %dma_start3A_239 = arith.constant 1 : i32
    %dma_start3A_240 = arith.constant 0 : i32
    %dma_start3A_241 = arith.constant 0 : i32
    %dma_start3A_242 = tpu.memref_slice %arg8[%dma_start3A_239, %dma_start3A_240, %dma_start3A_241] : memref<2x128x128xf32, #tpu.memory_space<vmem>> -> memref<1x128x128xf32, #tpu.memory_space<vmem>>
    %dma_start3A_243 = tpu.memref_squeeze %dma_start3A_242 : memref<1x128x128xf32, #tpu.memory_space<vmem>> -> memref<128x128xf32, #tpu.memory_space<vmem>>
    %dma_start3A_244 = arith.constant 0 : i32
    %dma_start3A_245 = tpu.memref_slice %arg6[%arg0, %add3A_197, %dma_start3A_244] : memref<2x10112x128xf32, #tpu.memory_space<hbm>> -> memref<1x128x128xf32, #tpu.memory_space<hbm>>
    %dma_start3A_246 = tpu.memref_squeeze %dma_start3A_245 : memref<1x128x128xf32, #tpu.memory_space<hbm>> -> memref<128x128xf32, #tpu.memory_space<hbm>>
    %dma_start3A_247 = arith.constant 0 : i32
    %dma_start3A_248 = tpu.memref_slice %arg6[%arg0, %add3A_197, %dma_start3A_247] : memref<2x10112x128xf32, #tpu.memory_space<hbm>> -> memref<1x128x128xf32, #tpu.memory_space<hbm>>
    %dma_start3A_249 = tpu.memref_squeeze %dma_start3A_248 : memref<1x128x128xf32, #tpu.memory_space<hbm>> -> memref<128x128xf32, #tpu.memory_space<hbm>>
    %dma_start3A_250 = arith.constant 0 : i32
    %dma_start3A_251 = arith.constant 0 : i32
    %dma_start3A_252 = tpu.memref_slice %arg8[%dma_start3A_239, %dma_start3A_250, %dma_start3A_251] : memref<2x128x128xf32, #tpu.memory_space<vmem>> -> memref<1x128x128xf32, #tpu.memory_space<vmem>>
    %dma_start3A_253 = tpu.memref_squeeze %dma_start3A_252 : memref<1x128x128xf32, #tpu.memory_space<vmem>> -> memref<128x128xf32, #tpu.memory_space<vmem>>
    tpu.enqueue_dma source(%dma_start3A_253 : memref<128x128xf32, #tpu.memory_space<vmem>>) target(%dma_start3A_249 : memref<128x128xf32, #tpu.memory_space<hbm>>) target_semaphore(%arg11 : memref<!tpu.dma_semaphore, #tpu.memory_space<semaphore_mem>>)
    %add3A_254 = arith.constant 512 : i32
    %add3A_255 = arith.addi %mul3A_2, %add3A_254 : i32
    %dma_wait3A_256 = arith.constant 0 : i32
    %dma_wait3A_257 = arith.constant 0 : i32
    %dma_wait3A_258 = arith.constant 0 : i32
    %dma_wait3A_259 = tpu.memref_slice %arg8[%dma_wait3A_256, %dma_wait3A_257, %dma_wait3A_258] : memref<2x128x128xf32, #tpu.memory_space<vmem>> -> memref<1x128x128xf32, #tpu.memory_space<vmem>>
    %dma_wait3A_260 = tpu.memref_squeeze %dma_wait3A_259 : memref<1x128x128xf32, #tpu.memory_space<vmem>> -> memref<128x128xf32, #tpu.memory_space<vmem>>
    %dma_wait3A_261 = arith.constant 0 : i32
    %dma_wait3A_262 = tpu.memref_slice %arg6[%arg0, %add3A_139, %dma_wait3A_261] : memref<2x10112x128xf32, #tpu.memory_space<hbm>> -> memref<1x128x128xf32, #tpu.memory_space<hbm>>
    %dma_wait3A_263 = tpu.memref_squeeze %dma_wait3A_262 : memref<1x128x128xf32, #tpu.memory_space<hbm>> -> memref<128x128xf32, #tpu.memory_space<hbm>>
    %dma_wait3A_264 = arith.constant 0 : i32
    %dma_wait3A_265 = tpu.memref_slice %arg6[%arg0, %add3A_139, %dma_wait3A_264] : memref<2x10112x128xf32, #tpu.memory_space<hbm>> -> memref<1x128x128xf32, #tpu.memory_space<hbm>>
    %dma_wait3A_266 = tpu.memref_squeeze %dma_wait3A_265 : memref<1x128x128xf32, #tpu.memory_space<hbm>> -> memref<128x128xf32, #tpu.memory_space<hbm>>
    %dma_wait3A_267 = arith.constant 0 : i32
    %dma_wait3A_268 = arith.constant 0 : i32
    %dma_wait3A_269 = tpu.memref_slice %arg8[%dma_wait3A_256, %dma_wait3A_267, %dma_wait3A_268] : memref<2x128x128xf32, #tpu.memory_space<vmem>> -> memref<1x128x128xf32, #tpu.memory_space<vmem>>
    %dma_wait3A_270 = tpu.memref_squeeze %dma_wait3A_269 : memref<1x128x128xf32, #tpu.memory_space<vmem>> -> memref<128x128xf32, #tpu.memory_space<vmem>>
    tpu.wait_dma2 semaphore(%arg10 : memref<!tpu.dma_semaphore, #tpu.memory_space<semaphore_mem>>) src(%dma_wait3A_270 : memref<128x128xf32, #tpu.memory_space<vmem>>) dst(%dma_wait3A_266 : memref<128x128xf32, #tpu.memory_space<hbm>>)
    %dma_start3A_271 = arith.constant 0 : i32
    %dma_start3A_272 = arith.constant 0 : i32
    %dma_start3A_273 = arith.constant 0 : i32
    %dma_start3A_274 = tpu.memref_slice %arg8[%dma_start3A_271, %dma_start3A_272, %dma_start3A_273] : memref<2x128x128xf32, #tpu.memory_space<vmem>> -> memref<1x120x128xf32, #tpu.memory_space<vmem>>
    %dma_start3A_275 = tpu.memref_squeeze %dma_start3A_274 : memref<1x120x128xf32, #tpu.memory_space<vmem>> -> memref<120x128xf32, #tpu.memory_space<vmem>>
    %dma_start3A_276 = arith.constant 0 : i32
    %dma_start3A_277 = tpu.memref_slice %arg9[%add3A_255, %dma_start3A_276] : memref<10112x128xf32, #tpu.memory_space<vmem_shared>> -> memref<120x128xf32, #tpu.memory_space<vmem_shared>>
    %dma_start3A_278 = arith.constant 0 : i32
    %dma_start3A_279 = arith.constant 0 : i32
    %dma_start3A_280 = tpu.memref_slice %arg8[%dma_start3A_271, %dma_start3A_278, %dma_start3A_279] : memref<2x128x128xf32, #tpu.memory_space<vmem>> -> memref<1x120x128xf32, #tpu.memory_space<vmem>>
    %dma_start3A_281 = tpu.memref_squeeze %dma_start3A_280 : memref<1x120x128xf32, #tpu.memory_space<vmem>> -> memref<120x128xf32, #tpu.memory_space<vmem>>
    %dma_start3A_282 = arith.constant 0 : i32
    %dma_start3A_283 = tpu.memref_slice %arg9[%add3A_255, %dma_start3A_282] : memref<10112x128xf32, #tpu.memory_space<vmem_shared>> -> memref<120x128xf32, #tpu.memory_space<vmem_shared>>
    tpu.enqueue_dma source(%dma_start3A_283 : memref<120x128xf32, #tpu.memory_space<vmem_shared>>) target(%dma_start3A_281 : memref<120x128xf32, #tpu.memory_space<vmem>>) target_semaphore(%arg14 : memref<!tpu.dma_semaphore, #tpu.memory_space<semaphore_mem>>)
    %dma_wait3A_284 = arith.constant 0 : i32
    %dma_wait3A_285 = arith.constant 0 : i32
    %dma_wait3A_286 = arith.constant 0 : i32
    %dma_wait3A_287 = tpu.memref_slice %arg8[%dma_wait3A_284, %dma_wait3A_285, %dma_wait3A_286] : memref<2x128x128xf32, #tpu.memory_space<vmem>> -> memref<1x120x128xf32, #tpu.memory_space<vmem>>
    %dma_wait3A_288 = tpu.memref_squeeze %dma_wait3A_287 : memref<1x120x128xf32, #tpu.memory_space<vmem>> -> memref<120x128xf32, #tpu.memory_space<vmem>>
    %dma_wait3A_289 = arith.constant 0 : i32
    %dma_wait3A_290 = tpu.memref_slice %arg9[%add3A_255, %dma_wait3A_289] : memref<10112x128xf32, #tpu.memory_space<vmem_shared>> -> memref<120x128xf32, #tpu.memory_space<vmem_shared>>
    %dma_wait3A_291 = arith.constant 0 : i32
    %dma_wait3A_292 = arith.constant 0 : i32
    %dma_wait3A_293 = tpu.memref_slice %arg8[%dma_wait3A_284, %dma_wait3A_291, %dma_wait3A_292] : memref<2x128x128xf32, #tpu.memory_space<vmem>> -> memref<1x120x128xf32, #tpu.memory_space<vmem>>
    %dma_wait3A_294 = tpu.memref_squeeze %dma_wait3A_293 : memref<1x120x128xf32, #tpu.memory_space<vmem>> -> memref<120x128xf32, #tpu.memory_space<vmem>>
    %dma_wait3A_295 = arith.constant 0 : i32
    %dma_wait3A_296 = tpu.memref_slice %arg9[%add3A_255, %dma_wait3A_295] : memref<10112x128xf32, #tpu.memory_space<vmem_shared>> -> memref<120x128xf32, #tpu.memory_space<vmem_shared>>
    tpu.wait_dma2 semaphore(%arg14 : memref<!tpu.dma_semaphore, #tpu.memory_space<semaphore_mem>>) src(%dma_wait3A_296 : memref<120x128xf32, #tpu.memory_space<vmem_shared>>) dst(%dma_wait3A_294 : memref<120x128xf32, #tpu.memory_space<vmem>>)
    %dma_start3A_297 = arith.constant 0 : i32
    %dma_start3A_298 = arith.constant 0 : i32
    %dma_start3A_299 = arith.constant 0 : i32
    %dma_start3A_300 = tpu.memref_slice %arg8[%dma_start3A_297, %dma_start3A_298, %dma_start3A_299] : memref<2x128x128xf32, #tpu.memory_space<vmem>> -> memref<1x120x128xf32, #tpu.memory_space<vmem>>
    %dma_start3A_301 = tpu.memref_squeeze %dma_start3A_300 : memref<1x120x128xf32, #tpu.memory_space<vmem>> -> memref<120x128xf32, #tpu.memory_space<vmem>>
    %dma_start3A_302 = arith.constant 0 : i32
    %dma_start3A_303 = tpu.memref_slice %arg6[%arg0, %add3A_255, %dma_start3A_302] : memref<2x10112x128xf32, #tpu.memory_space<hbm>> -> memref<1x120x128xf32, #tpu.memory_space<hbm>>
    %dma_start3A_304 = tpu.memref_squeeze %dma_start3A_303 : memref<1x120x128xf32, #tpu.memory_space<hbm>> -> memref<120x128xf32, #tpu.memory_space<hbm>>
    %dma_start3A_305 = arith.constant 0 : i32
    %dma_start3A_306 = tpu.memref_slice %arg6[%arg0, %add3A_255, %dma_start3A_305] : memref<2x10112x128xf32, #tpu.memory_space<hbm>> -> memref<1x120x128xf32, #tpu.memory_space<hbm>>
    %dma_start3A_307 = tpu.memref_squeeze %dma_start3A_306 : memref<1x120x128xf32, #tpu.memory_space<hbm>> -> memref<120x128xf32, #tpu.memory_space<hbm>>
    %dma_start3A_308 = arith.constant 0 : i32
    %dma_start3A_309 = arith.constant 0 : i32
    %dma_start3A_310 = tpu.memref_slice %arg8[%dma_start3A_297, %dma_start3A_308, %dma_start3A_309] : memref<2x128x128xf32, #tpu.memory_space<vmem>> -> memref<1x120x128xf32, #tpu.memory_space<vmem>>
    %dma_start3A_311 = tpu.memref_squeeze %dma_start3A_310 : memref<1x120x128xf32, #tpu.memory_space<vmem>> -> memref<120x128xf32, #tpu.memory_space<vmem>>
    tpu.enqueue_dma source(%dma_start3A_311 : memref<120x128xf32, #tpu.memory_space<vmem>>) target(%dma_start3A_307 : memref<120x128xf32, #tpu.memory_space<hbm>>) target_semaphore(%arg10 : memref<!tpu.dma_semaphore, #tpu.memory_space<semaphore_mem>>)
    %dma_wait3A_312 = arith.constant 0 : i32
    %dma_wait3A_313 = arith.constant 0 : i32
    %dma_wait3A_314 = arith.constant 0 : i32
    %dma_wait3A_315 = tpu.memref_slice %arg8[%dma_wait3A_312, %dma_wait3A_313, %dma_wait3A_314] : memref<2x128x128xf32, #tpu.memory_space<vmem>> -> memref<1x120x128xf32, #tpu.memory_space<vmem>>
    %dma_wait3A_316 = tpu.memref_squeeze %dma_wait3A_315 : memref<1x120x128xf32, #tpu.memory_space<vmem>> -> memref<120x128xf32, #tpu.memory_space<vmem>>
    %dma_wait3A_317 = arith.constant 0 : i32
    %dma_wait3A_318 = tpu.memref_slice %arg6[%arg0, %add3A_255, %dma_wait3A_317] : memref<2x10112x128xf32, #tpu.memory_space<hbm>> -> memref<1x120x128xf32, #tpu.memory_space<hbm>>
    %dma_wait3A_319 = tpu.memref_squeeze %dma_wait3A_318 : memref<1x120x128xf32, #tpu.memory_space<hbm>> -> memref<120x128xf32, #tpu.memory_space<hbm>>
    %dma_wait3A_320 = arith.constant 0 : i32
    %dma_wait3A_321 = tpu.memref_slice %arg6[%arg0, %add3A_255, %dma_wait3A_320] : memref<2x10112x128xf32, #tpu.memory_space<hbm>> -> memref<1x120x128xf32, #tpu.memory_space<hbm>>
    %dma_wait3A_322 = tpu.memref_squeeze %dma_wait3A_321 : memref<1x120x128xf32, #tpu.memory_space<hbm>> -> memref<120x128xf32, #tpu.memory_space<hbm>>
    %dma_wait3A_323 = arith.constant 0 : i32
    %dma_wait3A_324 = arith.constant 0 : i32
    %dma_wait3A_325 = tpu.memref_slice %arg8[%dma_wait3A_312, %dma_wait3A_323, %dma_wait3A_324] : memref<2x128x128xf32, #tpu.memory_space<vmem>> -> memref<1x120x128xf32, #tpu.memory_space<vmem>>
    %dma_wait3A_326 = tpu.memref_squeeze %dma_wait3A_325 : memref<1x120x128xf32, #tpu.memory_space<vmem>> -> memref<120x128xf32, #tpu.memory_space<vmem>>
    tpu.wait_dma2 semaphore(%arg10 : memref<!tpu.dma_semaphore, #tpu.memory_space<semaphore_mem>>) src(%dma_wait3A_326 : memref<120x128xf32, #tpu.memory_space<vmem>>) dst(%dma_wait3A_322 : memref<120x128xf32, #tpu.memory_space<hbm>>)
    %dma_wait3A_327 = arith.constant 1 : i32
    %dma_wait3A_328 = arith.constant 0 : i32
    %dma_wait3A_329 = arith.constant 0 : i32
    %dma_wait3A_330 = tpu.memref_slice %arg8[%dma_wait3A_327, %dma_wait3A_328, %dma_wait3A_329] : memref<2x128x128xf32, #tpu.memory_space<vmem>> -> memref<1x128x128xf32, #tpu.memory_space<vmem>>
    %dma_wait3A_331 = tpu.memref_squeeze %dma_wait3A_330 : memref<1x128x128xf32, #tpu.memory_space<vmem>> -> memref<128x128xf32, #tpu.memory_space<vmem>>
    %dma_wait3A_332 = arith.constant 0 : i32
    %dma_wait3A_333 = tpu.memref_slice %arg6[%arg0, %add3A_197, %dma_wait3A_332] : memref<2x10112x128xf32, #tpu.memory_space<hbm>> -> memref<1x128x128xf32, #tpu.memory_space<hbm>>
    %dma_wait3A_334 = tpu.memref_squeeze %dma_wait3A_333 : memref<1x128x128xf32, #tpu.memory_space<hbm>> -> memref<128x128xf32, #tpu.memory_space<hbm>>
    %dma_wait3A_335 = arith.constant 0 : i32
    %dma_wait3A_336 = tpu.memref_slice %arg6[%arg0, %add3A_197, %dma_wait3A_335] : memref<2x10112x128xf32, #tpu.memory_space<hbm>> -> memref<1x128x128xf32, #tpu.memory_space<hbm>>
    %dma_wait3A_337 = tpu.memref_squeeze %dma_wait3A_336 : memref<1x128x128xf32, #tpu.memory_space<hbm>> -> memref<128x128xf32, #tpu.memory_space<hbm>>
    %dma_wait3A_338 = arith.constant 0 : i32
    %dma_wait3A_339 = arith.constant 0 : i32
    %dma_wait3A_340 = tpu.memref_slice %arg8[%dma_wait3A_327, %dma_wait3A_338, %dma_wait3A_339] : memref<2x128x128xf32, #tpu.memory_space<vmem>> -> memref<1x128x128xf32, #tpu.memory_space<vmem>>
    %dma_wait3A_341 = tpu.memref_squeeze %dma_wait3A_340 : memref<1x128x128xf32, #tpu.memory_space<vmem>> -> memref<128x128xf32, #tpu.memory_space<vmem>>
    tpu.wait_dma2 semaphore(%arg11 : memref<!tpu.dma_semaphore, #tpu.memory_space<semaphore_mem>>) src(%dma_wait3A_341 : memref<128x128xf32, #tpu.memory_space<vmem>>) dst(%dma_wait3A_337 : memref<128x128xf32, #tpu.memory_space<hbm>>)
    return
  }
}

#map = affine_map<(d0, d1) -> (0, 0)>
#map1 = affine_map<(d0, d1) -> (0, 0, 0)>
module attributes {stable_mosaic.version = 14 : i64} {
  func.func @agg(%arg0: i32, %arg1: i32, %arg2: memref<10112x128xf32, #tpu.memory_space<hbm>>, %arg3: memref<32x112x128xi32, #tpu.memory_space<hbm>>, %arg4: memref<32x112x128xi32, #tpu.memory_space<hbm>>, %arg5: memref<128x128xf32, #tpu.memory_space<hbm>>, %arg6: memref<2x10112x128xf32, #tpu.memory_space<hbm>>, %arg7: memref<8x128xi32, #tpu.memory_space<vmem>>, %arg8: memref<2x128x128xf32, #tpu.memory_space<vmem>>, %arg9: memref<10112x128xf32, #tpu.memory_space<vmem_shared>>, %arg10: memref<!tpu.dma_semaphore, #tpu.memory_space<semaphore_mem>>, %arg11: memref<!tpu.dma_semaphore, #tpu.memory_space<semaphore_mem>>, %arg12: memref<!tpu.dma_semaphore, #tpu.memory_space<semaphore_mem>>, %arg13: memref<!tpu.dma_semaphore, #tpu.memory_space<semaphore_mem>>, %arg14: memref<!tpu.dma_semaphore, #tpu.memory_space<semaphore_mem>>) attributes {dimension_semantics = [#tpu.dimension_semantics<core_parallel>, #tpu.dimension_semantics<subcore_parallel>], iteration_bounds = array<i64: 2, 16>, scalar_prefetch = 0 : i64, scratch_operands = 8 : i64, tpu.core_type = #tpu.core_type<sc_vector_subcore>, window_params = [{transform_indices = #map}, {transform_indices = #map1}, {transform_indices = #map1}, {transform_indices = #map}, {transform_indices = #map1}]} {
    %mul3A = arith.constant 2 : i32
    %mul3A_0 = arith.muli %arg1, %mul3A : i32
    %add3A = arith.addi %mul3A_0, %arg0 : i32
    %mul3A_1 = arith.constant 632 : i32
    %mul3A_2 = arith.muli %arg1, %mul3A_1 : i32
    %dma_start3A = arith.constant 0 : i32
    %dma_start3A_3 = arith.constant 0 : i32
    %dma_start3A_4 = arith.constant 0 : i32
    %dma_start3A_5 = tpu.memref_slice %arg8[%dma_start3A, %dma_start3A_3, %dma_start3A_4] : memref<2x128x128xf32, #tpu.memory_space<vmem>> -> memref<1x128x128xf32, #tpu.memory_space<vmem>>
    %dma_start3A_6 = tpu.memref_squeeze %dma_start3A_5 : memref<1x128x128xf32, #tpu.memory_space<vmem>> -> memref<128x128xf32, #tpu.memory_space<vmem>>
    %dma_start3A_7 = arith.constant 0 : i32
    %dma_start3A_8 = arith.constant 0 : i32
    %dma_start3A_9 = tpu.memref_slice %arg8[%dma_start3A, %dma_start3A_7, %dma_start3A_8] : memref<2x128x128xf32, #tpu.memory_space<vmem>> -> memref<1x128x128xf32, #tpu.memory_space<vmem>>
    %dma_start3A_10 = tpu.memref_squeeze %dma_start3A_9 : memref<1x128x128xf32, #tpu.memory_space<vmem>> -> memref<128x128xf32, #tpu.memory_space<vmem>>
    tpu.enqueue_dma source(%arg5 : memref<128x128xf32, #tpu.memory_space<hbm>>) target(%dma_start3A_10 : memref<128x128xf32, #tpu.memory_space<vmem>>) target_semaphore(%arg14 : memref<!tpu.dma_semaphore, #tpu.memory_space<semaphore_mem>>)
    %dma_wait3A = arith.constant 0 : i32
    %dma_wait3A_11 = arith.constant 0 : i32
    %dma_wait3A_12 = arith.constant 0 : i32
    %dma_wait3A_13 = tpu.memref_slice %arg8[%dma_wait3A, %dma_wait3A_11, %dma_wait3A_12] : memref<2x128x128xf32, #tpu.memory_space<vmem>> -> memref<1x128x128xf32, #tpu.memory_space<vmem>>
    %dma_wait3A_14 = tpu.memref_squeeze %dma_wait3A_13 : memref<1x128x128xf32, #tpu.memory_space<vmem>> -> memref<128x128xf32, #tpu.memory_space<vmem>>
    %dma_wait3A_15 = arith.constant 0 : i32
    %dma_wait3A_16 = arith.constant 0 : i32
    %dma_wait3A_17 = tpu.memref_slice %arg8[%dma_wait3A, %dma_wait3A_15, %dma_wait3A_16] : memref<2x128x128xf32, #tpu.memory_space<vmem>> -> memref<1x128x128xf32, #tpu.memory_space<vmem>>
    %dma_wait3A_18 = tpu.memref_squeeze %dma_wait3A_17 : memref<1x128x128xf32, #tpu.memory_space<vmem>> -> memref<128x128xf32, #tpu.memory_space<vmem>>
    tpu.wait_dma2 semaphore(%arg14 : memref<!tpu.dma_semaphore, #tpu.memory_space<semaphore_mem>>) src(%arg5 : memref<128x128xf32, #tpu.memory_space<hbm>>) dst(%dma_wait3A_18 : memref<128x128xf32, #tpu.memory_space<vmem>>)
    %add3A_19 = arith.constant 0 : i32
    %add3A_20 = arith.addi %mul3A_2, %add3A_19 : i32
    %run_scoped3A = arith.constant 0 : i32
    "tpu.region"() ({
      %run_scoped3A_342 = tpu.sem_alloc : memref<!tpu.dma_semaphore, #tpu.memory_space<semaphore_mem>>
      %dma_start3A_343 = arith.constant 0 : i32
      %dma_start3A_344 = arith.constant 0 : i32
      %dma_start3A_345 = tpu.memref_slice %arg8[%run_scoped3A, %dma_start3A_343, %dma_start3A_344] : memref<2x128x128xf32, #tpu.memory_space<vmem>> -> memref<1x128x128xf32, #tpu.memory_space<vmem>>
      %dma_start3A_346 = tpu.memref_squeeze %dma_start3A_345 : memref<1x128x128xf32, #tpu.memory_space<vmem>> -> memref<128x128xf32, #tpu.memory_space<vmem>>
      %dma_start3A_347 = arith.constant 0 : i32
      %dma_start3A_348 = tpu.memref_slice %arg9[%add3A_20, %dma_start3A_347] : memref<10112x128xf32, #tpu.memory_space<vmem_shared>> -> memref<128x128xf32, #tpu.memory_space<vmem_shared>>
      %dma_start3A_349 = arith.constant 0 : i32
      %dma_start3A_350 = tpu.memref_slice %arg9[%add3A_20, %dma_start3A_349] : memref<10112x128xf32, #tpu.memory_space<vmem_shared>> -> memref<128x128xf32, #tpu.memory_space<vmem_shared>>
      %dma_start3A_351 = arith.constant 0 : i32
      %dma_start3A_352 = arith.constant 0 : i32
      %dma_start3A_353 = tpu.memref_slice %arg8[%run_scoped3A, %dma_start3A_351, %dma_start3A_352] : memref<2x128x128xf32, #tpu.memory_space<vmem>> -> memref<1x128x128xf32, #tpu.memory_space<vmem>>
      %dma_start3A_354 = tpu.memref_squeeze %dma_start3A_353 : memref<1x128x128xf32, #tpu.memory_space<vmem>> -> memref<128x128xf32, #tpu.memory_space<vmem>>
      tpu.enqueue_dma source(%dma_start3A_354 : memref<128x128xf32, #tpu.memory_space<vmem>>) target(%dma_start3A_350 : memref<128x128xf32, #tpu.memory_space<vmem_shared>>) target_semaphore(%run_scoped3A_342 : memref<!tpu.dma_semaphore, #tpu.memory_space<semaphore_mem>>)
      %dma_wait3A_355 = arith.constant 0 : i32
      %dma_wait3A_356 = arith.constant 0 : i32
      %dma_wait3A_357 = tpu.memref_slice %arg8[%run_scoped3A, %dma_wait3A_355, %dma_wait3A_356] : memref<2x128x128xf32, #tpu.memory_space<vmem>> -> memref<1x128x128xf32, #tpu.memory_space<vmem>>
      %dma_wait3A_358 = tpu.memref_squeeze %dma_wait3A_357 : memref<1x128x128xf32, #tpu.memory_space<vmem>> -> memref<128x128xf32, #tpu.memory_space<vmem>>
      %dma_wait3A_359 = arith.constant 0 : i32
      %dma_wait3A_360 = tpu.memref_slice %arg9[%add3A_20, %dma_wait3A_359] : memref<10112x128xf32, #tpu.memory_space<vmem_shared>> -> memref<128x128xf32, #tpu.memory_space<vmem_shared>>
      %dma_wait3A_361 = arith.constant 0 : i32
      %dma_wait3A_362 = tpu.memref_slice %arg9[%add3A_20, %dma_wait3A_361] : memref<10112x128xf32, #tpu.memory_space<vmem_shared>> -> memref<128x128xf32, #tpu.memory_space<vmem_shared>>
      %dma_wait3A_363 = arith.constant 0 : i32
      %dma_wait3A_364 = arith.constant 0 : i32
      %dma_wait3A_365 = tpu.memref_slice %arg8[%run_scoped3A, %dma_wait3A_363, %dma_wait3A_364] : memref<2x128x128xf32, #tpu.memory_space<vmem>> -> memref<1x128x128xf32, #tpu.memory_space<vmem>>
      %dma_wait3A_366 = tpu.memref_squeeze %dma_wait3A_365 : memref<1x128x128xf32, #tpu.memory_space<vmem>> -> memref<128x128xf32, #tpu.memory_space<vmem>>
      tpu.wait_dma2 semaphore(%run_scoped3A_342 : memref<!tpu.dma_semaphore, #tpu.memory_space<semaphore_mem>>) src(%dma_wait3A_366 : memref<128x128xf32, #tpu.memory_space<vmem>>) dst(%dma_wait3A_362 : memref<128x128xf32, #tpu.memory_space<vmem_shared>>)
      tpu.yield
    }) : () -> ()
    %add3A_21 = arith.constant 128 : i32
    %add3A_22 = arith.addi %mul3A_2, %add3A_21 : i32
    %run_scoped3A_23 = arith.constant 0 : i32
    "tpu.region"() ({
      %run_scoped3A_342 = tpu.sem_alloc : memref<!tpu.dma_semaphore, #tpu.memory_space<semaphore_mem>>
      %dma_start3A_343 = arith.constant 0 : i32
      %dma_start3A_344 = arith.constant 0 : i32
      %dma_start3A_345 = tpu.memref_slice %arg8[%run_scoped3A_23, %dma_start3A_343, %dma_start3A_344] : memref<2x128x128xf32, #tpu.memory_space<vmem>> -> memref<1x128x128xf32, #tpu.memory_space<vmem>>
      %dma_start3A_346 = tpu.memref_squeeze %dma_start3A_345 : memref<1x128x128xf32, #tpu.memory_space<vmem>> -> memref<128x128xf32, #tpu.memory_space<vmem>>
      %dma_start3A_347 = arith.constant 0 : i32
      %dma_start3A_348 = tpu.memref_slice %arg9[%add3A_22, %dma_start3A_347] : memref<10112x128xf32, #tpu.memory_space<vmem_shared>> -> memref<128x128xf32, #tpu.memory_space<vmem_shared>>
      %dma_start3A_349 = arith.constant 0 : i32
      %dma_start3A_350 = tpu.memref_slice %arg9[%add3A_22, %dma_start3A_349] : memref<10112x128xf32, #tpu.memory_space<vmem_shared>> -> memref<128x128xf32, #tpu.memory_space<vmem_shared>>
      %dma_start3A_351 = arith.constant 0 : i32
      %dma_start3A_352 = arith.constant 0 : i32
      %dma_start3A_353 = tpu.memref_slice %arg8[%run_scoped3A_23, %dma_start3A_351, %dma_start3A_352] : memref<2x128x128xf32, #tpu.memory_space<vmem>> -> memref<1x128x128xf32, #tpu.memory_space<vmem>>
      %dma_start3A_354 = tpu.memref_squeeze %dma_start3A_353 : memref<1x128x128xf32, #tpu.memory_space<vmem>> -> memref<128x128xf32, #tpu.memory_space<vmem>>
      tpu.enqueue_dma source(%dma_start3A_354 : memref<128x128xf32, #tpu.memory_space<vmem>>) target(%dma_start3A_350 : memref<128x128xf32, #tpu.memory_space<vmem_shared>>) target_semaphore(%run_scoped3A_342 : memref<!tpu.dma_semaphore, #tpu.memory_space<semaphore_mem>>)
      %dma_wait3A_355 = arith.constant 0 : i32
      %dma_wait3A_356 = arith.constant 0 : i32
      %dma_wait3A_357 = tpu.memref_slice %arg8[%run_scoped3A_23, %dma_wait3A_355, %dma_wait3A_356] : memref<2x128x128xf32, #tpu.memory_space<vmem>> -> memref<1x128x128xf32, #tpu.memory_space<vmem>>
      %dma_wait3A_358 = tpu.memref_squeeze %dma_wait3A_357 : memref<1x128x128xf32, #tpu.memory_space<vmem>> -> memref<128x128xf32, #tpu.memory_space<vmem>>
      %dma_wait3A_359 = arith.constant 0 : i32
      %dma_wait3A_360 = tpu.memref_slice %arg9[%add3A_22, %dma_wait3A_359] : memref<10112x128xf32, #tpu.memory_space<vmem_shared>> -> memref<128x128xf32, #tpu.memory_space<vmem_shared>>
      %dma_wait3A_361 = arith.constant 0 : i32
      %dma_wait3A_362 = tpu.memref_slice %arg9[%add3A_22, %dma_wait3A_361] : memref<10112x128xf32, #tpu.memory_space<vmem_shared>> -> memref<128x128xf32, #tpu.memory_space<vmem_shared>>
      %dma_wait3A_363 = arith.constant 0 : i32
      %dma_wait3A_364 = arith.constant 0 : i32
      %dma_wait3A_365 = tpu.memref_slice %arg8[%run_scoped3A_23, %dma_wait3A_363, %dma_wait3A_364] : memref<2x128x128xf32, #tpu.memory_space<vmem>> -> memref<1x128x128xf32, #tpu.memory_space<vmem>>
      %dma_wait3A_366 = tpu.memref_squeeze %dma_wait3A_365 : memref<1x128x128xf32, #tpu.memory_space<vmem>> -> memref<128x128xf32, #tpu.memory_space<vmem>>
      tpu.wait_dma2 semaphore(%run_scoped3A_342 : memref<!tpu.dma_semaphore, #tpu.memory_space<semaphore_mem>>) src(%dma_wait3A_366 : memref<128x128xf32, #tpu.memory_space<vmem>>) dst(%dma_wait3A_362 : memref<128x128xf32, #tpu.memory_space<vmem_shared>>)
      tpu.yield
    }) : () -> ()
    %add3A_24 = arith.constant 256 : i32
    %add3A_25 = arith.addi %mul3A_2, %add3A_24 : i32
    %run_scoped3A_26 = arith.constant 0 : i32
    "tpu.region"() ({
      %run_scoped3A_342 = tpu.sem_alloc : memref<!tpu.dma_semaphore, #tpu.memory_space<semaphore_mem>>
      %dma_start3A_343 = arith.constant 0 : i32
      %dma_start3A_344 = arith.constant 0 : i32
      %dma_start3A_345 = tpu.memref_slice %arg8[%run_scoped3A_26, %dma_start3A_343, %dma_start3A_344] : memref<2x128x128xf32, #tpu.memory_space<vmem>> -> memref<1x128x128xf32, #tpu.memory_space<vmem>>
      %dma_start3A_346 = tpu.memref_squeeze %dma_start3A_345 : memref<1x128x128xf32, #tpu.memory_space<vmem>> -> memref<128x128xf32, #tpu.memory_space<vmem>>
      %dma_start3A_347 = arith.constant 0 : i32
      %dma_start3A_348 = tpu.memref_slice %arg9[%add3A_25, %dma_start3A_347] : memref<10112x128xf32, #tpu.memory_space<vmem_shared>> -> memref<128x128xf32, #tpu.memory_space<vmem_shared>>
      %dma_start3A_349 = arith.constant 0 : i32
      %dma_start3A_350 = tpu.memref_slice %arg9[%add3A_25, %dma_start3A_349] : memref<10112x128xf32, #tpu.memory_space<vmem_shared>> -> memref<128x128xf32, #tpu.memory_space<vmem_shared>>
      %dma_start3A_351 = arith.constant 0 : i32
      %dma_start3A_352 = arith.constant 0 : i32
      %dma_start3A_353 = tpu.memref_slice %arg8[%run_scoped3A_26, %dma_start3A_351, %dma_start3A_352] : memref<2x128x128xf32, #tpu.memory_space<vmem>> -> memref<1x128x128xf32, #tpu.memory_space<vmem>>
      %dma_start3A_354 = tpu.memref_squeeze %dma_start3A_353 : memref<1x128x128xf32, #tpu.memory_space<vmem>> -> memref<128x128xf32, #tpu.memory_space<vmem>>
      tpu.enqueue_dma source(%dma_start3A_354 : memref<128x128xf32, #tpu.memory_space<vmem>>) target(%dma_start3A_350 : memref<128x128xf32, #tpu.memory_space<vmem_shared>>) target_semaphore(%run_scoped3A_342 : memref<!tpu.dma_semaphore, #tpu.memory_space<semaphore_mem>>)
      %dma_wait3A_355 = arith.constant 0 : i32
      %dma_wait3A_356 = arith.constant 0 : i32
      %dma_wait3A_357 = tpu.memref_slice %arg8[%run_scoped3A_26, %dma_wait3A_355, %dma_wait3A_356] : memref<2x128x128xf32, #tpu.memory_space<vmem>> -> memref<1x128x128xf32, #tpu.memory_space<vmem>>
      %dma_wait3A_358 = tpu.memref_squeeze %dma_wait3A_357 : memref<1x128x128xf32, #tpu.memory_space<vmem>> -> memref<128x128xf32, #tpu.memory_space<vmem>>
      %dma_wait3A_359 = arith.constant 0 : i32
      %dma_wait3A_360 = tpu.memref_slice %arg9[%add3A_25, %dma_wait3A_359] : memref<10112x128xf32, #tpu.memory_space<vmem_shared>> -> memref<128x128xf32, #tpu.memory_space<vmem_shared>>
      %dma_wait3A_361 = arith.constant 0 : i32
      %dma_wait3A_362 = tpu.memref_slice %arg9[%add3A_25, %dma_wait3A_361] : memref<10112x128xf32, #tpu.memory_space<vmem_shared>> -> memref<128x128xf32, #tpu.memory_space<vmem_shared>>
      %dma_wait3A_363 = arith.constant 0 : i32
      %dma_wait3A_364 = arith.constant 0 : i32
      %dma_wait3A_365 = tpu.memref_slice %arg8[%run_scoped3A_26, %dma_wait3A_363, %dma_wait3A_364] : memref<2x128x128xf32, #tpu.memory_space<vmem>> -> memref<1x128x128xf32, #tpu.memory_space<vmem>>
      %dma_wait3A_366 = tpu.memref_squeeze %dma_wait3A_365 : memref<1x128x128xf32, #tpu.memory_space<vmem>> -> memref<128x128xf32, #tpu.memory_space<vmem>>
      tpu.wait_dma2 semaphore(%run_scoped3A_342 : memref<!tpu.dma_semaphore, #tpu.memory_space<semaphore_mem>>) src(%dma_wait3A_366 : memref<128x128xf32, #tpu.memory_space<vmem>>) dst(%dma_wait3A_362 : memref<128x128xf32, #tpu.memory_space<vmem_shared>>)
      tpu.yield
    }) : () -> ()
    %add3A_27 = arith.constant 384 : i32
    %add3A_28 = arith.addi %mul3A_2, %add3A_27 : i32
    %run_scoped3A_29 = arith.constant 0 : i32
    "tpu.region"() ({
      %run_scoped3A_342 = tpu.sem_alloc : memref<!tpu.dma_semaphore, #tpu.memory_space<semaphore_mem>>
      %dma_start3A_343 = arith.constant 0 : i32
      %dma_start3A_344 = arith.constant 0 : i32
      %dma_start3A_345 = tpu.memref_slice %arg8[%run_scoped3A_29, %dma_start3A_343, %dma_start3A_344] : memref<2x128x128xf32, #tpu.memory_space<vmem>> -> memref<1x128x128xf32, #tpu.memory_space<vmem>>
      %dma_start3A_346 = tpu.memref_squeeze %dma_start3A_345 : memref<1x128x128xf32, #tpu.memory_space<vmem>> -> memref<128x128xf32, #tpu.memory_space<vmem>>
      %dma_start3A_347 = arith.constant 0 : i32
      %dma_start3A_348 = tpu.memref_slice %arg9[%add3A_28, %dma_start3A_347] : memref<10112x128xf32, #tpu.memory_space<vmem_shared>> -> memref<128x128xf32, #tpu.memory_space<vmem_shared>>
      %dma_start3A_349 = arith.constant 0 : i32
      %dma_start3A_350 = tpu.memref_slice %arg9[%add3A_28, %dma_start3A_349] : memref<10112x128xf32, #tpu.memory_space<vmem_shared>> -> memref<128x128xf32, #tpu.memory_space<vmem_shared>>
      %dma_start3A_351 = arith.constant 0 : i32
      %dma_start3A_352 = arith.constant 0 : i32
      %dma_start3A_353 = tpu.memref_slice %arg8[%run_scoped3A_29, %dma_start3A_351, %dma_start3A_352] : memref<2x128x128xf32, #tpu.memory_space<vmem>> -> memref<1x128x128xf32, #tpu.memory_space<vmem>>
      %dma_start3A_354 = tpu.memref_squeeze %dma_start3A_353 : memref<1x128x128xf32, #tpu.memory_space<vmem>> -> memref<128x128xf32, #tpu.memory_space<vmem>>
      tpu.enqueue_dma source(%dma_start3A_354 : memref<128x128xf32, #tpu.memory_space<vmem>>) target(%dma_start3A_350 : memref<128x128xf32, #tpu.memory_space<vmem_shared>>) target_semaphore(%run_scoped3A_342 : memref<!tpu.dma_semaphore, #tpu.memory_space<semaphore_mem>>)
      %dma_wait3A_355 = arith.constant 0 : i32
      %dma_wait3A_356 = arith.constant 0 : i32
      %dma_wait3A_357 = tpu.memref_slice %arg8[%run_scoped3A_29, %dma_wait3A_355, %dma_wait3A_356] : memref<2x128x128xf32, #tpu.memory_space<vmem>> -> memref<1x128x128xf32, #tpu.memory_space<vmem>>
      %dma_wait3A_358 = tpu.memref_squeeze %dma_wait3A_357 : memref<1x128x128xf32, #tpu.memory_space<vmem>> -> memref<128x128xf32, #tpu.memory_space<vmem>>
      %dma_wait3A_359 = arith.constant 0 : i32
      %dma_wait3A_360 = tpu.memref_slice %arg9[%add3A_28, %dma_wait3A_359] : memref<10112x128xf32, #tpu.memory_space<vmem_shared>> -> memref<128x128xf32, #tpu.memory_space<vmem_shared>>
      %dma_wait3A_361 = arith.constant 0 : i32
      %dma_wait3A_362 = tpu.memref_slice %arg9[%add3A_28, %dma_wait3A_361] : memref<10112x128xf32, #tpu.memory_space<vmem_shared>> -> memref<128x128xf32, #tpu.memory_space<vmem_shared>>
      %dma_wait3A_363 = arith.constant 0 : i32
      %dma_wait3A_364 = arith.constant 0 : i32
      %dma_wait3A_365 = tpu.memref_slice %arg8[%run_scoped3A_29, %dma_wait3A_363, %dma_wait3A_364] : memref<2x128x128xf32, #tpu.memory_space<vmem>> -> memref<1x128x128xf32, #tpu.memory_space<vmem>>
      %dma_wait3A_366 = tpu.memref_squeeze %dma_wait3A_365 : memref<1x128x128xf32, #tpu.memory_space<vmem>> -> memref<128x128xf32, #tpu.memory_space<vmem>>
      tpu.wait_dma2 semaphore(%run_scoped3A_342 : memref<!tpu.dma_semaphore, #tpu.memory_space<semaphore_mem>>) src(%dma_wait3A_366 : memref<128x128xf32, #tpu.memory_space<vmem>>) dst(%dma_wait3A_362 : memref<128x128xf32, #tpu.memory_space<vmem_shared>>)
      tpu.yield
    }) : () -> ()
    %add3A_30 = arith.constant 512 : i32
    %add3A_31 = arith.addi %mul3A_2, %add3A_30 : i32
    %run_scoped3A_32 = arith.constant 0 : i32
    "tpu.region"() ({
      %run_scoped3A_342 = tpu.sem_alloc : memref<!tpu.dma_semaphore, #tpu.memory_space<semaphore_mem>>
      %dma_start3A_343 = arith.constant 0 : i32
      %dma_start3A_344 = arith.constant 0 : i32
      %dma_start3A_345 = tpu.memref_slice %arg8[%run_scoped3A_32, %dma_start3A_343, %dma_start3A_344] : memref<2x128x128xf32, #tpu.memory_space<vmem>> -> memref<1x120x128xf32, #tpu.memory_space<vmem>>
      %dma_start3A_346 = tpu.memref_squeeze %dma_start3A_345 : memref<1x120x128xf32, #tpu.memory_space<vmem>> -> memref<120x128xf32, #tpu.memory_space<vmem>>
      %dma_start3A_347 = arith.constant 0 : i32
      %dma_start3A_348 = tpu.memref_slice %arg9[%add3A_31, %dma_start3A_347] : memref<10112x128xf32, #tpu.memory_space<vmem_shared>> -> memref<120x128xf32, #tpu.memory_space<vmem_shared>>
      %dma_start3A_349 = arith.constant 0 : i32
      %dma_start3A_350 = tpu.memref_slice %arg9[%add3A_31, %dma_start3A_349] : memref<10112x128xf32, #tpu.memory_space<vmem_shared>> -> memref<120x128xf32, #tpu.memory_space<vmem_shared>>
      %dma_start3A_351 = arith.constant 0 : i32
      %dma_start3A_352 = arith.constant 0 : i32
      %dma_start3A_353 = tpu.memref_slice %arg8[%run_scoped3A_32, %dma_start3A_351, %dma_start3A_352] : memref<2x128x128xf32, #tpu.memory_space<vmem>> -> memref<1x120x128xf32, #tpu.memory_space<vmem>>
      %dma_start3A_354 = tpu.memref_squeeze %dma_start3A_353 : memref<1x120x128xf32, #tpu.memory_space<vmem>> -> memref<120x128xf32, #tpu.memory_space<vmem>>
      tpu.enqueue_dma source(%dma_start3A_354 : memref<120x128xf32, #tpu.memory_space<vmem>>) target(%dma_start3A_350 : memref<120x128xf32, #tpu.memory_space<vmem_shared>>) target_semaphore(%run_scoped3A_342 : memref<!tpu.dma_semaphore, #tpu.memory_space<semaphore_mem>>)
      %dma_wait3A_355 = arith.constant 0 : i32
      %dma_wait3A_356 = arith.constant 0 : i32
      %dma_wait3A_357 = tpu.memref_slice %arg8[%run_scoped3A_32, %dma_wait3A_355, %dma_wait3A_356] : memref<2x128x128xf32, #tpu.memory_space<vmem>> -> memref<1x120x128xf32, #tpu.memory_space<vmem>>
      %dma_wait3A_358 = tpu.memref_squeeze %dma_wait3A_357 : memref<1x120x128xf32, #tpu.memory_space<vmem>> -> memref<120x128xf32, #tpu.memory_space<vmem>>
      %dma_wait3A_359 = arith.constant 0 : i32
      %dma_wait3A_360 = tpu.memref_slice %arg9[%add3A_31, %dma_wait3A_359] : memref<10112x128xf32, #tpu.memory_space<vmem_shared>> -> memref<120x128xf32, #tpu.memory_space<vmem_shared>>
      %dma_wait3A_361 = arith.constant 0 : i32
      %dma_wait3A_362 = tpu.memref_slice %arg9[%add3A_31, %dma_wait3A_361] : memref<10112x128xf32, #tpu.memory_space<vmem_shared>> -> memref<120x128xf32, #tpu.memory_space<vmem_shared>>
      %dma_wait3A_363 = arith.constant 0 : i32
      %dma_wait3A_364 = arith.constant 0 : i32
      %dma_wait3A_365 = tpu.memref_slice %arg8[%run_scoped3A_32, %dma_wait3A_363, %dma_wait3A_364] : memref<2x128x128xf32, #tpu.memory_space<vmem>> -> memref<1x120x128xf32, #tpu.memory_space<vmem>>
      %dma_wait3A_366 = tpu.memref_squeeze %dma_wait3A_365 : memref<1x120x128xf32, #tpu.memory_space<vmem>> -> memref<120x128xf32, #tpu.memory_space<vmem>>
      tpu.wait_dma2 semaphore(%run_scoped3A_342 : memref<!tpu.dma_semaphore, #tpu.memory_space<semaphore_mem>>) src(%dma_wait3A_366 : memref<120x128xf32, #tpu.memory_space<vmem>>) dst(%dma_wait3A_362 : memref<120x128xf32, #tpu.memory_space<vmem_shared>>)
      tpu.yield
    }) : () -> ()
    %barrier3A = arith.constant 0 : index
    tpu.barrier barrier_id(%barrier3A)
    %eq3A = arith.constant 0 : i32
    %eq3A_33 = arith.cmpi eq, %arg0, %eq3A : i32
    %jit3A = arith.constant 112 : i32
    %jit3A_34 = arith.constant 48 : i32
    %select_n3A = arith.select %eq3A_33, %jit3A, %jit3A_34 : i32
    %sub3A = arith.constant 0 : i32
    %sub3A_35 = arith.subi %select_n3A, %sub3A : i32
    %sub3A_36 = arith.constant 4 : i32
    %sub3A_37 = arith.constant 1 : i32
    %sub3A_38 = arith.subi %sub3A_36, %sub3A_37 : i32
    %add3A_39 = arith.addi %sub3A_35, %sub3A_38 : i32
    %div3A = arith.constant 4 : i32
    %div3A_40 = arith.divsi %add3A_39, %div3A : i32
    %while3A = arith.constant 4 : i32
    %while3A_41 = arith.constant 0 : i32
    %while3A_42 = arith.constant 0 : i32
    %while3A_43 = arith.subi %div3A_40, %while3A_42 : i32
    %while3A_44 = arith.addi %while3A_42, %while3A_43 : i32
    %while3A_45 = arith.constant 1 : i32
    %while3A_46 = arith.divsi %while3A_43, %while3A_45 : i32
    %while3A_47 = arith.muli %while3A_46, %while3A_45 : i32
    %while3A_48 = arith.addi %while3A_42, %while3A_47 : i32
    %while3A_49 = arith.constant 1 : i32
    scf.for %while3A_342 = %while3A_42 to %while3A_48 step %while3A_49  : i32 {
      %mul3A_343 = arith.muli %while3A_342, %while3A : i32
      %add3A_344 = arith.addi %while3A_41, %mul3A_343 : i32
      %dma_start3A_345 = arith.constant 0 : i32
      %dma_start3A_346 = arith.constant 0 : i32
      %dma_start3A_347 = tpu.memref_slice %arg7[%dma_start3A_345, %dma_start3A_346] : memref<8x128xi32, #tpu.memory_space<vmem>> -> memref<2x128xi32, #tpu.memory_space<vmem>>
      %dma_start3A_348 = arith.constant 0 : i32
      %dma_start3A_349 = tpu.memref_slice %arg3[%add3A, %add3A_344, %dma_start3A_348] : memref<32x112x128xi32, #tpu.memory_space<hbm>> -> memref<1x2x128xi32, #tpu.memory_space<hbm>>
      %dma_start3A_350 = tpu.memref_squeeze %dma_start3A_349 : memref<1x2x128xi32, #tpu.memory_space<hbm>> -> memref<2x128xi32, #tpu.memory_space<hbm>>
      %dma_start3A_351 = arith.constant 0 : i32
      %dma_start3A_352 = arith.constant 0 : i32
      %dma_start3A_353 = tpu.memref_slice %arg7[%dma_start3A_351, %dma_start3A_352] : memref<8x128xi32, #tpu.memory_space<vmem>> -> memref<2x128xi32, #tpu.memory_space<vmem>>
      %dma_start3A_354 = arith.constant 0 : i32
      %dma_start3A_355 = tpu.memref_slice %arg3[%add3A, %add3A_344, %dma_start3A_354] : memref<32x112x128xi32, #tpu.memory_space<hbm>> -> memref<1x2x128xi32, #tpu.memory_space<hbm>>
      %dma_start3A_356 = tpu.memref_squeeze %dma_start3A_355 : memref<1x2x128xi32, #tpu.memory_space<hbm>> -> memref<2x128xi32, #tpu.memory_space<hbm>>
      tpu.enqueue_dma source(%dma_start3A_356 : memref<2x128xi32, #tpu.memory_space<hbm>>) target(%dma_start3A_353 : memref<2x128xi32, #tpu.memory_space<vmem>>) target_semaphore(%arg12 : memref<!tpu.dma_semaphore, #tpu.memory_space<semaphore_mem>>)
      %dma_start3A_357 = arith.constant 2 : i32
      %dma_start3A_358 = arith.constant 0 : i32
      %dma_start3A_359 = tpu.memref_slice %arg7[%dma_start3A_357, %dma_start3A_358] : memref<8x128xi32, #tpu.memory_space<vmem>> -> memref<2x128xi32, #tpu.memory_space<vmem>>
      %dma_start3A_360 = arith.constant 0 : i32
      %dma_start3A_361 = tpu.memref_slice %arg4[%add3A, %add3A_344, %dma_start3A_360] : memref<32x112x128xi32, #tpu.memory_space<hbm>> -> memref<1x2x128xi32, #tpu.memory_space<hbm>>
      %dma_start3A_362 = tpu.memref_squeeze %dma_start3A_361 : memref<1x2x128xi32, #tpu.memory_space<hbm>> -> memref<2x128xi32, #tpu.memory_space<hbm>>
      %dma_start3A_363 = arith.constant 2 : i32
      %dma_start3A_364 = arith.constant 0 : i32
      %dma_start3A_365 = tpu.memref_slice %arg7[%dma_start3A_363, %dma_start3A_364] : memref<8x128xi32, #tpu.memory_space<vmem>> -> memref<2x128xi32, #tpu.memory_space<vmem>>
      %dma_start3A_366 = arith.constant 0 : i32
      %dma_start3A_367 = tpu.memref_slice %arg4[%add3A, %add3A_344, %dma_start3A_366] : memref<32x112x128xi32, #tpu.memory_space<hbm>> -> memref<1x2x128xi32, #tpu.memory_space<hbm>>
      %dma_start3A_368 = tpu.memref_squeeze %dma_start3A_367 : memref<1x2x128xi32, #tpu.memory_space<hbm>> -> memref<2x128xi32, #tpu.memory_space<hbm>>
      tpu.enqueue_dma source(%dma_start3A_368 : memref<2x128xi32, #tpu.memory_space<hbm>>) target(%dma_start3A_365 : memref<2x128xi32, #tpu.memory_space<vmem>>) target_semaphore(%arg12 : memref<!tpu.dma_semaphore, #tpu.memory_space<semaphore_mem>>)
      %add3A_369 = arith.constant 2 : i32
      %add3A_370 = arith.addi %add3A_344, %add3A_369 : i32
      %dma_start3A_371 = arith.constant 4 : i32
      %dma_start3A_372 = arith.constant 0 : i32
      %dma_start3A_373 = tpu.memref_slice %arg7[%dma_start3A_371, %dma_start3A_372] : memref<8x128xi32, #tpu.memory_space<vmem>> -> memref<2x128xi32, #tpu.memory_space<vmem>>
      %dma_start3A_374 = arith.constant 0 : i32
      %dma_start3A_375 = tpu.memref_slice %arg3[%add3A, %add3A_370, %dma_start3A_374] : memref<32x112x128xi32, #tpu.memory_space<hbm>> -> memref<1x2x128xi32, #tpu.memory_space<hbm>>
      %dma_start3A_376 = tpu.memref_squeeze %dma_start3A_375 : memref<1x2x128xi32, #tpu.memory_space<hbm>> -> memref<2x128xi32, #tpu.memory_space<hbm>>
      %dma_start3A_377 = arith.constant 4 : i32
      %dma_start3A_378 = arith.constant 0 : i32
      %dma_start3A_379 = tpu.memref_slice %arg7[%dma_start3A_377, %dma_start3A_378] : memref<8x128xi32, #tpu.memory_space<vmem>> -> memref<2x128xi32, #tpu.memory_space<vmem>>
      %dma_start3A_380 = arith.constant 0 : i32
      %dma_start3A_381 = tpu.memref_slice %arg3[%add3A, %add3A_370, %dma_start3A_380] : memref<32x112x128xi32, #tpu.memory_space<hbm>> -> memref<1x2x128xi32, #tpu.memory_space<hbm>>
      %dma_start3A_382 = tpu.memref_squeeze %dma_start3A_381 : memref<1x2x128xi32, #tpu.memory_space<hbm>> -> memref<2x128xi32, #tpu.memory_space<hbm>>
      tpu.enqueue_dma source(%dma_start3A_382 : memref<2x128xi32, #tpu.memory_space<hbm>>) target(%dma_start3A_379 : memref<2x128xi32, #tpu.memory_space<vmem>>) target_semaphore(%arg13 : memref<!tpu.dma_semaphore, #tpu.memory_space<semaphore_mem>>)
      %add3A_383 = arith.constant 2 : i32
      %add3A_384 = arith.addi %add3A_344, %add3A_383 : i32
      %dma_start3A_385 = arith.constant 6 : i32
      %dma_start3A_386 = arith.constant 0 : i32
      %dma_start3A_387 = tpu.memref_slice %arg7[%dma_start3A_385, %dma_start3A_386] : memref<8x128xi32, #tpu.memory_space<vmem>> -> memref<2x128xi32, #tpu.memory_space<vmem>>
      %dma_start3A_388 = arith.constant 0 : i32
      %dma_start3A_389 = tpu.memref_slice %arg4[%add3A, %add3A_384, %dma_start3A_388] : memref<32x112x128xi32, #tpu.memory_space<hbm>> -> memref<1x2x128xi32, #tpu.memory_space<hbm>>
      %dma_start3A_390 = tpu.memref_squeeze %dma_start3A_389 : memref<1x2x128xi32, #tpu.memory_space<hbm>> -> memref<2x128xi32, #tpu.memory_space<hbm>>
      %dma_start3A_391 = arith.constant 6 : i32
      %dma_start3A_392 = arith.constant 0 : i32
      %dma_start3A_393 = tpu.memref_slice %arg7[%dma_start3A_391, %dma_start3A_392] : memref<8x128xi32, #tpu.memory_space<vmem>> -> memref<2x128xi32, #tpu.memory_space<vmem>>
      %dma_start3A_394 = arith.constant 0 : i32
      %dma_start3A_395 = tpu.memref_slice %arg4[%add3A, %add3A_384, %dma_start3A_394] : memref<32x112x128xi32, #tpu.memory_space<hbm>> -> memref<1x2x128xi32, #tpu.memory_space<hbm>>
      %dma_start3A_396 = tpu.memref_squeeze %dma_start3A_395 : memref<1x2x128xi32, #tpu.memory_space<hbm>> -> memref<2x128xi32, #tpu.memory_space<hbm>>
      tpu.enqueue_dma source(%dma_start3A_396 : memref<2x128xi32, #tpu.memory_space<hbm>>) target(%dma_start3A_393 : memref<2x128xi32, #tpu.memory_space<vmem>>) target_semaphore(%arg13 : memref<!tpu.dma_semaphore, #tpu.memory_space<semaphore_mem>>)
      %dma_wait3A_397 = arith.constant 0 : i32
      %dma_wait3A_398 = arith.constant 0 : i32
      %dma_wait3A_399 = tpu.memref_slice %arg7[%dma_wait3A_397, %dma_wait3A_398] : memref<8x128xi32, #tpu.memory_space<vmem>> -> memref<2x128xi32, #tpu.memory_space<vmem>>
      %dma_wait3A_400 = arith.constant 0 : i32
      %dma_wait3A_401 = tpu.memref_slice %arg3[%add3A, %add3A_344, %dma_wait3A_400] : memref<32x112x128xi32, #tpu.memory_space<hbm>> -> memref<1x2x128xi32, #tpu.memory_space<hbm>>
      %dma_wait3A_402 = tpu.memref_squeeze %dma_wait3A_401 : memref<1x2x128xi32, #tpu.memory_space<hbm>> -> memref<2x128xi32, #tpu.memory_space<hbm>>
      %dma_wait3A_403 = arith.constant 0 : i32
      %dma_wait3A_404 = arith.constant 0 : i32
      %dma_wait3A_405 = tpu.memref_slice %arg7[%dma_wait3A_403, %dma_wait3A_404] : memref<8x128xi32, #tpu.memory_space<vmem>> -> memref<2x128xi32, #tpu.memory_space<vmem>>
      %dma_wait3A_406 = arith.constant 0 : i32
      %dma_wait3A_407 = tpu.memref_slice %arg3[%add3A, %add3A_344, %dma_wait3A_406] : memref<32x112x128xi32, #tpu.memory_space<hbm>> -> memref<1x2x128xi32, #tpu.memory_space<hbm>>
      %dma_wait3A_408 = tpu.memref_squeeze %dma_wait3A_407 : memref<1x2x128xi32, #tpu.memory_space<hbm>> -> memref<2x128xi32, #tpu.memory_space<hbm>>
      tpu.wait_dma2 semaphore(%arg12 : memref<!tpu.dma_semaphore, #tpu.memory_space<semaphore_mem>>) src(%dma_wait3A_408 : memref<2x128xi32, #tpu.memory_space<hbm>>) dst(%dma_wait3A_405 : memref<2x128xi32, #tpu.memory_space<vmem>>)
      %dma_wait3A_409 = arith.constant 2 : i32
      %dma_wait3A_410 = arith.constant 0 : i32
      %dma_wait3A_411 = tpu.memref_slice %arg7[%dma_wait3A_409, %dma_wait3A_410] : memref<8x128xi32, #tpu.memory_space<vmem>> -> memref<2x128xi32, #tpu.memory_space<vmem>>
      %dma_wait3A_412 = arith.constant 0 : i32
      %dma_wait3A_413 = tpu.memref_slice %arg4[%add3A, %add3A_344, %dma_wait3A_412] : memref<32x112x128xi32, #tpu.memory_space<hbm>> -> memref<1x2x128xi32, #tpu.memory_space<hbm>>
      %dma_wait3A_414 = tpu.memref_squeeze %dma_wait3A_413 : memref<1x2x128xi32, #tpu.memory_space<hbm>> -> memref<2x128xi32, #tpu.memory_space<hbm>>
      %dma_wait3A_415 = arith.constant 2 : i32
      %dma_wait3A_416 = arith.constant 0 : i32
      %dma_wait3A_417 = tpu.memref_slice %arg7[%dma_wait3A_415, %dma_wait3A_416] : memref<8x128xi32, #tpu.memory_space<vmem>> -> memref<2x128xi32, #tpu.memory_space<vmem>>
      %dma_wait3A_418 = arith.constant 0 : i32
      %dma_wait3A_419 = tpu.memref_slice %arg4[%add3A, %add3A_344, %dma_wait3A_418] : memref<32x112x128xi32, #tpu.memory_space<hbm>> -> memref<1x2x128xi32, #tpu.memory_space<hbm>>
      %dma_wait3A_420 = tpu.memref_squeeze %dma_wait3A_419 : memref<1x2x128xi32, #tpu.memory_space<hbm>> -> memref<2x128xi32, #tpu.memory_space<hbm>>
      tpu.wait_dma2 semaphore(%arg12 : memref<!tpu.dma_semaphore, #tpu.memory_space<semaphore_mem>>) src(%dma_wait3A_420 : memref<2x128xi32, #tpu.memory_space<hbm>>) dst(%dma_wait3A_417 : memref<2x128xi32, #tpu.memory_space<vmem>>)
      %dma_start3A_421 = arith.constant 0 : i32
      %dma_start3A_422 = arith.constant 0 : i32
      %dma_start3A_423 = arith.constant 0 : i32
      %dma_start3A_424 = arith.constant 0 : i32
      %dma_start3A_425 = tpu.memref_slice %arg8[%dma_start3A_422, %dma_start3A_423, %dma_start3A_424] : memref<2x128x128xf32, #tpu.memory_space<vmem>> -> memref<1x128x128xf32, #tpu.memory_space<vmem>>
      %dma_start3A_426 = tpu.memref_squeeze %dma_start3A_425 : memref<1x128x128xf32, #tpu.memory_space<vmem>> -> memref<128x128xf32, #tpu.memory_space<vmem>>
      %dma_start3A_427 = arith.constant 0 : i32
      %dma_start3A_428 = tpu.memref_slice %arg7[%dma_start3A_421, %dma_start3A_427] : memref<8x128xi32, #tpu.memory_space<vmem>> -> memref<1x128xi32, #tpu.memory_space<vmem>>
      %dma_start3A_429 = tpu.memref_squeeze %dma_start3A_428 : memref<1x128xi32, #tpu.memory_space<vmem>> -> memref<128xi32, #tpu.memory_space<vmem>>
      %dma_start3A_430 = arith.constant 0 : i32
      %dma_start3A_431 = arith.constant 0 : i32
      %dma_start3A_432 = tpu.memref_slice %arg2[%dma_start3A_430, %dma_start3A_431] : memref<10112x128xf32, #tpu.memory_space<hbm>> -> memref<10112x128xf32, #tpu.memory_space<hbm>>
      tpu.enqueue_indirect_dma source(%dma_start3A_432 : memref<10112x128xf32, #tpu.memory_space<hbm>>) target(%dma_start3A_426 : memref<128x128xf32, #tpu.memory_space<vmem>>) offsets(%dma_start3A_429 : memref<128xi32, #tpu.memory_space<vmem>>) semaphore(%arg10 : memref<!tpu.dma_semaphore, #tpu.memory_space<semaphore_mem>>)
      %dma_wait3A_433 = arith.constant 0 : i32
      %dma_wait3A_434 = arith.constant 0 : i32
      %dma_wait3A_435 = arith.constant 0 : i32
      %dma_wait3A_436 = arith.constant 0 : i32
      %dma_wait3A_437 = tpu.memref_slice %arg8[%dma_wait3A_434, %dma_wait3A_435, %dma_wait3A_436] : memref<2x128x128xf32, #tpu.memory_space<vmem>> -> memref<1x128x128xf32, #tpu.memory_space<vmem>>
      %dma_wait3A_438 = tpu.memref_squeeze %dma_wait3A_437 : memref<1x128x128xf32, #tpu.memory_space<vmem>> -> memref<128x128xf32, #tpu.memory_space<vmem>>
      %dma_wait3A_439 = arith.constant 0 : i32
      %dma_wait3A_440 = tpu.memref_slice %arg7[%dma_wait3A_433, %dma_wait3A_439] : memref<8x128xi32, #tpu.memory_space<vmem>> -> memref<1x128xi32, #tpu.memory_space<vmem>>
      %dma_wait3A_441 = tpu.memref_squeeze %dma_wait3A_440 : memref<1x128xi32, #tpu.memory_space<vmem>> -> memref<128xi32, #tpu.memory_space<vmem>>
      %dma_wait3A_442 = arith.constant 0 : i32
      %dma_wait3A_443 = arith.constant 0 : i32
      %dma_wait3A_444 = tpu.memref_slice %arg2[%dma_wait3A_442, %dma_wait3A_443] : memref<10112x128xf32, #tpu.memory_space<hbm>> -> memref<10112x128xf32, #tpu.memory_space<hbm>>
      tpu.wait_indirect_dma semaphore(%arg10 : memref<!tpu.dma_semaphore, #tpu.memory_space<semaphore_mem>>) src(%dma_wait3A_444 : memref<10112x128xf32, #tpu.memory_space<hbm>>) dst(%dma_wait3A_438 : memref<128x128xf32, #tpu.memory_space<vmem>>)
      %dma_start3A_445 = arith.constant 1 : i32
      %dma_start3A_446 = arith.constant 1 : i32
      %dma_start3A_447 = arith.constant 0 : i32
      %dma_start3A_448 = arith.constant 0 : i32
      %dma_start3A_449 = tpu.memref_slice %arg8[%dma_start3A_446, %dma_start3A_447, %dma_start3A_448] : memref<2x128x128xf32, #tpu.memory_space<vmem>> -> memref<1x128x128xf32, #tpu.memory_space<vmem>>
      %dma_start3A_450 = tpu.memref_squeeze %dma_start3A_449 : memref<1x128x128xf32, #tpu.memory_space<vmem>> -> memref<128x128xf32, #tpu.memory_space<vmem>>
      %dma_start3A_451 = arith.constant 0 : i32
      %dma_start3A_452 = tpu.memref_slice %arg7[%dma_start3A_445, %dma_start3A_451] : memref<8x128xi32, #tpu.memory_space<vmem>> -> memref<1x128xi32, #tpu.memory_space<vmem>>
      %dma_start3A_453 = tpu.memref_squeeze %dma_start3A_452 : memref<1x128xi32, #tpu.memory_space<vmem>> -> memref<128xi32, #tpu.memory_space<vmem>>
      %dma_start3A_454 = arith.constant 0 : i32
      %dma_start3A_455 = arith.constant 0 : i32
      %dma_start3A_456 = tpu.memref_slice %arg2[%dma_start3A_454, %dma_start3A_455] : memref<10112x128xf32, #tpu.memory_space<hbm>> -> memref<10112x128xf32, #tpu.memory_space<hbm>>
      tpu.enqueue_indirect_dma source(%dma_start3A_456 : memref<10112x128xf32, #tpu.memory_space<hbm>>) target(%dma_start3A_450 : memref<128x128xf32, #tpu.memory_space<vmem>>) offsets(%dma_start3A_453 : memref<128xi32, #tpu.memory_space<vmem>>) semaphore(%arg11 : memref<!tpu.dma_semaphore, #tpu.memory_space<semaphore_mem>>)
      %run_scoped3A_457 = arith.constant 0 : i32
      %run_scoped3A_458 = arith.constant 2 : i32
      "tpu.region"() ({
        %run_scoped3A_549 = tpu.sem_alloc : memref<!tpu.dma_semaphore, #tpu.memory_space<semaphore_mem>>
        %dma_start3A_550 = arith.constant 0 : i32
        %dma_start3A_551 = arith.constant 0 : i32
        %dma_start3A_552 = tpu.memref_slice %arg8[%run_scoped3A_457, %dma_start3A_550, %dma_start3A_551] : memref<2x128x128xf32, #tpu.memory_space<vmem>> -> memref<1x128x128xf32, #tpu.memory_space<vmem>>
        %dma_start3A_553 = tpu.memref_squeeze %dma_start3A_552 : memref<1x128x128xf32, #tpu.memory_space<vmem>> -> memref<128x128xf32, #tpu.memory_space<vmem>>
        %dma_start3A_554 = arith.constant 0 : i32
        %dma_start3A_555 = tpu.memref_slice %arg7[%run_scoped3A_458, %dma_start3A_554] : memref<8x128xi32, #tpu.memory_space<vmem>> -> memref<1x128xi32, #tpu.memory_space<vmem>>
        %dma_start3A_556 = tpu.memref_squeeze %dma_start3A_555 : memref<1x128xi32, #tpu.memory_space<vmem>> -> memref<128xi32, #tpu.memory_space<vmem>>
        %dma_start3A_557 = arith.constant 0 : i32
        %dma_start3A_558 = arith.constant 0 : i32
        %dma_start3A_559 = tpu.memref_slice %arg9[%dma_start3A_557, %dma_start3A_558] : memref<10112x128xf32, #tpu.memory_space<vmem_shared>> -> memref<10112x128xf32, #tpu.memory_space<vmem_shared>>
        tpu.enqueue_indirect_dma source(%dma_start3A_553 : memref<128x128xf32, #tpu.memory_space<vmem>>) target(%dma_start3A_559 : memref<10112x128xf32, #tpu.memory_space<vmem_shared>>) offsets(%dma_start3A_556 : memref<128xi32, #tpu.memory_space<vmem>>) semaphore(%run_scoped3A_549 : memref<!tpu.dma_semaphore, #tpu.memory_space<semaphore_mem>>) {add = true}
        %dma_wait3A_560 = arith.constant 0 : i32
        %dma_wait3A_561 = arith.constant 0 : i32
        %dma_wait3A_562 = tpu.memref_slice %arg8[%run_scoped3A_457, %dma_wait3A_560, %dma_wait3A_561] : memref<2x128x128xf32, #tpu.memory_space<vmem>> -> memref<1x128x128xf32, #tpu.memory_space<vmem>>
        %dma_wait3A_563 = tpu.memref_squeeze %dma_wait3A_562 : memref<1x128x128xf32, #tpu.memory_space<vmem>> -> memref<128x128xf32, #tpu.memory_space<vmem>>
        %dma_wait3A_564 = arith.constant 0 : i32
        %dma_wait3A_565 = tpu.memref_slice %arg7[%run_scoped3A_458, %dma_wait3A_564] : memref<8x128xi32, #tpu.memory_space<vmem>> -> memref<1x128xi32, #tpu.memory_space<vmem>>
        %dma_wait3A_566 = tpu.memref_squeeze %dma_wait3A_565 : memref<1x128xi32, #tpu.memory_space<vmem>> -> memref<128xi32, #tpu.memory_space<vmem>>
        %dma_wait3A_567 = arith.constant 0 : i32
        %dma_wait3A_568 = arith.constant 0 : i32
        %dma_wait3A_569 = tpu.memref_slice %arg9[%dma_wait3A_567, %dma_wait3A_568] : memref<10112x128xf32, #tpu.memory_space<vmem_shared>> -> memref<10112x128xf32, #tpu.memory_space<vmem_shared>>
        tpu.wait_indirect_dma semaphore(%run_scoped3A_549 : memref<!tpu.dma_semaphore, #tpu.memory_space<semaphore_mem>>) src(%dma_wait3A_563 : memref<128x128xf32, #tpu.memory_space<vmem>>) dst(%dma_wait3A_569 : memref<10112x128xf32, #tpu.memory_space<vmem_shared>>)
        tpu.yield
      }) : () -> ()
      %dma_wait3A_459 = arith.constant 1 : i32
      %dma_wait3A_460 = arith.constant 1 : i32
      %dma_wait3A_461 = arith.constant 0 : i32
      %dma_wait3A_462 = arith.constant 0 : i32
      %dma_wait3A_463 = tpu.memref_slice %arg8[%dma_wait3A_460, %dma_wait3A_461, %dma_wait3A_462] : memref<2x128x128xf32, #tpu.memory_space<vmem>> -> memref<1x128x128xf32, #tpu.memory_space<vmem>>
      %dma_wait3A_464 = tpu.memref_squeeze %dma_wait3A_463 : memref<1x128x128xf32, #tpu.memory_space<vmem>> -> memref<128x128xf32, #tpu.memory_space<vmem>>
      %dma_wait3A_465 = arith.constant 0 : i32
      %dma_wait3A_466 = tpu.memref_slice %arg7[%dma_wait3A_459, %dma_wait3A_465] : memref<8x128xi32, #tpu.memory_space<vmem>> -> memref<1x128xi32, #tpu.memory_space<vmem>>
      %dma_wait3A_467 = tpu.memref_squeeze %dma_wait3A_466 : memref<1x128xi32, #tpu.memory_space<vmem>> -> memref<128xi32, #tpu.memory_space<vmem>>
      %dma_wait3A_468 = arith.constant 0 : i32
      %dma_wait3A_469 = arith.constant 0 : i32
      %dma_wait3A_470 = tpu.memref_slice %arg2[%dma_wait3A_468, %dma_wait3A_469] : memref<10112x128xf32, #tpu.memory_space<hbm>> -> memref<10112x128xf32, #tpu.memory_space<hbm>>
      tpu.wait_indirect_dma semaphore(%arg11 : memref<!tpu.dma_semaphore, #tpu.memory_space<semaphore_mem>>) src(%dma_wait3A_470 : memref<10112x128xf32, #tpu.memory_space<hbm>>) dst(%dma_wait3A_464 : memref<128x128xf32, #tpu.memory_space<vmem>>)
      %dma_wait3A_471 = arith.constant 4 : i32
      %dma_wait3A_472 = arith.constant 0 : i32
      %dma_wait3A_473 = tpu.memref_slice %arg7[%dma_wait3A_471, %dma_wait3A_472] : memref<8x128xi32, #tpu.memory_space<vmem>> -> memref<2x128xi32, #tpu.memory_space<vmem>>
      %dma_wait3A_474 = arith.constant 0 : i32
      %dma_wait3A_475 = tpu.memref_slice %arg3[%add3A, %add3A_370, %dma_wait3A_474] : memref<32x112x128xi32, #tpu.memory_space<hbm>> -> memref<1x2x128xi32, #tpu.memory_space<hbm>>
      %dma_wait3A_476 = tpu.memref_squeeze %dma_wait3A_475 : memref<1x2x128xi32, #tpu.memory_space<hbm>> -> memref<2x128xi32, #tpu.memory_space<hbm>>
      %dma_wait3A_477 = arith.constant 4 : i32
      %dma_wait3A_478 = arith.constant 0 : i32
      %dma_wait3A_479 = tpu.memref_slice %arg7[%dma_wait3A_477, %dma_wait3A_478] : memref<8x128xi32, #tpu.memory_space<vmem>> -> memref<2x128xi32, #tpu.memory_space<vmem>>
      %dma_wait3A_480 = arith.constant 0 : i32
      %dma_wait3A_481 = tpu.memref_slice %arg3[%add3A, %add3A_370, %dma_wait3A_480] : memref<32x112x128xi32, #tpu.memory_space<hbm>> -> memref<1x2x128xi32, #tpu.memory_space<hbm>>
      %dma_wait3A_482 = tpu.memref_squeeze %dma_wait3A_481 : memref<1x2x128xi32, #tpu.memory_space<hbm>> -> memref<2x128xi32, #tpu.memory_space<hbm>>
      tpu.wait_dma2 semaphore(%arg13 : memref<!tpu.dma_semaphore, #tpu.memory_space<semaphore_mem>>) src(%dma_wait3A_482 : memref<2x128xi32, #tpu.memory_space<hbm>>) dst(%dma_wait3A_479 : memref<2x128xi32, #tpu.memory_space<vmem>>)
      %dma_wait3A_483 = arith.constant 6 : i32
      %dma_wait3A_484 = arith.constant 0 : i32
      %dma_wait3A_485 = tpu.memref_slice %arg7[%dma_wait3A_483, %dma_wait3A_484] : memref<8x128xi32, #tpu.memory_space<vmem>> -> memref<2x128xi32, #tpu.memory_space<vmem>>
      %dma_wait3A_486 = arith.constant 0 : i32
      %dma_wait3A_487 = tpu.memref_slice %arg4[%add3A, %add3A_384, %dma_wait3A_486] : memref<32x112x128xi32, #tpu.memory_space<hbm>> -> memref<1x2x128xi32, #tpu.memory_space<hbm>>
      %dma_wait3A_488 = tpu.memref_squeeze %dma_wait3A_487 : memref<1x2x128xi32, #tpu.memory_space<hbm>> -> memref<2x128xi32, #tpu.memory_space<hbm>>
      %dma_wait3A_489 = arith.constant 6 : i32
      %dma_wait3A_490 = arith.constant 0 : i32
      %dma_wait3A_491 = tpu.memref_slice %arg7[%dma_wait3A_489, %dma_wait3A_490] : memref<8x128xi32, #tpu.memory_space<vmem>> -> memref<2x128xi32, #tpu.memory_space<vmem>>
      %dma_wait3A_492 = arith.constant 0 : i32
      %dma_wait3A_493 = tpu.memref_slice %arg4[%add3A, %add3A_384, %dma_wait3A_492] : memref<32x112x128xi32, #tpu.memory_space<hbm>> -> memref<1x2x128xi32, #tpu.memory_space<hbm>>
      %dma_wait3A_494 = tpu.memref_squeeze %dma_wait3A_493 : memref<1x2x128xi32, #tpu.memory_space<hbm>> -> memref<2x128xi32, #tpu.memory_space<hbm>>
      tpu.wait_dma2 semaphore(%arg13 : memref<!tpu.dma_semaphore, #tpu.memory_space<semaphore_mem>>) src(%dma_wait3A_494 : memref<2x128xi32, #tpu.memory_space<hbm>>) dst(%dma_wait3A_491 : memref<2x128xi32, #tpu.memory_space<vmem>>)
      %dma_start3A_495 = arith.constant 4 : i32
      %dma_start3A_496 = arith.constant 0 : i32
      %dma_start3A_497 = arith.constant 0 : i32
      %dma_start3A_498 = arith.constant 0 : i32
      %dma_start3A_499 = tpu.memref_slice %arg8[%dma_start3A_496, %dma_start3A_497, %dma_start3A_498] : memref<2x128x128xf32, #tpu.memory_space<vmem>> -> memref<1x128x128xf32, #tpu.memory_space<vmem>>
      %dma_start3A_500 = tpu.memref_squeeze %dma_start3A_499 : memref<1x128x128xf32, #tpu.memory_space<vmem>> -> memref<128x128xf32, #tpu.memory_space<vmem>>
      %dma_start3A_501 = arith.constant 0 : i32
      %dma_start3A_502 = tpu.memref_slice %arg7[%dma_start3A_495, %dma_start3A_501] : memref<8x128xi32, #tpu.memory_space<vmem>> -> memref<1x128xi32, #tpu.memory_space<vmem>>
      %dma_start3A_503 = tpu.memref_squeeze %dma_start3A_502 : memref<1x128xi32, #tpu.memory_space<vmem>> -> memref<128xi32, #tpu.memory_space<vmem>>
      %dma_start3A_504 = arith.constant 0 : i32
      %dma_start3A_505 = arith.constant 0 : i32
      %dma_start3A_506 = tpu.memref_slice %arg2[%dma_start3A_504, %dma_start3A_505] : memref<10112x128xf32, #tpu.memory_space<hbm>> -> memref<10112x128xf32, #tpu.memory_space<hbm>>
      tpu.enqueue_indirect_dma source(%dma_start3A_506 : memref<10112x128xf32, #tpu.memory_space<hbm>>) target(%dma_start3A_500 : memref<128x128xf32, #tpu.memory_space<vmem>>) offsets(%dma_start3A_503 : memref<128xi32, #tpu.memory_space<vmem>>) semaphore(%arg10 : memref<!tpu.dma_semaphore, #tpu.memory_space<semaphore_mem>>)
      %run_scoped3A_507 = arith.constant 1 : i32
      %run_scoped3A_508 = arith.constant 3 : i32
      "tpu.region"() ({
        %run_scoped3A_549 = tpu.sem_alloc : memref<!tpu.dma_semaphore, #tpu.memory_space<semaphore_mem>>
        %dma_start3A_550 = arith.constant 0 : i32
        %dma_start3A_551 = arith.constant 0 : i32
        %dma_start3A_552 = tpu.memref_slice %arg8[%run_scoped3A_507, %dma_start3A_550, %dma_start3A_551] : memref<2x128x128xf32, #tpu.memory_space<vmem>> -> memref<1x128x128xf32, #tpu.memory_space<vmem>>
        %dma_start3A_553 = tpu.memref_squeeze %dma_start3A_552 : memref<1x128x128xf32, #tpu.memory_space<vmem>> -> memref<128x128xf32, #tpu.memory_space<vmem>>
        %dma_start3A_554 = arith.constant 0 : i32
        %dma_start3A_555 = tpu.memref_slice %arg7[%run_scoped3A_508, %dma_start3A_554] : memref<8x128xi32, #tpu.memory_space<vmem>> -> memref<1x128xi32, #tpu.memory_space<vmem>>
        %dma_start3A_556 = tpu.memref_squeeze %dma_start3A_555 : memref<1x128xi32, #tpu.memory_space<vmem>> -> memref<128xi32, #tpu.memory_space<vmem>>
        %dma_start3A_557 = arith.constant 0 : i32
        %dma_start3A_558 = arith.constant 0 : i32
        %dma_start3A_559 = tpu.memref_slice %arg9[%dma_start3A_557, %dma_start3A_558] : memref<10112x128xf32, #tpu.memory_space<vmem_shared>> -> memref<10112x128xf32, #tpu.memory_space<vmem_shared>>
        tpu.enqueue_indirect_dma source(%dma_start3A_553 : memref<128x128xf32, #tpu.memory_space<vmem>>) target(%dma_start3A_559 : memref<10112x128xf32, #tpu.memory_space<vmem_shared>>) offsets(%dma_start3A_556 : memref<128xi32, #tpu.memory_space<vmem>>) semaphore(%run_scoped3A_549 : memref<!tpu.dma_semaphore, #tpu.memory_space<semaphore_mem>>) {add = true}
        %dma_wait3A_560 = arith.constant 0 : i32
        %dma_wait3A_561 = arith.constant 0 : i32
        %dma_wait3A_562 = tpu.memref_slice %arg8[%run_scoped3A_507, %dma_wait3A_560, %dma_wait3A_561] : memref<2x128x128xf32, #tpu.memory_space<vmem>> -> memref<1x128x128xf32, #tpu.memory_space<vmem>>
        %dma_wait3A_563 = tpu.memref_squeeze %dma_wait3A_562 : memref<1x128x128xf32, #tpu.memory_space<vmem>> -> memref<128x128xf32, #tpu.memory_space<vmem>>
        %dma_wait3A_564 = arith.constant 0 : i32
        %dma_wait3A_565 = tpu.memref_slice %arg7[%run_scoped3A_508, %dma_wait3A_564] : memref<8x128xi32, #tpu.memory_space<vmem>> -> memref<1x128xi32, #tpu.memory_space<vmem>>
        %dma_wait3A_566 = tpu.memref_squeeze %dma_wait3A_565 : memref<1x128xi32, #tpu.memory_space<vmem>> -> memref<128xi32, #tpu.memory_space<vmem>>
        %dma_wait3A_567 = arith.constant 0 : i32
        %dma_wait3A_568 = arith.constant 0 : i32
        %dma_wait3A_569 = tpu.memref_slice %arg9[%dma_wait3A_567, %dma_wait3A_568] : memref<10112x128xf32, #tpu.memory_space<vmem_shared>> -> memref<10112x128xf32, #tpu.memory_space<vmem_shared>>
        tpu.wait_indirect_dma semaphore(%run_scoped3A_549 : memref<!tpu.dma_semaphore, #tpu.memory_space<semaphore_mem>>) src(%dma_wait3A_563 : memref<128x128xf32, #tpu.memory_space<vmem>>) dst(%dma_wait3A_569 : memref<10112x128xf32, #tpu.memory_space<vmem_shared>>)
        tpu.yield
      }) : () -> ()
      %dma_wait3A_509 = arith.constant 4 : i32
      %dma_wait3A_510 = arith.constant 0 : i32
      %dma_wait3A_511 = arith.constant 0 : i32
      %dma_wait3A_512 = arith.constant 0 : i32
      %dma_wait3A_513 = tpu.memref_slice %arg8[%dma_wait3A_510, %dma_wait3A_511, %dma_wait3A_512] : memref<2x128x128xf32, #tpu.memory_space<vmem>> -> memref<1x128x128xf32, #tpu.memory_space<vmem>>
      %dma_wait3A_514 = tpu.memref_squeeze %dma_wait3A_513 : memref<1x128x128xf32, #tpu.memory_space<vmem>> -> memref<128x128xf32, #tpu.memory_space<vmem>>
      %dma_wait3A_515 = arith.constant 0 : i32
      %dma_wait3A_516 = tpu.memref_slice %arg7[%dma_wait3A_509, %dma_wait3A_515] : memref<8x128xi32, #tpu.memory_space<vmem>> -> memref<1x128xi32, #tpu.memory_space<vmem>>
      %dma_wait3A_517 = tpu.memref_squeeze %dma_wait3A_516 : memref<1x128xi32, #tpu.memory_space<vmem>> -> memref<128xi32, #tpu.memory_space<vmem>>
      %dma_wait3A_518 = arith.constant 0 : i32
      %dma_wait3A_519 = arith.constant 0 : i32
      %dma_wait3A_520 = tpu.memref_slice %arg2[%dma_wait3A_518, %dma_wait3A_519] : memref<10112x128xf32, #tpu.memory_space<hbm>> -> memref<10112x128xf32, #tpu.memory_space<hbm>>
      tpu.wait_indirect_dma semaphore(%arg10 : memref<!tpu.dma_semaphore, #tpu.memory_space<semaphore_mem>>) src(%dma_wait3A_520 : memref<10112x128xf32, #tpu.memory_space<hbm>>) dst(%dma_wait3A_514 : memref<128x128xf32, #tpu.memory_space<vmem>>)
      %dma_start3A_521 = arith.constant 5 : i32
      %dma_start3A_522 = arith.constant 1 : i32
      %dma_start3A_523 = arith.constant 0 : i32
      %dma_start3A_524 = arith.constant 0 : i32
      %dma_start3A_525 = tpu.memref_slice %arg8[%dma_start3A_522, %dma_start3A_523, %dma_start3A_524] : memref<2x128x128xf32, #tpu.memory_space<vmem>> -> memref<1x128x128xf32, #tpu.memory_space<vmem>>
      %dma_start3A_526 = tpu.memref_squeeze %dma_start3A_525 : memref<1x128x128xf32, #tpu.memory_space<vmem>> -> memref<128x128xf32, #tpu.memory_space<vmem>>
      %dma_start3A_527 = arith.constant 0 : i32
      %dma_start3A_528 = tpu.memref_slice %arg7[%dma_start3A_521, %dma_start3A_527] : memref<8x128xi32, #tpu.memory_space<vmem>> -> memref<1x128xi32, #tpu.memory_space<vmem>>
      %dma_start3A_529 = tpu.memref_squeeze %dma_start3A_528 : memref<1x128xi32, #tpu.memory_space<vmem>> -> memref<128xi32, #tpu.memory_space<vmem>>
      %dma_start3A_530 = arith.constant 0 : i32
      %dma_start3A_531 = arith.constant 0 : i32
      %dma_start3A_532 = tpu.memref_slice %arg2[%dma_start3A_530, %dma_start3A_531] : memref<10112x128xf32, #tpu.memory_space<hbm>> -> memref<10112x128xf32, #tpu.memory_space<hbm>>
      tpu.enqueue_indirect_dma source(%dma_start3A_532 : memref<10112x128xf32, #tpu.memory_space<hbm>>) target(%dma_start3A_526 : memref<128x128xf32, #tpu.memory_space<vmem>>) offsets(%dma_start3A_529 : memref<128xi32, #tpu.memory_space<vmem>>) semaphore(%arg11 : memref<!tpu.dma_semaphore, #tpu.memory_space<semaphore_mem>>)
      %run_scoped3A_533 = arith.constant 0 : i32
      %run_scoped3A_534 = arith.constant 6 : i32
      "tpu.region"() ({
        %run_scoped3A_549 = tpu.sem_alloc : memref<!tpu.dma_semaphore, #tpu.memory_space<semaphore_mem>>
        %dma_start3A_550 = arith.constant 0 : i32
        %dma_start3A_551 = arith.constant 0 : i32
        %dma_start3A_552 = tpu.memref_slice %arg8[%run_scoped3A_533, %dma_start3A_550, %dma_start3A_551] : memref<2x128x128xf32, #tpu.memory_space<vmem>> -> memref<1x128x128xf32, #tpu.memory_space<vmem>>
        %dma_start3A_553 = tpu.memref_squeeze %dma_start3A_552 : memref<1x128x128xf32, #tpu.memory_space<vmem>> -> memref<128x128xf32, #tpu.memory_space<vmem>>
        %dma_start3A_554 = arith.constant 0 : i32
        %dma_start3A_555 = tpu.memref_slice %arg7[%run_scoped3A_534, %dma_start3A_554] : memref<8x128xi32, #tpu.memory_space<vmem>> -> memref<1x128xi32, #tpu.memory_space<vmem>>
        %dma_start3A_556 = tpu.memref_squeeze %dma_start3A_555 : memref<1x128xi32, #tpu.memory_space<vmem>> -> memref<128xi32, #tpu.memory_space<vmem>>
        %dma_start3A_557 = arith.constant 0 : i32
        %dma_start3A_558 = arith.constant 0 : i32
        %dma_start3A_559 = tpu.memref_slice %arg9[%dma_start3A_557, %dma_start3A_558] : memref<10112x128xf32, #tpu.memory_space<vmem_shared>> -> memref<10112x128xf32, #tpu.memory_space<vmem_shared>>
        tpu.enqueue_indirect_dma source(%dma_start3A_553 : memref<128x128xf32, #tpu.memory_space<vmem>>) target(%dma_start3A_559 : memref<10112x128xf32, #tpu.memory_space<vmem_shared>>) offsets(%dma_start3A_556 : memref<128xi32, #tpu.memory_space<vmem>>) semaphore(%run_scoped3A_549 : memref<!tpu.dma_semaphore, #tpu.memory_space<semaphore_mem>>) {add = true}
        %dma_wait3A_560 = arith.constant 0 : i32
        %dma_wait3A_561 = arith.constant 0 : i32
        %dma_wait3A_562 = tpu.memref_slice %arg8[%run_scoped3A_533, %dma_wait3A_560, %dma_wait3A_561] : memref<2x128x128xf32, #tpu.memory_space<vmem>> -> memref<1x128x128xf32, #tpu.memory_space<vmem>>
        %dma_wait3A_563 = tpu.memref_squeeze %dma_wait3A_562 : memref<1x128x128xf32, #tpu.memory_space<vmem>> -> memref<128x128xf32, #tpu.memory_space<vmem>>
        %dma_wait3A_564 = arith.constant 0 : i32
        %dma_wait3A_565 = tpu.memref_slice %arg7[%run_scoped3A_534, %dma_wait3A_564] : memref<8x128xi32, #tpu.memory_space<vmem>> -> memref<1x128xi32, #tpu.memory_space<vmem>>
        %dma_wait3A_566 = tpu.memref_squeeze %dma_wait3A_565 : memref<1x128xi32, #tpu.memory_space<vmem>> -> memref<128xi32, #tpu.memory_space<vmem>>
        %dma_wait3A_567 = arith.constant 0 : i32
        %dma_wait3A_568 = arith.constant 0 : i32
        %dma_wait3A_569 = tpu.memref_slice %arg9[%dma_wait3A_567, %dma_wait3A_568] : memref<10112x128xf32, #tpu.memory_space<vmem_shared>> -> memref<10112x128xf32, #tpu.memory_space<vmem_shared>>
        tpu.wait_indirect_dma semaphore(%run_scoped3A_549 : memref<!tpu.dma_semaphore, #tpu.memory_space<semaphore_mem>>) src(%dma_wait3A_563 : memref<128x128xf32, #tpu.memory_space<vmem>>) dst(%dma_wait3A_569 : memref<10112x128xf32, #tpu.memory_space<vmem_shared>>)
        tpu.yield
      }) : () -> ()
      %dma_wait3A_535 = arith.constant 5 : i32
      %dma_wait3A_536 = arith.constant 1 : i32
      %dma_wait3A_537 = arith.constant 0 : i32
      %dma_wait3A_538 = arith.constant 0 : i32
      %dma_wait3A_539 = tpu.memref_slice %arg8[%dma_wait3A_536, %dma_wait3A_537, %dma_wait3A_538] : memref<2x128x128xf32, #tpu.memory_space<vmem>> -> memref<1x128x128xf32, #tpu.memory_space<vmem>>
      %dma_wait3A_540 = tpu.memref_squeeze %dma_wait3A_539 : memref<1x128x128xf32, #tpu.memory_space<vmem>> -> memref<128x128xf32, #tpu.memory_space<vmem>>
      %dma_wait3A_541 = arith.constant 0 : i32
      %dma_wait3A_542 = tpu.memref_slice %arg7[%dma_wait3A_535, %dma_wait3A_541] : memref<8x128xi32, #tpu.memory_space<vmem>> -> memref<1x128xi32, #tpu.memory_space<vmem>>
      %dma_wait3A_543 = tpu.memref_squeeze %dma_wait3A_542 : memref<1x128xi32, #tpu.memory_space<vmem>> -> memref<128xi32, #tpu.memory_space<vmem>>
      %dma_wait3A_544 = arith.constant 0 : i32
      %dma_wait3A_545 = arith.constant 0 : i32
      %dma_wait3A_546 = tpu.memref_slice %arg2[%dma_wait3A_544, %dma_wait3A_545] : memref<10112x128xf32, #tpu.memory_space<hbm>> -> memref<10112x128xf32, #tpu.memory_space<hbm>>
      tpu.wait_indirect_dma semaphore(%arg11 : memref<!tpu.dma_semaphore, #tpu.memory_space<semaphore_mem>>) src(%dma_wait3A_546 : memref<10112x128xf32, #tpu.memory_space<hbm>>) dst(%dma_wait3A_540 : memref<128x128xf32, #tpu.memory_space<vmem>>)
      %run_scoped3A_547 = arith.constant 1 : i32
      %run_scoped3A_548 = arith.constant 7 : i32
      "tpu.region"() ({
        %run_scoped3A_549 = tpu.sem_alloc : memref<!tpu.dma_semaphore, #tpu.memory_space<semaphore_mem>>
        %dma_start3A_550 = arith.constant 0 : i32
        %dma_start3A_551 = arith.constant 0 : i32
        %dma_start3A_552 = tpu.memref_slice %arg8[%run_scoped3A_547, %dma_start3A_550, %dma_start3A_551] : memref<2x128x128xf32, #tpu.memory_space<vmem>> -> memref<1x128x128xf32, #tpu.memory_space<vmem>>
        %dma_start3A_553 = tpu.memref_squeeze %dma_start3A_552 : memref<1x128x128xf32, #tpu.memory_space<vmem>> -> memref<128x128xf32, #tpu.memory_space<vmem>>
        %dma_start3A_554 = arith.constant 0 : i32
        %dma_start3A_555 = tpu.memref_slice %arg7[%run_scoped3A_548, %dma_start3A_554] : memref<8x128xi32, #tpu.memory_space<vmem>> -> memref<1x128xi32, #tpu.memory_space<vmem>>
        %dma_start3A_556 = tpu.memref_squeeze %dma_start3A_555 : memref<1x128xi32, #tpu.memory_space<vmem>> -> memref<128xi32, #tpu.memory_space<vmem>>
        %dma_start3A_557 = arith.constant 0 : i32
        %dma_start3A_558 = arith.constant 0 : i32
        %dma_start3A_559 = tpu.memref_slice %arg9[%dma_start3A_557, %dma_start3A_558] : memref<10112x128xf32, #tpu.memory_space<vmem_shared>> -> memref<10112x128xf32, #tpu.memory_space<vmem_shared>>
        tpu.enqueue_indirect_dma source(%dma_start3A_553 : memref<128x128xf32, #tpu.memory_space<vmem>>) target(%dma_start3A_559 : memref<10112x128xf32, #tpu.memory_space<vmem_shared>>) offsets(%dma_start3A_556 : memref<128xi32, #tpu.memory_space<vmem>>) semaphore(%run_scoped3A_549 : memref<!tpu.dma_semaphore, #tpu.memory_space<semaphore_mem>>) {add = true}
        %dma_wait3A_560 = arith.constant 0 : i32
        %dma_wait3A_561 = arith.constant 0 : i32
        %dma_wait3A_562 = tpu.memref_slice %arg8[%run_scoped3A_547, %dma_wait3A_560, %dma_wait3A_561] : memref<2x128x128xf32, #tpu.memory_space<vmem>> -> memref<1x128x128xf32, #tpu.memory_space<vmem>>
        %dma_wait3A_563 = tpu.memref_squeeze %dma_wait3A_562 : memref<1x128x128xf32, #tpu.memory_space<vmem>> -> memref<128x128xf32, #tpu.memory_space<vmem>>
        %dma_wait3A_564 = arith.constant 0 : i32
        %dma_wait3A_565 = tpu.memref_slice %arg7[%run_scoped3A_548, %dma_wait3A_564] : memref<8x128xi32, #tpu.memory_space<vmem>> -> memref<1x128xi32, #tpu.memory_space<vmem>>
        %dma_wait3A_566 = tpu.memref_squeeze %dma_wait3A_565 : memref<1x128xi32, #tpu.memory_space<vmem>> -> memref<128xi32, #tpu.memory_space<vmem>>
        %dma_wait3A_567 = arith.constant 0 : i32
        %dma_wait3A_568 = arith.constant 0 : i32
        %dma_wait3A_569 = tpu.memref_slice %arg9[%dma_wait3A_567, %dma_wait3A_568] : memref<10112x128xf32, #tpu.memory_space<vmem_shared>> -> memref<10112x128xf32, #tpu.memory_space<vmem_shared>>
        tpu.wait_indirect_dma semaphore(%run_scoped3A_549 : memref<!tpu.dma_semaphore, #tpu.memory_space<semaphore_mem>>) src(%dma_wait3A_563 : memref<128x128xf32, #tpu.memory_space<vmem>>) dst(%dma_wait3A_569 : memref<10112x128xf32, #tpu.memory_space<vmem_shared>>)
        tpu.yield
      }) : () -> ()
    }
    %while3A_50 = arith.constant 1 : i32
    scf.for %while3A_342 = %while3A_48 to %while3A_44 step %while3A_50  : i32 {
      %mul3A_343 = arith.muli %while3A_342, %while3A : i32
      %add3A_344 = arith.addi %while3A_41, %mul3A_343 : i32
      %dma_start3A_345 = arith.constant 0 : i32
      %dma_start3A_346 = arith.constant 0 : i32
      %dma_start3A_347 = tpu.memref_slice %arg7[%dma_start3A_345, %dma_start3A_346] : memref<8x128xi32, #tpu.memory_space<vmem>> -> memref<2x128xi32, #tpu.memory_space<vmem>>
      %dma_start3A_348 = arith.constant 0 : i32
      %dma_start3A_349 = tpu.memref_slice %arg3[%add3A, %add3A_344, %dma_start3A_348] : memref<32x112x128xi32, #tpu.memory_space<hbm>> -> memref<1x2x128xi32, #tpu.memory_space<hbm>>
      %dma_start3A_350 = tpu.memref_squeeze %dma_start3A_349 : memref<1x2x128xi32, #tpu.memory_space<hbm>> -> memref<2x128xi32, #tpu.memory_space<hbm>>
      %dma_start3A_351 = arith.constant 0 : i32
      %dma_start3A_352 = arith.constant 0 : i32
      %dma_start3A_353 = tpu.memref_slice %arg7[%dma_start3A_351, %dma_start3A_352] : memref<8x128xi32, #tpu.memory_space<vmem>> -> memref<2x128xi32, #tpu.memory_space<vmem>>
      %dma_start3A_354 = arith.constant 0 : i32
      %dma_start3A_355 = tpu.memref_slice %arg3[%add3A, %add3A_344, %dma_start3A_354] : memref<32x112x128xi32, #tpu.memory_space<hbm>> -> memref<1x2x128xi32, #tpu.memory_space<hbm>>
      %dma_start3A_356 = tpu.memref_squeeze %dma_start3A_355 : memref<1x2x128xi32, #tpu.memory_space<hbm>> -> memref<2x128xi32, #tpu.memory_space<hbm>>
      tpu.enqueue_dma source(%dma_start3A_356 : memref<2x128xi32, #tpu.memory_space<hbm>>) target(%dma_start3A_353 : memref<2x128xi32, #tpu.memory_space<vmem>>) target_semaphore(%arg12 : memref<!tpu.dma_semaphore, #tpu.memory_space<semaphore_mem>>)
      %dma_start3A_357 = arith.constant 2 : i32
      %dma_start3A_358 = arith.constant 0 : i32
      %dma_start3A_359 = tpu.memref_slice %arg7[%dma_start3A_357, %dma_start3A_358] : memref<8x128xi32, #tpu.memory_space<vmem>> -> memref<2x128xi32, #tpu.memory_space<vmem>>
      %dma_start3A_360 = arith.constant 0 : i32
      %dma_start3A_361 = tpu.memref_slice %arg4[%add3A, %add3A_344, %dma_start3A_360] : memref<32x112x128xi32, #tpu.memory_space<hbm>> -> memref<1x2x128xi32, #tpu.memory_space<hbm>>
      %dma_start3A_362 = tpu.memref_squeeze %dma_start3A_361 : memref<1x2x128xi32, #tpu.memory_space<hbm>> -> memref<2x128xi32, #tpu.memory_space<hbm>>
      %dma_start3A_363 = arith.constant 2 : i32
      %dma_start3A_364 = arith.constant 0 : i32
      %dma_start3A_365 = tpu.memref_slice %arg7[%dma_start3A_363, %dma_start3A_364] : memref<8x128xi32, #tpu.memory_space<vmem>> -> memref<2x128xi32, #tpu.memory_space<vmem>>
      %dma_start3A_366 = arith.constant 0 : i32
      %dma_start3A_367 = tpu.memref_slice %arg4[%add3A, %add3A_344, %dma_start3A_366] : memref<32x112x128xi32, #tpu.memory_space<hbm>> -> memref<1x2x128xi32, #tpu.memory_space<hbm>>
      %dma_start3A_368 = tpu.memref_squeeze %dma_start3A_367 : memref<1x2x128xi32, #tpu.memory_space<hbm>> -> memref<2x128xi32, #tpu.memory_space<hbm>>
      tpu.enqueue_dma source(%dma_start3A_368 : memref<2x128xi32, #tpu.memory_space<hbm>>) target(%dma_start3A_365 : memref<2x128xi32, #tpu.memory_space<vmem>>) target_semaphore(%arg12 : memref<!tpu.dma_semaphore, #tpu.memory_space<semaphore_mem>>)
      %add3A_369 = arith.constant 2 : i32
      %add3A_370 = arith.addi %add3A_344, %add3A_369 : i32
      %dma_start3A_371 = arith.constant 4 : i32
      %dma_start3A_372 = arith.constant 0 : i32
      %dma_start3A_373 = tpu.memref_slice %arg7[%dma_start3A_371, %dma_start3A_372] : memref<8x128xi32, #tpu.memory_space<vmem>> -> memref<2x128xi32, #tpu.memory_space<vmem>>
      %dma_start3A_374 = arith.constant 0 : i32
      %dma_start3A_375 = tpu.memref_slice %arg3[%add3A, %add3A_370, %dma_start3A_374] : memref<32x112x128xi32, #tpu.memory_space<hbm>> -> memref<1x2x128xi32, #tpu.memory_space<hbm>>
      %dma_start3A_376 = tpu.memref_squeeze %dma_start3A_375 : memref<1x2x128xi32, #tpu.memory_space<hbm>> -> memref<2x128xi32, #tpu.memory_space<hbm>>
      %dma_start3A_377 = arith.constant 4 : i32
      %dma_start3A_378 = arith.constant 0 : i32
      %dma_start3A_379 = tpu.memref_slice %arg7[%dma_start3A_377, %dma_start3A_378] : memref<8x128xi32, #tpu.memory_space<vmem>> -> memref<2x128xi32, #tpu.memory_space<vmem>>
      %dma_start3A_380 = arith.constant 0 : i32
      %dma_start3A_381 = tpu.memref_slice %arg3[%add3A, %add3A_370, %dma_start3A_380] : memref<32x112x128xi32, #tpu.memory_space<hbm>> -> memref<1x2x128xi32, #tpu.memory_space<hbm>>
      %dma_start3A_382 = tpu.memref_squeeze %dma_start3A_381 : memref<1x2x128xi32, #tpu.memory_space<hbm>> -> memref<2x128xi32, #tpu.memory_space<hbm>>
      tpu.enqueue_dma source(%dma_start3A_382 : memref<2x128xi32, #tpu.memory_space<hbm>>) target(%dma_start3A_379 : memref<2x128xi32, #tpu.memory_space<vmem>>) target_semaphore(%arg13 : memref<!tpu.dma_semaphore, #tpu.memory_space<semaphore_mem>>)
      %add3A_383 = arith.constant 2 : i32
      %add3A_384 = arith.addi %add3A_344, %add3A_383 : i32
      %dma_start3A_385 = arith.constant 6 : i32
      %dma_start3A_386 = arith.constant 0 : i32
      %dma_start3A_387 = tpu.memref_slice %arg7[%dma_start3A_385, %dma_start3A_386] : memref<8x128xi32, #tpu.memory_space<vmem>> -> memref<2x128xi32, #tpu.memory_space<vmem>>
      %dma_start3A_388 = arith.constant 0 : i32
      %dma_start3A_389 = tpu.memref_slice %arg4[%add3A, %add3A_384, %dma_start3A_388] : memref<32x112x128xi32, #tpu.memory_space<hbm>> -> memref<1x2x128xi32, #tpu.memory_space<hbm>>
      %dma_start3A_390 = tpu.memref_squeeze %dma_start3A_389 : memref<1x2x128xi32, #tpu.memory_space<hbm>> -> memref<2x128xi32, #tpu.memory_space<hbm>>
      %dma_start3A_391 = arith.constant 6 : i32
      %dma_start3A_392 = arith.constant 0 : i32
      %dma_start3A_393 = tpu.memref_slice %arg7[%dma_start3A_391, %dma_start3A_392] : memref<8x128xi32, #tpu.memory_space<vmem>> -> memref<2x128xi32, #tpu.memory_space<vmem>>
      %dma_start3A_394 = arith.constant 0 : i32
      %dma_start3A_395 = tpu.memref_slice %arg4[%add3A, %add3A_384, %dma_start3A_394] : memref<32x112x128xi32, #tpu.memory_space<hbm>> -> memref<1x2x128xi32, #tpu.memory_space<hbm>>
      %dma_start3A_396 = tpu.memref_squeeze %dma_start3A_395 : memref<1x2x128xi32, #tpu.memory_space<hbm>> -> memref<2x128xi32, #tpu.memory_space<hbm>>
      tpu.enqueue_dma source(%dma_start3A_396 : memref<2x128xi32, #tpu.memory_space<hbm>>) target(%dma_start3A_393 : memref<2x128xi32, #tpu.memory_space<vmem>>) target_semaphore(%arg13 : memref<!tpu.dma_semaphore, #tpu.memory_space<semaphore_mem>>)
      %dma_wait3A_397 = arith.constant 0 : i32
      %dma_wait3A_398 = arith.constant 0 : i32
      %dma_wait3A_399 = tpu.memref_slice %arg7[%dma_wait3A_397, %dma_wait3A_398] : memref<8x128xi32, #tpu.memory_space<vmem>> -> memref<2x128xi32, #tpu.memory_space<vmem>>
      %dma_wait3A_400 = arith.constant 0 : i32
      %dma_wait3A_401 = tpu.memref_slice %arg3[%add3A, %add3A_344, %dma_wait3A_400] : memref<32x112x128xi32, #tpu.memory_space<hbm>> -> memref<1x2x128xi32, #tpu.memory_space<hbm>>
      %dma_wait3A_402 = tpu.memref_squeeze %dma_wait3A_401 : memref<1x2x128xi32, #tpu.memory_space<hbm>> -> memref<2x128xi32, #tpu.memory_space<hbm>>
      %dma_wait3A_403 = arith.constant 0 : i32
      %dma_wait3A_404 = arith.constant 0 : i32
      %dma_wait3A_405 = tpu.memref_slice %arg7[%dma_wait3A_403, %dma_wait3A_404] : memref<8x128xi32, #tpu.memory_space<vmem>> -> memref<2x128xi32, #tpu.memory_space<vmem>>
      %dma_wait3A_406 = arith.constant 0 : i32
      %dma_wait3A_407 = tpu.memref_slice %arg3[%add3A, %add3A_344, %dma_wait3A_406] : memref<32x112x128xi32, #tpu.memory_space<hbm>> -> memref<1x2x128xi32, #tpu.memory_space<hbm>>
      %dma_wait3A_408 = tpu.memref_squeeze %dma_wait3A_407 : memref<1x2x128xi32, #tpu.memory_space<hbm>> -> memref<2x128xi32, #tpu.memory_space<hbm>>
      tpu.wait_dma2 semaphore(%arg12 : memref<!tpu.dma_semaphore, #tpu.memory_space<semaphore_mem>>) src(%dma_wait3A_408 : memref<2x128xi32, #tpu.memory_space<hbm>>) dst(%dma_wait3A_405 : memref<2x128xi32, #tpu.memory_space<vmem>>)
      %dma_wait3A_409 = arith.constant 2 : i32
      %dma_wait3A_410 = arith.constant 0 : i32
      %dma_wait3A_411 = tpu.memref_slice %arg7[%dma_wait3A_409, %dma_wait3A_410] : memref<8x128xi32, #tpu.memory_space<vmem>> -> memref<2x128xi32, #tpu.memory_space<vmem>>
      %dma_wait3A_412 = arith.constant 0 : i32
      %dma_wait3A_413 = tpu.memref_slice %arg4[%add3A, %add3A_344, %dma_wait3A_412] : memref<32x112x128xi32, #tpu.memory_space<hbm>> -> memref<1x2x128xi32, #tpu.memory_space<hbm>>
      %dma_wait3A_414 = tpu.memref_squeeze %dma_wait3A_413 : memref<1x2x128xi32, #tpu.memory_space<hbm>> -> memref<2x128xi32, #tpu.memory_space<hbm>>
      %dma_wait3A_415 = arith.constant 2 : i32
      %dma_wait3A_416 = arith.constant 0 : i32
      %dma_wait3A_417 = tpu.memref_slice %arg7[%dma_wait3A_415, %dma_wait3A_416] : memref<8x128xi32, #tpu.memory_space<vmem>> -> memref<2x128xi32, #tpu.memory_space<vmem>>
      %dma_wait3A_418 = arith.constant 0 : i32
      %dma_wait3A_419 = tpu.memref_slice %arg4[%add3A, %add3A_344, %dma_wait3A_418] : memref<32x112x128xi32, #tpu.memory_space<hbm>> -> memref<1x2x128xi32, #tpu.memory_space<hbm>>
      %dma_wait3A_420 = tpu.memref_squeeze %dma_wait3A_419 : memref<1x2x128xi32, #tpu.memory_space<hbm>> -> memref<2x128xi32, #tpu.memory_space<hbm>>
      tpu.wait_dma2 semaphore(%arg12 : memref<!tpu.dma_semaphore, #tpu.memory_space<semaphore_mem>>) src(%dma_wait3A_420 : memref<2x128xi32, #tpu.memory_space<hbm>>) dst(%dma_wait3A_417 : memref<2x128xi32, #tpu.memory_space<vmem>>)
      %dma_start3A_421 = arith.constant 0 : i32
      %dma_start3A_422 = arith.constant 0 : i32
      %dma_start3A_423 = arith.constant 0 : i32
      %dma_start3A_424 = arith.constant 0 : i32
      %dma_start3A_425 = tpu.memref_slice %arg8[%dma_start3A_422, %dma_start3A_423, %dma_start3A_424] : memref<2x128x128xf32, #tpu.memory_space<vmem>> -> memref<1x128x128xf32, #tpu.memory_space<vmem>>
      %dma_start3A_426 = tpu.memref_squeeze %dma_start3A_425 : memref<1x128x128xf32, #tpu.memory_space<vmem>> -> memref<128x128xf32, #tpu.memory_space<vmem>>
      %dma_start3A_427 = arith.constant 0 : i32
      %dma_start3A_428 = tpu.memref_slice %arg7[%dma_start3A_421, %dma_start3A_427] : memref<8x128xi32, #tpu.memory_space<vmem>> -> memref<1x128xi32, #tpu.memory_space<vmem>>
      %dma_start3A_429 = tpu.memref_squeeze %dma_start3A_428 : memref<1x128xi32, #tpu.memory_space<vmem>> -> memref<128xi32, #tpu.memory_space<vmem>>
      %dma_start3A_430 = arith.constant 0 : i32
      %dma_start3A_431 = arith.constant 0 : i32
      %dma_start3A_432 = tpu.memref_slice %arg2[%dma_start3A_430, %dma_start3A_431] : memref<10112x128xf32, #tpu.memory_space<hbm>> -> memref<10112x128xf32, #tpu.memory_space<hbm>>
      tpu.enqueue_indirect_dma source(%dma_start3A_432 : memref<10112x128xf32, #tpu.memory_space<hbm>>) target(%dma_start3A_426 : memref<128x128xf32, #tpu.memory_space<vmem>>) offsets(%dma_start3A_429 : memref<128xi32, #tpu.memory_space<vmem>>) semaphore(%arg10 : memref<!tpu.dma_semaphore, #tpu.memory_space<semaphore_mem>>)
      %dma_wait3A_433 = arith.constant 0 : i32
      %dma_wait3A_434 = arith.constant 0 : i32
      %dma_wait3A_435 = arith.constant 0 : i32
      %dma_wait3A_436 = arith.constant 0 : i32
      %dma_wait3A_437 = tpu.memref_slice %arg8[%dma_wait3A_434, %dma_wait3A_435, %dma_wait3A_436] : memref<2x128x128xf32, #tpu.memory_space<vmem>> -> memref<1x128x128xf32, #tpu.memory_space<vmem>>
      %dma_wait3A_438 = tpu.memref_squeeze %dma_wait3A_437 : memref<1x128x128xf32, #tpu.memory_space<vmem>> -> memref<128x128xf32, #tpu.memory_space<vmem>>
      %dma_wait3A_439 = arith.constant 0 : i32
      %dma_wait3A_440 = tpu.memref_slice %arg7[%dma_wait3A_433, %dma_wait3A_439] : memref<8x128xi32, #tpu.memory_space<vmem>> -> memref<1x128xi32, #tpu.memory_space<vmem>>
      %dma_wait3A_441 = tpu.memref_squeeze %dma_wait3A_440 : memref<1x128xi32, #tpu.memory_space<vmem>> -> memref<128xi32, #tpu.memory_space<vmem>>
      %dma_wait3A_442 = arith.constant 0 : i32
      %dma_wait3A_443 = arith.constant 0 : i32
      %dma_wait3A_444 = tpu.memref_slice %arg2[%dma_wait3A_442, %dma_wait3A_443] : memref<10112x128xf32, #tpu.memory_space<hbm>> -> memref<10112x128xf32, #tpu.memory_space<hbm>>
      tpu.wait_indirect_dma semaphore(%arg10 : memref<!tpu.dma_semaphore, #tpu.memory_space<semaphore_mem>>) src(%dma_wait3A_444 : memref<10112x128xf32, #tpu.memory_space<hbm>>) dst(%dma_wait3A_438 : memref<128x128xf32, #tpu.memory_space<vmem>>)
      %dma_start3A_445 = arith.constant 1 : i32
      %dma_start3A_446 = arith.constant 1 : i32
      %dma_start3A_447 = arith.constant 0 : i32
      %dma_start3A_448 = arith.constant 0 : i32
      %dma_start3A_449 = tpu.memref_slice %arg8[%dma_start3A_446, %dma_start3A_447, %dma_start3A_448] : memref<2x128x128xf32, #tpu.memory_space<vmem>> -> memref<1x128x128xf32, #tpu.memory_space<vmem>>
      %dma_start3A_450 = tpu.memref_squeeze %dma_start3A_449 : memref<1x128x128xf32, #tpu.memory_space<vmem>> -> memref<128x128xf32, #tpu.memory_space<vmem>>
      %dma_start3A_451 = arith.constant 0 : i32
      %dma_start3A_452 = tpu.memref_slice %arg7[%dma_start3A_445, %dma_start3A_451] : memref<8x128xi32, #tpu.memory_space<vmem>> -> memref<1x128xi32, #tpu.memory_space<vmem>>
      %dma_start3A_453 = tpu.memref_squeeze %dma_start3A_452 : memref<1x128xi32, #tpu.memory_space<vmem>> -> memref<128xi32, #tpu.memory_space<vmem>>
      %dma_start3A_454 = arith.constant 0 : i32
      %dma_start3A_455 = arith.constant 0 : i32
      %dma_start3A_456 = tpu.memref_slice %arg2[%dma_start3A_454, %dma_start3A_455] : memref<10112x128xf32, #tpu.memory_space<hbm>> -> memref<10112x128xf32, #tpu.memory_space<hbm>>
      tpu.enqueue_indirect_dma source(%dma_start3A_456 : memref<10112x128xf32, #tpu.memory_space<hbm>>) target(%dma_start3A_450 : memref<128x128xf32, #tpu.memory_space<vmem>>) offsets(%dma_start3A_453 : memref<128xi32, #tpu.memory_space<vmem>>) semaphore(%arg11 : memref<!tpu.dma_semaphore, #tpu.memory_space<semaphore_mem>>)
      %run_scoped3A_457 = arith.constant 0 : i32
      %run_scoped3A_458 = arith.constant 2 : i32
      "tpu.region"() ({
        %run_scoped3A_549 = tpu.sem_alloc : memref<!tpu.dma_semaphore, #tpu.memory_space<semaphore_mem>>
        %dma_start3A_550 = arith.constant 0 : i32
        %dma_start3A_551 = arith.constant 0 : i32
        %dma_start3A_552 = tpu.memref_slice %arg8[%run_scoped3A_457, %dma_start3A_550, %dma_start3A_551] : memref<2x128x128xf32, #tpu.memory_space<vmem>> -> memref<1x128x128xf32, #tpu.memory_space<vmem>>
        %dma_start3A_553 = tpu.memref_squeeze %dma_start3A_552 : memref<1x128x128xf32, #tpu.memory_space<vmem>> -> memref<128x128xf32, #tpu.memory_space<vmem>>
        %dma_start3A_554 = arith.constant 0 : i32
        %dma_start3A_555 = tpu.memref_slice %arg7[%run_scoped3A_458, %dma_start3A_554] : memref<8x128xi32, #tpu.memory_space<vmem>> -> memref<1x128xi32, #tpu.memory_space<vmem>>
        %dma_start3A_556 = tpu.memref_squeeze %dma_start3A_555 : memref<1x128xi32, #tpu.memory_space<vmem>> -> memref<128xi32, #tpu.memory_space<vmem>>
        %dma_start3A_557 = arith.constant 0 : i32
        %dma_start3A_558 = arith.constant 0 : i32
        %dma_start3A_559 = tpu.memref_slice %arg9[%dma_start3A_557, %dma_start3A_558] : memref<10112x128xf32, #tpu.memory_space<vmem_shared>> -> memref<10112x128xf32, #tpu.memory_space<vmem_shared>>
        tpu.enqueue_indirect_dma source(%dma_start3A_553 : memref<128x128xf32, #tpu.memory_space<vmem>>) target(%dma_start3A_559 : memref<10112x128xf32, #tpu.memory_space<vmem_shared>>) offsets(%dma_start3A_556 : memref<128xi32, #tpu.memory_space<vmem>>) semaphore(%run_scoped3A_549 : memref<!tpu.dma_semaphore, #tpu.memory_space<semaphore_mem>>) {add = true}
        %dma_wait3A_560 = arith.constant 0 : i32
        %dma_wait3A_561 = arith.constant 0 : i32
        %dma_wait3A_562 = tpu.memref_slice %arg8[%run_scoped3A_457, %dma_wait3A_560, %dma_wait3A_561] : memref<2x128x128xf32, #tpu.memory_space<vmem>> -> memref<1x128x128xf32, #tpu.memory_space<vmem>>
        %dma_wait3A_563 = tpu.memref_squeeze %dma_wait3A_562 : memref<1x128x128xf32, #tpu.memory_space<vmem>> -> memref<128x128xf32, #tpu.memory_space<vmem>>
        %dma_wait3A_564 = arith.constant 0 : i32
        %dma_wait3A_565 = tpu.memref_slice %arg7[%run_scoped3A_458, %dma_wait3A_564] : memref<8x128xi32, #tpu.memory_space<vmem>> -> memref<1x128xi32, #tpu.memory_space<vmem>>
        %dma_wait3A_566 = tpu.memref_squeeze %dma_wait3A_565 : memref<1x128xi32, #tpu.memory_space<vmem>> -> memref<128xi32, #tpu.memory_space<vmem>>
        %dma_wait3A_567 = arith.constant 0 : i32
        %dma_wait3A_568 = arith.constant 0 : i32
        %dma_wait3A_569 = tpu.memref_slice %arg9[%dma_wait3A_567, %dma_wait3A_568] : memref<10112x128xf32, #tpu.memory_space<vmem_shared>> -> memref<10112x128xf32, #tpu.memory_space<vmem_shared>>
        tpu.wait_indirect_dma semaphore(%run_scoped3A_549 : memref<!tpu.dma_semaphore, #tpu.memory_space<semaphore_mem>>) src(%dma_wait3A_563 : memref<128x128xf32, #tpu.memory_space<vmem>>) dst(%dma_wait3A_569 : memref<10112x128xf32, #tpu.memory_space<vmem_shared>>)
        tpu.yield
      }) : () -> ()
      %dma_wait3A_459 = arith.constant 1 : i32
      %dma_wait3A_460 = arith.constant 1 : i32
      %dma_wait3A_461 = arith.constant 0 : i32
      %dma_wait3A_462 = arith.constant 0 : i32
      %dma_wait3A_463 = tpu.memref_slice %arg8[%dma_wait3A_460, %dma_wait3A_461, %dma_wait3A_462] : memref<2x128x128xf32, #tpu.memory_space<vmem>> -> memref<1x128x128xf32, #tpu.memory_space<vmem>>
      %dma_wait3A_464 = tpu.memref_squeeze %dma_wait3A_463 : memref<1x128x128xf32, #tpu.memory_space<vmem>> -> memref<128x128xf32, #tpu.memory_space<vmem>>
      %dma_wait3A_465 = arith.constant 0 : i32
      %dma_wait3A_466 = tpu.memref_slice %arg7[%dma_wait3A_459, %dma_wait3A_465] : memref<8x128xi32, #tpu.memory_space<vmem>> -> memref<1x128xi32, #tpu.memory_space<vmem>>
      %dma_wait3A_467 = tpu.memref_squeeze %dma_wait3A_466 : memref<1x128xi32, #tpu.memory_space<vmem>> -> memref<128xi32, #tpu.memory_space<vmem>>
      %dma_wait3A_468 = arith.constant 0 : i32
      %dma_wait3A_469 = arith.constant 0 : i32
      %dma_wait3A_470 = tpu.memref_slice %arg2[%dma_wait3A_468, %dma_wait3A_469] : memref<10112x128xf32, #tpu.memory_space<hbm>> -> memref<10112x128xf32, #tpu.memory_space<hbm>>
      tpu.wait_indirect_dma semaphore(%arg11 : memref<!tpu.dma_semaphore, #tpu.memory_space<semaphore_mem>>) src(%dma_wait3A_470 : memref<10112x128xf32, #tpu.memory_space<hbm>>) dst(%dma_wait3A_464 : memref<128x128xf32, #tpu.memory_space<vmem>>)
      %dma_wait3A_471 = arith.constant 4 : i32
      %dma_wait3A_472 = arith.constant 0 : i32
      %dma_wait3A_473 = tpu.memref_slice %arg7[%dma_wait3A_471, %dma_wait3A_472] : memref<8x128xi32, #tpu.memory_space<vmem>> -> memref<2x128xi32, #tpu.memory_space<vmem>>
      %dma_wait3A_474 = arith.constant 0 : i32
      %dma_wait3A_475 = tpu.memref_slice %arg3[%add3A, %add3A_370, %dma_wait3A_474] : memref<32x112x128xi32, #tpu.memory_space<hbm>> -> memref<1x2x128xi32, #tpu.memory_space<hbm>>
      %dma_wait3A_476 = tpu.memref_squeeze %dma_wait3A_475 : memref<1x2x128xi32, #tpu.memory_space<hbm>> -> memref<2x128xi32, #tpu.memory_space<hbm>>
      %dma_wait3A_477 = arith.constant 4 : i32
      %dma_wait3A_478 = arith.constant 0 : i32
      %dma_wait3A_479 = tpu.memref_slice %arg7[%dma_wait3A_477, %dma_wait3A_478] : memref<8x128xi32, #tpu.memory_space<vmem>> -> memref<2x128xi32, #tpu.memory_space<vmem>>
      %dma_wait3A_480 = arith.constant 0 : i32
      %dma_wait3A_481 = tpu.memref_slice %arg3[%add3A, %add3A_370, %dma_wait3A_480] : memref<32x112x128xi32, #tpu.memory_space<hbm>> -> memref<1x2x128xi32, #tpu.memory_space<hbm>>
      %dma_wait3A_482 = tpu.memref_squeeze %dma_wait3A_481 : memref<1x2x128xi32, #tpu.memory_space<hbm>> -> memref<2x128xi32, #tpu.memory_space<hbm>>
      tpu.wait_dma2 semaphore(%arg13 : memref<!tpu.dma_semaphore, #tpu.memory_space<semaphore_mem>>) src(%dma_wait3A_482 : memref<2x128xi32, #tpu.memory_space<hbm>>) dst(%dma_wait3A_479 : memref<2x128xi32, #tpu.memory_space<vmem>>)
      %dma_wait3A_483 = arith.constant 6 : i32
      %dma_wait3A_484 = arith.constant 0 : i32
      %dma_wait3A_485 = tpu.memref_slice %arg7[%dma_wait3A_483, %dma_wait3A_484] : memref<8x128xi32, #tpu.memory_space<vmem>> -> memref<2x128xi32, #tpu.memory_space<vmem>>
      %dma_wait3A_486 = arith.constant 0 : i32
      %dma_wait3A_487 = tpu.memref_slice %arg4[%add3A, %add3A_384, %dma_wait3A_486] : memref<32x112x128xi32, #tpu.memory_space<hbm>> -> memref<1x2x128xi32, #tpu.memory_space<hbm>>
      %dma_wait3A_488 = tpu.memref_squeeze %dma_wait3A_487 : memref<1x2x128xi32, #tpu.memory_space<hbm>> -> memref<2x128xi32, #tpu.memory_space<hbm>>
      %dma_wait3A_489 = arith.constant 6 : i32
      %dma_wait3A_490 = arith.constant 0 : i32
      %dma_wait3A_491 = tpu.memref_slice %arg7[%dma_wait3A_489, %dma_wait3A_490] : memref<8x128xi32, #tpu.memory_space<vmem>> -> memref<2x128xi32, #tpu.memory_space<vmem>>
      %dma_wait3A_492 = arith.constant 0 : i32
      %dma_wait3A_493 = tpu.memref_slice %arg4[%add3A, %add3A_384, %dma_wait3A_492] : memref<32x112x128xi32, #tpu.memory_space<hbm>> -> memref<1x2x128xi32, #tpu.memory_space<hbm>>
      %dma_wait3A_494 = tpu.memref_squeeze %dma_wait3A_493 : memref<1x2x128xi32, #tpu.memory_space<hbm>> -> memref<2x128xi32, #tpu.memory_space<hbm>>
      tpu.wait_dma2 semaphore(%arg13 : memref<!tpu.dma_semaphore, #tpu.memory_space<semaphore_mem>>) src(%dma_wait3A_494 : memref<2x128xi32, #tpu.memory_space<hbm>>) dst(%dma_wait3A_491 : memref<2x128xi32, #tpu.memory_space<vmem>>)
      %dma_start3A_495 = arith.constant 4 : i32
      %dma_start3A_496 = arith.constant 0 : i32
      %dma_start3A_497 = arith.constant 0 : i32
      %dma_start3A_498 = arith.constant 0 : i32
      %dma_start3A_499 = tpu.memref_slice %arg8[%dma_start3A_496, %dma_start3A_497, %dma_start3A_498] : memref<2x128x128xf32, #tpu.memory_space<vmem>> -> memref<1x128x128xf32, #tpu.memory_space<vmem>>
      %dma_start3A_500 = tpu.memref_squeeze %dma_start3A_499 : memref<1x128x128xf32, #tpu.memory_space<vmem>> -> memref<128x128xf32, #tpu.memory_space<vmem>>
      %dma_start3A_501 = arith.constant 0 : i32
      %dma_start3A_502 = tpu.memref_slice %arg7[%dma_start3A_495, %dma_start3A_501] : memref<8x128xi32, #tpu.memory_space<vmem>> -> memref<1x128xi32, #tpu.memory_space<vmem>>
      %dma_start3A_503 = tpu.memref_squeeze %dma_start3A_502 : memref<1x128xi32, #tpu.memory_space<vmem>> -> memref<128xi32, #tpu.memory_space<vmem>>
      %dma_start3A_504 = arith.constant 0 : i32
      %dma_start3A_505 = arith.constant 0 : i32
      %dma_start3A_506 = tpu.memref_slice %arg2[%dma_start3A_504, %dma_start3A_505] : memref<10112x128xf32, #tpu.memory_space<hbm>> -> memref<10112x128xf32, #tpu.memory_space<hbm>>
      tpu.enqueue_indirect_dma source(%dma_start3A_506 : memref<10112x128xf32, #tpu.memory_space<hbm>>) target(%dma_start3A_500 : memref<128x128xf32, #tpu.memory_space<vmem>>) offsets(%dma_start3A_503 : memref<128xi32, #tpu.memory_space<vmem>>) semaphore(%arg10 : memref<!tpu.dma_semaphore, #tpu.memory_space<semaphore_mem>>)
      %run_scoped3A_507 = arith.constant 1 : i32
      %run_scoped3A_508 = arith.constant 3 : i32
      "tpu.region"() ({
        %run_scoped3A_549 = tpu.sem_alloc : memref<!tpu.dma_semaphore, #tpu.memory_space<semaphore_mem>>
        %dma_start3A_550 = arith.constant 0 : i32
        %dma_start3A_551 = arith.constant 0 : i32
        %dma_start3A_552 = tpu.memref_slice %arg8[%run_scoped3A_507, %dma_start3A_550, %dma_start3A_551] : memref<2x128x128xf32, #tpu.memory_space<vmem>> -> memref<1x128x128xf32, #tpu.memory_space<vmem>>
        %dma_start3A_553 = tpu.memref_squeeze %dma_start3A_552 : memref<1x128x128xf32, #tpu.memory_space<vmem>> -> memref<128x128xf32, #tpu.memory_space<vmem>>
        %dma_start3A_554 = arith.constant 0 : i32
        %dma_start3A_555 = tpu.memref_slice %arg7[%run_scoped3A_508, %dma_start3A_554] : memref<8x128xi32, #tpu.memory_space<vmem>> -> memref<1x128xi32, #tpu.memory_space<vmem>>
        %dma_start3A_556 = tpu.memref_squeeze %dma_start3A_555 : memref<1x128xi32, #tpu.memory_space<vmem>> -> memref<128xi32, #tpu.memory_space<vmem>>
        %dma_start3A_557 = arith.constant 0 : i32
        %dma_start3A_558 = arith.constant 0 : i32
        %dma_start3A_559 = tpu.memref_slice %arg9[%dma_start3A_557, %dma_start3A_558] : memref<10112x128xf32, #tpu.memory_space<vmem_shared>> -> memref<10112x128xf32, #tpu.memory_space<vmem_shared>>
        tpu.enqueue_indirect_dma source(%dma_start3A_553 : memref<128x128xf32, #tpu.memory_space<vmem>>) target(%dma_start3A_559 : memref<10112x128xf32, #tpu.memory_space<vmem_shared>>) offsets(%dma_start3A_556 : memref<128xi32, #tpu.memory_space<vmem>>) semaphore(%run_scoped3A_549 : memref<!tpu.dma_semaphore, #tpu.memory_space<semaphore_mem>>) {add = true}
        %dma_wait3A_560 = arith.constant 0 : i32
        %dma_wait3A_561 = arith.constant 0 : i32
        %dma_wait3A_562 = tpu.memref_slice %arg8[%run_scoped3A_507, %dma_wait3A_560, %dma_wait3A_561] : memref<2x128x128xf32, #tpu.memory_space<vmem>> -> memref<1x128x128xf32, #tpu.memory_space<vmem>>
        %dma_wait3A_563 = tpu.memref_squeeze %dma_wait3A_562 : memref<1x128x128xf32, #tpu.memory_space<vmem>> -> memref<128x128xf32, #tpu.memory_space<vmem>>
        %dma_wait3A_564 = arith.constant 0 : i32
        %dma_wait3A_565 = tpu.memref_slice %arg7[%run_scoped3A_508, %dma_wait3A_564] : memref<8x128xi32, #tpu.memory_space<vmem>> -> memref<1x128xi32, #tpu.memory_space<vmem>>
        %dma_wait3A_566 = tpu.memref_squeeze %dma_wait3A_565 : memref<1x128xi32, #tpu.memory_space<vmem>> -> memref<128xi32, #tpu.memory_space<vmem>>
        %dma_wait3A_567 = arith.constant 0 : i32
        %dma_wait3A_568 = arith.constant 0 : i32
        %dma_wait3A_569 = tpu.memref_slice %arg9[%dma_wait3A_567, %dma_wait3A_568] : memref<10112x128xf32, #tpu.memory_space<vmem_shared>> -> memref<10112x128xf32, #tpu.memory_space<vmem_shared>>
        tpu.wait_indirect_dma semaphore(%run_scoped3A_549 : memref<!tpu.dma_semaphore, #tpu.memory_space<semaphore_mem>>) src(%dma_wait3A_563 : memref<128x128xf32, #tpu.memory_space<vmem>>) dst(%dma_wait3A_569 : memref<10112x128xf32, #tpu.memory_space<vmem_shared>>)
        tpu.yield
      }) : () -> ()
      %dma_wait3A_509 = arith.constant 4 : i32
      %dma_wait3A_510 = arith.constant 0 : i32
      %dma_wait3A_511 = arith.constant 0 : i32
      %dma_wait3A_512 = arith.constant 0 : i32
      %dma_wait3A_513 = tpu.memref_slice %arg8[%dma_wait3A_510, %dma_wait3A_511, %dma_wait3A_512] : memref<2x128x128xf32, #tpu.memory_space<vmem>> -> memref<1x128x128xf32, #tpu.memory_space<vmem>>
      %dma_wait3A_514 = tpu.memref_squeeze %dma_wait3A_513 : memref<1x128x128xf32, #tpu.memory_space<vmem>> -> memref<128x128xf32, #tpu.memory_space<vmem>>
      %dma_wait3A_515 = arith.constant 0 : i32
      %dma_wait3A_516 = tpu.memref_slice %arg7[%dma_wait3A_509, %dma_wait3A_515] : memref<8x128xi32, #tpu.memory_space<vmem>> -> memref<1x128xi32, #tpu.memory_space<vmem>>
      %dma_wait3A_517 = tpu.memref_squeeze %dma_wait3A_516 : memref<1x128xi32, #tpu.memory_space<vmem>> -> memref<128xi32, #tpu.memory_space<vmem>>
      %dma_wait3A_518 = arith.constant 0 : i32
      %dma_wait3A_519 = arith.constant 0 : i32
      %dma_wait3A_520 = tpu.memref_slice %arg2[%dma_wait3A_518, %dma_wait3A_519] : memref<10112x128xf32, #tpu.memory_space<hbm>> -> memref<10112x128xf32, #tpu.memory_space<hbm>>
      tpu.wait_indirect_dma semaphore(%arg10 : memref<!tpu.dma_semaphore, #tpu.memory_space<semaphore_mem>>) src(%dma_wait3A_520 : memref<10112x128xf32, #tpu.memory_space<hbm>>) dst(%dma_wait3A_514 : memref<128x128xf32, #tpu.memory_space<vmem>>)
      %dma_start3A_521 = arith.constant 5 : i32
      %dma_start3A_522 = arith.constant 1 : i32
      %dma_start3A_523 = arith.constant 0 : i32
      %dma_start3A_524 = arith.constant 0 : i32
      %dma_start3A_525 = tpu.memref_slice %arg8[%dma_start3A_522, %dma_start3A_523, %dma_start3A_524] : memref<2x128x128xf32, #tpu.memory_space<vmem>> -> memref<1x128x128xf32, #tpu.memory_space<vmem>>
      %dma_start3A_526 = tpu.memref_squeeze %dma_start3A_525 : memref<1x128x128xf32, #tpu.memory_space<vmem>> -> memref<128x128xf32, #tpu.memory_space<vmem>>
      %dma_start3A_527 = arith.constant 0 : i32
      %dma_start3A_528 = tpu.memref_slice %arg7[%dma_start3A_521, %dma_start3A_527] : memref<8x128xi32, #tpu.memory_space<vmem>> -> memref<1x128xi32, #tpu.memory_space<vmem>>
      %dma_start3A_529 = tpu.memref_squeeze %dma_start3A_528 : memref<1x128xi32, #tpu.memory_space<vmem>> -> memref<128xi32, #tpu.memory_space<vmem>>
      %dma_start3A_530 = arith.constant 0 : i32
      %dma_start3A_531 = arith.constant 0 : i32
      %dma_start3A_532 = tpu.memref_slice %arg2[%dma_start3A_530, %dma_start3A_531] : memref<10112x128xf32, #tpu.memory_space<hbm>> -> memref<10112x128xf32, #tpu.memory_space<hbm>>
      tpu.enqueue_indirect_dma source(%dma_start3A_532 : memref<10112x128xf32, #tpu.memory_space<hbm>>) target(%dma_start3A_526 : memref<128x128xf32, #tpu.memory_space<vmem>>) offsets(%dma_start3A_529 : memref<128xi32, #tpu.memory_space<vmem>>) semaphore(%arg11 : memref<!tpu.dma_semaphore, #tpu.memory_space<semaphore_mem>>)
      %run_scoped3A_533 = arith.constant 0 : i32
      %run_scoped3A_534 = arith.constant 6 : i32
      "tpu.region"() ({
        %run_scoped3A_549 = tpu.sem_alloc : memref<!tpu.dma_semaphore, #tpu.memory_space<semaphore_mem>>
        %dma_start3A_550 = arith.constant 0 : i32
        %dma_start3A_551 = arith.constant 0 : i32
        %dma_start3A_552 = tpu.memref_slice %arg8[%run_scoped3A_533, %dma_start3A_550, %dma_start3A_551] : memref<2x128x128xf32, #tpu.memory_space<vmem>> -> memref<1x128x128xf32, #tpu.memory_space<vmem>>
        %dma_start3A_553 = tpu.memref_squeeze %dma_start3A_552 : memref<1x128x128xf32, #tpu.memory_space<vmem>> -> memref<128x128xf32, #tpu.memory_space<vmem>>
        %dma_start3A_554 = arith.constant 0 : i32
        %dma_start3A_555 = tpu.memref_slice %arg7[%run_scoped3A_534, %dma_start3A_554] : memref<8x128xi32, #tpu.memory_space<vmem>> -> memref<1x128xi32, #tpu.memory_space<vmem>>
        %dma_start3A_556 = tpu.memref_squeeze %dma_start3A_555 : memref<1x128xi32, #tpu.memory_space<vmem>> -> memref<128xi32, #tpu.memory_space<vmem>>
        %dma_start3A_557 = arith.constant 0 : i32
        %dma_start3A_558 = arith.constant 0 : i32
        %dma_start3A_559 = tpu.memref_slice %arg9[%dma_start3A_557, %dma_start3A_558] : memref<10112x128xf32, #tpu.memory_space<vmem_shared>> -> memref<10112x128xf32, #tpu.memory_space<vmem_shared>>
        tpu.enqueue_indirect_dma source(%dma_start3A_553 : memref<128x128xf32, #tpu.memory_space<vmem>>) target(%dma_start3A_559 : memref<10112x128xf32, #tpu.memory_space<vmem_shared>>) offsets(%dma_start3A_556 : memref<128xi32, #tpu.memory_space<vmem>>) semaphore(%run_scoped3A_549 : memref<!tpu.dma_semaphore, #tpu.memory_space<semaphore_mem>>) {add = true}
        %dma_wait3A_560 = arith.constant 0 : i32
        %dma_wait3A_561 = arith.constant 0 : i32
        %dma_wait3A_562 = tpu.memref_slice %arg8[%run_scoped3A_533, %dma_wait3A_560, %dma_wait3A_561] : memref<2x128x128xf32, #tpu.memory_space<vmem>> -> memref<1x128x128xf32, #tpu.memory_space<vmem>>
        %dma_wait3A_563 = tpu.memref_squeeze %dma_wait3A_562 : memref<1x128x128xf32, #tpu.memory_space<vmem>> -> memref<128x128xf32, #tpu.memory_space<vmem>>
        %dma_wait3A_564 = arith.constant 0 : i32
        %dma_wait3A_565 = tpu.memref_slice %arg7[%run_scoped3A_534, %dma_wait3A_564] : memref<8x128xi32, #tpu.memory_space<vmem>> -> memref<1x128xi32, #tpu.memory_space<vmem>>
        %dma_wait3A_566 = tpu.memref_squeeze %dma_wait3A_565 : memref<1x128xi32, #tpu.memory_space<vmem>> -> memref<128xi32, #tpu.memory_space<vmem>>
        %dma_wait3A_567 = arith.constant 0 : i32
        %dma_wait3A_568 = arith.constant 0 : i32
        %dma_wait3A_569 = tpu.memref_slice %arg9[%dma_wait3A_567, %dma_wait3A_568] : memref<10112x128xf32, #tpu.memory_space<vmem_shared>> -> memref<10112x128xf32, #tpu.memory_space<vmem_shared>>
        tpu.wait_indirect_dma semaphore(%run_scoped3A_549 : memref<!tpu.dma_semaphore, #tpu.memory_space<semaphore_mem>>) src(%dma_wait3A_563 : memref<128x128xf32, #tpu.memory_space<vmem>>) dst(%dma_wait3A_569 : memref<10112x128xf32, #tpu.memory_space<vmem_shared>>)
        tpu.yield
      }) : () -> ()
      %dma_wait3A_535 = arith.constant 5 : i32
      %dma_wait3A_536 = arith.constant 1 : i32
      %dma_wait3A_537 = arith.constant 0 : i32
      %dma_wait3A_538 = arith.constant 0 : i32
      %dma_wait3A_539 = tpu.memref_slice %arg8[%dma_wait3A_536, %dma_wait3A_537, %dma_wait3A_538] : memref<2x128x128xf32, #tpu.memory_space<vmem>> -> memref<1x128x128xf32, #tpu.memory_space<vmem>>
      %dma_wait3A_540 = tpu.memref_squeeze %dma_wait3A_539 : memref<1x128x128xf32, #tpu.memory_space<vmem>> -> memref<128x128xf32, #tpu.memory_space<vmem>>
      %dma_wait3A_541 = arith.constant 0 : i32
      %dma_wait3A_542 = tpu.memref_slice %arg7[%dma_wait3A_535, %dma_wait3A_541] : memref<8x128xi32, #tpu.memory_space<vmem>> -> memref<1x128xi32, #tpu.memory_space<vmem>>
      %dma_wait3A_543 = tpu.memref_squeeze %dma_wait3A_542 : memref<1x128xi32, #tpu.memory_space<vmem>> -> memref<128xi32, #tpu.memory_space<vmem>>
      %dma_wait3A_544 = arith.constant 0 : i32
      %dma_wait3A_545 = arith.constant 0 : i32
      %dma_wait3A_546 = tpu.memref_slice %arg2[%dma_wait3A_544, %dma_wait3A_545] : memref<10112x128xf32, #tpu.memory_space<hbm>> -> memref<10112x128xf32, #tpu.memory_space<hbm>>
      tpu.wait_indirect_dma semaphore(%arg11 : memref<!tpu.dma_semaphore, #tpu.memory_space<semaphore_mem>>) src(%dma_wait3A_546 : memref<10112x128xf32, #tpu.memory_space<hbm>>) dst(%dma_wait3A_540 : memref<128x128xf32, #tpu.memory_space<vmem>>)
      %run_scoped3A_547 = arith.constant 1 : i32
      %run_scoped3A_548 = arith.constant 7 : i32
      "tpu.region"() ({
        %run_scoped3A_549 = tpu.sem_alloc : memref<!tpu.dma_semaphore, #tpu.memory_space<semaphore_mem>>
        %dma_start3A_550 = arith.constant 0 : i32
        %dma_start3A_551 = arith.constant 0 : i32
        %dma_start3A_552 = tpu.memref_slice %arg8[%run_scoped3A_547, %dma_start3A_550, %dma_start3A_551] : memref<2x128x128xf32, #tpu.memory_space<vmem>> -> memref<1x128x128xf32, #tpu.memory_space<vmem>>
        %dma_start3A_553 = tpu.memref_squeeze %dma_start3A_552 : memref<1x128x128xf32, #tpu.memory_space<vmem>> -> memref<128x128xf32, #tpu.memory_space<vmem>>
        %dma_start3A_554 = arith.constant 0 : i32
        %dma_start3A_555 = tpu.memref_slice %arg7[%run_scoped3A_548, %dma_start3A_554] : memref<8x128xi32, #tpu.memory_space<vmem>> -> memref<1x128xi32, #tpu.memory_space<vmem>>
        %dma_start3A_556 = tpu.memref_squeeze %dma_start3A_555 : memref<1x128xi32, #tpu.memory_space<vmem>> -> memref<128xi32, #tpu.memory_space<vmem>>
        %dma_start3A_557 = arith.constant 0 : i32
        %dma_start3A_558 = arith.constant 0 : i32
        %dma_start3A_559 = tpu.memref_slice %arg9[%dma_start3A_557, %dma_start3A_558] : memref<10112x128xf32, #tpu.memory_space<vmem_shared>> -> memref<10112x128xf32, #tpu.memory_space<vmem_shared>>
        tpu.enqueue_indirect_dma source(%dma_start3A_553 : memref<128x128xf32, #tpu.memory_space<vmem>>) target(%dma_start3A_559 : memref<10112x128xf32, #tpu.memory_space<vmem_shared>>) offsets(%dma_start3A_556 : memref<128xi32, #tpu.memory_space<vmem>>) semaphore(%run_scoped3A_549 : memref<!tpu.dma_semaphore, #tpu.memory_space<semaphore_mem>>) {add = true}
        %dma_wait3A_560 = arith.constant 0 : i32
        %dma_wait3A_561 = arith.constant 0 : i32
        %dma_wait3A_562 = tpu.memref_slice %arg8[%run_scoped3A_547, %dma_wait3A_560, %dma_wait3A_561] : memref<2x128x128xf32, #tpu.memory_space<vmem>> -> memref<1x128x128xf32, #tpu.memory_space<vmem>>
        %dma_wait3A_563 = tpu.memref_squeeze %dma_wait3A_562 : memref<1x128x128xf32, #tpu.memory_space<vmem>> -> memref<128x128xf32, #tpu.memory_space<vmem>>
        %dma_wait3A_564 = arith.constant 0 : i32
        %dma_wait3A_565 = tpu.memref_slice %arg7[%run_scoped3A_548, %dma_wait3A_564] : memref<8x128xi32, #tpu.memory_space<vmem>> -> memref<1x128xi32, #tpu.memory_space<vmem>>
        %dma_wait3A_566 = tpu.memref_squeeze %dma_wait3A_565 : memref<1x128xi32, #tpu.memory_space<vmem>> -> memref<128xi32, #tpu.memory_space<vmem>>
        %dma_wait3A_567 = arith.constant 0 : i32
        %dma_wait3A_568 = arith.constant 0 : i32
        %dma_wait3A_569 = tpu.memref_slice %arg9[%dma_wait3A_567, %dma_wait3A_568] : memref<10112x128xf32, #tpu.memory_space<vmem_shared>> -> memref<10112x128xf32, #tpu.memory_space<vmem_shared>>
        tpu.wait_indirect_dma semaphore(%run_scoped3A_549 : memref<!tpu.dma_semaphore, #tpu.memory_space<semaphore_mem>>) src(%dma_wait3A_563 : memref<128x128xf32, #tpu.memory_space<vmem>>) dst(%dma_wait3A_569 : memref<10112x128xf32, #tpu.memory_space<vmem_shared>>)
        tpu.yield
      }) : () -> ()
    }
    %barrier3A_51 = arith.constant 0 : index
    tpu.barrier barrier_id(%barrier3A_51)
    %add3A_52 = arith.constant 0 : i32
    %add3A_53 = arith.addi %mul3A_2, %add3A_52 : i32
    %dma_start3A_54 = arith.constant 0 : i32
    %dma_start3A_55 = arith.constant 0 : i32
    %dma_start3A_56 = arith.constant 0 : i32
    %dma_start3A_57 = tpu.memref_slice %arg8[%dma_start3A_54, %dma_start3A_55, %dma_start3A_56] : memref<2x128x128xf32, #tpu.memory_space<vmem>> -> memref<1x128x128xf32, #tpu.memory_space<vmem>>
    %dma_start3A_58 = tpu.memref_squeeze %dma_start3A_57 : memref<1x128x128xf32, #tpu.memory_space<vmem>> -> memref<128x128xf32, #tpu.memory_space<vmem>>
    %dma_start3A_59 = arith.constant 0 : i32
    %dma_start3A_60 = tpu.memref_slice %arg9[%add3A_53, %dma_start3A_59] : memref<10112x128xf32, #tpu.memory_space<vmem_shared>> -> memref<128x128xf32, #tpu.memory_space<vmem_shared>>
    %dma_start3A_61 = arith.constant 0 : i32
    %dma_start3A_62 = arith.constant 0 : i32
    %dma_start3A_63 = tpu.memref_slice %arg8[%dma_start3A_54, %dma_start3A_61, %dma_start3A_62] : memref<2x128x128xf32, #tpu.memory_space<vmem>> -> memref<1x128x128xf32, #tpu.memory_space<vmem>>
    %dma_start3A_64 = tpu.memref_squeeze %dma_start3A_63 : memref<1x128x128xf32, #tpu.memory_space<vmem>> -> memref<128x128xf32, #tpu.memory_space<vmem>>
    %dma_start3A_65 = arith.constant 0 : i32
    %dma_start3A_66 = tpu.memref_slice %arg9[%add3A_53, %dma_start3A_65] : memref<10112x128xf32, #tpu.memory_space<vmem_shared>> -> memref<128x128xf32, #tpu.memory_space<vmem_shared>>
    tpu.enqueue_dma source(%dma_start3A_66 : memref<128x128xf32, #tpu.memory_space<vmem_shared>>) target(%dma_start3A_64 : memref<128x128xf32, #tpu.memory_space<vmem>>) target_semaphore(%arg14 : memref<!tpu.dma_semaphore, #tpu.memory_space<semaphore_mem>>)
    %dma_wait3A_67 = arith.constant 0 : i32
    %dma_wait3A_68 = arith.constant 0 : i32
    %dma_wait3A_69 = arith.constant 0 : i32
    %dma_wait3A_70 = tpu.memref_slice %arg8[%dma_wait3A_67, %dma_wait3A_68, %dma_wait3A_69] : memref<2x128x128xf32, #tpu.memory_space<vmem>> -> memref<1x128x128xf32, #tpu.memory_space<vmem>>
    %dma_wait3A_71 = tpu.memref_squeeze %dma_wait3A_70 : memref<1x128x128xf32, #tpu.memory_space<vmem>> -> memref<128x128xf32, #tpu.memory_space<vmem>>
    %dma_wait3A_72 = arith.constant 0 : i32
    %dma_wait3A_73 = tpu.memref_slice %arg9[%add3A_53, %dma_wait3A_72] : memref<10112x128xf32, #tpu.memory_space<vmem_shared>> -> memref<128x128xf32, #tpu.memory_space<vmem_shared>>
    %dma_wait3A_74 = arith.constant 0 : i32
    %dma_wait3A_75 = arith.constant 0 : i32
    %dma_wait3A_76 = tpu.memref_slice %arg8[%dma_wait3A_67, %dma_wait3A_74, %dma_wait3A_75] : memref<2x128x128xf32, #tpu.memory_space<vmem>> -> memref<1x128x128xf32, #tpu.memory_space<vmem>>
    %dma_wait3A_77 = tpu.memref_squeeze %dma_wait3A_76 : memref<1x128x128xf32, #tpu.memory_space<vmem>> -> memref<128x128xf32, #tpu.memory_space<vmem>>
    %dma_wait3A_78 = arith.constant 0 : i32
    %dma_wait3A_79 = tpu.memref_slice %arg9[%add3A_53, %dma_wait3A_78] : memref<10112x128xf32, #tpu.memory_space<vmem_shared>> -> memref<128x128xf32, #tpu.memory_space<vmem_shared>>
    tpu.wait_dma2 semaphore(%arg14 : memref<!tpu.dma_semaphore, #tpu.memory_space<semaphore_mem>>) src(%dma_wait3A_79 : memref<128x128xf32, #tpu.memory_space<vmem_shared>>) dst(%dma_wait3A_77 : memref<128x128xf32, #tpu.memory_space<vmem>>)
    %dma_start3A_80 = arith.constant 0 : i32
    %dma_start3A_81 = arith.constant 0 : i32
    %dma_start3A_82 = arith.constant 0 : i32
    %dma_start3A_83 = tpu.memref_slice %arg8[%dma_start3A_80, %dma_start3A_81, %dma_start3A_82] : memref<2x128x128xf32, #tpu.memory_space<vmem>> -> memref<1x128x128xf32, #tpu.memory_space<vmem>>
    %dma_start3A_84 = tpu.memref_squeeze %dma_start3A_83 : memref<1x128x128xf32, #tpu.memory_space<vmem>> -> memref<128x128xf32, #tpu.memory_space<vmem>>
    %dma_start3A_85 = arith.constant 0 : i32
    %dma_start3A_86 = tpu.memref_slice %arg6[%arg0, %add3A_53, %dma_start3A_85] : memref<2x10112x128xf32, #tpu.memory_space<hbm>> -> memref<1x128x128xf32, #tpu.memory_space<hbm>>
    %dma_start3A_87 = tpu.memref_squeeze %dma_start3A_86 : memref<1x128x128xf32, #tpu.memory_space<hbm>> -> memref<128x128xf32, #tpu.memory_space<hbm>>
    %dma_start3A_88 = arith.constant 0 : i32
    %dma_start3A_89 = tpu.memref_slice %arg6[%arg0, %add3A_53, %dma_start3A_88] : memref<2x10112x128xf32, #tpu.memory_space<hbm>> -> memref<1x128x128xf32, #tpu.memory_space<hbm>>
    %dma_start3A_90 = tpu.memref_squeeze %dma_start3A_89 : memref<1x128x128xf32, #tpu.memory_space<hbm>> -> memref<128x128xf32, #tpu.memory_space<hbm>>
    %dma_start3A_91 = arith.constant 0 : i32
    %dma_start3A_92 = arith.constant 0 : i32
    %dma_start3A_93 = tpu.memref_slice %arg8[%dma_start3A_80, %dma_start3A_91, %dma_start3A_92] : memref<2x128x128xf32, #tpu.memory_space<vmem>> -> memref<1x128x128xf32, #tpu.memory_space<vmem>>
    %dma_start3A_94 = tpu.memref_squeeze %dma_start3A_93 : memref<1x128x128xf32, #tpu.memory_space<vmem>> -> memref<128x128xf32, #tpu.memory_space<vmem>>
    tpu.enqueue_dma source(%dma_start3A_94 : memref<128x128xf32, #tpu.memory_space<vmem>>) target(%dma_start3A_90 : memref<128x128xf32, #tpu.memory_space<hbm>>) target_semaphore(%arg10 : memref<!tpu.dma_semaphore, #tpu.memory_space<semaphore_mem>>)
    %add3A_95 = arith.constant 128 : i32
    %add3A_96 = arith.addi %mul3A_2, %add3A_95 : i32
    %dma_start3A_97 = arith.constant 1 : i32
    %dma_start3A_98 = arith.constant 0 : i32
    %dma_start3A_99 = arith.constant 0 : i32
    %dma_start3A_100 = tpu.memref_slice %arg8[%dma_start3A_97, %dma_start3A_98, %dma_start3A_99] : memref<2x128x128xf32, #tpu.memory_space<vmem>> -> memref<1x128x128xf32, #tpu.memory_space<vmem>>
    %dma_start3A_101 = tpu.memref_squeeze %dma_start3A_100 : memref<1x128x128xf32, #tpu.memory_space<vmem>> -> memref<128x128xf32, #tpu.memory_space<vmem>>
    %dma_start3A_102 = arith.constant 0 : i32
    %dma_start3A_103 = tpu.memref_slice %arg9[%add3A_96, %dma_start3A_102] : memref<10112x128xf32, #tpu.memory_space<vmem_shared>> -> memref<128x128xf32, #tpu.memory_space<vmem_shared>>
    %dma_start3A_104 = arith.constant 0 : i32
    %dma_start3A_105 = arith.constant 0 : i32
    %dma_start3A_106 = tpu.memref_slice %arg8[%dma_start3A_97, %dma_start3A_104, %dma_start3A_105] : memref<2x128x128xf32, #tpu.memory_space<vmem>> -> memref<1x128x128xf32, #tpu.memory_space<vmem>>
    %dma_start3A_107 = tpu.memref_squeeze %dma_start3A_106 : memref<1x128x128xf32, #tpu.memory_space<vmem>> -> memref<128x128xf32, #tpu.memory_space<vmem>>
    %dma_start3A_108 = arith.constant 0 : i32
    %dma_start3A_109 = tpu.memref_slice %arg9[%add3A_96, %dma_start3A_108] : memref<10112x128xf32, #tpu.memory_space<vmem_shared>> -> memref<128x128xf32, #tpu.memory_space<vmem_shared>>
    tpu.enqueue_dma source(%dma_start3A_109 : memref<128x128xf32, #tpu.memory_space<vmem_shared>>) target(%dma_start3A_107 : memref<128x128xf32, #tpu.memory_space<vmem>>) target_semaphore(%arg14 : memref<!tpu.dma_semaphore, #tpu.memory_space<semaphore_mem>>)
    %dma_wait3A_110 = arith.constant 1 : i32
    %dma_wait3A_111 = arith.constant 0 : i32
    %dma_wait3A_112 = arith.constant 0 : i32
    %dma_wait3A_113 = tpu.memref_slice %arg8[%dma_wait3A_110, %dma_wait3A_111, %dma_wait3A_112] : memref<2x128x128xf32, #tpu.memory_space<vmem>> -> memref<1x128x128xf32, #tpu.memory_space<vmem>>
    %dma_wait3A_114 = tpu.memref_squeeze %dma_wait3A_113 : memref<1x128x128xf32, #tpu.memory_space<vmem>> -> memref<128x128xf32, #tpu.memory_space<vmem>>
    %dma_wait3A_115 = arith.constant 0 : i32
    %dma_wait3A_116 = tpu.memref_slice %arg9[%add3A_96, %dma_wait3A_115] : memref<10112x128xf32, #tpu.memory_space<vmem_shared>> -> memref<128x128xf32, #tpu.memory_space<vmem_shared>>
    %dma_wait3A_117 = arith.constant 0 : i32
    %dma_wait3A_118 = arith.constant 0 : i32
    %dma_wait3A_119 = tpu.memref_slice %arg8[%dma_wait3A_110, %dma_wait3A_117, %dma_wait3A_118] : memref<2x128x128xf32, #tpu.memory_space<vmem>> -> memref<1x128x128xf32, #tpu.memory_space<vmem>>
    %dma_wait3A_120 = tpu.memref_squeeze %dma_wait3A_119 : memref<1x128x128xf32, #tpu.memory_space<vmem>> -> memref<128x128xf32, #tpu.memory_space<vmem>>
    %dma_wait3A_121 = arith.constant 0 : i32
    %dma_wait3A_122 = tpu.memref_slice %arg9[%add3A_96, %dma_wait3A_121] : memref<10112x128xf32, #tpu.memory_space<vmem_shared>> -> memref<128x128xf32, #tpu.memory_space<vmem_shared>>
    tpu.wait_dma2 semaphore(%arg14 : memref<!tpu.dma_semaphore, #tpu.memory_space<semaphore_mem>>) src(%dma_wait3A_122 : memref<128x128xf32, #tpu.memory_space<vmem_shared>>) dst(%dma_wait3A_120 : memref<128x128xf32, #tpu.memory_space<vmem>>)
    %dma_start3A_123 = arith.constant 1 : i32
    %dma_start3A_124 = arith.constant 0 : i32
    %dma_start3A_125 = arith.constant 0 : i32
    %dma_start3A_126 = tpu.memref_slice %arg8[%dma_start3A_123, %dma_start3A_124, %dma_start3A_125] : memref<2x128x128xf32, #tpu.memory_space<vmem>> -> memref<1x128x128xf32, #tpu.memory_space<vmem>>
    %dma_start3A_127 = tpu.memref_squeeze %dma_start3A_126 : memref<1x128x128xf32, #tpu.memory_space<vmem>> -> memref<128x128xf32, #tpu.memory_space<vmem>>
    %dma_start3A_128 = arith.constant 0 : i32
    %dma_start3A_129 = tpu.memref_slice %arg6[%arg0, %add3A_96, %dma_start3A_128] : memref<2x10112x128xf32, #tpu.memory_space<hbm>> -> memref<1x128x128xf32, #tpu.memory_space<hbm>>
    %dma_start3A_130 = tpu.memref_squeeze %dma_start3A_129 : memref<1x128x128xf32, #tpu.memory_space<hbm>> -> memref<128x128xf32, #tpu.memory_space<hbm>>
    %dma_start3A_131 = arith.constant 0 : i32
    %dma_start3A_132 = tpu.memref_slice %arg6[%arg0, %add3A_96, %dma_start3A_131] : memref<2x10112x128xf32, #tpu.memory_space<hbm>> -> memref<1x128x128xf32, #tpu.memory_space<hbm>>
    %dma_start3A_133 = tpu.memref_squeeze %dma_start3A_132 : memref<1x128x128xf32, #tpu.memory_space<hbm>> -> memref<128x128xf32, #tpu.memory_space<hbm>>
    %dma_start3A_134 = arith.constant 0 : i32
    %dma_start3A_135 = arith.constant 0 : i32
    %dma_start3A_136 = tpu.memref_slice %arg8[%dma_start3A_123, %dma_start3A_134, %dma_start3A_135] : memref<2x128x128xf32, #tpu.memory_space<vmem>> -> memref<1x128x128xf32, #tpu.memory_space<vmem>>
    %dma_start3A_137 = tpu.memref_squeeze %dma_start3A_136 : memref<1x128x128xf32, #tpu.memory_space<vmem>> -> memref<128x128xf32, #tpu.memory_space<vmem>>
    tpu.enqueue_dma source(%dma_start3A_137 : memref<128x128xf32, #tpu.memory_space<vmem>>) target(%dma_start3A_133 : memref<128x128xf32, #tpu.memory_space<hbm>>) target_semaphore(%arg11 : memref<!tpu.dma_semaphore, #tpu.memory_space<semaphore_mem>>)
    %add3A_138 = arith.constant 256 : i32
    %add3A_139 = arith.addi %mul3A_2, %add3A_138 : i32
    %dma_wait3A_140 = arith.constant 0 : i32
    %dma_wait3A_141 = arith.constant 0 : i32
    %dma_wait3A_142 = arith.constant 0 : i32
    %dma_wait3A_143 = tpu.memref_slice %arg8[%dma_wait3A_140, %dma_wait3A_141, %dma_wait3A_142] : memref<2x128x128xf32, #tpu.memory_space<vmem>> -> memref<1x128x128xf32, #tpu.memory_space<vmem>>
    %dma_wait3A_144 = tpu.memref_squeeze %dma_wait3A_143 : memref<1x128x128xf32, #tpu.memory_space<vmem>> -> memref<128x128xf32, #tpu.memory_space<vmem>>
    %dma_wait3A_145 = arith.constant 0 : i32
    %dma_wait3A_146 = tpu.memref_slice %arg6[%arg0, %add3A_53, %dma_wait3A_145] : memref<2x10112x128xf32, #tpu.memory_space<hbm>> -> memref<1x128x128xf32, #tpu.memory_space<hbm>>
    %dma_wait3A_147 = tpu.memref_squeeze %dma_wait3A_146 : memref<1x128x128xf32, #tpu.memory_space<hbm>> -> memref<128x128xf32, #tpu.memory_space<hbm>>
    %dma_wait3A_148 = arith.constant 0 : i32
    %dma_wait3A_149 = tpu.memref_slice %arg6[%arg0, %add3A_53, %dma_wait3A_148] : memref<2x10112x128xf32, #tpu.memory_space<hbm>> -> memref<1x128x128xf32, #tpu.memory_space<hbm>>
    %dma_wait3A_150 = tpu.memref_squeeze %dma_wait3A_149 : memref<1x128x128xf32, #tpu.memory_space<hbm>> -> memref<128x128xf32, #tpu.memory_space<hbm>>
    %dma_wait3A_151 = arith.constant 0 : i32
    %dma_wait3A_152 = arith.constant 0 : i32
    %dma_wait3A_153 = tpu.memref_slice %arg8[%dma_wait3A_140, %dma_wait3A_151, %dma_wait3A_152] : memref<2x128x128xf32, #tpu.memory_space<vmem>> -> memref<1x128x128xf32, #tpu.memory_space<vmem>>
    %dma_wait3A_154 = tpu.memref_squeeze %dma_wait3A_153 : memref<1x128x128xf32, #tpu.memory_space<vmem>> -> memref<128x128xf32, #tpu.memory_space<vmem>>
    tpu.wait_dma2 semaphore(%arg10 : memref<!tpu.dma_semaphore, #tpu.memory_space<semaphore_mem>>) src(%dma_wait3A_154 : memref<128x128xf32, #tpu.memory_space<vmem>>) dst(%dma_wait3A_150 : memref<128x128xf32, #tpu.memory_space<hbm>>)
    %dma_start3A_155 = arith.constant 0 : i32
    %dma_start3A_156 = arith.constant 0 : i32
    %dma_start3A_157 = arith.constant 0 : i32
    %dma_start3A_158 = tpu.memref_slice %arg8[%dma_start3A_155, %dma_start3A_156, %dma_start3A_157] : memref<2x128x128xf32, #tpu.memory_space<vmem>> -> memref<1x128x128xf32, #tpu.memory_space<vmem>>
    %dma_start3A_159 = tpu.memref_squeeze %dma_start3A_158 : memref<1x128x128xf32, #tpu.memory_space<vmem>> -> memref<128x128xf32, #tpu.memory_space<vmem>>
    %dma_start3A_160 = arith.constant 0 : i32
    %dma_start3A_161 = tpu.memref_slice %arg9[%add3A_139, %dma_start3A_160] : memref<10112x128xf32, #tpu.memory_space<vmem_shared>> -> memref<128x128xf32, #tpu.memory_space<vmem_shared>>
    %dma_start3A_162 = arith.constant 0 : i32
    %dma_start3A_163 = arith.constant 0 : i32
    %dma_start3A_164 = tpu.memref_slice %arg8[%dma_start3A_155, %dma_start3A_162, %dma_start3A_163] : memref<2x128x128xf32, #tpu.memory_space<vmem>> -> memref<1x128x128xf32, #tpu.memory_space<vmem>>
    %dma_start3A_165 = tpu.memref_squeeze %dma_start3A_164 : memref<1x128x128xf32, #tpu.memory_space<vmem>> -> memref<128x128xf32, #tpu.memory_space<vmem>>
    %dma_start3A_166 = arith.constant 0 : i32
    %dma_start3A_167 = tpu.memref_slice %arg9[%add3A_139, %dma_start3A_166] : memref<10112x128xf32, #tpu.memory_space<vmem_shared>> -> memref<128x128xf32, #tpu.memory_space<vmem_shared>>
    tpu.enqueue_dma source(%dma_start3A_167 : memref<128x128xf32, #tpu.memory_space<vmem_shared>>) target(%dma_start3A_165 : memref<128x128xf32, #tpu.memory_space<vmem>>) target_semaphore(%arg14 : memref<!tpu.dma_semaphore, #tpu.memory_space<semaphore_mem>>)
    %dma_wait3A_168 = arith.constant 0 : i32
    %dma_wait3A_169 = arith.constant 0 : i32
    %dma_wait3A_170 = arith.constant 0 : i32
    %dma_wait3A_171 = tpu.memref_slice %arg8[%dma_wait3A_168, %dma_wait3A_169, %dma_wait3A_170] : memref<2x128x128xf32, #tpu.memory_space<vmem>> -> memref<1x128x128xf32, #tpu.memory_space<vmem>>
    %dma_wait3A_172 = tpu.memref_squeeze %dma_wait3A_171 : memref<1x128x128xf32, #tpu.memory_space<vmem>> -> memref<128x128xf32, #tpu.memory_space<vmem>>
    %dma_wait3A_173 = arith.constant 0 : i32
    %dma_wait3A_174 = tpu.memref_slice %arg9[%add3A_139, %dma_wait3A_173] : memref<10112x128xf32, #tpu.memory_space<vmem_shared>> -> memref<128x128xf32, #tpu.memory_space<vmem_shared>>
    %dma_wait3A_175 = arith.constant 0 : i32
    %dma_wait3A_176 = arith.constant 0 : i32
    %dma_wait3A_177 = tpu.memref_slice %arg8[%dma_wait3A_168, %dma_wait3A_175, %dma_wait3A_176] : memref<2x128x128xf32, #tpu.memory_space<vmem>> -> memref<1x128x128xf32, #tpu.memory_space<vmem>>
    %dma_wait3A_178 = tpu.memref_squeeze %dma_wait3A_177 : memref<1x128x128xf32, #tpu.memory_space<vmem>> -> memref<128x128xf32, #tpu.memory_space<vmem>>
    %dma_wait3A_179 = arith.constant 0 : i32
    %dma_wait3A_180 = tpu.memref_slice %arg9[%add3A_139, %dma_wait3A_179] : memref<10112x128xf32, #tpu.memory_space<vmem_shared>> -> memref<128x128xf32, #tpu.memory_space<vmem_shared>>
    tpu.wait_dma2 semaphore(%arg14 : memref<!tpu.dma_semaphore, #tpu.memory_space<semaphore_mem>>) src(%dma_wait3A_180 : memref<128x128xf32, #tpu.memory_space<vmem_shared>>) dst(%dma_wait3A_178 : memref<128x128xf32, #tpu.memory_space<vmem>>)
    %dma_start3A_181 = arith.constant 0 : i32
    %dma_start3A_182 = arith.constant 0 : i32
    %dma_start3A_183 = arith.constant 0 : i32
    %dma_start3A_184 = tpu.memref_slice %arg8[%dma_start3A_181, %dma_start3A_182, %dma_start3A_183] : memref<2x128x128xf32, #tpu.memory_space<vmem>> -> memref<1x128x128xf32, #tpu.memory_space<vmem>>
    %dma_start3A_185 = tpu.memref_squeeze %dma_start3A_184 : memref<1x128x128xf32, #tpu.memory_space<vmem>> -> memref<128x128xf32, #tpu.memory_space<vmem>>
    %dma_start3A_186 = arith.constant 0 : i32
    %dma_start3A_187 = tpu.memref_slice %arg6[%arg0, %add3A_139, %dma_start3A_186] : memref<2x10112x128xf32, #tpu.memory_space<hbm>> -> memref<1x128x128xf32, #tpu.memory_space<hbm>>
    %dma_start3A_188 = tpu.memref_squeeze %dma_start3A_187 : memref<1x128x128xf32, #tpu.memory_space<hbm>> -> memref<128x128xf32, #tpu.memory_space<hbm>>
    %dma_start3A_189 = arith.constant 0 : i32
    %dma_start3A_190 = tpu.memref_slice %arg6[%arg0, %add3A_139, %dma_start3A_189] : memref<2x10112x128xf32, #tpu.memory_space<hbm>> -> memref<1x128x128xf32, #tpu.memory_space<hbm>>
    %dma_start3A_191 = tpu.memref_squeeze %dma_start3A_190 : memref<1x128x128xf32, #tpu.memory_space<hbm>> -> memref<128x128xf32, #tpu.memory_space<hbm>>
    %dma_start3A_192 = arith.constant 0 : i32
    %dma_start3A_193 = arith.constant 0 : i32
    %dma_start3A_194 = tpu.memref_slice %arg8[%dma_start3A_181, %dma_start3A_192, %dma_start3A_193] : memref<2x128x128xf32, #tpu.memory_space<vmem>> -> memref<1x128x128xf32, #tpu.memory_space<vmem>>
    %dma_start3A_195 = tpu.memref_squeeze %dma_start3A_194 : memref<1x128x128xf32, #tpu.memory_space<vmem>> -> memref<128x128xf32, #tpu.memory_space<vmem>>
    tpu.enqueue_dma source(%dma_start3A_195 : memref<128x128xf32, #tpu.memory_space<vmem>>) target(%dma_start3A_191 : memref<128x128xf32, #tpu.memory_space<hbm>>) target_semaphore(%arg10 : memref<!tpu.dma_semaphore, #tpu.memory_space<semaphore_mem>>)
    %add3A_196 = arith.constant 384 : i32
    %add3A_197 = arith.addi %mul3A_2, %add3A_196 : i32
    %dma_wait3A_198 = arith.constant 1 : i32
    %dma_wait3A_199 = arith.constant 0 : i32
    %dma_wait3A_200 = arith.constant 0 : i32
    %dma_wait3A_201 = tpu.memref_slice %arg8[%dma_wait3A_198, %dma_wait3A_199, %dma_wait3A_200] : memref<2x128x128xf32, #tpu.memory_space<vmem>> -> memref<1x128x128xf32, #tpu.memory_space<vmem>>
    %dma_wait3A_202 = tpu.memref_squeeze %dma_wait3A_201 : memref<1x128x128xf32, #tpu.memory_space<vmem>> -> memref<128x128xf32, #tpu.memory_space<vmem>>
    %dma_wait3A_203 = arith.constant 0 : i32
    %dma_wait3A_204 = tpu.memref_slice %arg6[%arg0, %add3A_96, %dma_wait3A_203] : memref<2x10112x128xf32, #tpu.memory_space<hbm>> -> memref<1x128x128xf32, #tpu.memory_space<hbm>>
    %dma_wait3A_205 = tpu.memref_squeeze %dma_wait3A_204 : memref<1x128x128xf32, #tpu.memory_space<hbm>> -> memref<128x128xf32, #tpu.memory_space<hbm>>
    %dma_wait3A_206 = arith.constant 0 : i32
    %dma_wait3A_207 = tpu.memref_slice %arg6[%arg0, %add3A_96, %dma_wait3A_206] : memref<2x10112x128xf32, #tpu.memory_space<hbm>> -> memref<1x128x128xf32, #tpu.memory_space<hbm>>
    %dma_wait3A_208 = tpu.memref_squeeze %dma_wait3A_207 : memref<1x128x128xf32, #tpu.memory_space<hbm>> -> memref<128x128xf32, #tpu.memory_space<hbm>>
    %dma_wait3A_209 = arith.constant 0 : i32
    %dma_wait3A_210 = arith.constant 0 : i32
    %dma_wait3A_211 = tpu.memref_slice %arg8[%dma_wait3A_198, %dma_wait3A_209, %dma_wait3A_210] : memref<2x128x128xf32, #tpu.memory_space<vmem>> -> memref<1x128x128xf32, #tpu.memory_space<vmem>>
    %dma_wait3A_212 = tpu.memref_squeeze %dma_wait3A_211 : memref<1x128x128xf32, #tpu.memory_space<vmem>> -> memref<128x128xf32, #tpu.memory_space<vmem>>
    tpu.wait_dma2 semaphore(%arg11 : memref<!tpu.dma_semaphore, #tpu.memory_space<semaphore_mem>>) src(%dma_wait3A_212 : memref<128x128xf32, #tpu.memory_space<vmem>>) dst(%dma_wait3A_208 : memref<128x128xf32, #tpu.memory_space<hbm>>)
    %dma_start3A_213 = arith.constant 1 : i32
    %dma_start3A_214 = arith.constant 0 : i32
    %dma_start3A_215 = arith.constant 0 : i32
    %dma_start3A_216 = tpu.memref_slice %arg8[%dma_start3A_213, %dma_start3A_214, %dma_start3A_215] : memref<2x128x128xf32, #tpu.memory_space<vmem>> -> memref<1x128x128xf32, #tpu.memory_space<vmem>>
    %dma_start3A_217 = tpu.memref_squeeze %dma_start3A_216 : memref<1x128x128xf32, #tpu.memory_space<vmem>> -> memref<128x128xf32, #tpu.memory_space<vmem>>
    %dma_start3A_218 = arith.constant 0 : i32
    %dma_start3A_219 = tpu.memref_slice %arg9[%add3A_197, %dma_start3A_218] : memref<10112x128xf32, #tpu.memory_space<vmem_shared>> -> memref<128x128xf32, #tpu.memory_space<vmem_shared>>
    %dma_start3A_220 = arith.constant 0 : i32
    %dma_start3A_221 = arith.constant 0 : i32
    %dma_start3A_222 = tpu.memref_slice %arg8[%dma_start3A_213, %dma_start3A_220, %dma_start3A_221] : memref<2x128x128xf32, #tpu.memory_space<vmem>> -> memref<1x128x128xf32, #tpu.memory_space<vmem>>
    %dma_start3A_223 = tpu.memref_squeeze %dma_start3A_222 : memref<1x128x128xf32, #tpu.memory_space<vmem>> -> memref<128x128xf32, #tpu.memory_space<vmem>>
    %dma_start3A_224 = arith.constant 0 : i32
    %dma_start3A_225 = tpu.memref_slice %arg9[%add3A_197, %dma_start3A_224] : memref<10112x128xf32, #tpu.memory_space<vmem_shared>> -> memref<128x128xf32, #tpu.memory_space<vmem_shared>>
    tpu.enqueue_dma source(%dma_start3A_225 : memref<128x128xf32, #tpu.memory_space<vmem_shared>>) target(%dma_start3A_223 : memref<128x128xf32, #tpu.memory_space<vmem>>) target_semaphore(%arg14 : memref<!tpu.dma_semaphore, #tpu.memory_space<semaphore_mem>>)
    %dma_wait3A_226 = arith.constant 1 : i32
    %dma_wait3A_227 = arith.constant 0 : i32
    %dma_wait3A_228 = arith.constant 0 : i32
    %dma_wait3A_229 = tpu.memref_slice %arg8[%dma_wait3A_226, %dma_wait3A_227, %dma_wait3A_228] : memref<2x128x128xf32, #tpu.memory_space<vmem>> -> memref<1x128x128xf32, #tpu.memory_space<vmem>>
    %dma_wait3A_230 = tpu.memref_squeeze %dma_wait3A_229 : memref<1x128x128xf32, #tpu.memory_space<vmem>> -> memref<128x128xf32, #tpu.memory_space<vmem>>
    %dma_wait3A_231 = arith.constant 0 : i32
    %dma_wait3A_232 = tpu.memref_slice %arg9[%add3A_197, %dma_wait3A_231] : memref<10112x128xf32, #tpu.memory_space<vmem_shared>> -> memref<128x128xf32, #tpu.memory_space<vmem_shared>>
    %dma_wait3A_233 = arith.constant 0 : i32
    %dma_wait3A_234 = arith.constant 0 : i32
    %dma_wait3A_235 = tpu.memref_slice %arg8[%dma_wait3A_226, %dma_wait3A_233, %dma_wait3A_234] : memref<2x128x128xf32, #tpu.memory_space<vmem>> -> memref<1x128x128xf32, #tpu.memory_space<vmem>>
    %dma_wait3A_236 = tpu.memref_squeeze %dma_wait3A_235 : memref<1x128x128xf32, #tpu.memory_space<vmem>> -> memref<128x128xf32, #tpu.memory_space<vmem>>
    %dma_wait3A_237 = arith.constant 0 : i32
    %dma_wait3A_238 = tpu.memref_slice %arg9[%add3A_197, %dma_wait3A_237] : memref<10112x128xf32, #tpu.memory_space<vmem_shared>> -> memref<128x128xf32, #tpu.memory_space<vmem_shared>>
    tpu.wait_dma2 semaphore(%arg14 : memref<!tpu.dma_semaphore, #tpu.memory_space<semaphore_mem>>) src(%dma_wait3A_238 : memref<128x128xf32, #tpu.memory_space<vmem_shared>>) dst(%dma_wait3A_236 : memref<128x128xf32, #tpu.memory_space<vmem>>)
    %dma_start3A_239 = arith.constant 1 : i32
    %dma_start3A_240 = arith.constant 0 : i32
    %dma_start3A_241 = arith.constant 0 : i32
    %dma_start3A_242 = tpu.memref_slice %arg8[%dma_start3A_239, %dma_start3A_240, %dma_start3A_241] : memref<2x128x128xf32, #tpu.memory_space<vmem>> -> memref<1x128x128xf32, #tpu.memory_space<vmem>>
    %dma_start3A_243 = tpu.memref_squeeze %dma_start3A_242 : memref<1x128x128xf32, #tpu.memory_space<vmem>> -> memref<128x128xf32, #tpu.memory_space<vmem>>
    %dma_start3A_244 = arith.constant 0 : i32
    %dma_start3A_245 = tpu.memref_slice %arg6[%arg0, %add3A_197, %dma_start3A_244] : memref<2x10112x128xf32, #tpu.memory_space<hbm>> -> memref<1x128x128xf32, #tpu.memory_space<hbm>>
    %dma_start3A_246 = tpu.memref_squeeze %dma_start3A_245 : memref<1x128x128xf32, #tpu.memory_space<hbm>> -> memref<128x128xf32, #tpu.memory_space<hbm>>
    %dma_start3A_247 = arith.constant 0 : i32
    %dma_start3A_248 = tpu.memref_slice %arg6[%arg0, %add3A_197, %dma_start3A_247] : memref<2x10112x128xf32, #tpu.memory_space<hbm>> -> memref<1x128x128xf32, #tpu.memory_space<hbm>>
    %dma_start3A_249 = tpu.memref_squeeze %dma_start3A_248 : memref<1x128x128xf32, #tpu.memory_space<hbm>> -> memref<128x128xf32, #tpu.memory_space<hbm>>
    %dma_start3A_250 = arith.constant 0 : i32
    %dma_start3A_251 = arith.constant 0 : i32
    %dma_start3A_252 = tpu.memref_slice %arg8[%dma_start3A_239, %dma_start3A_250, %dma_start3A_251] : memref<2x128x128xf32, #tpu.memory_space<vmem>> -> memref<1x128x128xf32, #tpu.memory_space<vmem>>
    %dma_start3A_253 = tpu.memref_squeeze %dma_start3A_252 : memref<1x128x128xf32, #tpu.memory_space<vmem>> -> memref<128x128xf32, #tpu.memory_space<vmem>>
    tpu.enqueue_dma source(%dma_start3A_253 : memref<128x128xf32, #tpu.memory_space<vmem>>) target(%dma_start3A_249 : memref<128x128xf32, #tpu.memory_space<hbm>>) target_semaphore(%arg11 : memref<!tpu.dma_semaphore, #tpu.memory_space<semaphore_mem>>)
    %add3A_254 = arith.constant 512 : i32
    %add3A_255 = arith.addi %mul3A_2, %add3A_254 : i32
    %dma_wait3A_256 = arith.constant 0 : i32
    %dma_wait3A_257 = arith.constant 0 : i32
    %dma_wait3A_258 = arith.constant 0 : i32
    %dma_wait3A_259 = tpu.memref_slice %arg8[%dma_wait3A_256, %dma_wait3A_257, %dma_wait3A_258] : memref<2x128x128xf32, #tpu.memory_space<vmem>> -> memref<1x128x128xf32, #tpu.memory_space<vmem>>
    %dma_wait3A_260 = tpu.memref_squeeze %dma_wait3A_259 : memref<1x128x128xf32, #tpu.memory_space<vmem>> -> memref<128x128xf32, #tpu.memory_space<vmem>>
    %dma_wait3A_261 = arith.constant 0 : i32
    %dma_wait3A_262 = tpu.memref_slice %arg6[%arg0, %add3A_139, %dma_wait3A_261] : memref<2x10112x128xf32, #tpu.memory_space<hbm>> -> memref<1x128x128xf32, #tpu.memory_space<hbm>>
    %dma_wait3A_263 = tpu.memref_squeeze %dma_wait3A_262 : memref<1x128x128xf32, #tpu.memory_space<hbm>> -> memref<128x128xf32, #tpu.memory_space<hbm>>
    %dma_wait3A_264 = arith.constant 0 : i32
    %dma_wait3A_265 = tpu.memref_slice %arg6[%arg0, %add3A_139, %dma_wait3A_264] : memref<2x10112x128xf32, #tpu.memory_space<hbm>> -> memref<1x128x128xf32, #tpu.memory_space<hbm>>
    %dma_wait3A_266 = tpu.memref_squeeze %dma_wait3A_265 : memref<1x128x128xf32, #tpu.memory_space<hbm>> -> memref<128x128xf32, #tpu.memory_space<hbm>>
    %dma_wait3A_267 = arith.constant 0 : i32
    %dma_wait3A_268 = arith.constant 0 : i32
    %dma_wait3A_269 = tpu.memref_slice %arg8[%dma_wait3A_256, %dma_wait3A_267, %dma_wait3A_268] : memref<2x128x128xf32, #tpu.memory_space<vmem>> -> memref<1x128x128xf32, #tpu.memory_space<vmem>>
    %dma_wait3A_270 = tpu.memref_squeeze %dma_wait3A_269 : memref<1x128x128xf32, #tpu.memory_space<vmem>> -> memref<128x128xf32, #tpu.memory_space<vmem>>
    tpu.wait_dma2 semaphore(%arg10 : memref<!tpu.dma_semaphore, #tpu.memory_space<semaphore_mem>>) src(%dma_wait3A_270 : memref<128x128xf32, #tpu.memory_space<vmem>>) dst(%dma_wait3A_266 : memref<128x128xf32, #tpu.memory_space<hbm>>)
    %dma_start3A_271 = arith.constant 0 : i32
    %dma_start3A_272 = arith.constant 0 : i32
    %dma_start3A_273 = arith.constant 0 : i32
    %dma_start3A_274 = tpu.memref_slice %arg8[%dma_start3A_271, %dma_start3A_272, %dma_start3A_273] : memref<2x128x128xf32, #tpu.memory_space<vmem>> -> memref<1x120x128xf32, #tpu.memory_space<vmem>>
    %dma_start3A_275 = tpu.memref_squeeze %dma_start3A_274 : memref<1x120x128xf32, #tpu.memory_space<vmem>> -> memref<120x128xf32, #tpu.memory_space<vmem>>
    %dma_start3A_276 = arith.constant 0 : i32
    %dma_start3A_277 = tpu.memref_slice %arg9[%add3A_255, %dma_start3A_276] : memref<10112x128xf32, #tpu.memory_space<vmem_shared>> -> memref<120x128xf32, #tpu.memory_space<vmem_shared>>
    %dma_start3A_278 = arith.constant 0 : i32
    %dma_start3A_279 = arith.constant 0 : i32
    %dma_start3A_280 = tpu.memref_slice %arg8[%dma_start3A_271, %dma_start3A_278, %dma_start3A_279] : memref<2x128x128xf32, #tpu.memory_space<vmem>> -> memref<1x120x128xf32, #tpu.memory_space<vmem>>
    %dma_start3A_281 = tpu.memref_squeeze %dma_start3A_280 : memref<1x120x128xf32, #tpu.memory_space<vmem>> -> memref<120x128xf32, #tpu.memory_space<vmem>>
    %dma_start3A_282 = arith.constant 0 : i32
    %dma_start3A_283 = tpu.memref_slice %arg9[%add3A_255, %dma_start3A_282] : memref<10112x128xf32, #tpu.memory_space<vmem_shared>> -> memref<120x128xf32, #tpu.memory_space<vmem_shared>>
    tpu.enqueue_dma source(%dma_start3A_283 : memref<120x128xf32, #tpu.memory_space<vmem_shared>>) target(%dma_start3A_281 : memref<120x128xf32, #tpu.memory_space<vmem>>) target_semaphore(%arg14 : memref<!tpu.dma_semaphore, #tpu.memory_space<semaphore_mem>>)
    %dma_wait3A_284 = arith.constant 0 : i32
    %dma_wait3A_285 = arith.constant 0 : i32
    %dma_wait3A_286 = arith.constant 0 : i32
    %dma_wait3A_287 = tpu.memref_slice %arg8[%dma_wait3A_284, %dma_wait3A_285, %dma_wait3A_286] : memref<2x128x128xf32, #tpu.memory_space<vmem>> -> memref<1x120x128xf32, #tpu.memory_space<vmem>>
    %dma_wait3A_288 = tpu.memref_squeeze %dma_wait3A_287 : memref<1x120x128xf32, #tpu.memory_space<vmem>> -> memref<120x128xf32, #tpu.memory_space<vmem>>
    %dma_wait3A_289 = arith.constant 0 : i32
    %dma_wait3A_290 = tpu.memref_slice %arg9[%add3A_255, %dma_wait3A_289] : memref<10112x128xf32, #tpu.memory_space<vmem_shared>> -> memref<120x128xf32, #tpu.memory_space<vmem_shared>>
    %dma_wait3A_291 = arith.constant 0 : i32
    %dma_wait3A_292 = arith.constant 0 : i32
    %dma_wait3A_293 = tpu.memref_slice %arg8[%dma_wait3A_284, %dma_wait3A_291, %dma_wait3A_292] : memref<2x128x128xf32, #tpu.memory_space<vmem>> -> memref<1x120x128xf32, #tpu.memory_space<vmem>>
    %dma_wait3A_294 = tpu.memref_squeeze %dma_wait3A_293 : memref<1x120x128xf32, #tpu.memory_space<vmem>> -> memref<120x128xf32, #tpu.memory_space<vmem>>
    %dma_wait3A_295 = arith.constant 0 : i32
    %dma_wait3A_296 = tpu.memref_slice %arg9[%add3A_255, %dma_wait3A_295] : memref<10112x128xf32, #tpu.memory_space<vmem_shared>> -> memref<120x128xf32, #tpu.memory_space<vmem_shared>>
    tpu.wait_dma2 semaphore(%arg14 : memref<!tpu.dma_semaphore, #tpu.memory_space<semaphore_mem>>) src(%dma_wait3A_296 : memref<120x128xf32, #tpu.memory_space<vmem_shared>>) dst(%dma_wait3A_294 : memref<120x128xf32, #tpu.memory_space<vmem>>)
    %dma_start3A_297 = arith.constant 0 : i32
    %dma_start3A_298 = arith.constant 0 : i32
    %dma_start3A_299 = arith.constant 0 : i32
    %dma_start3A_300 = tpu.memref_slice %arg8[%dma_start3A_297, %dma_start3A_298, %dma_start3A_299] : memref<2x128x128xf32, #tpu.memory_space<vmem>> -> memref<1x120x128xf32, #tpu.memory_space<vmem>>
    %dma_start3A_301 = tpu.memref_squeeze %dma_start3A_300 : memref<1x120x128xf32, #tpu.memory_space<vmem>> -> memref<120x128xf32, #tpu.memory_space<vmem>>
    %dma_start3A_302 = arith.constant 0 : i32
    %dma_start3A_303 = tpu.memref_slice %arg6[%arg0, %add3A_255, %dma_start3A_302] : memref<2x10112x128xf32, #tpu.memory_space<hbm>> -> memref<1x120x128xf32, #tpu.memory_space<hbm>>
    %dma_start3A_304 = tpu.memref_squeeze %dma_start3A_303 : memref<1x120x128xf32, #tpu.memory_space<hbm>> -> memref<120x128xf32, #tpu.memory_space<hbm>>
    %dma_start3A_305 = arith.constant 0 : i32
    %dma_start3A_306 = tpu.memref_slice %arg6[%arg0, %add3A_255, %dma_start3A_305] : memref<2x10112x128xf32, #tpu.memory_space<hbm>> -> memref<1x120x128xf32, #tpu.memory_space<hbm>>
    %dma_start3A_307 = tpu.memref_squeeze %dma_start3A_306 : memref<1x120x128xf32, #tpu.memory_space<hbm>> -> memref<120x128xf32, #tpu.memory_space<hbm>>
    %dma_start3A_308 = arith.constant 0 : i32
    %dma_start3A_309 = arith.constant 0 : i32
    %dma_start3A_310 = tpu.memref_slice %arg8[%dma_start3A_297, %dma_start3A_308, %dma_start3A_309] : memref<2x128x128xf32, #tpu.memory_space<vmem>> -> memref<1x120x128xf32, #tpu.memory_space<vmem>>
    %dma_start3A_311 = tpu.memref_squeeze %dma_start3A_310 : memref<1x120x128xf32, #tpu.memory_space<vmem>> -> memref<120x128xf32, #tpu.memory_space<vmem>>
    tpu.enqueue_dma source(%dma_start3A_311 : memref<120x128xf32, #tpu.memory_space<vmem>>) target(%dma_start3A_307 : memref<120x128xf32, #tpu.memory_space<hbm>>) target_semaphore(%arg10 : memref<!tpu.dma_semaphore, #tpu.memory_space<semaphore_mem>>)
    %dma_wait3A_312 = arith.constant 0 : i32
    %dma_wait3A_313 = arith.constant 0 : i32
    %dma_wait3A_314 = arith.constant 0 : i32
    %dma_wait3A_315 = tpu.memref_slice %arg8[%dma_wait3A_312, %dma_wait3A_313, %dma_wait3A_314] : memref<2x128x128xf32, #tpu.memory_space<vmem>> -> memref<1x120x128xf32, #tpu.memory_space<vmem>>
    %dma_wait3A_316 = tpu.memref_squeeze %dma_wait3A_315 : memref<1x120x128xf32, #tpu.memory_space<vmem>> -> memref<120x128xf32, #tpu.memory_space<vmem>>
    %dma_wait3A_317 = arith.constant 0 : i32
    %dma_wait3A_318 = tpu.memref_slice %arg6[%arg0, %add3A_255, %dma_wait3A_317] : memref<2x10112x128xf32, #tpu.memory_space<hbm>> -> memref<1x120x128xf32, #tpu.memory_space<hbm>>
    %dma_wait3A_319 = tpu.memref_squeeze %dma_wait3A_318 : memref<1x120x128xf32, #tpu.memory_space<hbm>> -> memref<120x128xf32, #tpu.memory_space<hbm>>
    %dma_wait3A_320 = arith.constant 0 : i32
    %dma_wait3A_321 = tpu.memref_slice %arg6[%arg0, %add3A_255, %dma_wait3A_320] : memref<2x10112x128xf32, #tpu.memory_space<hbm>> -> memref<1x120x128xf32, #tpu.memory_space<hbm>>
    %dma_wait3A_322 = tpu.memref_squeeze %dma_wait3A_321 : memref<1x120x128xf32, #tpu.memory_space<hbm>> -> memref<120x128xf32, #tpu.memory_space<hbm>>
    %dma_wait3A_323 = arith.constant 0 : i32
    %dma_wait3A_324 = arith.constant 0 : i32
    %dma_wait3A_325 = tpu.memref_slice %arg8[%dma_wait3A_312, %dma_wait3A_323, %dma_wait3A_324] : memref<2x128x128xf32, #tpu.memory_space<vmem>> -> memref<1x120x128xf32, #tpu.memory_space<vmem>>
    %dma_wait3A_326 = tpu.memref_squeeze %dma_wait3A_325 : memref<1x120x128xf32, #tpu.memory_space<vmem>> -> memref<120x128xf32, #tpu.memory_space<vmem>>
    tpu.wait_dma2 semaphore(%arg10 : memref<!tpu.dma_semaphore, #tpu.memory_space<semaphore_mem>>) src(%dma_wait3A_326 : memref<120x128xf32, #tpu.memory_space<vmem>>) dst(%dma_wait3A_322 : memref<120x128xf32, #tpu.memory_space<hbm>>)
    %dma_wait3A_327 = arith.constant 1 : i32
    %dma_wait3A_328 = arith.constant 0 : i32
    %dma_wait3A_329 = arith.constant 0 : i32
    %dma_wait3A_330 = tpu.memref_slice %arg8[%dma_wait3A_327, %dma_wait3A_328, %dma_wait3A_329] : memref<2x128x128xf32, #tpu.memory_space<vmem>> -> memref<1x128x128xf32, #tpu.memory_space<vmem>>
    %dma_wait3A_331 = tpu.memref_squeeze %dma_wait3A_330 : memref<1x128x128xf32, #tpu.memory_space<vmem>> -> memref<128x128xf32, #tpu.memory_space<vmem>>
    %dma_wait3A_332 = arith.constant 0 : i32
    %dma_wait3A_333 = tpu.memref_slice %arg6[%arg0, %add3A_197, %dma_wait3A_332] : memref<2x10112x128xf32, #tpu.memory_space<hbm>> -> memref<1x128x128xf32, #tpu.memory_space<hbm>>
    %dma_wait3A_334 = tpu.memref_squeeze %dma_wait3A_333 : memref<1x128x128xf32, #tpu.memory_space<hbm>> -> memref<128x128xf32, #tpu.memory_space<hbm>>
    %dma_wait3A_335 = arith.constant 0 : i32
    %dma_wait3A_336 = tpu.memref_slice %arg6[%arg0, %add3A_197, %dma_wait3A_335] : memref<2x10112x128xf32, #tpu.memory_space<hbm>> -> memref<1x128x128xf32, #tpu.memory_space<hbm>>
    %dma_wait3A_337 = tpu.memref_squeeze %dma_wait3A_336 : memref<1x128x128xf32, #tpu.memory_space<hbm>> -> memref<128x128xf32, #tpu.memory_space<hbm>>
    %dma_wait3A_338 = arith.constant 0 : i32
    %dma_wait3A_339 = arith.constant 0 : i32
    %dma_wait3A_340 = tpu.memref_slice %arg8[%dma_wait3A_327, %dma_wait3A_338, %dma_wait3A_339] : memref<2x128x128xf32, #tpu.memory_space<vmem>> -> memref<1x128x128xf32, #tpu.memory_space<vmem>>
    %dma_wait3A_341 = tpu.memref_squeeze %dma_wait3A_340 : memref<1x128x128xf32, #tpu.memory_space<vmem>> -> memref<128x128xf32, #tpu.memory_space<vmem>>
    tpu.wait_dma2 semaphore(%arg11 : memref<!tpu.dma_semaphore, #tpu.memory_space<semaphore_mem>>) src(%dma_wait3A_341 : memref<128x128xf32, #tpu.memory_space<vmem>>) dst(%dma_wait3A_337 : memref<128x128xf32, #tpu.memory_space<hbm>>)
    return
  }
}

module attributes {stable_mosaic.version = 14 : i64} {
  func.func @_scale1_body(%arg0: i32, %arg1: memref<128x128xf32, #tpu.memory_space<vmem>>, %arg2: memref<128x128xf32, #tpu.memory_space<vmem>>, %arg3: memref<128x1xf32, #tpu.memory_space<vmem>>, %arg4: memref<128x1xf32, #tpu.memory_space<vmem>>, %arg5: memref<128x128xf32, #tpu.memory_space<vmem>>, %arg6: memref<128x1xf32, #tpu.memory_space<vmem>>) attributes {dimension_semantics = [#tpu.dimension_semantics<arbitrary>], iteration_bounds = array<i64: 79>, scalar_prefetch = 0 : i64, scratch_operands = 0 : i64, tpu.core_type = #tpu.core_type<tc>, window_params = [{transform_indices = @transform_0, window_bounds = array<i64: 128, 128>}, {pipeline_mode = #tpu.pipeline_mode<synchronous>, transform_indices = @transform_1, window_bounds = array<i64: 128, 128>}, {transform_indices = @transform_2, window_bounds = array<i64: 128, 1>}, {transform_indices = @transform_3, window_bounds = array<i64: 128, 1>}, {transform_indices = @transform_4, window_bounds = array<i64: 128, 128>}, {transform_indices = @transform_5, window_bounds = array<i64: 128, 1>}]} {
    %get3A = arith.constant 0 : index
    %get3A_0 = arith.constant 0 : index
    %get3A_1 = vector.load %arg3[%get3A, %get3A_0] : memref<128x1xf32, #tpu.memory_space<vmem>>, vector<128x1xf32>
    %get3A_2 = arith.constant 0 : index
    %get3A_3 = arith.constant 0 : index
    %get3A_4 = vector.load %arg4[%get3A_2, %get3A_3] : memref<128x1xf32, #tpu.memory_space<vmem>>, vector<128x1xf32>
    %add3A = arith.addf %get3A_1, %get3A_4 : vector<128x1xf32>
    %add3A_5 = arith.constant 1.000000e+00 : f32
    %add3A_6 = vector.broadcast %add3A_5 : f32 to vector<128x1xf32>
    %add3A_7 = arith.addf %add3A, %add3A_6 : vector<128x1xf32>
    %rsqrt3A = math.rsqrt %add3A_7 : vector<128x1xf32>
    %get3A_8 = arith.constant 0 : index
    %get3A_9 = arith.constant 0 : index
    %get3A_10 = vector.load %arg1[%get3A_8, %get3A_9] : memref<128x128xf32, #tpu.memory_space<vmem>>, vector<128x128xf32>
    %get3A_11 = arith.constant 0 : index
    %get3A_12 = arith.constant 0 : index
    %get3A_13 = vector.load %arg2[%get3A_11, %get3A_12] : memref<128x128xf32, #tpu.memory_space<vmem>>, vector<128x128xf32>
    %dot_general3A = arith.constant dense<0.000000e+00> : vector<128x128xf32>
    %dot_general3A_14 = tpu.matmul %get3A_10, %get3A_13, %dot_general3A {dimension_numbers = #tpu.dot_dimension_numbers<[1], [0], [0], [1], [0, 0, 1, 1], [], []>, precision = #tpu.contract_precision<fp32>, transpose_lhs_hint = false} : vector<128x128xf32>, vector<128x128xf32>, vector<128x128xf32> -> vector<128x128xf32>
    %mul3A = vector.broadcast %rsqrt3A : vector<128x1xf32> to vector<128x128xf32>
    %mul3A_15 = arith.mulf %dot_general3A_14, %mul3A : vector<128x128xf32>
    %swap3A = arith.constant 0 : index
    %swap3A_16 = arith.constant 0 : index
    %swap3A_17 = vector.load %arg5[%swap3A, %swap3A_16] : memref<128x128xf32, #tpu.memory_space<vmem>>, vector<128x128xf32>
    tpu.vector_store %arg5[%swap3A, %swap3A_16], %mul3A_15 {strides = array<i32>} : memref<128x128xf32, #tpu.memory_space<vmem>>, vector<128x128xf32>,
    %swap3A_18 = arith.constant 0 : index
    %swap3A_19 = arith.constant 0 : index
    %swap3A_20 = vector.load %arg6[%swap3A_18, %swap3A_19] : memref<128x1xf32, #tpu.memory_space<vmem>>, vector<128x1xf32>
    tpu.vector_store %arg6[%swap3A_18, %swap3A_19], %rsqrt3A {strides = array<i32>} : memref<128x1xf32, #tpu.memory_space<vmem>>, vector<128x1xf32>,
    return
  }
  func.func @transform_0(%arg0: i32) -> (i32, i32) {
    %c0_i32 = arith.constant 0 : i32
    %c0_i32_0 = arith.constant 0 : i32
    return %arg0, %c0_i32 : i32, i32
  }
  func.func @transform_1(%arg0: i32) -> (i32, i32) {
    %c0_i32 = arith.constant 0 : i32
    %c0_i32_0 = arith.constant 0 : i32
    %c0_i32_1 = arith.constant 0 : i32
    return %c0_i32, %c0_i32_0 : i32, i32
  }
  func.func @transform_2(%arg0: i32) -> (i32, i32) {
    %c0_i32 = arith.constant 0 : i32
    %c0_i32_0 = arith.constant 0 : i32
    return %arg0, %c0_i32 : i32, i32
  }
  func.func @transform_3(%arg0: i32) -> (i32, i32) {
    %c0_i32 = arith.constant 0 : i32
    %c0_i32_0 = arith.constant 0 : i32
    return %arg0, %c0_i32 : i32, i32
  }
  func.func @transform_4(%arg0: i32) -> (i32, i32) {
    %c0_i32 = arith.constant 0 : i32
    %c0_i32_0 = arith.constant 0 : i32
    return %arg0, %c0_i32 : i32, i32
  }
  func.func @transform_5(%arg0: i32) -> (i32, i32) {
    %c0_i32 = arith.constant 0 : i32
    %c0_i32_0 = arith.constant 0 : i32
    return %arg0, %c0_i32 : i32, i32
  }
}

module attributes {stable_mosaic.version = 14 : i64} {
  func.func @_layer2_body(%arg0: i32, %arg1: memref<128x128xf32, #tpu.memory_space<vmem>>, %arg2: memref<128x128xf32, #tpu.memory_space<vmem>>, %arg3: memref<128x128xf32, #tpu.memory_space<vmem>>, %arg4: memref<128x1xf32, #tpu.memory_space<vmem>>, %arg5: memref<1x128xf32, #tpu.memory_space<vmem>>, %arg6: memref<128x64xf32, #tpu.memory_space<vmem>>, %arg7: memref<128x128xf32, #tpu.memory_space<vmem>>) attributes {dimension_semantics = [#tpu.dimension_semantics<arbitrary>], iteration_bounds = array<i64: 79>, scalar_prefetch = 0 : i64, scratch_operands = 0 : i64, tpu.core_type = #tpu.core_type<tc>, window_params = [{transform_indices = @transform_0, window_bounds = array<i64: 128, 128>}, {transform_indices = @transform_1, window_bounds = array<i64: 128, 128>}, {transform_indices = @transform_2, window_bounds = array<i64: 128, 128>}, {transform_indices = @transform_3, window_bounds = array<i64: 128, 1>}, {pipeline_mode = #tpu.pipeline_mode<synchronous>, transform_indices = @transform_4, window_bounds = array<i64: 1, 128>}, {pipeline_mode = #tpu.pipeline_mode<synchronous>, transform_indices = @transform_5, window_bounds = array<i64: 128, 64>}, {transform_indices = @transform_6, window_bounds = array<i64: 128, 128>}]} {
    %get3A = arith.constant 0 : index
    %get3A_0 = arith.constant 0 : index
    %get3A_1 = vector.load %arg1[%get3A, %get3A_0] : memref<128x128xf32, #tpu.memory_space<vmem>>, vector<128x128xf32>
    %get3A_2 = arith.constant 0 : index
    %get3A_3 = arith.constant 0 : index
    %get3A_4 = vector.load %arg2[%get3A_2, %get3A_3] : memref<128x128xf32, #tpu.memory_space<vmem>>, vector<128x128xf32>
    %add3A = arith.addf %get3A_1, %get3A_4 : vector<128x128xf32>
    %get3A_5 = arith.constant 0 : index
    %get3A_6 = arith.constant 0 : index
    %get3A_7 = vector.load %arg3[%get3A_5, %get3A_6] : memref<128x128xf32, #tpu.memory_space<vmem>>, vector<128x128xf32>
    %add3A_8 = arith.addf %add3A, %get3A_7 : vector<128x128xf32>
    %get3A_9 = arith.constant 0 : index
    %get3A_10 = arith.constant 0 : index
    %get3A_11 = vector.load %arg4[%get3A_9, %get3A_10] : memref<128x1xf32, #tpu.memory_space<vmem>>, vector<128x1xf32>
    %mul3A = vector.broadcast %get3A_11 : vector<128x1xf32> to vector<128x128xf32>
    %mul3A_12 = arith.mulf %mul3A, %add3A_8 : vector<128x128xf32>
    %get3A_13 = arith.constant 0 : index
    %get3A_14 = arith.constant 0 : index
    %get3A_15 = vector.load %arg5[%get3A_13, %get3A_14] : memref<1x128xf32, #tpu.memory_space<vmem>>, vector<1x128xf32>
    %add3A_16 = vector.broadcast %get3A_15 : vector<1x128xf32> to vector<128x128xf32>
    %add3A_17 = arith.addf %mul3A_12, %add3A_16 : vector<128x128xf32>
    %max3A = arith.constant 0.000000e+00 : f32
    %max3A_18 = vector.broadcast %max3A : f32 to vector<128x128xf32>
    %max3A_19 = arith.maximumf %add3A_17, %max3A_18 : vector<128x128xf32>
    %get3A_20 = arith.constant 0 : index
    %get3A_21 = arith.constant 0 : index
    %get3A_22 = vector.load %arg6[%get3A_20, %get3A_21] : memref<128x64xf32, #tpu.memory_space<vmem>>, vector<128x64xf32>
    %dot_general3A = arith.constant dense<0.000000e+00> : vector<128x64xf32>
    %dot_general3A_23 = tpu.matmul %max3A_19, %get3A_22, %dot_general3A {dimension_numbers = #tpu.dot_dimension_numbers<[1], [0], [0], [1], [0, 0, 1, 1], [], []>, precision = #tpu.contract_precision<fp32>, transpose_lhs_hint = false} : vector<128x128xf32>, vector<128x64xf32>, vector<128x64xf32> -> vector<128x64xf32>
    %get3A_24 = arith.constant 0 : index
    %get3A_25 = arith.constant 0 : index
    %get3A_26 = vector.load %arg4[%get3A_24, %get3A_25] : memref<128x1xf32, #tpu.memory_space<vmem>>, vector<128x1xf32>
    %mul3A_27 = vector.broadcast %get3A_26 : vector<128x1xf32> to vector<128x64xf32>
    %mul3A_28 = arith.mulf %dot_general3A_23, %mul3A_27 : vector<128x64xf32>
    %broadcast_in_dim3A = arith.constant 0.000000e+00 : f32
    %broadcast_in_dim3A_29 = vector.broadcast %broadcast_in_dim3A : f32 to vector<128x64xf32>
    %concatenate3A = tpu.concatenate %mul3A_28, %broadcast_in_dim3A_29 in 1 : vector<128x64xf32>, vector<128x64xf32> -> vector<128x128xf32>
    %swap3A = arith.constant 0 : index
    %swap3A_30 = arith.constant 0 : index
    %swap3A_31 = vector.load %arg7[%swap3A, %swap3A_30] : memref<128x128xf32, #tpu.memory_space<vmem>>, vector<128x128xf32>
    tpu.vector_store %arg7[%swap3A, %swap3A_30], %concatenate3A {strides = array<i32>} : memref<128x128xf32, #tpu.memory_space<vmem>>, vector<128x128xf32>,
    return
  }
  func.func @transform_0(%arg0: i32) -> (i32, i32) {
    %c0_i32 = arith.constant 0 : i32
    %c0_i32_0 = arith.constant 0 : i32
    return %arg0, %c0_i32 : i32, i32
  }
  func.func @transform_1(%arg0: i32) -> (i32, i32) {
    %c0_i32 = arith.constant 0 : i32
    %c0_i32_0 = arith.constant 0 : i32
    return %arg0, %c0_i32 : i32, i32
  }
  func.func @transform_2(%arg0: i32) -> (i32, i32) {
    %c0_i32 = arith.constant 0 : i32
    %c0_i32_0 = arith.constant 0 : i32
    return %arg0, %c0_i32 : i32, i32
  }
  func.func @transform_3(%arg0: i32) -> (i32, i32) {
    %c0_i32 = arith.constant 0 : i32
    %c0_i32_0 = arith.constant 0 : i32
    return %arg0, %c0_i32 : i32, i32
  }
  func.func @transform_4(%arg0: i32) -> (i32, i32) {
    %c0_i32 = arith.constant 0 : i32
    %c0_i32_0 = arith.constant 0 : i32
    %c0_i32_1 = arith.constant 0 : i32
    return %c0_i32, %c0_i32_0 : i32, i32
  }
  func.func @transform_5(%arg0: i32) -> (i32, i32) {
    %c0_i32 = arith.constant 0 : i32
    %c0_i32_0 = arith.constant 0 : i32
    %c0_i32_1 = arith.constant 0 : i32
    return %c0_i32, %c0_i32_0 : i32, i32
  }
  func.func @transform_6(%arg0: i32) -> (i32, i32) {
    %c0_i32 = arith.constant 0 : i32
    %c0_i32_0 = arith.constant 0 : i32
    return %arg0, %c0_i32 : i32, i32
  }
}

module attributes {stable_mosaic.version = 14 : i64} {
  func.func @_final_body(%arg0: i32, %arg1: memref<128x128xf32, #tpu.memory_space<vmem>>, %arg2: memref<128x128xf32, #tpu.memory_space<vmem>>, %arg3: memref<128x128xf32, #tpu.memory_space<vmem>>, %arg4: memref<128x1xf32, #tpu.memory_space<vmem>>, %arg5: memref<1x64xf32, #tpu.memory_space<vmem>>, %arg6: memref<128x64xf32, #tpu.memory_space<vmem>>, %arg7: memref<128x64xf32, #tpu.memory_space<vmem>>) attributes {dimension_semantics = [#tpu.dimension_semantics<arbitrary>], iteration_bounds = array<i64: 79>, scalar_prefetch = 0 : i64, scratch_operands = 0 : i64, tpu.core_type = #tpu.core_type<tc>, window_params = [{transform_indices = @transform_0, window_bounds = array<i64: 128, 128>}, {transform_indices = @transform_1, window_bounds = array<i64: 128, 128>}, {transform_indices = @transform_2, window_bounds = array<i64: 128, 128>}, {transform_indices = @transform_3, window_bounds = array<i64: 128, 1>}, {pipeline_mode = #tpu.pipeline_mode<synchronous>, transform_indices = @transform_4, window_bounds = array<i64: 1, 64>}, {transform_indices = @transform_5, window_bounds = array<i64: 128, 64>}, {transform_indices = @transform_6, window_bounds = array<i64: 128, 64>}]} {
    %get3A = arith.constant 0 : index
    %get3A_0 = arith.constant 0 : index
    %get3A_1 = vector.load %arg1[%get3A, %get3A_0] : memref<128x128xf32, #tpu.memory_space<vmem>>, vector<128x128xf32>
    %get3A_2 = arith.constant 0 : index
    %get3A_3 = arith.constant 0 : index
    %get3A_4 = vector.load %arg2[%get3A_2, %get3A_3] : memref<128x128xf32, #tpu.memory_space<vmem>>, vector<128x128xf32>
    %add3A = arith.addf %get3A_1, %get3A_4 : vector<128x128xf32>
    %get3A_5 = arith.constant 0 : index
    %get3A_6 = arith.constant 0 : index
    %get3A_7 = vector.load %arg3[%get3A_5, %get3A_6] : memref<128x128xf32, #tpu.memory_space<vmem>>, vector<128x128xf32>
    %add3A_8 = arith.addf %add3A, %get3A_7 : vector<128x128xf32>
    %slice3A = vector.extract_strided_slice %add3A_8 {offsets = [0, 0], sizes = [128, 64], strides = [1, 1]} : vector<128x128xf32> to vector<128x64xf32>
    %get3A_9 = arith.constant 0 : index
    %get3A_10 = arith.constant 0 : index
    %get3A_11 = vector.load %arg4[%get3A_9, %get3A_10] : memref<128x1xf32, #tpu.memory_space<vmem>>, vector<128x1xf32>
    %mul3A = vector.broadcast %get3A_11 : vector<128x1xf32> to vector<128x64xf32>
    %mul3A_12 = arith.mulf %mul3A, %slice3A : vector<128x64xf32>
    %get3A_13 = arith.constant 0 : index
    %get3A_14 = arith.constant 0 : index
    %get3A_15 = vector.load %arg5[%get3A_13, %get3A_14] : memref<1x64xf32, #tpu.memory_space<vmem>>, vector<1x64xf32>
    %add3A_16 = vector.broadcast %get3A_15 : vector<1x64xf32> to vector<128x64xf32>
    %add3A_17 = arith.addf %mul3A_12, %add3A_16 : vector<128x64xf32>
    %reduce_max3A = arith.constant dense<0xFF800000> : vector<128xf32>
    %reduce_max3A_18 = vector.multi_reduction <maximumf>, %add3A_17, %reduce_max3A [1] : vector<128x64xf32> to vector<128xf32>
    %broadcast_in_dim3A = vector.shape_cast %reduce_max3A_18 : vector<128xf32> to vector<128x1xf32>
    %sub3A = vector.broadcast %broadcast_in_dim3A : vector<128x1xf32> to vector<128x64xf32>
    %sub3A_19 = arith.subf %add3A_17, %sub3A : vector<128x64xf32>
    %exp3A = math.exp %sub3A_19 : vector<128x64xf32>
    %reduce_sum3A = arith.constant dense<0.000000e+00> : vector<128xf32>
    %reduce_sum3A_20 = vector.multi_reduction <add>, %exp3A, %reduce_sum3A [1] : vector<128x64xf32> to vector<128xf32>
    %broadcast_in_dim3A_21 = vector.shape_cast %reduce_sum3A_20 : vector<128xf32> to vector<128x1xf32>
    %log3A = math.log %broadcast_in_dim3A_21 : vector<128x1xf32>
    %sub3A_22 = vector.broadcast %log3A : vector<128x1xf32> to vector<128x64xf32>
    %sub3A_23 = arith.subf %sub3A_19, %sub3A_22 : vector<128x64xf32>
    %swap3A = arith.constant 0 : index
    %swap3A_24 = arith.constant 0 : index
    %swap3A_25 = vector.load %arg6[%swap3A, %swap3A_24] : memref<128x64xf32, #tpu.memory_space<vmem>>, vector<128x64xf32>
    tpu.vector_store %arg6[%swap3A, %swap3A_24], %sub3A_23 {strides = array<i32>} : memref<128x64xf32, #tpu.memory_space<vmem>>, vector<128x64xf32>,
    %div3A = vector.broadcast %broadcast_in_dim3A_21 : vector<128x1xf32> to vector<128x64xf32>
    %div3A_26 = arith.divf %exp3A, %div3A : vector<128x64xf32>
    %swap3A_27 = arith.constant 0 : index
    %swap3A_28 = arith.constant 0 : index
    %swap3A_29 = vector.load %arg7[%swap3A_27, %swap3A_28] : memref<128x64xf32, #tpu.memory_space<vmem>>, vector<128x64xf32>
    tpu.vector_store %arg7[%swap3A_27, %swap3A_28], %div3A_26 {strides = array<i32>} : memref<128x64xf32, #tpu.memory_space<vmem>>, vector<128x64xf32>,
    return
  }
  func.func @transform_0(%arg0: i32) -> (i32, i32) {
    %c0_i32 = arith.constant 0 : i32
    %c0_i32_0 = arith.constant 0 : i32
    return %arg0, %c0_i32 : i32, i32
  }
  func.func @transform_1(%arg0: i32) -> (i32, i32) {
    %c0_i32 = arith.constant 0 : i32
    %c0_i32_0 = arith.constant 0 : i32
    return %arg0, %c0_i32 : i32, i32
  }
  func.func @transform_2(%arg0: i32) -> (i32, i32) {
    %c0_i32 = arith.constant 0 : i32
    %c0_i32_0 = arith.constant 0 : i32
    return %arg0, %c0_i32 : i32, i32
  }
  func.func @transform_3(%arg0: i32) -> (i32, i32) {
    %c0_i32 = arith.constant 0 : i32
    %c0_i32_0 = arith.constant 0 : i32
    return %arg0, %c0_i32 : i32, i32
  }
  func.func @transform_4(%arg0: i32) -> (i32, i32) {
    %c0_i32 = arith.constant 0 : i32
    %c0_i32_0 = arith.constant 0 : i32
    %c0_i32_1 = arith.constant 0 : i32
    return %c0_i32, %c0_i32_0 : i32, i32
  }
  func.func @transform_5(%arg0: i32) -> (i32, i32) {
    %c0_i32 = arith.constant 0 : i32
    %c0_i32_0 = arith.constant 0 : i32
    return %arg0, %c0_i32 : i32, i32
  }
  func.func @transform_6(%arg0: i32) -> (i32, i32) {
    %c0_i32 = arith.constant 0 : i32
    %c0_i32_0 = arith.constant 0 : i32
    return %arg0, %c0_i32 : i32, i32
  }
}

</mosaic_0001>

<sc_bundles>
// kernel: kernel.11.cloned.1.call-start
scs
__scs_entry_jumppad:
0x0: {  	(pc) =	sbr.rel $0x88, $3  }
0x1: {  	(tag) =	ssettag $0x0;
	lr =	simm.s32 $0x1  }
0x2: {  	[smem:$0x3F9B] =	sst lr;
	_ =	strace $0xD0000000  }
0x3: {  	_ = 	snop  }
0x4: {  	_ = 	snop  }
0x5: {  	_ = 	snop  }
0x6: {  	_ = 	snop  }
0x7: {  	_ = 	snop  }
__scs_overlays_trampoline_lowered:
0x8: {  	[smem:$0x3FAA] =	sst s0  }
0x9: {  	[smem:$0x3FAB] =	sst s1  }
0xa: {  	[smem:$0x3FAC] =	sst s2  }
0xb: {  	[smem:$0x3FAD] =	sst s3  }
0xc: {  	[smem:$0x3FAE] =	sst s4  }
0xd: {  	[smem:$0x3FAF] =	sst s5  }
0xe: {  	[smem:$0x3FB0] =	sst s6  }
0xf: {  	[smem:$0x3FB1] =	sst s7  }
0x10: {  	[smem:$0x3FB2] =	sst s8  }
0x11: {  	[smem:$0x3FB3] =	sst s9;
	s0 =	simm.s32 @!p0 $0x0  }
0x12: {  	s1 =	sld [smem:$0x3F99];
	s0 =	simm.s32 @p0 $0x1  }
0x13: {  	[smem:$0x3FB4] =	sst s0;
	s0 =	simm.s32 @!p1 $0x0  }
0x14: {  	s2 =	sld [smem:$0x3F98];
	s0 =	simm.s32 @p1 $0x1  }
0x15: {  	[smem:$0x3FB5] =	sst s0;
	s0 =	simm.s32 @!p2 $0x0  }
0x16: {  	s3 =	sld [smem:$0x3FDB];
	s0 =	simm.s32 @p2 $0x1  }
0x17: {  	s4 =	simm.s32 $0x1BF5;
	[smem:$0x3FB7] =	sst s0  }
0x18: {  	s0 =	sld [smem:$0x3F9A];
	_ =	swait.ge [sflag:s4], $0x0  }
0x19: {  	s7 =	sld [smem:$0x3F9B]  }
0x1a: {  	s8 =	sadd.s32 $0xFFFFE003, lr  }
0x1b: {  	s9 =	sadd.s32 $0xFFFFFEF7, lr;
	s5 =	simm.s32 $0xFFFFFFFF;
	p2 =	slt.u32 s8, $0xFFFFF086  }
0x1c: {  	p1 =	slt.u32 s9, $0xF7A;
	s5 =	simm.s32 @!p2 $0x0  }
0x1d: {  	s5 =	simm.s32 @p1 $0x1;
	p0 =	seq.s32 s7, s2  }
0x1e: {  	s7 =	smul.u32 @!p0 $0xF7A, s2;
	p2 =	seq.s32 @!p0 s5, $0x0  }
0x1f: {  	s9 =	smul.u32 $0xF7A, s1;
	s8 =	simm.s32 @!p0 $0x1BF5;
	p2 =	por !p2, p0  }
0x20: {  	[sflag:s8] =	ssyncset.s32 @!p0 $0xFFFFF086;
	s6 =	sadd.s32 @!p0 s3, s7;
	s7 =	simm.s32 @!p0 $0x108  }
0x21: {  	s3 =	sadd.s32 s3, s9;
	s6 =	sadd.s32 @!p0 $0x88, s6;
	s7 =	simm.s32 @p2 $0x1082  }
0x22: {  	[simem:s7], [sflag:s8] =	dma.local @!p0 [hbm:s6], $0xF7A  }
0x23: {  	s9 =	sor.u32 $0xD0000000, s2;
	s6 =	simm.s32 $0x108;
	_ =	swait.ge @!p0 [sflag:s8], $0x0  }
0x24: {  	s3 =	sadd.s32 $0x88, s3;
	s6 =	simm.s32 @!p1 $0x1082;
	[sflag:s4] =	ssyncset.s32 $0xFFFFF086  }
0x25: {  	[simem:s6], [sflag:s4] =	dma.local [hbm:s3], $0xF7A  }
0x26: {  	[smem:$0x3F9B] =	sst s1;
	(tag) =	ssettag s2;
	_ =	strace s9  }
0x27: {  	s1 =	sld [smem:$0x3FAB]  }
0x28: {  	s2 =	sld [smem:$0x3FAC]  }
0x29: {  	s4 =	sld [smem:$0x3FAE]  }
0x2a: {  	p0 =	seq.s32 s5, $0x0;
	s5 =	sld [smem:$0x3FAF]  }
0x2b: {  	s6 =	sld [smem:$0x3FB0]  }
0x2c: {  	s7 =	sld [smem:$0x3FB1]  }
0x2d: {  	s3 =	simm.s32 $0x108;
	s8 =	sld [smem:$0x3FB2]  }
0x2e: {  	s3 =	simm.s32 @!p0 $0x1082;
	s9 =	sld [smem:$0x3FB3]  }
0x2f: {  	lr =	sadd.s32 s0, s3;
	s0 =	sld [smem:$0x3FAA]  }
0x30: {  	s3 =	sld [smem:$0x3FAD]  }
0x31: {  	[smem:$0x3FB6] =	sst s10  }
0x32: {  	s10 =	sld [smem:$0x3FB4];
	_ =	sdelay $0x3  }
0x33: {  	p0 =	seq.s32 s10, $0x1;
	s10 =	sld [smem:$0x3FB6];
	_ =	sdelay $0x3  }
0x34: {  	[smem:$0x3FB6] =	sst s10  }
0x35: {  	s10 =	sld [smem:$0x3FB5];
	_ =	sdelay $0x3  }
0x36: {  	p1 =	seq.s32 s10, $0x1;
	s10 =	sld [smem:$0x3FB6];
	_ =	sdelay $0x3  }
0x37: {  	[smem:$0x3FB6] =	sst s10  }
0x38: {  	s10 =	sld [smem:$0x3FB7]  }
0x39: {  	_ = 	snop;
	(pc) =	sbr.ind lr, $3  }
0x3a: {  	_ = 	snop  }
0x3b: {  	_ = 	snop  }
0x3c: {  	p2 =	seq.s32 s10, $0x1;
	s10 =	sld [smem:$0x3FB6]  }
0x3d: {  	_ =	shalt  }
0x3e: {  	_ =	shalt  }
0x3f: {  	_ =	shalt  }
0x40: {  	_ =	shalt  }
0x41: {  	_ =	shalt  }
0x42: {  	_ =	shalt  }
0x43: {  	_ =	shalt  }
0x44: {  	_ =	shalt  }
0x45: {  	_ =	shalt  }
0x46: {  	_ =	shalt  }
0x47: {  	_ =	shalt  }
0x48: {  	_ =	shalt  }
0x49: {  	_ =	shalt  }
0x4a: {  	_ =	shalt  }
0x4b: {  	_ =	shalt  }
0x4c: {  	_ =	shalt  }
0x4d: {  	_ =	shalt  }
0x4e: {  	_ =	shalt  }
0x4f: {  	_ =	shalt  }
0x50: {  	_ =	shalt  }
0x51: {  	_ =	shalt  }
0x52: {  	_ =	shalt  }
0x53: {  	_ =	shalt  }
0x54: {  	_ =	shalt  }
0x55: {  	_ =	shalt  }
0x56: {  	_ =	shalt  }
0x57: {  	_ =	shalt  }
0x58: {  	_ =	shalt  }
0x59: {  	_ =	shalt  }
0x5a: {  	_ =	shalt  }
0x5b: {  	_ =	shalt  }
0x5c: {  	_ =	shalt  }
0x5d: {  	_ =	shalt  }
0x5e: {  	_ =	shalt  }
0x5f: {  	_ =	shalt  }
0x60: {  	_ =	shalt  }
0x61: {  	_ =	shalt  }
0x62: {  	_ =	shalt  }
0x63: {  	_ =	shalt  }
0x64: {  	_ =	shalt  }
0x65: {  	_ =	shalt  }
0x66: {  	_ =	shalt  }
0x67: {  	_ =	shalt  }
0x68: {  	_ =	shalt  }
0x69: {  	_ =	shalt  }
0x6a: {  	_ =	shalt  }
0x6b: {  	_ =	shalt  }
0x6c: {  	_ =	shalt  }
0x6d: {  	_ =	shalt  }
0x6e: {  	_ =	shalt  }
0x6f: {  	_ =	shalt  }
0x70: {  	_ =	shalt  }
0x71: {  	_ =	shalt  }
0x72: {  	_ =	shalt  }
0x73: {  	_ =	shalt  }
0x74: {  	_ =	shalt  }
0x75: {  	_ =	shalt  }
0x76: {  	_ =	shalt  }
0x77: {  	_ =	shalt  }
0x78: {  	_ =	shalt  }
0x79: {  	_ =	shalt  }
0x7a: {  	_ =	shalt  }
0x7b: {  	_ =	shalt  }
0x7c: {  	_ =	shalt  }
0x7d: {  	_ =	shalt  }
0x7e: {  	_ =	shalt  }
0x7f: {  	_ =	shalt  }
0x80: {  	_ =	shalt  }
0x81: {  	_ =	shalt  }
0x82: {  	_ =	shalt  }
0x83: {  	_ =	shalt  }
0x84: {  	_ =	shalt  }
0x85: {  	_ =	shalt  }
0x86: {  	_ =	shalt  }
0x87: {  	_ =	shalt  }
.Lfunc_end0:
.L_simem_size_0:
called_computation.1_lowered:
.L_overlay_start_0:
0x88: {  	s2 =	sld [smem:$0x3FD9]  }
0x89: {  	s3 =	sld [smem:$0x3FFE];
	_ =	sdelay $0x1  }
0x8a: {  	s1 =	srdreg.scid  }
0x8b: {  	s0 =	sand.u32 $0x1, s1  }
0x8c: {  	s14 =	sshll.u32 s0, $0xA;
	s2 =	sadd.s32 s3, s2  }
0x8d: {  	s2 =	sadd.s32 s2, s14  }
0x8e: {  	[smem:$0x3FC2] =	sst s2  }
0x8f: {  	_ = 	snop  }
0x90: {  	s2 =	sld [smem:$0x3FD0];
	_ =	sdelay $0x2  }
0x91: {  	s15 =	simm.s32 $0xA;
	s4 =	simm.s32 $0x10  }
0x92: {  	[smem:s4], [sflag:s15] =	dma.local [hbm:s2], $0x1  }
0x93: {  	_ =	swait.eq [sflag:s15], $0x1  }
0x94: {  	[sflag:s15] =	ssyncset.done $0x0  }
0x95: {  	s16 =	sld [smem:$0x10];
	[sflag:s15] =	ssyncadd.s32 $0xFFFFFFFF  }
0x96: {  	s17 =	sld [smem:$0x11];
	(tm) =	ssettm $0x1  }
0x97: {  	s18 =	sld [smem:$0x3FFB];
	_ =	sdelay $0x3  }
0x98: {  	_ =	strace s18  }
0x99: {  	s4 =	sld [smem:$0x3FFC];
	_ =	sdelay $0x3  }
0x9a: {  	_ =	strace s4  }
0x9b: {  	s4 =	sld [smem:$0x3FFD];
	_ =	sdelay $0x3  }
0x9c: {  	_ =	strace s4  }
0x9d: {  	_ =	strace $0x8FFFFFFF  }
0x9e: {  	s19 =	sld [smem:$0x3FDB];
	_ =	sdelay $0x1  }
0x9f: {  	s5 =	simm.s32 $_scs_section_size  }
0xa0: {  	s6 =	simm.s32 $_size__tile_overlayer_lowered;
	s7 =	simm.s32 $_tile_overlayer_lowered  }
0xa1: {  	s22 =	simm.s32 $0x1BFF;
	s21 =	sshll.u32 s7, $0x1;
	s4 =	sadd.s32 s5, s19  }
0xa2: {  	s8 =	simm.s32 $0x0;
	s20 =	sshll.u32 s6, $0x1;
	s6 =	sadd.s32 s21, s4  }
0xa3: {  	[timem:s8], [sflag:s22] =	dma.local [hbm:s6], s20  }
0xa4: {  	_ =	swait.ge [sflag:s22], s20  }
0xa5: {  	s5 =	ssub.s32 $0x0, s20;
	[sflag:s22] =	ssyncset.done $0x0  }
0xa6: {  	[sflag:s22] =	ssyncadd.s32 s5;
	_ =	sdelay $0x1  }
0xa7: {  	s23 =	simm.s32 $0x1B8B  }
0xa8: {  	_ =	swait.ge [sflag:s23], $0x1  }
0xa9: {  	[sflag:s23] =	ssyncset.done $0x0  }
0xaa: {  	s25 =	simm.s32 $0x1B8E;
	s24 =	sld [smem:$0x3FFE];
	[sflag:s23] =	ssyncadd.s32 $0xFFFFFFFF  }
0xab: {  	s26 =	simm.s32 $execute0_lowered;
	[smem:$0x3FD2] =	sst s25  }
0xac: {  	s6 =	sshll.u32 s26, $0x1;
	_ =	strace $0x80000049;
	[dreg:$0x1] =	wrdreg $0xFFFFFFFF  }
0xad: {  	s28 =	simm.s32 $_size_execute0_lowered;
	s4 =	sadd.s32 s4, s6;
	[dreg:$0x0] =	wrdreg $0x0  }
0xae: {  	s6 =	sshll.u32 s28, $0x1;
	[dreg:$0x2] =	wrdreg s4  }
0xaf: {  	[dreg:$0x3] =	wrdreg s6  }
0xb0: {  	[dreg:$0x4] =	wrdreg $0xC0  }
0xb1: {  	_ =	task [dreg:s8], $0x5FFFF  }
0xb2: {  	[dreg:$0x1] =	wrdreg $0xFFFFFFFF  }
0xb3: {  	[dreg:$0x0] =	wrdreg $0x60  }
0xb4: {  	[dreg:$0x2] =	wrdreg s24  }
0xb5: {  	[dreg:$0x3] =	wrdreg s16  }
0xb6: {  	[dreg:$0x4] =	wrdreg s17  }
0xb7: {  	[dreg:$0x5] =	wrdreg $0x84000  }
0xb8: {  	[dreg:$0x6] =	wrdreg $0x9  }
0xb9: {  	_ =	task.clear_ibuf [dreg:s8], $0x7FFFF;
	_ =	strace $0x90000049  }
0xba: {  	s29 =	simm.s32 $0x9;
	_ =	strace $0x8000004B  }
0xbb: {  	_ =	swait.ge [sflag:s29], $0x1  }
0xbc: {  	[sflag:s29] =	ssyncadd.s32 $0xFFFFFFFF  }
0xbd: {  	_ =	strace $0x9000004B  }
0xbe: {  	_ =	sfence  }
0xbf: {  	s30 =	sld [smem:$0x0];
	_ =	sdelay $0x2  }
0xc0: {  	s31 =	sshll.u32 s1, $0xD;
	s1 =	sshrl.u32 s1, $0x2  }
0xc1: {  	s3 =	sand.u32 $0x4000, s31;
	s1 =	sadd.s32 s1, s30  }
0xc2: {  	s0 =	sor.u32 s3, s0;
	s1 =	sshll.u32 s1, $0x11  }
0xc3: {  	s0 =	sor.u32 s1, s0  }
0xc4: {  	s0 =	sadd.s32 $0x8F2B, s0  }
0xc5: {  	[sflag:s0] =	ssyncadd.remote.s32 $0x1  }
0xc6: {  	_ =	sfence.sel $0xFFFF  }
0xc7: {  	[dreg:$0x0] =	wrdreg $0xFFFFFFFF;
	(pc) =	sbr.abs _section_cstart, $3  }
0xc8: {  	[dreg:$0x1] =	wrdreg $0xFFFFFFFF  }
0xc9: {  	_ =	task.clear_ibuf [dreg:s8], $0x2FFFF;
	_ =	strace $0x9FFFFFFF  }
0xca: {  	(tm) =	ssettm $0x7FFFFFFF  }
0xcb: {  	_ =	shalt  }
tec
execute0_lowered:
.L_overlay_start_1:
0x0: {  	(tag) =	ssettag $0x1  }
0x1: {  	s0 =	rddreg [dreg:$0x0]  }
0x2: {  	s1 =	rddreg [dreg:$0x1]  }
0x3: {  	s2 =	rddreg [dreg:$0x2]  }
0x4: {  	s3 =	rddreg [dreg:$0x3];
	s4 =	simm.s32 $0x0  }
0x5: {  	s5 =	srdreg.scid;
	s11 =	stileid.u32;
	s13 =	simm.s32 $0x3800  }
0x6: {  	s28 =	simm.s32 $0x80;
	s29 =	simm.s32 $0x1;
	s30 =	simm.s32 $0x4400  }
0x7: {  	s31 =	simm.s32 $0x2;
	[smem:$0x7FF] =	sst s4;
	s6 =	sadd.s32 $0x3800, s0  }
0x8: {  	s5 =	sand.u32 $0x1, s5;
	s7 =	sadd.s32 $0x52800, s0;
	s8 =	smul.u32 $0x4F000, s11  }
0x9: {  	s10 =	sshll.u32 s11, $0x1;
	s14 =	smul.u32 $0x13C00, s11;
	s0 =	sadd.s32 $0x53000, s0  }
0xa: {  	_ =	strace $0x8000004A;
	[dreg:$0x6] =	wrdreg s7;
	s23 =	ssub.s32 $0x2, s5  }
0xb: {  	s15 =	sor.u32 s5, s10;
	s20 =	smul.u32 $0x13C000, s5;
	p0 =	seq.s32 s5, $0x0  }
0xc: {  	s9 =	sshrl.u32 s23, $0x1;
	s8 =	sshrl.u32 s8, $0x2;
	s16 =	sadd.s32 $0x4000, s14  }
0xd: {  	s17 =	sadd.s32 $0x8000, s14;
	s18 =	sadd.s32 $0xC000, s14;
	s19 =	sadd.s32 $0x10000, s14  }
0xe: {  	s25 =	smul.u32 $0x3800, s15;
	s13 =	simm.s32 @!p0 $0x1800;
	s15 =	simm.s32 $0x0  }
0xf: {  	s7 =	ssub.s32 s23, s9;
	s9 =	sadd.s32 s8, s3;
	s10 =	sadd.s32 s16, s3  }
0x10: {  	s11 =	sadd.s32 s17, s3;
	s12 =	sadd.s32 s18, s3;
	s24 =	sadd.s32 s19, s3  }
0x11: {  	s14 =	sadd.s32 s14, s20;
	s26 =	sadd.s32 s20, s16;
	s21 =	sadd.s32 s20, s17  }
0x12: {  	s22 =	sadd.s32 s20, s18;
	s23 =	sadd.s32 s20, s19;
	s20 =	simm.s32 $0x400  }
0x13: {  	s14 =	sshrl.u32 s14, $0x3;
	[dreg:$0x5] =	wrdreg s25;
	s16 =	sshrl.u32 s26, $0x3  }
0x14: {  	s17 =	smov.u32 s24;
	s25 =	sshrl.u32 s23, $0x3;
	s26 =	smax.u32 s7, $0x1  }
0x15: {  	s23 =	simm.s32 $0x100;
	s7 =	simm.s32 $0x280;
	[dreg:$0xd] =	wrdreg s26  }
0x16: {  	s14 =	sadd.s32 s0, s14;
	s5 =	sadd.s32 s0, s16;
	[dreg:$0x7] =	wrdreg s17  }
0x17: {  	s26 =	simm.s32 $0x3;
	[dreg:$0x9] =	wrdreg s5;
	s5 =	sshrl.u32 s21, $0x3  }
0x18: {  	[dreg:$0x8] =	wrdreg s14;
	s14 =	sshrl.u32 s22, $0x3;
	s5 =	sadd.s32 s0, s5  }
0x19: {  	s21 =	simm.s32 $0x5;
	s24 =	sadd.s32 s0, s14;
	[dreg:$0xa] =	wrdreg s5  }
0x1a: {  	s22 =	simm.s32 $0x6;
	s0 =	sadd.s32 s0, s25;
	[dreg:$0xb] =	wrdreg s24  }
0x1b: {  	s25 =	simm.s32 $0x300;
	s14 =	simm.s32 $0x380;
	[dreg:$0xc] =	wrdreg s0  }
0x1c: {  	s24 =	simm.s32 $0x200;
	s0 =	simm.s32 $0x4;
	s5 =	simm.s32 $0x180  }
.LBB2_1:
0x1d: {  	s8 =	rddreg [dreg:$0x6]  }
0x1e: {  	[tilespmem:s20], [sflag:$0x5] =	stream.linear.gather [hbm4b:s8+s4], $0x4000, $0x38;
	[tilespmem:$0x1C000] =	vst v63  }
0x1f: {  	_ =	swait.ge [sflag:s21], $0x4000  }
0x20: {  	[sflag:s21] =	ssyncset.done $0x0  }
0x21: {  	[sflag:s21] =	ssyncadd.s32 $0xFFFFC000  }
0x22: {  	[spmem:s9] =	stream.linear.scatter [tilespmem:s20], [sflag:$0x6], $0x4000, $0x38;
	[tilespmem:$0x1C000] =	vst v63  }
0x23: {  	_ =	swait.ge [sflag:s22], $0x4000  }
0x24: {  	[sflag:s22] =	ssyncset.done $0x0  }
0x25: {  	[sflag:s22] =	ssyncadd.s32 $0xFFFFC000  }
0x26: {  	[spmem:s10] =	stream.linear.scatter [tilespmem:s20], [sflag:$0x6], $0x4000, $0x38;
	[tilespmem:$0x1C000] =	vst v63  }
0x27: {  	_ =	swait.ge [sflag:s22], $0x4000  }
0x28: {  	[sflag:s22] =	ssyncset.done $0x0  }
0x29: {  	[sflag:s22] =	ssyncadd.s32 $0xFFFFC000  }
0x2a: {  	[spmem:s11] =	stream.linear.scatter [tilespmem:s20], [sflag:$0x6], $0x4000, $0x38;
	[tilespmem:$0x1C000] =	vst v63  }
0x2b: {  	_ =	swait.ge [sflag:s22], $0x4000  }
0x2c: {  	[sflag:s22] =	ssyncset.done $0x0  }
0x2d: {  	[sflag:s22] =	ssyncadd.s32 $0xFFFFC000  }
0x2e: {  	[spmem:s12] =	stream.linear.scatter [tilespmem:s20], [sflag:$0x6], $0x4000, $0x38;
	[tilespmem:$0x1C000] =	vst v63  }
0x2f: {  	_ =	swait.ge [sflag:s22], $0x4000  }
0x30: {  	[sflag:s22] =	ssyncset.done $0x0  }
0x31: {  	p1 =	sne.s32 s13, $0x200;
	[sflag:s22] =	ssyncadd.s32 $0xFFFFC000  }
0x32: {  	[spmem:s17] =	stream.linear.scatter [tilespmem:s20], [sflag:$0x6], $0x3C00, $0x38;
	[tilespmem:$0x1C000] =	vst v63  }
.Ltmp0:
0x33: {  	_ =	swait.ge [sflag:s22], $0x3C00;
	(pc) =	sbr.rel @!p1 .LBB2_2-.Ltmp0, $4  }
0x34: {  	[sflag:s22] =	ssyncset.done $0x0  }
0x35: {  	[sflag:s22] =	ssyncadd.s32 $0xFFFFC400  }
0x36: {  	[bflag:$0x0] =	sbarrier.arrive $0xFFFF  }
0x37: {  	s16 =	simm.s32 $0x200;
	p0 =	por $0x0, $0x0;
	s18 =	rddreg [dreg:$0x5]  }
0x38: {  	s17 =	sand.u32 $0xFFFFFC00, s4  }
0x39: {  	s19 =	sand.u32 $0x200, s4;
	s17 =	sadd.s32 s18, s17  }
0x3a: {  	s17 =	sor.u32 s19, s17  }
0x3b: {  	s17 =	sshrl.u32 s17, $0x3  }
0x3c: {  	s8 =	sadd.s32 s1, s17  }
0x3d: {  	[tilespmem:s4], [sflag:$0x3] =	stream.linear.gather [hbm4b:s8+s4], $0x100, $0x38;
	[tilespmem:$0x1C000] =	vst v63  }
0x3e: {  	s19 =	sor.u32 $0x20, s17;
	s17 =	sadd.s32 s2, s17  }
0x3f: {  	[tilespmem:s23], [sflag:$0x3] =	stream.linear.gather [hbm4b:s17+s4], $0x100, $0x38;
	[tilespmem:$0x1C000] =	vst v63  }
0x40: {  	s8 =	sadd.s32 s1, s19  }
0x41: {  	[tilespmem:s24], [sflag:$0x4] =	stream.linear.gather [hbm4b:s8+s4], $0x100, $0x38;
	[tilespmem:$0x1C000] =	vst v63  }
0x42: {  	s19 =	sadd.s32 s2, s19  }
0x43: {  	[tilespmem:s25], [sflag:$0x4] =	stream.linear.gather [hbm4b:s19+s4], $0x100, $0x38;
	[tilespmem:$0x1C000] =	vst v63  }
0x44: {  	_ =	swait.ge [sflag:s26], $0x100  }
0x45: {  	[sflag:s26] =	ssyncset.done $0x0  }
0x46: {  	[sflag:s26] =	ssyncadd.s32 $0xFFFFFF00  }
0x47: {  	_ =	swait.ge [sflag:s26], $0x100  }
0x48: {  	[sflag:s26] =	ssyncset.done $0x0  }
0x49: {  	[sflag:s26] =	ssyncadd.s32 $0xFFFFFF00  }
0x4a: {  	[tilespmem:s20], [sflag:$0x1] =	stream.indirect.gather [hbm4b:s6+s28], $0x80, s4, s28, $0xb8;
	[tilespmem:$0x1C000] =	vst v63  }
0x4b: {  	_ =	swait.ge [sflag:s29], $0x4000  }
0x4c: {  	[sflag:s29] =	ssyncset.done $0x0  }
0x4d: {  	[sflag:s29] =	ssyncadd.s32 $0xFFFFC000  }
0x4e: {  	[tilespmem:s30], [sflag:$0x2] =	stream.indirect.gather [hbm4b:s6+s28], $0x80, s28, s28, $0xb8;
	[tilespmem:$0x1C000] =	vst v63  }
0x4f: {  	_ = 	snop  }
0x50: {  	[spmem:s3] =	stream.indirect.scatter.add.f32 [tilespmem:s20], [sflag:$0x6], $0x80, s23, s28, $0xb8;
	[tilespmem:$0x1C000] =	vst v63  }
0x51: {  	_ =	swait.ge [sflag:s22], $0x4000  }
0x52: {  	[sflag:s22] =	ssyncset.done $0x0  }
0x53: {  	[sflag:s22] =	ssyncadd.s32 $0xFFFFC000  }
0x54: {  	_ =	swait.ge [sflag:s31], $0x4000  }
0x55: {  	[sflag:s31] =	ssyncset.done $0x0  }
0x56: {  	[sflag:s31] =	ssyncadd.s32 $0xFFFFC000  }
0x57: {  	_ =	swait.ge [sflag:s0], $0x100  }
0x58: {  	[sflag:s0] =	ssyncset.done $0x0  }
0x59: {  	[sflag:s0] =	ssyncadd.s32 $0xFFFFFF00  }
0x5a: {  	_ =	swait.ge [sflag:s0], $0x100  }
0x5b: {  	[sflag:s0] =	ssyncset.done $0x0  }
0x5c: {  	[sflag:s0] =	ssyncadd.s32 $0xFFFFFF00  }
0x5d: {  	[tilespmem:s20], [sflag:$0x1] =	stream.indirect.gather [hbm4b:s6+s28], $0x80, s24, s28, $0xb8;
	[tilespmem:$0x1C000] =	vst v63  }
0x5e: {  	_ = 	snop  }
0x5f: {  	[spmem:s3] =	stream.indirect.scatter.add.f32 [tilespmem:s30], [sflag:$0x6], $0x80, s5, s28, $0xb8;
	[tilespmem:$0x1C000] =	vst v63  }
0x60: {  	_ =	swait.ge [sflag:s22], $0x4000  }
0x61: {  	[sflag:s22] =	ssyncset.done $0x0  }
0x62: {  	[sflag:s22] =	ssyncadd.s32 $0xFFFFC000  }
0x63: {  	_ =	swait.ge [sflag:s29], $0x4000  }
0x64: {  	[sflag:s29] =	ssyncset.done $0x0  }
0x65: {  	[sflag:s29] =	ssyncadd.s32 $0xFFFFC000  }
0x66: {  	[tilespmem:s30], [sflag:$0x2] =	stream.indirect.gather [hbm4b:s6+s28], $0x80, s7, s28, $0xb8;
	[tilespmem:$0x1C000] =	vst v63  }
0x67: {  	_ = 	snop  }
0x68: {  	[spmem:s3] =	stream.indirect.scatter.add.f32 [tilespmem:s20], [sflag:$0x6], $0x80, s25, s28, $0xb8;
	[tilespmem:$0x1C000] =	vst v63  }
0x69: {  	_ =	swait.ge [sflag:s22], $0x4000  }
0x6a: {  	[sflag:s22] =	ssyncset.done $0x0  }
0x6b: {  	[sflag:s22] =	ssyncadd.s32 $0xFFFFC000  }
0x6c: {  	p1 =	sne.s32 s13, $0x400;
	_ =	swait.ge [sflag:s31], $0x4000  }
.Ltmp1:
0x6d: {  	[sflag:s31] =	ssyncset.done $0x0;
	(pc) =	sbr.rel @!p1 .LBB2_4-.Ltmp1, $4  }
0x6e: {  	[sflag:s31] =	ssyncadd.s32 $0xFFFFC000  }
0x6f: {  	[spmem:s3] =	stream.indirect.scatter.add.f32 [tilespmem:s30], [sflag:$0x6], $0x80, s14, s28, $0xb8;
	[tilespmem:$0x1C000] =	vst v63  }
0x70: {  	p0 =	por $0x1, $0x1;
	_ =	swait.ge [sflag:s22], $0x4000  }
0x71: {  	s17 =	simm.s32 $0x400;
	s18 =	rddreg [dreg:$0x5];
	[sflag:s22] =	ssyncset.done $0x0  }
.LBB2_5:
0x72: {  	s8 =	sand.u32 $0xFFFFFC00, s16  }
0x73: {  	s8 =	sadd.s32 s18, s8;
	s18 =	sand.u32 $0x200, s16  }
0x74: {  	s8 =	sor.u32 s18, s8  }
0x75: {  	s8 =	sshrl.u32 s8, $0x3  }
0x76: {  	[sflag:s22] =	ssyncadd.s32 $0xFFFFC000;
	s19 =	smov.u32 s17;
	s18 =	sadd.s32 s1, s8  }
0x77: {  	[tilespmem:s4], [sflag:$0x3] =	stream.linear.gather [hbm4b:s18+s4], $0x100, $0x38;
	[tilespmem:$0x1C000] =	vst v63  }
0x78: {  	s16 =	smov.u32 s19;
	s19 =	sor.u32 $0x20, s8;
	s8 =	sadd.s32 s2, s8  }
0x79: {  	[tilespmem:s23], [sflag:$0x3] =	stream.linear.gather [hbm4b:s8+s4], $0x100, $0x38;
	[tilespmem:$0x1C000] =	vst v63  }
0x7a: {  	s18 =	sadd.s32 s1, s19  }
0x7b: {  	[tilespmem:s24], [sflag:$0x4] =	stream.linear.gather [hbm4b:s18+s4], $0x100, $0x38;
	[tilespmem:$0x1C000] =	vst v63  }
0x7c: {  	s19 =	sadd.s32 s2, s19  }
0x7d: {  	[tilespmem:s25], [sflag:$0x4] =	stream.linear.gather [hbm4b:s19+s4], $0x100, $0x38;
	[tilespmem:$0x1C000] =	vst v63  }
0x7e: {  	_ =	swait.ge [sflag:s26], $0x100  }
0x7f: {  	[sflag:s26] =	ssyncset.done $0x0  }
0x80: {  	[sflag:s26] =	ssyncadd.s32 $0xFFFFFF00  }
0x81: {  	_ =	swait.ge [sflag:s26], $0x100  }
0x82: {  	[sflag:s26] =	ssyncset.done $0x0  }
0x83: {  	[sflag:s26] =	ssyncadd.s32 $0xFFFFFF00  }
0x84: {  	[tilespmem:s20], [sflag:$0x1] =	stream.indirect.gather [hbm4b:s6+s28], $0x80, s4, s28, $0xb8;
	[tilespmem:$0x1C000] =	vst v63  }
0x85: {  	_ =	swait.ge [sflag:s29], $0x4000  }
0x86: {  	[sflag:s29] =	ssyncset.done $0x0  }
0x87: {  	[sflag:s29] =	ssyncadd.s32 $0xFFFFC000  }
0x88: {  	[tilespmem:s30], [sflag:$0x2] =	stream.indirect.gather [hbm4b:s6+s28], $0x80, s28, s28, $0xb8;
	[tilespmem:$0x1C000] =	vst v63  }
0x89: {  	_ = 	snop  }
0x8a: {  	[spmem:s3] =	stream.indirect.scatter.add.f32 [tilespmem:s20], [sflag:$0x6], $0x80, s23, s28, $0xb8;
	[tilespmem:$0x1C000] =	vst v63  }
0x8b: {  	_ =	swait.ge [sflag:s22], $0x4000  }
0x8c: {  	[sflag:s22] =	ssyncset.done $0x0  }
0x8d: {  	[sflag:s22] =	ssyncadd.s32 $0xFFFFC000  }
0x8e: {  	_ =	swait.ge [sflag:s31], $0x4000  }
0x8f: {  	[sflag:s31] =	ssyncset.done $0x0  }
0x90: {  	[sflag:s31] =	ssyncadd.s32 $0xFFFFC000  }
0x91: {  	_ =	swait.ge [sflag:s0], $0x100  }
0x92: {  	[sflag:s0] =	ssyncset.done $0x0  }
0x93: {  	[sflag:s0] =	ssyncadd.s32 $0xFFFFFF00  }
0x94: {  	_ =	swait.ge [sflag:s0], $0x100  }
0x95: {  	[sflag:s0] =	ssyncset.done $0x0  }
0x96: {  	[sflag:s0] =	ssyncadd.s32 $0xFFFFFF00  }
0x97: {  	[tilespmem:s20], [sflag:$0x1] =	stream.indirect.gather [hbm4b:s6+s28], $0x80, s24, s28, $0xb8;
	[tilespmem:$0x1C000] =	vst v63  }
0x98: {  	_ = 	snop  }
0x99: {  	[spmem:s3] =	stream.indirect.scatter.add.f32 [tilespmem:s30], [sflag:$0x6], $0x80, s5, s28, $0xb8;
	[tilespmem:$0x1C000] =	vst v63  }
0x9a: {  	_ =	swait.ge [sflag:s22], $0x4000  }
0x9b: {  	[sflag:s22] =	ssyncset.done $0x0  }
0x9c: {  	[sflag:s22] =	ssyncadd.s32 $0xFFFFC000  }
0x9d: {  	_ =	swait.ge [sflag:s29], $0x4000  }
0x9e: {  	[sflag:s29] =	ssyncset.done $0x0  }
0x9f: {  	[sflag:s29] =	ssyncadd.s32 $0xFFFFC000  }
0xa0: {  	[tilespmem:s30], [sflag:$0x2] =	stream.indirect.gather [hbm4b:s6+s28], $0x80, s7, s28, $0xb8;
	[tilespmem:$0x1C000] =	vst v63  }
0xa1: {  	_ = 	snop  }
0xa2: {  	[spmem:s3] =	stream.indirect.scatter.add.f32 [tilespmem:s20], [sflag:$0x6], $0x80, s25, s28, $0xb8;
	[tilespmem:$0x1C000] =	vst v63  }
0xa3: {  	_ =	swait.ge [sflag:s22], $0x4000  }
0xa4: {  	[sflag:s22] =	ssyncset.done $0x0  }
0xa5: {  	s17 =	sadd.s32 $0x200, s17;
	[sflag:s22] =	ssyncadd.s32 $0xFFFFC000  }
0xa6: {  	p1 =	sne.s32 s13, s17;
	_ =	swait.ge [sflag:s31], $0x4000  }
.Ltmp2:
0xa7: {  	[sflag:s31] =	ssyncset.done $0x0;
	(pc) =	sbr.rel @p1 .LBB2_5-.Ltmp2, $4  }
0xa8: {  	[sflag:s31] =	ssyncadd.s32 $0xFFFFC000  }
0xa9: {  	[spmem:s3] =	stream.indirect.scatter.add.f32 [tilespmem:s30], [sflag:$0x6], $0x80, s14, s28, $0xb8;
	[tilespmem:$0x1C000] =	vst v63  }
0xaa: {  	_ =	swait.ge [sflag:s22], $0x4000  }
0xab: {  	s18 =	rddreg [dreg:$0x5];
	[sflag:s22] =	ssyncset.done $0x0  }
0xac: {  	s17 =	rddreg [dreg:$0x7]  }
.LBB2_7:
0xad: {  	s8 =	sand.u32 $0xFFFFFC00, s16  }
0xae: {  	s19 =	sand.u32 $0x200, s16;
	s8 =	sadd.s32 s18, s8  }
0xaf: {  	s8 =	sor.u32 s19, s8  }
0xb0: {  	s8 =	sshrl.u32 s8, $0x3  }
0xb1: {  	[sflag:s22] =	ssyncadd.s32 @p0 $0xFFFFC000;
	s18 =	sadd.s32 s1, s8  }
0xb2: {  	[tilespmem:s4], [sflag:$0x3] =	stream.linear.gather [hbm4b:s18+s4], $0x100, $0x38;
	[tilespmem:$0x1C000] =	vst v63  }
0xb3: {  	s19 =	sor.u32 $0x20, s8;
	s8 =	sadd.s32 s2, s8  }
0xb4: {  	[tilespmem:s23], [sflag:$0x3] =	stream.linear.gather [hbm4b:s8+s4], $0x100, $0x38;
	[tilespmem:$0x1C000] =	vst v63  }
0xb5: {  	s18 =	sadd.s32 s1, s19  }
0xb6: {  	[tilespmem:s24], [sflag:$0x4] =	stream.linear.gather [hbm4b:s18+s4], $0x100, $0x38;
	[tilespmem:$0x1C000] =	vst v63  }
0xb7: {  	s19 =	sadd.s32 s2, s19  }
0xb8: {  	[tilespmem:s25], [sflag:$0x4] =	stream.linear.gather [hbm4b:s19+s4], $0x100, $0x38;
	[tilespmem:$0x1C000] =	vst v63  }
0xb9: {  	_ =	swait.ge [sflag:s26], $0x100  }
0xba: {  	[sflag:s26] =	ssyncset.done $0x0  }
0xbb: {  	[sflag:s26] =	ssyncadd.s32 $0xFFFFFF00  }
0xbc: {  	_ =	swait.ge [sflag:s26], $0x100  }
0xbd: {  	[sflag:s26] =	ssyncset.done $0x0  }
0xbe: {  	[sflag:s26] =	ssyncadd.s32 $0xFFFFFF00  }
0xbf: {  	[tilespmem:s20], [sflag:$0x1] =	stream.indirect.gather [hbm4b:s6+s28], $0x80, s4, s28, $0xb8;
	[tilespmem:$0x1C000] =	vst v63  }
0xc0: {  	_ =	swait.ge [sflag:s29], $0x4000  }
0xc1: {  	[sflag:s29] =	ssyncset.done $0x0  }
0xc2: {  	[sflag:s29] =	ssyncadd.s32 $0xFFFFC000  }
0xc3: {  	[tilespmem:s30], [sflag:$0x2] =	stream.indirect.gather [hbm4b:s6+s28], $0x80, s28, s28, $0xb8;
	[tilespmem:$0x1C000] =	vst v63  }
0xc4: {  	_ = 	snop  }
0xc5: {  	[spmem:s3] =	stream.indirect.scatter.add.f32 [tilespmem:s20], [sflag:$0x6], $0x80, s23, s28, $0xb8;
	[tilespmem:$0x1C000] =	vst v63  }
0xc6: {  	_ =	swait.ge [sflag:s22], $0x4000  }
0xc7: {  	[sflag:s22] =	ssyncset.done $0x0  }
0xc8: {  	[sflag:s22] =	ssyncadd.s32 $0xFFFFC000  }
0xc9: {  	_ =	swait.ge [sflag:s31], $0x4000  }
0xca: {  	[sflag:s31] =	ssyncset.done $0x0  }
0xcb: {  	[sflag:s31] =	ssyncadd.s32 $0xFFFFC000  }
0xcc: {  	_ =	swait.ge [sflag:s0], $0x100  }
0xcd: {  	[sflag:s0] =	ssyncset.done $0x0  }
0xce: {  	[sflag:s0] =	ssyncadd.s32 $0xFFFFFF00  }
0xcf: {  	_ =	swait.ge [sflag:s0], $0x100  }
0xd0: {  	[sflag:s0] =	ssyncset.done $0x0  }
0xd1: {  	[sflag:s0] =	ssyncadd.s32 $0xFFFFFF00  }
0xd2: {  	[tilespmem:s20], [sflag:$0x1] =	stream.indirect.gather [hbm4b:s6+s28], $0x80, s24, s28, $0xb8;
	[tilespmem:$0x1C000] =	vst v63  }
0xd3: {  	_ = 	snop  }
0xd4: {  	[spmem:s3] =	stream.indirect.scatter.add.f32 [tilespmem:s30], [sflag:$0x6], $0x80, s5, s28, $0xb8;
	[tilespmem:$0x1C000] =	vst v63  }
0xd5: {  	_ =	swait.ge [sflag:s22], $0x4000  }
0xd6: {  	[sflag:s22] =	ssyncset.done $0x0  }
0xd7: {  	[sflag:s22] =	ssyncadd.s32 $0xFFFFC000  }
0xd8: {  	_ =	swait.ge [sflag:s29], $0x4000  }
0xd9: {  	[sflag:s29] =	ssyncset.done $0x0  }
0xda: {  	[sflag:s29] =	ssyncadd.s32 $0xFFFFC000  }
0xdb: {  	[tilespmem:s30], [sflag:$0x2] =	stream.indirect.gather [hbm4b:s6+s28], $0x80, s7, s28, $0xb8;
	[tilespmem:$0x1C000] =	vst v63  }
0xdc: {  	_ = 	snop  }
0xdd: {  	[spmem:s3] =	stream.indirect.scatter.add.f32 [tilespmem:s20], [sflag:$0x6], $0x80, s25, s28, $0xb8;
	[tilespmem:$0x1C000] =	vst v63  }
0xde: {  	_ =	swait.ge [sflag:s22], $0x4000  }
0xdf: {  	[sflag:s22] =	ssyncset.done $0x0  }
0xe0: {  	[sflag:s22] =	ssyncadd.s32 $0xFFFFC000  }
0xe1: {  	_ =	swait.ge [sflag:s31], $0x4000  }
0xe2: {  	[sflag:s31] =	ssyncset.done $0x0  }
0xe3: {  	[sflag:s31] =	ssyncadd.s32 $0xFFFFC000  }
0xe4: {  	[spmem:s3] =	stream.indirect.scatter.add.f32 [tilespmem:s30], [sflag:$0x6], $0x80, s14, s28, $0xb8;
	[tilespmem:$0x1C000] =	vst v63  }
0xe5: {  	_ =	swait.ge [sflag:s22], $0x4000  }
0xe6: {  	[sflag:s22] =	ssyncset.done $0x0  }
0xe7: {  	[sflag:s22] =	ssyncadd.s32 $0xFFFFC000  }
0xe8: {  	[bflag:$0x0] =	sbarrier.arrive $0xFFFF  }
0xe9: {  	[tilespmem:s20], [sflag:$0x5] =	stream.linear.gather [spmem:s9], $0x4000, $0x38;
	[tilespmem:$0x1C000] =	vst v63  }
0xea: {  	_ =	swait.ge [sflag:s21], $0x4000  }
0xeb: {  	[sflag:s21] =	ssyncset.done $0x0  }
0xec: {  	s16 =	rddreg [dreg:$0x8];
	[sflag:s21] =	ssyncadd.s32 $0xFFFFC000  }
0xed: {  	[hbm4b:s16+s4] =	stream.linear.scatter [tilespmem:s20], [sflag:$0x1], $0x4000, $0x38;
	[tilespmem:$0x1C000] =	vst v63  }
0xee: {  	_ = 	snop  }
0xef: {  	[tilespmem:s30], [sflag:$0x5] =	stream.linear.gather [spmem:s10], $0x4000, $0x38;
	[tilespmem:$0x1C000] =	vst v63  }
0xf0: {  	_ =	swait.ge [sflag:s21], $0x4000  }
0xf1: {  	[sflag:s21] =	ssyncset.done $0x0  }
0xf2: {  	s18 =	rddreg [dreg:$0x9];
	[sflag:s21] =	ssyncadd.s32 $0xFFFFC000  }
0xf3: {  	[hbm4b:s18+s4] =	stream.linear.scatter [tilespmem:s30], [sflag:$0x2], $0x4000, $0x38;
	[tilespmem:$0x1C000] =	vst v63  }
0xf4: {  	_ =	swait.ge [sflag:s29], $0x4000  }
0xf5: {  	[sflag:s29] =	ssyncset.done $0x0  }
0xf6: {  	[sflag:s29] =	ssyncadd.s32 $0xFFFFC000  }
0xf7: {  	[tilespmem:s20], [sflag:$0x5] =	stream.linear.gather [spmem:s11], $0x4000, $0x38;
	[tilespmem:$0x1C000] =	vst v63  }
0xf8: {  	_ =	swait.ge [sflag:s21], $0x4000  }
0xf9: {  	[sflag:s21] =	ssyncset.done $0x0  }
0xfa: {  	s19 =	rddreg [dreg:$0xa];
	[sflag:s21] =	ssyncadd.s32 $0xFFFFC000  }
0xfb: {  	[hbm4b:s19+s4] =	stream.linear.scatter [tilespmem:s20], [sflag:$0x1], $0x4000, $0x38;
	[tilespmem:$0x1C000] =	vst v63  }
0xfc: {  	_ =	swait.ge [sflag:s31], $0x4000  }
0xfd: {  	[sflag:s31] =	ssyncset.done $0x0  }
0xfe: {  	[sflag:s31] =	ssyncadd.s32 $0xFFFFC000  }
0xff: {  	[tilespmem:s30], [sflag:$0x5] =	stream.linear.gather [spmem:s12], $0x4000, $0x38;
	[tilespmem:$0x1C000] =	vst v63  }
0x100: {  	_ =	swait.ge [sflag:s21], $0x4000  }
0x101: {  	[sflag:s21] =	ssyncset.done $0x0  }
0x102: {  	s16 =	rddreg [dreg:$0xb];
	[sflag:s21] =	ssyncadd.s32 $0xFFFFC000  }
0x103: {  	[hbm4b:s16+s4] =	stream.linear.scatter [tilespmem:s30], [sflag:$0x2], $0x4000, $0x38;
	[tilespmem:$0x1C000] =	vst v63  }
0x104: {  	_ =	swait.ge [sflag:s29], $0x4000  }
0x105: {  	[sflag:s29] =	ssyncset.done $0x0  }
0x106: {  	[sflag:s29] =	ssyncadd.s32 $0xFFFFC000  }
0x107: {  	[tilespmem:s20], [sflag:$0x5] =	stream.linear.gather [spmem:s17], $0x3C00, $0x38;
	[tilespmem:$0x1C000] =	vst v63  }
0x108: {  	_ =	swait.ge [sflag:s21], $0x3C00  }
0x109: {  	[sflag:s21] =	ssyncset.done $0x0  }
0x10a: {  	s18 =	rddreg [dreg:$0xc];
	[sflag:s21] =	ssyncadd.s32 $0xFFFFC400  }
0x10b: {  	[hbm4b:s18+s4] =	stream.linear.scatter [tilespmem:s20], [sflag:$0x1], $0x3C00, $0x38;
	[tilespmem:$0x1C000] =	vst v63  }
0x10c: {  	_ =	swait.ge [sflag:s29], $0x3C00  }
0x10d: {  	[sflag:s29] =	ssyncset.done $0x0  }
0x10e: {  	[sflag:s29] =	ssyncadd.s32 $0xFFFFC400  }
0x10f: {  	_ =	swait.ge [sflag:s31], $0x4000  }
0x110: {  	s15 =	sadd.s32 $0x1, s15;
	s19 =	rddreg [dreg:$0xd]  }
0x111: {  	p0 =	sne.s32 s15, s19  }
.Ltmp3:
0x112: {  	_ = 	snop;
	(pc) =	sbr.rel @p0 .LBB2_1-.Ltmp3, $4  }
.Ltmp4:
0x113: {  	_ = 	snop;
	(pc) =	sbr.rel @!p0 .LBB2_8-.Ltmp4, $4  }
0x114: {  	_ = 	snop  }
0x115: {  	[sflag:s31] =	ssyncset.done $0x0  }
0x116: {  	[sflag:s31] =	ssyncadd.s32 $0xFFFFC000  }
0x117: {  	_ = 	snop  }
.LBB2_2:
.Ltmp5:
0x118: {  	(pc) =	sbr.rel .LBB2_7-.Ltmp5, $2  }
0x119: {  	_ =	sdelay $0x2  }
0x11a: {  	s16 =	simm.s32 $0x0  }
.LBB2_4:
.Ltmp6:
0x11b: {  	(pc) =	sbr.rel .LBB2_7-.Ltmp6, $2  }
0x11c: {  	_ =	sdelay $0x2  }
0x11d: {  	s17 =	rddreg [dreg:$0x7]  }
.LBB2_8:
0x11e: {  	_ =	sfence.sel $0x180000  }
0x11f: {  	[bflag:$0x0] =	sbarrier.arrive $0xFFFF  }
0x120: {  	_ =	strace $0x9000004A  }
0x121: {  	s0 =	stileid.u32;
	[bflag:$0x2] =	sbarrier.arrive $0xFFFF  }
0x122: {  	p0 =	sne.s32 s0, $0x0;
	s0 =	rddreg [dreg:$0x4]  }
0x123: {  	s0 =	sadd.s32 @!p0 $0x100000, s0  }
0x124: {  	[sflag:s0] =	ssyncadd.tile.s32 @!p0 $0x1;
	_ =	shalt  }
.Lfunc_end2:
_tile_overlayer_lowered:
.L_overlay_start_2:
0x125: {  	(tag) =	ssettag $0x2  }
0x126: {  	s0 =	rddreg [dreg:$0x0];
	s2 =	stileid.u32  }
0x127: {  	s1 =	rddreg [dreg:$0x1];
	p0 =	sne.s32 s2, $0x0  }
0x128: {  	s3 =	rddreg [dreg:$0x2];
	[bflag:$0x3] =	sbarrier.arrive $0xFFFF;
	s2 =	simm.s32 @!p0 $0x1C06  }
0x129: {  	[timem:s3], [sflag:s2] =	dma.local @!p0 [hbm:s0], s1  }
0x12a: {  	s0 =	simm.s32 @!p0 $0x6  }
0x12b: {  	_ =	swait.ge @!p0 [sflag:s0], s1  }
0x12c: {  	s1 =	ssub.s32 @!p0 $0x0, s1;
	[sflag:s0] =	ssyncset.done @!p0 $0x0  }
0x12d: {  	[sflag:s0] =	ssyncadd.s32 @!p0 s1  }
0x12e: {  	[bflag:$0x3] =	sbarrier.arrive $0xFFFF  }
0x12f: {  	_ =	shalt  }

// kernel: kernel.14.cloned.1.call-start
scs
__scs_entry_jumppad:
0x0: {  	(pc) =	sbr.rel $0x88, $3  }
0x1: {  	(tag) =	ssettag $0x0;
	lr =	simm.s32 $0x1  }
0x2: {  	[smem:$0x3F9B] =	sst lr;
	_ =	strace $0xD0000000  }
0x3: {  	_ = 	snop  }
0x4: {  	_ = 	snop  }
0x5: {  	_ = 	snop  }
0x6: {  	_ = 	snop  }
0x7: {  	_ = 	snop  }
__scs_overlays_trampoline_lowered:
0x8: {  	[smem:$0x3FAA] =	sst s0  }
0x9: {  	[smem:$0x3FAB] =	sst s1  }
0xa: {  	[smem:$0x3FAC] =	sst s2  }
0xb: {  	[smem:$0x3FAD] =	sst s3  }
0xc: {  	[smem:$0x3FAE] =	sst s4  }
0xd: {  	[smem:$0x3FAF] =	sst s5  }
0xe: {  	[smem:$0x3FB0] =	sst s6  }
0xf: {  	[smem:$0x3FB1] =	sst s7  }
0x10: {  	[smem:$0x3FB2] =	sst s8  }
0x11: {  	[smem:$0x3FB3] =	sst s9;
	s0 =	simm.s32 @!p0 $0x0  }
0x12: {  	s1 =	sld [smem:$0x3F99];
	s0 =	simm.s32 @p0 $0x1  }
0x13: {  	[smem:$0x3FB4] =	sst s0;
	s0 =	simm.s32 @!p1 $0x0  }
0x14: {  	s2 =	sld [smem:$0x3F98];
	s0 =	simm.s32 @p1 $0x1  }
0x15: {  	[smem:$0x3FB5] =	sst s0;
	s0 =	simm.s32 @!p2 $0x0  }
0x16: {  	s3 =	sld [smem:$0x3FDB];
	s0 =	simm.s32 @p2 $0x1  }
0x17: {  	s4 =	simm.s32 $0x1BF5;
	[smem:$0x3FB7] =	sst s0  }
0x18: {  	s0 =	sld [smem:$0x3F9A];
	_ =	swait.ge [sflag:s4], $0x0  }
0x19: {  	s7 =	sld [smem:$0x3F9B]  }
0x1a: {  	s8 =	sadd.s32 $0xFFFFE003, lr  }
0x1b: {  	s9 =	sadd.s32 $0xFFFFFEF7, lr;
	s5 =	simm.s32 $0xFFFFFFFF;
	p2 =	slt.u32 s8, $0xFFFFF086  }
0x1c: {  	p1 =	slt.u32 s9, $0xF7A;
	s5 =	simm.s32 @!p2 $0x0  }
0x1d: {  	s5 =	simm.s32 @p1 $0x1;
	p0 =	seq.s32 s7, s2  }
0x1e: {  	s7 =	smul.u32 @!p0 $0xF7A, s2;
	p2 =	seq.s32 @!p0 s5, $0x0  }
0x1f: {  	s9 =	smul.u32 $0xF7A, s1;
	s8 =	simm.s32 @!p0 $0x1BF5;
	p2 =	por !p2, p0  }
0x20: {  	[sflag:s8] =	ssyncset.s32 @!p0 $0xFFFFF086;
	s6 =	sadd.s32 @!p0 s3, s7;
	s7 =	simm.s32 @!p0 $0x108  }
0x21: {  	s3 =	sadd.s32 s3, s9;
	s6 =	sadd.s32 @!p0 $0x88, s6;
	s7 =	simm.s32 @p2 $0x1082  }
0x22: {  	[simem:s7], [sflag:s8] =	dma.local @!p0 [hbm:s6], $0xF7A  }
0x23: {  	s9 =	sor.u32 $0xD0000000, s2;
	s6 =	simm.s32 $0x108;
	_ =	swait.ge @!p0 [sflag:s8], $0x0  }
0x24: {  	s3 =	sadd.s32 $0x88, s3;
	s6 =	simm.s32 @!p1 $0x1082;
	[sflag:s4] =	ssyncset.s32 $0xFFFFF086  }
0x25: {  	[simem:s6], [sflag:s4] =	dma.local [hbm:s3], $0xF7A  }
0x26: {  	[smem:$0x3F9B] =	sst s1;
	(tag) =	ssettag s2;
	_ =	strace s9  }
0x27: {  	s1 =	sld [smem:$0x3FAB]  }
0x28: {  	s2 =	sld [smem:$0x3FAC]  }
0x29: {  	s4 =	sld [smem:$0x3FAE]  }
0x2a: {  	p0 =	seq.s32 s5, $0x0;
	s5 =	sld [smem:$0x3FAF]  }
0x2b: {  	s6 =	sld [smem:$0x3FB0]  }
0x2c: {  	s7 =	sld [smem:$0x3FB1]  }
0x2d: {  	s3 =	simm.s32 $0x108;
	s8 =	sld [smem:$0x3FB2]  }
0x2e: {  	s3 =	simm.s32 @!p0 $0x1082;
	s9 =	sld [smem:$0x3FB3]  }
0x2f: {  	lr =	sadd.s32 s0, s3;
	s0 =	sld [smem:$0x3FAA]  }
0x30: {  	s3 =	sld [smem:$0x3FAD]  }
0x31: {  	[smem:$0x3FB6] =	sst s10  }
0x32: {  	s10 =	sld [smem:$0x3FB4];
	_ =	sdelay $0x3  }
0x33: {  	p0 =	seq.s32 s10, $0x1;
	s10 =	sld [smem:$0x3FB6];
	_ =	sdelay $0x3  }
0x34: {  	[smem:$0x3FB6] =	sst s10  }
0x35: {  	s10 =	sld [smem:$0x3FB5];
	_ =	sdelay $0x3  }
0x36: {  	p1 =	seq.s32 s10, $0x1;
	s10 =	sld [smem:$0x3FB6];
	_ =	sdelay $0x3  }
0x37: {  	[smem:$0x3FB6] =	sst s10  }
0x38: {  	s10 =	sld [smem:$0x3FB7]  }
0x39: {  	_ = 	snop;
	(pc) =	sbr.ind lr, $3  }
0x3a: {  	_ = 	snop  }
0x3b: {  	_ = 	snop  }
0x3c: {  	p2 =	seq.s32 s10, $0x1;
	s10 =	sld [smem:$0x3FB6]  }
0x3d: {  	_ =	shalt  }
0x3e: {  	_ =	shalt  }
0x3f: {  	_ =	shalt  }
0x40: {  	_ =	shalt  }
0x41: {  	_ =	shalt  }
0x42: {  	_ =	shalt  }
0x43: {  	_ =	shalt  }
0x44: {  	_ =	shalt  }
0x45: {  	_ =	shalt  }
0x46: {  	_ =	shalt  }
0x47: {  	_ =	shalt  }
0x48: {  	_ =	shalt  }
0x49: {  	_ =	shalt  }
0x4a: {  	_ =	shalt  }
0x4b: {  	_ =	shalt  }
0x4c: {  	_ =	shalt  }
0x4d: {  	_ =	shalt  }
0x4e: {  	_ =	shalt  }
0x4f: {  	_ =	shalt  }
0x50: {  	_ =	shalt  }
0x51: {  	_ =	shalt  }
0x52: {  	_ =	shalt  }
0x53: {  	_ =	shalt  }
0x54: {  	_ =	shalt  }
0x55: {  	_ =	shalt  }
0x56: {  	_ =	shalt  }
0x57: {  	_ =	shalt  }
0x58: {  	_ =	shalt  }
0x59: {  	_ =	shalt  }
0x5a: {  	_ =	shalt  }
0x5b: {  	_ =	shalt  }
0x5c: {  	_ =	shalt  }
0x5d: {  	_ =	shalt  }
0x5e: {  	_ =	shalt  }
0x5f: {  	_ =	shalt  }
0x60: {  	_ =	shalt  }
0x61: {  	_ =	shalt  }
0x62: {  	_ =	shalt  }
0x63: {  	_ =	shalt  }
0x64: {  	_ =	shalt  }
0x65: {  	_ =	shalt  }
0x66: {  	_ =	shalt  }
0x67: {  	_ =	shalt  }
0x68: {  	_ =	shalt  }
0x69: {  	_ =	shalt  }
0x6a: {  	_ =	shalt  }
0x6b: {  	_ =	shalt  }
0x6c: {  	_ =	shalt  }
0x6d: {  	_ =	shalt  }
0x6e: {  	_ =	shalt  }
0x6f: {  	_ =	shalt  }
0x70: {  	_ =	shalt  }
0x71: {  	_ =	shalt  }
0x72: {  	_ =	shalt  }
0x73: {  	_ =	shalt  }
0x74: {  	_ =	shalt  }
0x75: {  	_ =	shalt  }
0x76: {  	_ =	shalt  }
0x77: {  	_ =	shalt  }
0x78: {  	_ =	shalt  }
0x79: {  	_ =	shalt  }
0x7a: {  	_ =	shalt  }
0x7b: {  	_ =	shalt  }
0x7c: {  	_ =	shalt  }
0x7d: {  	_ =	shalt  }
0x7e: {  	_ =	shalt  }
0x7f: {  	_ =	shalt  }
0x80: {  	_ =	shalt  }
0x81: {  	_ =	shalt  }
0x82: {  	_ =	shalt  }
0x83: {  	_ =	shalt  }
0x84: {  	_ =	shalt  }
0x85: {  	_ =	shalt  }
0x86: {  	_ =	shalt  }
0x87: {  	_ =	shalt  }
.Lfunc_end0:
.L_simem_size_0:
called_computation.2_lowered:
.L_overlay_start_0:
0x88: {  	s2 =	sld [smem:$0x3FD9]  }
0x89: {  	s3 =	sld [smem:$0x3FFE];
	_ =	sdelay $0x1  }
0x8a: {  	s1 =	srdreg.scid  }
0x8b: {  	s0 =	sand.u32 $0x1, s1  }
0x8c: {  	s14 =	sshll.u32 s0, $0xA;
	s2 =	sadd.s32 s3, s2  }
0x8d: {  	s2 =	sadd.s32 s2, s14  }
0x8e: {  	[smem:$0x3FC2] =	sst s2  }
0x8f: {  	_ = 	snop  }
0x90: {  	s2 =	sld [smem:$0x3FD0];
	_ =	sdelay $0x2  }
0x91: {  	s15 =	simm.s32 $0xA;
	s4 =	simm.s32 $0x10  }
0x92: {  	[smem:s4], [sflag:s15] =	dma.local [hbm:s2], $0x1  }
0x93: {  	_ =	swait.eq [sflag:s15], $0x1  }
0x94: {  	[sflag:s15] =	ssyncset.done $0x0  }
0x95: {  	s16 =	sld [smem:$0x10];
	[sflag:s15] =	ssyncadd.s32 $0xFFFFFFFF  }
0x96: {  	s17 =	sld [smem:$0x11];
	(tm) =	ssettm $0x1  }
0x97: {  	s18 =	sld [smem:$0x3FFB];
	_ =	sdelay $0x3  }
0x98: {  	_ =	strace s18  }
0x99: {  	s4 =	sld [smem:$0x3FFC];
	_ =	sdelay $0x3  }
0x9a: {  	_ =	strace s4  }
0x9b: {  	s4 =	sld [smem:$0x3FFD];
	_ =	sdelay $0x3  }
0x9c: {  	_ =	strace s4  }
0x9d: {  	_ =	strace $0x8FFFFFFF  }
0x9e: {  	s19 =	sld [smem:$0x3FDB];
	_ =	sdelay $0x1  }
0x9f: {  	s5 =	simm.s32 $_scs_section_size  }
0xa0: {  	s6 =	simm.s32 $_size__tile_overlayer_lowered;
	s7 =	simm.s32 $_tile_overlayer_lowered  }
0xa1: {  	s22 =	simm.s32 $0x1BFF;
	s21 =	sshll.u32 s7, $0x1;
	s4 =	sadd.s32 s5, s19  }
0xa2: {  	s8 =	simm.s32 $0x0;
	s20 =	sshll.u32 s6, $0x1;
	s6 =	sadd.s32 s21, s4  }
0xa3: {  	[timem:s8], [sflag:s22] =	dma.local [hbm:s6], s20  }
0xa4: {  	_ =	swait.ge [sflag:s22], s20  }
0xa5: {  	s5 =	ssub.s32 $0x0, s20;
	[sflag:s22] =	ssyncset.done $0x0  }
0xa6: {  	[sflag:s22] =	ssyncadd.s32 s5;
	_ =	sdelay $0x1  }
0xa7: {  	s23 =	simm.s32 $0x1B8B  }
0xa8: {  	_ =	swait.ge [sflag:s23], $0x1  }
0xa9: {  	[sflag:s23] =	ssyncset.done $0x0  }
0xaa: {  	s25 =	simm.s32 $0x1B8E;
	s24 =	sld [smem:$0x3FFE];
	[sflag:s23] =	ssyncadd.s32 $0xFFFFFFFF  }
0xab: {  	s26 =	simm.s32 $execute0_lowered;
	[smem:$0x3FD2] =	sst s25  }
0xac: {  	s6 =	sshll.u32 s26, $0x1;
	_ =	strace $0x8000004C;
	[dreg:$0x1] =	wrdreg $0xFFFFFFFF  }
0xad: {  	s28 =	simm.s32 $_size_execute0_lowered;
	s4 =	sadd.s32 s4, s6;
	[dreg:$0x0] =	wrdreg $0x0  }
0xae: {  	s6 =	sshll.u32 s28, $0x1;
	[dreg:$0x2] =	wrdreg s4  }
0xaf: {  	[dreg:$0x3] =	wrdreg s6  }
0xb0: {  	[dreg:$0x4] =	wrdreg $0xC0  }
0xb1: {  	_ =	task [dreg:s8], $0x5FFFF  }
0xb2: {  	[dreg:$0x1] =	wrdreg $0xFFFFFFFF  }
0xb3: {  	[dreg:$0x0] =	wrdreg $0x60  }
0xb4: {  	[dreg:$0x2] =	wrdreg s24  }
0xb5: {  	[dreg:$0x3] =	wrdreg s16  }
0xb6: {  	[dreg:$0x4] =	wrdreg s17  }
0xb7: {  	[dreg:$0x5] =	wrdreg $0x84000  }
0xb8: {  	[dreg:$0x6] =	wrdreg $0x9  }
0xb9: {  	_ =	task.clear_ibuf [dreg:s8], $0x7FFFF;
	_ =	strace $0x9000004C  }
0xba: {  	s29 =	simm.s32 $0x9;
	_ =	strace $0x8000004E  }
0xbb: {  	_ =	swait.ge [sflag:s29], $0x1  }
0xbc: {  	[sflag:s29] =	ssyncadd.s32 $0xFFFFFFFF  }
0xbd: {  	_ =	strace $0x9000004E  }
0xbe: {  	_ =	sfence  }
0xbf: {  	s30 =	sld [smem:$0x0];
	_ =	sdelay $0x2  }
0xc0: {  	s31 =	sshll.u32 s1, $0xD;
	s1 =	sshrl.u32 s1, $0x2  }
0xc1: {  	s3 =	sand.u32 $0x4000, s31;
	s1 =	sadd.s32 s1, s30  }
0xc2: {  	s0 =	sor.u32 s3, s0;
	s1 =	sshll.u32 s1, $0x11  }
0xc3: {  	s0 =	sor.u32 s1, s0  }
0xc4: {  	s0 =	sadd.s32 $0x8F2B, s0  }
0xc5: {  	[sflag:s0] =	ssyncadd.remote.s32 $0x1  }
0xc6: {  	_ =	sfence.sel $0xFFFF  }
0xc7: {  	[dreg:$0x0] =	wrdreg $0xFFFFFFFF;
	(pc) =	sbr.abs _section_cstart, $3  }
0xc8: {  	[dreg:$0x1] =	wrdreg $0xFFFFFFFF  }
0xc9: {  	_ =	task.clear_ibuf [dreg:s8], $0x2FFFF;
	_ =	strace $0x9FFFFFFF  }
0xca: {  	(tm) =	ssettm $0x7FFFFFFF  }
0xcb: {  	_ =	shalt  }
tec
execute0_lowered:
.L_overlay_start_1:
0x0: {  	(tag) =	ssettag $0x1  }
0x1: {  	s0 =	rddreg [dreg:$0x0]  }
0x2: {  	s1 =	rddreg [dreg:$0x1]  }
0x3: {  	s2 =	rddreg [dreg:$0x2]  }
0x4: {  	s3 =	rddreg [dreg:$0x3];
	s4 =	simm.s32 $0x0  }
0x5: {  	s5 =	srdreg.scid;
	s11 =	stileid.u32;
	s13 =	simm.s32 $0x3800  }
0x6: {  	s28 =	simm.s32 $0x80;
	s29 =	simm.s32 $0x1;
	s30 =	simm.s32 $0x4400  }
0x7: {  	s31 =	simm.s32 $0x2;
	[smem:$0x7FF] =	sst s4;
	s6 =	sadd.s32 $0x3800, s0  }
0x8: {  	s5 =	sand.u32 $0x1, s5;
	s7 =	sadd.s32 $0x52800, s0;
	s8 =	smul.u32 $0x4F000, s11  }
0x9: {  	s10 =	sshll.u32 s11, $0x1;
	s14 =	smul.u32 $0x13C00, s11;
	s0 =	sadd.s32 $0x53000, s0  }
0xa: {  	_ =	strace $0x8000004D;
	[dreg:$0x6] =	wrdreg s7;
	s23 =	ssub.s32 $0x2, s5  }
0xb: {  	s15 =	sor.u32 s5, s10;
	s20 =	smul.u32 $0x13C000, s5;
	p0 =	seq.s32 s5, $0x0  }
0xc: {  	s9 =	sshrl.u32 s23, $0x1;
	s8 =	sshrl.u32 s8, $0x2;
	s16 =	sadd.s32 $0x4000, s14  }
0xd: {  	s17 =	sadd.s32 $0x8000, s14;
	s18 =	sadd.s32 $0xC000, s14;
	s19 =	sadd.s32 $0x10000, s14  }
0xe: {  	s25 =	smul.u32 $0x3800, s15;
	s13 =	simm.s32 @!p0 $0x1800;
	s15 =	simm.s32 $0x0  }
0xf: {  	s7 =	ssub.s32 s23, s9;
	s9 =	sadd.s32 s8, s3;
	s10 =	sadd.s32 s16, s3  }
0x10: {  	s11 =	sadd.s32 s17, s3;
	s12 =	sadd.s32 s18, s3;
	s24 =	sadd.s32 s19, s3  }
0x11: {  	s14 =	sadd.s32 s14, s20;
	s26 =	sadd.s32 s20, s16;
	s21 =	sadd.s32 s20, s17  }
0x12: {  	s22 =	sadd.s32 s20, s18;
	s23 =	sadd.s32 s20, s19;
	s20 =	simm.s32 $0x400  }
0x13: {  	s14 =	sshrl.u32 s14, $0x3;
	[dreg:$0x5] =	wrdreg s25;
	s16 =	sshrl.u32 s26, $0x3  }
0x14: {  	s17 =	smov.u32 s24;
	s25 =	sshrl.u32 s23, $0x3;
	s26 =	smax.u32 s7, $0x1  }
0x15: {  	s23 =	simm.s32 $0x100;
	s7 =	simm.s32 $0x280;
	[dreg:$0xd] =	wrdreg s26  }
0x16: {  	s14 =	sadd.s32 s0, s14;
	s5 =	sadd.s32 s0, s16;
	[dreg:$0x7] =	wrdreg s17  }
0x17: {  	s26 =	simm.s32 $0x3;
	[dreg:$0x9] =	wrdreg s5;
	s5 =	sshrl.u32 s21, $0x3  }
0x18: {  	[dreg:$0x8] =	wrdreg s14;
	s14 =	sshrl.u32 s22, $0x3;
	s5 =	sadd.s32 s0, s5  }
0x19: {  	s21 =	simm.s32 $0x5;
	s24 =	sadd.s32 s0, s14;
	[dreg:$0xa] =	wrdreg s5  }
0x1a: {  	s22 =	simm.s32 $0x6;
	s0 =	sadd.s32 s0, s25;
	[dreg:$0xb] =	wrdreg s24  }
0x1b: {  	s25 =	simm.s32 $0x300;
	s14 =	simm.s32 $0x380;
	[dreg:$0xc] =	wrdreg s0  }
0x1c: {  	s24 =	simm.s32 $0x200;
	s0 =	simm.s32 $0x4;
	s5 =	simm.s32 $0x180  }
.LBB2_1:
0x1d: {  	s8 =	rddreg [dreg:$0x6]  }
0x1e: {  	[tilespmem:s20], [sflag:$0x5] =	stream.linear.gather [hbm4b:s8+s4], $0x4000, $0x38;
	[tilespmem:$0x1C000] =	vst v63  }
0x1f: {  	_ =	swait.ge [sflag:s21], $0x4000  }
0x20: {  	[sflag:s21] =	ssyncset.done $0x0  }
0x21: {  	[sflag:s21] =	ssyncadd.s32 $0xFFFFC000  }
0x22: {  	[spmem:s9] =	stream.linear.scatter [tilespmem:s20], [sflag:$0x6], $0x4000, $0x38;
	[tilespmem:$0x1C000] =	vst v63  }
0x23: {  	_ =	swait.ge [sflag:s22], $0x4000  }
0x24: {  	[sflag:s22] =	ssyncset.done $0x0  }
0x25: {  	[sflag:s22] =	ssyncadd.s32 $0xFFFFC000  }
0x26: {  	[spmem:s10] =	stream.linear.scatter [tilespmem:s20], [sflag:$0x6], $0x4000, $0x38;
	[tilespmem:$0x1C000] =	vst v63  }
0x27: {  	_ =	swait.ge [sflag:s22], $0x4000  }
0x28: {  	[sflag:s22] =	ssyncset.done $0x0  }
0x29: {  	[sflag:s22] =	ssyncadd.s32 $0xFFFFC000  }
0x2a: {  	[spmem:s11] =	stream.linear.scatter [tilespmem:s20], [sflag:$0x6], $0x4000, $0x38;
	[tilespmem:$0x1C000] =	vst v63  }
0x2b: {  	_ =	swait.ge [sflag:s22], $0x4000  }
0x2c: {  	[sflag:s22] =	ssyncset.done $0x0  }
0x2d: {  	[sflag:s22] =	ssyncadd.s32 $0xFFFFC000  }
0x2e: {  	[spmem:s12] =	stream.linear.scatter [tilespmem:s20], [sflag:$0x6], $0x4000, $0x38;
	[tilespmem:$0x1C000] =	vst v63  }
0x2f: {  	_ =	swait.ge [sflag:s22], $0x4000  }
0x30: {  	[sflag:s22] =	ssyncset.done $0x0  }
0x31: {  	p1 =	sne.s32 s13, $0x200;
	[sflag:s22] =	ssyncadd.s32 $0xFFFFC000  }
0x32: {  	[spmem:s17] =	stream.linear.scatter [tilespmem:s20], [sflag:$0x6], $0x3C00, $0x38;
	[tilespmem:$0x1C000] =	vst v63  }
.Ltmp0:
0x33: {  	_ =	swait.ge [sflag:s22], $0x3C00;
	(pc) =	sbr.rel @!p1 .LBB2_2-.Ltmp0, $4  }
0x34: {  	[sflag:s22] =	ssyncset.done $0x0  }
0x35: {  	[sflag:s22] =	ssyncadd.s32 $0xFFFFC400  }
0x36: {  	[bflag:$0x0] =	sbarrier.arrive $0xFFFF  }
0x37: {  	s16 =	simm.s32 $0x200;
	p0 =	por $0x0, $0x0;
	s18 =	rddreg [dreg:$0x5]  }
0x38: {  	s17 =	sand.u32 $0xFFFFFC00, s4  }
0x39: {  	s19 =	sand.u32 $0x200, s4;
	s17 =	sadd.s32 s18, s17  }
0x3a: {  	s17 =	sor.u32 s19, s17  }
0x3b: {  	s17 =	sshrl.u32 s17, $0x3  }
0x3c: {  	s8 =	sadd.s32 s1, s17  }
0x3d: {  	[tilespmem:s4], [sflag:$0x3] =	stream.linear.gather [hbm4b:s8+s4], $0x100, $0x38;
	[tilespmem:$0x1C000] =	vst v63  }
0x3e: {  	s19 =	sor.u32 $0x20, s17;
	s17 =	sadd.s32 s2, s17  }
0x3f: {  	[tilespmem:s23], [sflag:$0x3] =	stream.linear.gather [hbm4b:s17+s4], $0x100, $0x38;
	[tilespmem:$0x1C000] =	vst v63  }
0x40: {  	s8 =	sadd.s32 s1, s19  }
0x41: {  	[tilespmem:s24], [sflag:$0x4] =	stream.linear.gather [hbm4b:s8+s4], $0x100, $0x38;
	[tilespmem:$0x1C000] =	vst v63  }
0x42: {  	s19 =	sadd.s32 s2, s19  }
0x43: {  	[tilespmem:s25], [sflag:$0x4] =	stream.linear.gather [hbm4b:s19+s4], $0x100, $0x38;
	[tilespmem:$0x1C000] =	vst v63  }
0x44: {  	_ =	swait.ge [sflag:s26], $0x100  }
0x45: {  	[sflag:s26] =	ssyncset.done $0x0  }
0x46: {  	[sflag:s26] =	ssyncadd.s32 $0xFFFFFF00  }
0x47: {  	_ =	swait.ge [sflag:s26], $0x100  }
0x48: {  	[sflag:s26] =	ssyncset.done $0x0  }
0x49: {  	[sflag:s26] =	ssyncadd.s32 $0xFFFFFF00  }
0x4a: {  	[tilespmem:s20], [sflag:$0x1] =	stream.indirect.gather [hbm4b:s6+s28], $0x80, s4, s28, $0xb8;
	[tilespmem:$0x1C000] =	vst v63  }
0x4b: {  	_ =	swait.ge [sflag:s29], $0x4000  }
0x4c: {  	[sflag:s29] =	ssyncset.done $0x0  }
0x4d: {  	[sflag:s29] =	ssyncadd.s32 $0xFFFFC000  }
0x4e: {  	[tilespmem:s30], [sflag:$0x2] =	stream.indirect.gather [hbm4b:s6+s28], $0x80, s28, s28, $0xb8;
	[tilespmem:$0x1C000] =	vst v63  }
0x4f: {  	_ = 	snop  }
0x50: {  	[spmem:s3] =	stream.indirect.scatter.add.f32 [tilespmem:s20], [sflag:$0x6], $0x80, s23, s28, $0xb8;
	[tilespmem:$0x1C000] =	vst v63  }
0x51: {  	_ =	swait.ge [sflag:s22], $0x4000  }
0x52: {  	[sflag:s22] =	ssyncset.done $0x0  }
0x53: {  	[sflag:s22] =	ssyncadd.s32 $0xFFFFC000  }
0x54: {  	_ =	swait.ge [sflag:s31], $0x4000  }
0x55: {  	[sflag:s31] =	ssyncset.done $0x0  }
0x56: {  	[sflag:s31] =	ssyncadd.s32 $0xFFFFC000  }
0x57: {  	_ =	swait.ge [sflag:s0], $0x100  }
0x58: {  	[sflag:s0] =	ssyncset.done $0x0  }
0x59: {  	[sflag:s0] =	ssyncadd.s32 $0xFFFFFF00  }
0x5a: {  	_ =	swait.ge [sflag:s0], $0x100  }
0x5b: {  	[sflag:s0] =	ssyncset.done $0x0  }
0x5c: {  	[sflag:s0] =	ssyncadd.s32 $0xFFFFFF00  }
0x5d: {  	[tilespmem:s20], [sflag:$0x1] =	stream.indirect.gather [hbm4b:s6+s28], $0x80, s24, s28, $0xb8;
	[tilespmem:$0x1C000] =	vst v63  }
0x5e: {  	_ = 	snop  }
0x5f: {  	[spmem:s3] =	stream.indirect.scatter.add.f32 [tilespmem:s30], [sflag:$0x6], $0x80, s5, s28, $0xb8;
	[tilespmem:$0x1C000] =	vst v63  }
0x60: {  	_ =	swait.ge [sflag:s22], $0x4000  }
0x61: {  	[sflag:s22] =	ssyncset.done $0x0  }
0x62: {  	[sflag:s22] =	ssyncadd.s32 $0xFFFFC000  }
0x63: {  	_ =	swait.ge [sflag:s29], $0x4000  }
0x64: {  	[sflag:s29] =	ssyncset.done $0x0  }
0x65: {  	[sflag:s29] =	ssyncadd.s32 $0xFFFFC000  }
0x66: {  	[tilespmem:s30], [sflag:$0x2] =	stream.indirect.gather [hbm4b:s6+s28], $0x80, s7, s28, $0xb8;
	[tilespmem:$0x1C000] =	vst v63  }
0x67: {  	_ = 	snop  }
0x68: {  	[spmem:s3] =	stream.indirect.scatter.add.f32 [tilespmem:s20], [sflag:$0x6], $0x80, s25, s28, $0xb8;
	[tilespmem:$0x1C000] =	vst v63  }
0x69: {  	_ =	swait.ge [sflag:s22], $0x4000  }
0x6a: {  	[sflag:s22] =	ssyncset.done $0x0  }
0x6b: {  	[sflag:s22] =	ssyncadd.s32 $0xFFFFC000  }
0x6c: {  	p1 =	sne.s32 s13, $0x400;
	_ =	swait.ge [sflag:s31], $0x4000  }
.Ltmp1:
0x6d: {  	[sflag:s31] =	ssyncset.done $0x0;
	(pc) =	sbr.rel @!p1 .LBB2_4-.Ltmp1, $4  }
0x6e: {  	[sflag:s31] =	ssyncadd.s32 $0xFFFFC000  }
0x6f: {  	[spmem:s3] =	stream.indirect.scatter.add.f32 [tilespmem:s30], [sflag:$0x6], $0x80, s14, s28, $0xb8;
	[tilespmem:$0x1C000] =	vst v63  }
0x70: {  	p0 =	por $0x1, $0x1;
	_ =	swait.ge [sflag:s22], $0x4000  }
0x71: {  	s17 =	simm.s32 $0x400;
	s18 =	rddreg [dreg:$0x5];
	[sflag:s22] =	ssyncset.done $0x0  }
.LBB2_5:
0x72: {  	s8 =	sand.u32 $0xFFFFFC00, s16  }
0x73: {  	s8 =	sadd.s32 s18, s8;
	s18 =	sand.u32 $0x200, s16  }
0x74: {  	s8 =	sor.u32 s18, s8  }
0x75: {  	s8 =	sshrl.u32 s8, $0x3  }
0x76: {  	[sflag:s22] =	ssyncadd.s32 $0xFFFFC000;
	s19 =	smov.u32 s17;
	s18 =	sadd.s32 s1, s8  }
0x77: {  	[tilespmem:s4], [sflag:$0x3] =	stream.linear.gather [hbm4b:s18+s4], $0x100, $0x38;
	[tilespmem:$0x1C000] =	vst v63  }
0x78: {  	s16 =	smov.u32 s19;
	s19 =	sor.u32 $0x20, s8;
	s8 =	sadd.s32 s2, s8  }
0x79: {  	[tilespmem:s23], [sflag:$0x3] =	stream.linear.gather [hbm4b:s8+s4], $0x100, $0x38;
	[tilespmem:$0x1C000] =	vst v63  }
0x7a: {  	s18 =	sadd.s32 s1, s19  }
0x7b: {  	[tilespmem:s24], [sflag:$0x4] =	stream.linear.gather [hbm4b:s18+s4], $0x100, $0x38;
	[tilespmem:$0x1C000] =	vst v63  }
0x7c: {  	s19 =	sadd.s32 s2, s19  }
0x7d: {  	[tilespmem:s25], [sflag:$0x4] =	stream.linear.gather [hbm4b:s19+s4], $0x100, $0x38;
	[tilespmem:$0x1C000] =	vst v63  }
0x7e: {  	_ =	swait.ge [sflag:s26], $0x100  }
0x7f: {  	[sflag:s26] =	ssyncset.done $0x0  }
0x80: {  	[sflag:s26] =	ssyncadd.s32 $0xFFFFFF00  }
0x81: {  	_ =	swait.ge [sflag:s26], $0x100  }
0x82: {  	[sflag:s26] =	ssyncset.done $0x0  }
0x83: {  	[sflag:s26] =	ssyncadd.s32 $0xFFFFFF00  }
0x84: {  	[tilespmem:s20], [sflag:$0x1] =	stream.indirect.gather [hbm4b:s6+s28], $0x80, s4, s28, $0xb8;
	[tilespmem:$0x1C000] =	vst v63  }
0x85: {  	_ =	swait.ge [sflag:s29], $0x4000  }
0x86: {  	[sflag:s29] =	ssyncset.done $0x0  }
0x87: {  	[sflag:s29] =	ssyncadd.s32 $0xFFFFC000  }
0x88: {  	[tilespmem:s30], [sflag:$0x2] =	stream.indirect.gather [hbm4b:s6+s28], $0x80, s28, s28, $0xb8;
	[tilespmem:$0x1C000] =	vst v63  }
0x89: {  	_ = 	snop  }
0x8a: {  	[spmem:s3] =	stream.indirect.scatter.add.f32 [tilespmem:s20], [sflag:$0x6], $0x80, s23, s28, $0xb8;
	[tilespmem:$0x1C000] =	vst v63  }
0x8b: {  	_ =	swait.ge [sflag:s22], $0x4000  }
0x8c: {  	[sflag:s22] =	ssyncset.done $0x0  }
0x8d: {  	[sflag:s22] =	ssyncadd.s32 $0xFFFFC000  }
0x8e: {  	_ =	swait.ge [sflag:s31], $0x4000  }
0x8f: {  	[sflag:s31] =	ssyncset.done $0x0  }
0x90: {  	[sflag:s31] =	ssyncadd.s32 $0xFFFFC000  }
0x91: {  	_ =	swait.ge [sflag:s0], $0x100  }
0x92: {  	[sflag:s0] =	ssyncset.done $0x0  }
0x93: {  	[sflag:s0] =	ssyncadd.s32 $0xFFFFFF00  }
0x94: {  	_ =	swait.ge [sflag:s0], $0x100  }
0x95: {  	[sflag:s0] =	ssyncset.done $0x0  }
0x96: {  	[sflag:s0] =	ssyncadd.s32 $0xFFFFFF00  }
0x97: {  	[tilespmem:s20], [sflag:$0x1] =	stream.indirect.gather [hbm4b:s6+s28], $0x80, s24, s28, $0xb8;
	[tilespmem:$0x1C000] =	vst v63  }
0x98: {  	_ = 	snop  }
0x99: {  	[spmem:s3] =	stream.indirect.scatter.add.f32 [tilespmem:s30], [sflag:$0x6], $0x80, s5, s28, $0xb8;
	[tilespmem:$0x1C000] =	vst v63  }
0x9a: {  	_ =	swait.ge [sflag:s22], $0x4000  }
0x9b: {  	[sflag:s22] =	ssyncset.done $0x0  }
0x9c: {  	[sflag:s22] =	ssyncadd.s32 $0xFFFFC000  }
0x9d: {  	_ =	swait.ge [sflag:s29], $0x4000  }
0x9e: {  	[sflag:s29] =	ssyncset.done $0x0  }
0x9f: {  	[sflag:s29] =	ssyncadd.s32 $0xFFFFC000  }
0xa0: {  	[tilespmem:s30], [sflag:$0x2] =	stream.indirect.gather [hbm4b:s6+s28], $0x80, s7, s28, $0xb8;
	[tilespmem:$0x1C000] =	vst v63  }
0xa1: {  	_ = 	snop  }
0xa2: {  	[spmem:s3] =	stream.indirect.scatter.add.f32 [tilespmem:s20], [sflag:$0x6], $0x80, s25, s28, $0xb8;
	[tilespmem:$0x1C000] =	vst v63  }
0xa3: {  	_ =	swait.ge [sflag:s22], $0x4000  }
0xa4: {  	[sflag:s22] =	ssyncset.done $0x0  }
0xa5: {  	s17 =	sadd.s32 $0x200, s17;
	[sflag:s22] =	ssyncadd.s32 $0xFFFFC000  }
0xa6: {  	p1 =	sne.s32 s13, s17;
	_ =	swait.ge [sflag:s31], $0x4000  }
.Ltmp2:
0xa7: {  	[sflag:s31] =	ssyncset.done $0x0;
	(pc) =	sbr.rel @p1 .LBB2_5-.Ltmp2, $4  }
0xa8: {  	[sflag:s31] =	ssyncadd.s32 $0xFFFFC000  }
0xa9: {  	[spmem:s3] =	stream.indirect.scatter.add.f32 [tilespmem:s30], [sflag:$0x6], $0x80, s14, s28, $0xb8;
	[tilespmem:$0x1C000] =	vst v63  }
0xaa: {  	_ =	swait.ge [sflag:s22], $0x4000  }
0xab: {  	s18 =	rddreg [dreg:$0x5];
	[sflag:s22] =	ssyncset.done $0x0  }
0xac: {  	s17 =	rddreg [dreg:$0x7]  }
.LBB2_7:
0xad: {  	s8 =	sand.u32 $0xFFFFFC00, s16  }
0xae: {  	s19 =	sand.u32 $0x200, s16;
	s8 =	sadd.s32 s18, s8  }
0xaf: {  	s8 =	sor.u32 s19, s8  }
0xb0: {  	s8 =	sshrl.u32 s8, $0x3  }
0xb1: {  	[sflag:s22] =	ssyncadd.s32 @p0 $0xFFFFC000;
	s18 =	sadd.s32 s1, s8  }
0xb2: {  	[tilespmem:s4], [sflag:$0x3] =	stream.linear.gather [hbm4b:s18+s4], $0x100, $0x38;
	[tilespmem:$0x1C000] =	vst v63  }
0xb3: {  	s19 =	sor.u32 $0x20, s8;
	s8 =	sadd.s32 s2, s8  }
0xb4: {  	[tilespmem:s23], [sflag:$0x3] =	stream.linear.gather [hbm4b:s8+s4], $0x100, $0x38;
	[tilespmem:$0x1C000] =	vst v63  }
0xb5: {  	s18 =	sadd.s32 s1, s19  }
0xb6: {  	[tilespmem:s24], [sflag:$0x4] =	stream.linear.gather [hbm4b:s18+s4], $0x100, $0x38;
	[tilespmem:$0x1C000] =	vst v63  }
0xb7: {  	s19 =	sadd.s32 s2, s19  }
0xb8: {  	[tilespmem:s25], [sflag:$0x4] =	stream.linear.gather [hbm4b:s19+s4], $0x100, $0x38;
	[tilespmem:$0x1C000] =	vst v63  }
0xb9: {  	_ =	swait.ge [sflag:s26], $0x100  }
0xba: {  	[sflag:s26] =	ssyncset.done $0x0  }
0xbb: {  	[sflag:s26] =	ssyncadd.s32 $0xFFFFFF00  }
0xbc: {  	_ =	swait.ge [sflag:s26], $0x100  }
0xbd: {  	[sflag:s26] =	ssyncset.done $0x0  }
0xbe: {  	[sflag:s26] =	ssyncadd.s32 $0xFFFFFF00  }
0xbf: {  	[tilespmem:s20], [sflag:$0x1] =	stream.indirect.gather [hbm4b:s6+s28], $0x80, s4, s28, $0xb8;
	[tilespmem:$0x1C000] =	vst v63  }
0xc0: {  	_ =	swait.ge [sflag:s29], $0x4000  }
0xc1: {  	[sflag:s29] =	ssyncset.done $0x0  }
0xc2: {  	[sflag:s29] =	ssyncadd.s32 $0xFFFFC000  }
0xc3: {  	[tilespmem:s30], [sflag:$0x2] =	stream.indirect.gather [hbm4b:s6+s28], $0x80, s28, s28, $0xb8;
	[tilespmem:$0x1C000] =	vst v63  }
0xc4: {  	_ = 	snop  }
0xc5: {  	[spmem:s3] =	stream.indirect.scatter.add.f32 [tilespmem:s20], [sflag:$0x6], $0x80, s23, s28, $0xb8;
	[tilespmem:$0x1C000] =	vst v63  }
0xc6: {  	_ =	swait.ge [sflag:s22], $0x4000  }
0xc7: {  	[sflag:s22] =	ssyncset.done $0x0  }
0xc8: {  	[sflag:s22] =	ssyncadd.s32 $0xFFFFC000  }
0xc9: {  	_ =	swait.ge [sflag:s31], $0x4000  }
0xca: {  	[sflag:s31] =	ssyncset.done $0x0  }
0xcb: {  	[sflag:s31] =	ssyncadd.s32 $0xFFFFC000  }
0xcc: {  	_ =	swait.ge [sflag:s0], $0x100  }
0xcd: {  	[sflag:s0] =	ssyncset.done $0x0  }
0xce: {  	[sflag:s0] =	ssyncadd.s32 $0xFFFFFF00  }
0xcf: {  	_ =	swait.ge [sflag:s0], $0x100  }
0xd0: {  	[sflag:s0] =	ssyncset.done $0x0  }
0xd1: {  	[sflag:s0] =	ssyncadd.s32 $0xFFFFFF00  }
0xd2: {  	[tilespmem:s20], [sflag:$0x1] =	stream.indirect.gather [hbm4b:s6+s28], $0x80, s24, s28, $0xb8;
	[tilespmem:$0x1C000] =	vst v63  }
0xd3: {  	_ = 	snop  }
0xd4: {  	[spmem:s3] =	stream.indirect.scatter.add.f32 [tilespmem:s30], [sflag:$0x6], $0x80, s5, s28, $0xb8;
	[tilespmem:$0x1C000] =	vst v63  }
0xd5: {  	_ =	swait.ge [sflag:s22], $0x4000  }
0xd6: {  	[sflag:s22] =	ssyncset.done $0x0  }
0xd7: {  	[sflag:s22] =	ssyncadd.s32 $0xFFFFC000  }
0xd8: {  	_ =	swait.ge [sflag:s29], $0x4000  }
0xd9: {  	[sflag:s29] =	ssyncset.done $0x0  }
0xda: {  	[sflag:s29] =	ssyncadd.s32 $0xFFFFC000  }
0xdb: {  	[tilespmem:s30], [sflag:$0x2] =	stream.indirect.gather [hbm4b:s6+s28], $0x80, s7, s28, $0xb8;
	[tilespmem:$0x1C000] =	vst v63  }
0xdc: {  	_ = 	snop  }
0xdd: {  	[spmem:s3] =	stream.indirect.scatter.add.f32 [tilespmem:s20], [sflag:$0x6], $0x80, s25, s28, $0xb8;
	[tilespmem:$0x1C000] =	vst v63  }
0xde: {  	_ =	swait.ge [sflag:s22], $0x4000  }
0xdf: {  	[sflag:s22] =	ssyncset.done $0x0  }
0xe0: {  	[sflag:s22] =	ssyncadd.s32 $0xFFFFC000  }
0xe1: {  	_ =	swait.ge [sflag:s31], $0x4000  }
0xe2: {  	[sflag:s31] =	ssyncset.done $0x0  }
0xe3: {  	[sflag:s31] =	ssyncadd.s32 $0xFFFFC000  }
0xe4: {  	[spmem:s3] =	stream.indirect.scatter.add.f32 [tilespmem:s30], [sflag:$0x6], $0x80, s14, s28, $0xb8;
	[tilespmem:$0x1C000] =	vst v63  }
0xe5: {  	_ =	swait.ge [sflag:s22], $0x4000  }
0xe6: {  	[sflag:s22] =	ssyncset.done $0x0  }
0xe7: {  	[sflag:s22] =	ssyncadd.s32 $0xFFFFC000  }
0xe8: {  	[bflag:$0x0] =	sbarrier.arrive $0xFFFF  }
0xe9: {  	[tilespmem:s20], [sflag:$0x5] =	stream.linear.gather [spmem:s9], $0x4000, $0x38;
	[tilespmem:$0x1C000] =	vst v63  }
0xea: {  	_ =	swait.ge [sflag:s21], $0x4000  }
0xeb: {  	[sflag:s21] =	ssyncset.done $0x0  }
0xec: {  	s16 =	rddreg [dreg:$0x8];
	[sflag:s21] =	ssyncadd.s32 $0xFFFFC000  }
0xed: {  	[hbm4b:s16+s4] =	stream.linear.scatter [tilespmem:s20], [sflag:$0x1], $0x4000, $0x38;
	[tilespmem:$0x1C000] =	vst v63  }
0xee: {  	_ = 	snop  }
0xef: {  	[tilespmem:s30], [sflag:$0x5] =	stream.linear.gather [spmem:s10], $0x4000, $0x38;
	[tilespmem:$0x1C000] =	vst v63  }
0xf0: {  	_ =	swait.ge [sflag:s21], $0x4000  }
0xf1: {  	[sflag:s21] =	ssyncset.done $0x0  }
0xf2: {  	s18 =	rddreg [dreg:$0x9];
	[sflag:s21] =	ssyncadd.s32 $0xFFFFC000  }
0xf3: {  	[hbm4b:s18+s4] =	stream.linear.scatter [tilespmem:s30], [sflag:$0x2], $0x4000, $0x38;
	[tilespmem:$0x1C000] =	vst v63  }
0xf4: {  	_ =	swait.ge [sflag:s29], $0x4000  }
0xf5: {  	[sflag:s29] =	ssyncset.done $0x0  }
0xf6: {  	[sflag:s29] =	ssyncadd.s32 $0xFFFFC000  }
0xf7: {  	[tilespmem:s20], [sflag:$0x5] =	stream.linear.gather [spmem:s11], $0x4000, $0x38;
	[tilespmem:$0x1C000] =	vst v63  }
0xf8: {  	_ =	swait.ge [sflag:s21], $0x4000  }
0xf9: {  	[sflag:s21] =	ssyncset.done $0x0  }
0xfa: {  	s19 =	rddreg [dreg:$0xa];
	[sflag:s21] =	ssyncadd.s32 $0xFFFFC000  }
0xfb: {  	[hbm4b:s19+s4] =	stream.linear.scatter [tilespmem:s20], [sflag:$0x1], $0x4000, $0x38;
	[tilespmem:$0x1C000] =	vst v63  }
0xfc: {  	_ =	swait.ge [sflag:s31], $0x4000  }
0xfd: {  	[sflag:s31] =	ssyncset.done $0x0  }
0xfe: {  	[sflag:s31] =	ssyncadd.s32 $0xFFFFC000  }
0xff: {  	[tilespmem:s30], [sflag:$0x5] =	stream.linear.gather [spmem:s12], $0x4000, $0x38;
	[tilespmem:$0x1C000] =	vst v63  }
0x100: {  	_ =	swait.ge [sflag:s21], $0x4000  }
0x101: {  	[sflag:s21] =	ssyncset.done $0x0  }
0x102: {  	s16 =	rddreg [dreg:$0xb];
	[sflag:s21] =	ssyncadd.s32 $0xFFFFC000  }
0x103: {  	[hbm4b:s16+s4] =	stream.linear.scatter [tilespmem:s30], [sflag:$0x2], $0x4000, $0x38;
	[tilespmem:$0x1C000] =	vst v63  }
0x104: {  	_ =	swait.ge [sflag:s29], $0x4000  }
0x105: {  	[sflag:s29] =	ssyncset.done $0x0  }
0x106: {  	[sflag:s29] =	ssyncadd.s32 $0xFFFFC000  }
0x107: {  	[tilespmem:s20], [sflag:$0x5] =	stream.linear.gather [spmem:s17], $0x3C00, $0x38;
	[tilespmem:$0x1C000] =	vst v63  }
0x108: {  	_ =	swait.ge [sflag:s21], $0x3C00  }
0x109: {  	[sflag:s21] =	ssyncset.done $0x0  }
0x10a: {  	s18 =	rddreg [dreg:$0xc];
	[sflag:s21] =	ssyncadd.s32 $0xFFFFC400  }
0x10b: {  	[hbm4b:s18+s4] =	stream.linear.scatter [tilespmem:s20], [sflag:$0x1], $0x3C00, $0x38;
	[tilespmem:$0x1C000] =	vst v63  }
0x10c: {  	_ =	swait.ge [sflag:s29], $0x3C00  }
0x10d: {  	[sflag:s29] =	ssyncset.done $0x0  }
0x10e: {  	[sflag:s29] =	ssyncadd.s32 $0xFFFFC400  }
0x10f: {  	_ =	swait.ge [sflag:s31], $0x4000  }
0x110: {  	s15 =	sadd.s32 $0x1, s15;
	s19 =	rddreg [dreg:$0xd]  }
0x111: {  	p0 =	sne.s32 s15, s19  }
.Ltmp3:
0x112: {  	_ = 	snop;
	(pc) =	sbr.rel @p0 .LBB2_1-.Ltmp3, $4  }
.Ltmp4:
0x113: {  	_ = 	snop;
	(pc) =	sbr.rel @!p0 .LBB2_8-.Ltmp4, $4  }
0x114: {  	_ = 	snop  }
0x115: {  	[sflag:s31] =	ssyncset.done $0x0  }
0x116: {  	[sflag:s31] =	ssyncadd.s32 $0xFFFFC000  }
0x117: {  	_ = 	snop  }
.LBB2_2:
.Ltmp5:
0x118: {  	(pc) =	sbr.rel .LBB2_7-.Ltmp5, $2  }
0x119: {  	_ =	sdelay $0x2  }
0x11a: {  	s16 =	simm.s32 $0x0  }
.LBB2_4:
.Ltmp6:
0x11b: {  	(pc) =	sbr.rel .LBB2_7-.Ltmp6, $2  }
0x11c: {  	_ =	sdelay $0x2  }
0x11d: {  	s17 =	rddreg [dreg:$0x7]  }
.LBB2_8:
0x11e: {  	_ =	sfence.sel $0x180000  }
0x11f: {  	[bflag:$0x0] =	sbarrier.arrive $0xFFFF  }
0x120: {  	_ =	strace $0x9000004D  }
0x121: {  	s0 =	stileid.u32;
	[bflag:$0x2] =	sbarrier.arrive $0xFFFF  }
0x122: {  	p0 =	sne.s32 s0, $0x0;
	s0 =	rddreg [dreg:$0x4]  }
0x123: {  	s0 =	sadd.s32 @!p0 $0x100000, s0  }
0x124: {  	[sflag:s0] =	ssyncadd.tile.s32 @!p0 $0x1;
	_ =	shalt  }
.Lfunc_end2:
_tile_overlayer_lowered:
.L_overlay_start_2:
0x125: {  	(tag) =	ssettag $0x2  }
0x126: {  	s0 =	rddreg [dreg:$0x0];
	s2 =	stileid.u32  }
0x127: {  	s1 =	rddreg [dreg:$0x1];
	p0 =	sne.s32 s2, $0x0  }
0x128: {  	s3 =	rddreg [dreg:$0x2];
	[bflag:$0x3] =	sbarrier.arrive $0xFFFF;
	s2 =	simm.s32 @!p0 $0x1C06  }
0x129: {  	[timem:s3], [sflag:s2] =	dma.local @!p0 [hbm:s0], s1  }
0x12a: {  	s0 =	simm.s32 @!p0 $0x6  }
0x12b: {  	_ =	swait.ge @!p0 [sflag:s0], s1  }
0x12c: {  	s1 =	ssub.s32 @!p0 $0x0, s1;
	[sflag:s0] =	ssyncset.done @!p0 $0x0  }
0x12d: {  	[sflag:s0] =	ssyncadd.s32 @!p0 s1  }
0x12e: {  	[bflag:$0x3] =	sbarrier.arrive $0xFFFF  }
0x12f: {  	_ =	shalt  }

// kernel: kernel.8.cloned.1.call-start
scs
__scs_entry_jumppad:
0x0: {  	(pc) =	sbr.rel $0x88, $3  }
0x1: {  	(tag) =	ssettag $0x0;
	lr =	simm.s32 $0x1  }
0x2: {  	[smem:$0x3F9B] =	sst lr;
	_ =	strace $0xD0000000  }
0x3: {  	_ = 	snop  }
0x4: {  	_ = 	snop  }
0x5: {  	_ = 	snop  }
0x6: {  	_ = 	snop  }
0x7: {  	_ = 	snop  }
__scs_overlays_trampoline_lowered:
0x8: {  	[smem:$0x3FAA] =	sst s0  }
0x9: {  	[smem:$0x3FAB] =	sst s1  }
0xa: {  	[smem:$0x3FAC] =	sst s2  }
0xb: {  	[smem:$0x3FAD] =	sst s3  }
0xc: {  	[smem:$0x3FAE] =	sst s4  }
0xd: {  	[smem:$0x3FAF] =	sst s5  }
0xe: {  	[smem:$0x3FB0] =	sst s6  }
0xf: {  	[smem:$0x3FB1] =	sst s7  }
0x10: {  	[smem:$0x3FB2] =	sst s8  }
0x11: {  	[smem:$0x3FB3] =	sst s9;
	s0 =	simm.s32 @!p0 $0x0  }
0x12: {  	s1 =	sld [smem:$0x3F99];
	s0 =	simm.s32 @p0 $0x1  }
0x13: {  	[smem:$0x3FB4] =	sst s0;
	s0 =	simm.s32 @!p1 $0x0  }
0x14: {  	s2 =	sld [smem:$0x3F98];
	s0 =	simm.s32 @p1 $0x1  }
0x15: {  	[smem:$0x3FB5] =	sst s0;
	s0 =	simm.s32 @!p2 $0x0  }
0x16: {  	s3 =	sld [smem:$0x3FDB];
	s0 =	simm.s32 @p2 $0x1  }
0x17: {  	s4 =	simm.s32 $0x1BF5;
	[smem:$0x3FB7] =	sst s0  }
0x18: {  	s0 =	sld [smem:$0x3F9A];
	_ =	swait.ge [sflag:s4], $0x0  }
0x19: {  	s7 =	sld [smem:$0x3F9B]  }
0x1a: {  	s8 =	sadd.s32 $0xFFFFE003, lr  }
0x1b: {  	s9 =	sadd.s32 $0xFFFFFEF7, lr;
	s5 =	simm.s32 $0xFFFFFFFF;
	p2 =	slt.u32 s8, $0xFFFFF086  }
0x1c: {  	p1 =	slt.u32 s9, $0xF7A;
	s5 =	simm.s32 @!p2 $0x0  }
0x1d: {  	s5 =	simm.s32 @p1 $0x1;
	p0 =	seq.s32 s7, s2  }
0x1e: {  	s7 =	smul.u32 @!p0 $0xF7A, s2;
	p2 =	seq.s32 @!p0 s5, $0x0  }
0x1f: {  	s9 =	smul.u32 $0xF7A, s1;
	s8 =	simm.s32 @!p0 $0x1BF5;
	p2 =	por !p2, p0  }
0x20: {  	[sflag:s8] =	ssyncset.s32 @!p0 $0xFFFFF086;
	s6 =	sadd.s32 @!p0 s3, s7;
	s7 =	simm.s32 @!p0 $0x108  }
0x21: {  	s3 =	sadd.s32 s3, s9;
	s6 =	sadd.s32 @!p0 $0x88, s6;
	s7 =	simm.s32 @p2 $0x1082  }
0x22: {  	[simem:s7], [sflag:s8] =	dma.local @!p0 [hbm:s6], $0xF7A  }
0x23: {  	s9 =	sor.u32 $0xD0000000, s2;
	s6 =	simm.s32 $0x108;
	_ =	swait.ge @!p0 [sflag:s8], $0x0  }
0x24: {  	s3 =	sadd.s32 $0x88, s3;
	s6 =	simm.s32 @!p1 $0x1082;
	[sflag:s4] =	ssyncset.s32 $0xFFFFF086  }
0x25: {  	[simem:s6], [sflag:s4] =	dma.local [hbm:s3], $0xF7A  }
0x26: {  	[smem:$0x3F9B] =	sst s1;
	(tag) =	ssettag s2;
	_ =	strace s9  }
0x27: {  	s1 =	sld [smem:$0x3FAB]  }
0x28: {  	s2 =	sld [smem:$0x3FAC]  }
0x29: {  	s4 =	sld [smem:$0x3FAE]  }
0x2a: {  	p0 =	seq.s32 s5, $0x0;
	s5 =	sld [smem:$0x3FAF]  }
0x2b: {  	s6 =	sld [smem:$0x3FB0]  }
0x2c: {  	s7 =	sld [smem:$0x3FB1]  }
0x2d: {  	s3 =	simm.s32 $0x108;
	s8 =	sld [smem:$0x3FB2]  }
0x2e: {  	s3 =	simm.s32 @!p0 $0x1082;
	s9 =	sld [smem:$0x3FB3]  }
0x2f: {  	lr =	sadd.s32 s0, s3;
	s0 =	sld [smem:$0x3FAA]  }
0x30: {  	s3 =	sld [smem:$0x3FAD]  }
0x31: {  	[smem:$0x3FB6] =	sst s10  }
0x32: {  	s10 =	sld [smem:$0x3FB4];
	_ =	sdelay $0x3  }
0x33: {  	p0 =	seq.s32 s10, $0x1;
	s10 =	sld [smem:$0x3FB6];
	_ =	sdelay $0x3  }
0x34: {  	[smem:$0x3FB6] =	sst s10  }
0x35: {  	s10 =	sld [smem:$0x3FB5];
	_ =	sdelay $0x3  }
0x36: {  	p1 =	seq.s32 s10, $0x1;
	s10 =	sld [smem:$0x3FB6];
	_ =	sdelay $0x3  }
0x37: {  	[smem:$0x3FB6] =	sst s10  }
0x38: {  	s10 =	sld [smem:$0x3FB7]  }
0x39: {  	_ = 	snop;
	(pc) =	sbr.ind lr, $3  }
0x3a: {  	_ = 	snop  }
0x3b: {  	_ = 	snop  }
0x3c: {  	p2 =	seq.s32 s10, $0x1;
	s10 =	sld [smem:$0x3FB6]  }
0x3d: {  	_ =	shalt  }
0x3e: {  	_ =	shalt  }
0x3f: {  	_ =	shalt  }
0x40: {  	_ =	shalt  }
0x41: {  	_ =	shalt  }
0x42: {  	_ =	shalt  }
0x43: {  	_ =	shalt  }
0x44: {  	_ =	shalt  }
0x45: {  	_ =	shalt  }
0x46: {  	_ =	shalt  }
0x47: {  	_ =	shalt  }
0x48: {  	_ =	shalt  }
0x49: {  	_ =	shalt  }
0x4a: {  	_ =	shalt  }
0x4b: {  	_ =	shalt  }
0x4c: {  	_ =	shalt  }
0x4d: {  	_ =	shalt  }
0x4e: {  	_ =	shalt  }
0x4f: {  	_ =	shalt  }
0x50: {  	_ =	shalt  }
0x51: {  	_ =	shalt  }
0x52: {  	_ =	shalt  }
0x53: {  	_ =	shalt  }
0x54: {  	_ =	shalt  }
0x55: {  	_ =	shalt  }
0x56: {  	_ =	shalt  }
0x57: {  	_ =	shalt  }
0x58: {  	_ =	shalt  }
0x59: {  	_ =	shalt  }
0x5a: {  	_ =	shalt  }
0x5b: {  	_ =	shalt  }
0x5c: {  	_ =	shalt  }
0x5d: {  	_ =	shalt  }
0x5e: {  	_ =	shalt  }
0x5f: {  	_ =	shalt  }
0x60: {  	_ =	shalt  }
0x61: {  	_ =	shalt  }
0x62: {  	_ =	shalt  }
0x63: {  	_ =	shalt  }
0x64: {  	_ =	shalt  }
0x65: {  	_ =	shalt  }
0x66: {  	_ =	shalt  }
0x67: {  	_ =	shalt  }
0x68: {  	_ =	shalt  }
0x69: {  	_ =	shalt  }
0x6a: {  	_ =	shalt  }
0x6b: {  	_ =	shalt  }
0x6c: {  	_ =	shalt  }
0x6d: {  	_ =	shalt  }
0x6e: {  	_ =	shalt  }
0x6f: {  	_ =	shalt  }
0x70: {  	_ =	shalt  }
0x71: {  	_ =	shalt  }
0x72: {  	_ =	shalt  }
0x73: {  	_ =	shalt  }
0x74: {  	_ =	shalt  }
0x75: {  	_ =	shalt  }
0x76: {  	_ =	shalt  }
0x77: {  	_ =	shalt  }
0x78: {  	_ =	shalt  }
0x79: {  	_ =	shalt  }
0x7a: {  	_ =	shalt  }
0x7b: {  	_ =	shalt  }
0x7c: {  	_ =	shalt  }
0x7d: {  	_ =	shalt  }
0x7e: {  	_ =	shalt  }
0x7f: {  	_ =	shalt  }
0x80: {  	_ =	shalt  }
0x81: {  	_ =	shalt  }
0x82: {  	_ =	shalt  }
0x83: {  	_ =	shalt  }
0x84: {  	_ =	shalt  }
0x85: {  	_ =	shalt  }
0x86: {  	_ =	shalt  }
0x87: {  	_ =	shalt  }
.Lfunc_end0:
.L_simem_size_0:
called_computation_lowered:
.L_overlay_start_0:
0x88: {  	s2 =	sld [smem:$0x3FD9]  }
0x89: {  	s3 =	sld [smem:$0x3FFE];
	_ =	sdelay $0x1  }
0x8a: {  	s1 =	srdreg.scid  }
0x8b: {  	s0 =	sand.u32 $0x1, s1  }
0x8c: {  	s14 =	sshll.u32 s0, $0xA;
	s2 =	sadd.s32 s3, s2  }
0x8d: {  	s2 =	sadd.s32 s2, s14  }
0x8e: {  	[smem:$0x3FC2] =	sst s2  }
0x8f: {  	_ = 	snop  }
0x90: {  	s2 =	sld [smem:$0x3FD0];
	_ =	sdelay $0x2  }
0x91: {  	s15 =	simm.s32 $0xA;
	s4 =	simm.s32 $0x10  }
0x92: {  	[smem:s4], [sflag:s15] =	dma.local [hbm:s2], $0x1  }
0x93: {  	_ =	swait.eq [sflag:s15], $0x1  }
0x94: {  	[sflag:s15] =	ssyncset.done $0x0  }
0x95: {  	[sflag:s15] =	ssyncadd.s32 $0xFFFFFFFF  }
0x96: {  	s16 =	sld [smem:$0x11];
	(tm) =	ssettm $0x1  }
0x97: {  	s17 =	sld [smem:$0x3FFB];
	_ =	sdelay $0x3  }
0x98: {  	_ =	strace s17  }
0x99: {  	s3 =	sld [smem:$0x3FFC];
	_ =	sdelay $0x3  }
0x9a: {  	_ =	strace s3  }
0x9b: {  	s3 =	sld [smem:$0x3FFD];
	_ =	sdelay $0x3  }
0x9c: {  	_ =	strace s3  }
0x9d: {  	_ =	strace $0x8FFFFFFF  }
0x9e: {  	s18 =	sld [smem:$0x3FDB];
	_ =	sdelay $0x1  }
0x9f: {  	s19 =	simm.s32 $_scs_section_size  }
0xa0: {  	s5 =	simm.s32 $_size__tile_overlayer_lowered;
	s6 =	simm.s32 $_tile_overlayer_lowered  }
0xa1: {  	s22 =	simm.s32 $0x1BFF;
	s21 =	sshll.u32 s6, $0x1;
	s3 =	sadd.s32 s19, s18  }
0xa2: {  	s7 =	simm.s32 $0x0;
	s20 =	sshll.u32 s5, $0x1;
	s5 =	sadd.s32 s21, s3  }
0xa3: {  	[timem:s7], [sflag:s22] =	dma.local [hbm:s5], s20  }
0xa4: {  	_ =	swait.ge [sflag:s22], s20  }
0xa5: {  	s4 =	ssub.s32 $0x0, s20;
	[sflag:s22] =	ssyncset.done $0x0  }
0xa6: {  	[sflag:s22] =	ssyncadd.s32 s4;
	_ =	sdelay $0x1  }
0xa7: {  	s23 =	simm.s32 $0x1B8B  }
0xa8: {  	_ =	swait.ge [sflag:s23], $0x1  }
0xa9: {  	[sflag:s23] =	ssyncset.done $0x0  }
0xaa: {  	s25 =	simm.s32 $0x1B8E;
	s24 =	sld [smem:$0x3FFE];
	[sflag:s23] =	ssyncadd.s32 $0xFFFFFFFF  }
0xab: {  	s26 =	simm.s32 $execute0_lowered;
	[smem:$0x3FD2] =	sst s25  }
0xac: {  	s5 =	sshll.u32 s26, $0x1;
	_ =	strace $0x80000046;
	[dreg:$0x1] =	wrdreg $0xFFFFFFFF  }
0xad: {  	s28 =	simm.s32 $_size_execute0_lowered;
	s3 =	sadd.s32 s3, s5;
	[dreg:$0x0] =	wrdreg $0x0  }
0xae: {  	s5 =	sshll.u32 s28, $0x1;
	[dreg:$0x2] =	wrdreg s3  }
0xaf: {  	[dreg:$0x3] =	wrdreg s5  }
0xb0: {  	[dreg:$0x4] =	wrdreg $0xC0  }
0xb1: {  	_ =	task [dreg:s7], $0x5FFFF  }
0xb2: {  	[dreg:$0x1] =	wrdreg $0xFFFFFFFF  }
0xb3: {  	[dreg:$0x0] =	wrdreg $0x60  }
0xb4: {  	[dreg:$0x2] =	wrdreg s16  }
0xb5: {  	[dreg:$0x3] =	wrdreg s24  }
0xb6: {  	[dreg:$0x4] =	wrdreg $0x3D000  }
0xb7: {  	[dreg:$0x5] =	wrdreg $0x9  }
0xb8: {  	_ =	task.clear_ibuf [dreg:s7], $0x6FFFF;
	_ =	strace $0x90000046  }
0xb9: {  	s29 =	simm.s32 $0x9;
	_ =	strace $0x80000048  }
0xba: {  	_ =	swait.ge [sflag:s29], $0x1  }
0xbb: {  	[sflag:s29] =	ssyncadd.s32 $0xFFFFFFFF  }
0xbc: {  	_ =	strace $0x90000048  }
0xbd: {  	_ =	sfence  }
0xbe: {  	s30 =	sld [smem:$0x0];
	_ =	sdelay $0x2  }
0xbf: {  	s31 =	sshll.u32 s1, $0xD;
	s1 =	sshrl.u32 s1, $0x2  }
0xc0: {  	s3 =	sand.u32 $0x4000, s31;
	s1 =	sadd.s32 s1, s30  }
0xc1: {  	s0 =	sor.u32 s3, s0;
	s1 =	sshll.u32 s1, $0x11  }
0xc2: {  	s0 =	sor.u32 s1, s0  }
0xc3: {  	s0 =	sadd.s32 $0x8F2B, s0  }
0xc4: {  	[sflag:s0] =	ssyncadd.remote.s32 $0x1  }
0xc5: {  	_ =	sfence.sel $0xFFFF  }
0xc6: {  	[dreg:$0x0] =	wrdreg $0xFFFFFFFF;
	(pc) =	sbr.abs _section_cstart, $3  }
0xc7: {  	[dreg:$0x1] =	wrdreg $0xFFFFFFFF  }
0xc8: {  	_ =	task.clear_ibuf [dreg:s7], $0x2FFFF;
	_ =	strace $0x9FFFFFFF  }
0xc9: {  	(tm) =	ssettm $0x7FFFFFFF  }
tec
execute0_lowered:
.L_overlay_start_1:
0x0: {  	(tag) =	ssettag $0x1  }
0x1: {  	s1 =	rddreg [dreg:$0x0]  }
0x2: {  	s5 =	rddreg [dreg:$0x1];
	s3 =	srdreg.scid  }
0x3: {  	s0 =	stileid.u32;
	s2 =	rddreg [dreg:$0x2];
	s18 =	simm.s32 $0x3800  }
0x4: {  	s19 =	simm.s32 $0x2;
	s20 =	simm.s32 $0x3;
	s21 =	simm.s32 $0x80  }
0x5: {  	s22 =	simm.s32 $0x3880;
	s23 =	simm.s32 $0x1;
	s24 =	simm.s32 $0x3900  }
0x6: {  	s25 =	simm.s32 $0x3980;
	s26 =	simm.s32 $0x3A00;
	s28 =	simm.s32 $0x3A80  }
0x7: {  	s29 =	simm.s32 $0x3B00;
	s30 =	simm.s32 $0x0;
	s11 =	sand.u32 $0x1, s3  }
0x8: {  	s4 =	sshll.u32 s0, $0x1;
	s3 =	simm.s32 $0x0;
	s12 =	smul.u32 $0x278, s0  }
0x9: {  	s16 =	sadd.s32 $0x3A00, s5;
	s4 =	sor.u32 s11, s4;
	[smem:$0x7FF] =	sst s3  }
0xa: {  	s6 =	ssub.s32 $0x2, s11;
	s31 =	smul.u32 $0x2780, s11;
	p0 =	seq.s32 s11, $0x0  }
0xb: {  	s11 =	simm.s32 $0x70;
	s7 =	smul.u32 $0x700, s4;
	_ =	strace $0x80000047  }
0xc: {  	s8 =	sshrl.u32 s6, $0x1;
	s4 =	sadd.s32 $0x3800, s5;
	s13 =	sadd.s32 $0x200, s12  }
0xd: {  	s11 =	simm.s32 @!p0 $0x30;
	s17 =	ssub.s32 s6, s8;
	s6 =	sadd.s32 s12, s2  }
0xe: {  	s10 =	sadd.s32 s13, s2;
	s12 =	sadd.s32 s12, s31;
	s5 =	sadd.s32 s1, s7  }
0xf: {  	s7 =	sadd.s32 $0x80, s6;
	s8 =	sadd.s32 $0x100, s6;
	s12 =	sshrl.u32 s12, $0x3  }
0x10: {  	s9 =	sadd.s32 $0x180, s6;
	s1 =	sadd.s32 s31, s13;
	s12 =	sadd.s32 s16, s12  }
0x11: {  	s17 =	smax.u32 s17, $0x1;
	s1 =	sshrl.u32 s1, $0x3;
	s13 =	sadd.s32 $0x10, s12  }
0x12: {  	s14 =	sadd.s32 $0x20, s12;
	s15 =	sadd.s32 $0x30, s12;
	s16 =	sadd.s32 s16, s1  }
.LBB2_1:
0x13: {  	[tilespmem:s3], [sflag:$0x2] =	stream.linear.gather [hbm4b:s5+s3], $0x3800, $0x38;
	[tilespmem:$0x3F78] =	vst v63  }
0x14: {  	_ = 	snop  }
0x15: {  	[tilespmem:s18], [sflag:$0x2] =	stream.linear.gather [hbm4b:s4+s3], $0x100, $0x38;
	[tilespmem:$0x3F78] =	vst v63  }
0x16: {  	_ =	swait.ge [sflag:s19], $0x3800  }
0x17: {  	[sflag:s19] =	ssyncset.done $0x0  }
0x18: {  	[sflag:s19] =	ssyncadd.s32 $0xFFFFC800  }
0x19: {  	_ =	swait.ge [sflag:s19], $0x100  }
0x1a: {  	[sflag:s19] =	ssyncset.done $0x0  }
0x1b: {  	[sflag:s19] =	ssyncadd.s32 $0xFFFFFF00  }
0x1c: {  	[spmem:s6] =	stream.linear.scatter [tilespmem:s18], [sflag:$0x3], $0x80, $0x38;
	[tilespmem:$0x3F78] =	vst v63  }
0x1d: {  	_ =	swait.ge [sflag:s20], $0x80  }
0x1e: {  	[sflag:s20] =	ssyncset.done $0x0  }
0x1f: {  	[sflag:s20] =	ssyncadd.s32 $0xFFFFFF80  }
0x20: {  	[spmem:s7] =	stream.linear.scatter [tilespmem:s18], [sflag:$0x3], $0x80, $0x38;
	[tilespmem:$0x3F78] =	vst v63  }
0x21: {  	_ =	swait.ge [sflag:s20], $0x80  }
0x22: {  	[sflag:s20] =	ssyncset.done $0x0  }
0x23: {  	[sflag:s20] =	ssyncadd.s32 $0xFFFFFF80  }
0x24: {  	[spmem:s8] =	stream.linear.scatter [tilespmem:s18], [sflag:$0x3], $0x80, $0x38;
	[tilespmem:$0x3F78] =	vst v63  }
0x25: {  	_ =	swait.ge [sflag:s20], $0x80  }
0x26: {  	[sflag:s20] =	ssyncset.done $0x0  }
0x27: {  	[sflag:s20] =	ssyncadd.s32 $0xFFFFFF80  }
0x28: {  	[spmem:s9] =	stream.linear.scatter [tilespmem:s18], [sflag:$0x3], $0x80, $0x38;
	[tilespmem:$0x3F78] =	vst v63  }
0x29: {  	_ =	swait.ge [sflag:s20], $0x80  }
0x2a: {  	[sflag:s20] =	ssyncset.done $0x0  }
0x2b: {  	p0 =	sne.s32 s11, $0x1;
	[sflag:s20] =	ssyncadd.s32 $0xFFFFFF80  }
0x2c: {  	[spmem:s10] =	stream.linear.scatter [tilespmem:s18], [sflag:$0x3], $0x78, $0x38;
	[tilespmem:$0x3F78] =	vst v63  }
.Ltmp0:
0x2d: {  	_ =	swait.ge [sflag:s20], $0x78;
	(pc) =	sbr.rel @!p0 .LBB2_3-.Ltmp0, $4  }
0x2e: {  	[sflag:s20] =	ssyncset.done $0x0  }
0x2f: {  	[sflag:s20] =	ssyncadd.s32 $0xFFFFFF88  }
0x30: {  	s31 =	sadd.s32 $0xFFFFFFFF, s11;
	s1 =	simm.s32 $0x0;
	[bflag:$0x0] =	sbarrier.arrive $0xFFFF  }
0x31: {  	[spmem:s2] =	stream.indirect.scatter.add.f32 [tilespmem:s22], [sflag:$0x1], $0x1, s3, s21, $0xb8;
	[tilespmem:$0x3F78] =	vst v63  }
.LBB2_2:
0x32: {  	p1 =	sne.s32 s31, $0x1  }
.Ltmp1:
0x33: {  	_ = 	snop;
	(pc) =	sbr.rel @p1 .LBB2_2-.Ltmp1, $3  }
0x34: {  	_ = 	snop  }
0x35: {  	s31 =	sadd.s32 $0xFFFFFFFF, s31;
	s1 =	sadd.s32 $0x80, s1;
	_ =	sdelay $0x1  }
0x36: {  	[spmem:s2] =	stream.indirect.scatter.add.f32 [tilespmem:s22], [sflag:$0x1], $0x1, s1, s21, $0xb8;
	[tilespmem:$0x3F78] =	vst v63  }
.LBB2_3:
.Ltmp2:
0x37: {  	(pc) =	sbr.rel @!p0 .LBB2_5-.Ltmp2, $3  }
0x38: {  	_ =	sdelay $0x1  }
0x39: {  	_ =	swait.ge [sflag:s23], $0x80  }
0x3a: {  	s31 =	sadd.s32 $0xFFFFFFFF, s11;
	[sflag:s23] =	ssyncset.done $0x0  }
.LBB2_4:
0x3b: {  	p0 =	sne.s32 s31, $0x1;
	s31 =	sadd.s32 $0xFFFFFFFF, s31;
	[sflag:s23] =	ssyncadd.s32 $0xFFFFFF80  }
.Ltmp3:
0x3c: {  	(pc) =	sbr.rel @p0 .LBB2_4-.Ltmp3, $3  }
0x3d: {  	_ =	sdelay $0x1  }
0x3e: {  	_ =	swait.ge [sflag:s23], $0x80  }
0x3f: {  	[sflag:s23] =	ssyncset.done $0x0  }
.LBB2_5:
0x40: {  	[sflag:s23] =	ssyncadd.s32 $0xFFFFFF80  }
0x41: {  	[bflag:$0x0] =	sbarrier.arrive $0xFFFF  }
0x42: {  	[tilespmem:s24], [sflag:$0x2] =	stream.linear.gather [spmem:s6], $0x80, $0x38;
	[tilespmem:$0x3F78] =	vst v63  }
0x43: {  	_ = 	snop  }
0x44: {  	[tilespmem:s25], [sflag:$0x2] =	stream.linear.gather [spmem:s7], $0x80, $0x38;
	[tilespmem:$0x3F78] =	vst v63  }
0x45: {  	_ = 	snop  }
0x46: {  	[tilespmem:s26], [sflag:$0x2] =	stream.linear.gather [spmem:s8], $0x80, $0x38;
	[tilespmem:$0x3F78] =	vst v63  }
0x47: {  	_ = 	snop  }
0x48: {  	[tilespmem:s28], [sflag:$0x2] =	stream.linear.gather [spmem:s9], $0x80, $0x38;
	[tilespmem:$0x3F78] =	vst v63  }
0x49: {  	_ = 	snop  }
0x4a: {  	[tilespmem:s29], [sflag:$0x2] =	stream.linear.gather [spmem:s10], $0x78, $0x38;
	[tilespmem:$0x3F78] =	vst v63  }
0x4b: {  	_ =	swait.ge [sflag:s19], $0x80  }
0x4c: {  	[sflag:s19] =	ssyncset.done $0x0  }
0x4d: {  	[sflag:s19] =	ssyncadd.s32 $0xFFFFFF80  }
0x4e: {  	_ =	swait.ge [sflag:s19], $0x80  }
0x4f: {  	[sflag:s19] =	ssyncset.done $0x0  }
0x50: {  	[sflag:s19] =	ssyncadd.s32 $0xFFFFFF80  }
0x51: {  	_ =	swait.ge [sflag:s19], $0x80  }
0x52: {  	[sflag:s19] =	ssyncset.done $0x0  }
0x53: {  	[sflag:s19] =	ssyncadd.s32 $0xFFFFFF80  }
0x54: {  	_ =	swait.ge [sflag:s19], $0x80  }
0x55: {  	[sflag:s19] =	ssyncset.done $0x0  }
0x56: {  	[sflag:s19] =	ssyncadd.s32 $0xFFFFFF80  }
0x57: {  	_ =	swait.ge [sflag:s19], $0x78  }
0x58: {  	[sflag:s19] =	ssyncset.done $0x0  }
0x59: {  	[sflag:s19] =	ssyncadd.s32 $0xFFFFFF88  }
0x5a: {  	[hbm4b:s12+s3] =	stream.linear.scatter [tilespmem:s24], [sflag:$0x2], $0x80, $0x38;
	[tilespmem:$0x3F78] =	vst v63  }
0x5b: {  	_ = 	snop  }
0x5c: {  	[hbm4b:s13+s3] =	stream.linear.scatter [tilespmem:s25], [sflag:$0x2], $0x80, $0x38;
	[tilespmem:$0x3F78] =	vst v63  }
0x5d: {  	_ = 	snop  }
0x5e: {  	[hbm4b:s14+s3] =	stream.linear.scatter [tilespmem:s26], [sflag:$0x2], $0x80, $0x38;
	[tilespmem:$0x3F78] =	vst v63  }
0x5f: {  	_ = 	snop  }
0x60: {  	[hbm4b:s15+s3] =	stream.linear.scatter [tilespmem:s28], [sflag:$0x2], $0x80, $0x38;
	[tilespmem:$0x3F78] =	vst v63  }
0x61: {  	_ = 	snop  }
0x62: {  	[hbm4b:s16+s3] =	stream.linear.scatter [tilespmem:s29], [sflag:$0x2], $0x78, $0x38;
	[tilespmem:$0x3F78] =	vst v63  }
0x63: {  	_ =	swait.ge [sflag:s19], $0x80  }
0x64: {  	[sflag:s19] =	ssyncset.done $0x0  }
0x65: {  	[sflag:s19] =	ssyncadd.s32 $0xFFFFFF80  }
0x66: {  	_ =	swait.ge [sflag:s19], $0x80  }
0x67: {  	[sflag:s19] =	ssyncset.done $0x0  }
0x68: {  	[sflag:s19] =	ssyncadd.s32 $0xFFFFFF80  }
0x69: {  	_ =	swait.ge [sflag:s19], $0x80  }
0x6a: {  	[sflag:s19] =	ssyncset.done $0x0  }
0x6b: {  	s30 =	sadd.s32 $0x1, s30;
	[sflag:s19] =	ssyncadd.s32 $0xFFFFFF80  }
0x6c: {  	p0 =	sne.s32 s30, s17;
	_ =	swait.ge [sflag:s19], $0x80  }
.Ltmp4:
0x6d: {  	[sflag:s19] =	ssyncset.done $0x0;
	(pc) =	sbr.rel @p0 .LBB2_1-.Ltmp4, $4  }
0x6e: {  	[sflag:s19] =	ssyncadd.s32 $0xFFFFFF80  }
0x6f: {  	_ =	swait.ge [sflag:s19], $0x78  }
0x70: {  	[sflag:s19] =	ssyncset.done $0x0  }
0x71: {  	[sflag:s19] =	ssyncadd.s32 $0xFFFFFF88  }
0x72: {  	_ =	sfence.sel $0x180000  }
0x73: {  	[bflag:$0x0] =	sbarrier.arrive $0xFFFF  }
0x74: {  	_ =	strace $0x90000047  }
0x75: {  	[bflag:$0x2] =	sbarrier.arrive $0xFFFF  }
0x76: {  	p0 =	sne.s32 s0, $0x0;
	s0 =	rddreg [dreg:$0x3]  }
0x77: {  	s0 =	sadd.s32 @!p0 $0x100000, s0  }
0x78: {  	[sflag:s0] =	ssyncadd.tile.s32 @!p0 $0x1;
	_ =	shalt  }
.Lfunc_end2:
_tile_overlayer_lowered:
.L_overlay_start_2:
0x79: {  	(tag) =	ssettag $0x2  }
0x7a: {  	s0 =	rddreg [dreg:$0x0];
	s2 =	stileid.u32  }
0x7b: {  	s1 =	rddreg [dreg:$0x1];
	p0 =	sne.s32 s2, $0x0  }
0x7c: {  	s3 =	rddreg [dreg:$0x2];
	[bflag:$0x3] =	sbarrier.arrive $0xFFFF;
	s2 =	simm.s32 @!p0 $0x1C03  }
0x7d: {  	[timem:s3], [sflag:s2] =	dma.local @!p0 [hbm:s0], s1  }
0x7e: {  	s0 =	simm.s32 @!p0 $0x3  }
0x7f: {  	_ =	swait.ge @!p0 [sflag:s0], s1  }
0x80: {  	s1 =	ssub.s32 @!p0 $0x0, s1;
	[sflag:s0] =	ssyncset.done @!p0 $0x0  }
0x81: {  	[sflag:s0] =	ssyncadd.s32 @!p0 s1  }
0x82: {  	[bflag:$0x3] =	sbarrier.arrive $0xFFFF  }
0x83: {  	_ =	shalt  }

</sc_bundles>
